<compile_context>
chip_gen: v7x
topology: tpu7x:2x2x1
jax: 0.10.2.dev20260603
libtpu: 0.0.44.dev20260713+nightly
codegen_flags: <defaults>
</compile_context>

<pallas_src>
import functools

import numpy as np
import jax
import jax.numpy as jnp
from jax import lax
from jax.experimental import pallas as pl
from jax.experimental.pallas import tpu as pltpu
from jax.experimental.pallas import tpu_sc as plsc

_SW = 8
_N_NODE = 64
_N_STAGES = 4
_N_OPS = 8192
_N_NODES_T = _N_STAGES * _N_NODE
_N_ROWS = _N_NODES_T * _SW

_SC_NODES = 32
_TC_NODES = _N_NODES_T - _SC_NODES
_TC_BLK = 16


def _pairs():
    I, J = [], []
    for i in range(2, _N_NODE + 1):
        for j in range(i + 1, _N_NODE + 2):
            I.append(i)
            J.append(j)
    return (np.asarray(I, np.int32).reshape(-1, 1),
            np.asarray(J, np.int32).reshape(-1, 1))


_I_IDX, _J_IDX = _pairs()



_NC, _NS = 1, 16
_NW = _NC * _NS
_SC_ROWS = _SC_NODES * _SW
_ROWS_PER_W = _SC_ROWS // _NW
_CHUNK_R = 4
_N_CHUNKS = _ROWS_PER_W // _CHUNK_R


@functools.cache
def _sc_rowmax_fn():
    return functools.partial(
        pl.kernel,
        mesh=plsc.VectorSubcoreMesh(core_axis_name="c", subcore_axis_name="s",
                                    num_cores=_NC),
        out_type=jax.ShapeDtypeStruct((_SC_ROWS, 16), jnp.float32),
        scratch_types=[
            pltpu.VMEM((_CHUNK_R, _N_OPS), jnp.float32),
            pltpu.VMEM((_CHUNK_R, _N_OPS), jnp.float32),
            pltpu.VMEM((_ROWS_PER_W, 16), jnp.float32),
            pltpu.SemaphoreType.DMA,
            pltpu.SemaphoreType.DMA,
        ],
    )(_sc_rowmax_body)


def _sc_rowmax_body(a_hbm, out_hbm, buf0, buf1, ovec, sem0, sem1):
    wid = lax.axis_index("s") * _NC + lax.axis_index("c")
    base = wid * _ROWS_PER_W
    bufs = (buf0, buf1)
    sems = (sem0, sem1)

    def copy_in(c, buf, sem):
        return pltpu.make_async_copy(
            a_hbm.at[pl.ds(base + c * _CHUNK_R, _CHUNK_R)], buf, sem)

    copy_in(0, buf0, sem0).start()
    lane = lax.iota(jnp.int32, 16)
    neg_inf = jnp.full((16,), -jnp.inf, jnp.float32)
    for c in range(_N_CHUNKS):
        buf, sem = bufs[c % 2], sems[c % 2]
        if c + 1 < _N_CHUNKS:
            copy_in(c + 1, bufs[(c + 1) % 2], sems[(c + 1) % 2]).start()
        copy_in(c, buf, sem).wait()
        for r in range(_CHUNK_R):
            row = c * _CHUNK_R + r
            last = buf[r, pl.ds(_N_OPS - 16, 16)]
            buf[r, pl.ds(_N_OPS - 16, 16)] = jnp.where(lane < 15, last,
                                                       -jnp.inf)

            def body(i, acc, _r=r):
                b = i * 128
                m0 = jnp.maximum(buf[_r, pl.ds(b, 16)],
                                 buf[_r, pl.ds(b + 16, 16)])
                m1 = jnp.maximum(buf[_r, pl.ds(b + 32, 16)],
                                 buf[_r, pl.ds(b + 48, 16)])
                m2 = jnp.maximum(buf[_r, pl.ds(b + 64, 16)],
                                 buf[_r, pl.ds(b + 80, 16)])
                m3 = jnp.maximum(buf[_r, pl.ds(b + 96, 16)],
                                 buf[_r, pl.ds(b + 112, 16)])
                return jnp.maximum(
                    acc, jnp.maximum(jnp.maximum(m0, m1), jnp.maximum(m2, m3)))

            acc = lax.fori_loop(0, _N_OPS // 128, body, neg_inf)
            ovec[row, :] = acc
    pltpu.sync_copy(ovec, out_hbm.at[pl.ds(base, _ROWS_PER_W)])



def _tc_rowmax_body(a_ref, o_ref):
    x = a_ref[...]
    lane = jax.lax.broadcasted_iota(jnp.int32, x.shape, 2)
    x = jnp.where(lane < _N_OPS - 1, x, -jnp.inf)
    o_ref[...] = jnp.max(x, axis=2)


def _tc_rowmax(alpha3):
    return pl.pallas_call(
        _tc_rowmax_body,
        grid=(_TC_NODES // _TC_BLK,),
        in_specs=[pl.BlockSpec((_TC_BLK, _SW, _N_OPS),
                               lambda i: (i + _SC_NODES // _TC_BLK, 0, 0))],
        out_specs=pl.BlockSpec((_TC_BLK, _SW), lambda i: (i, 0)),
        out_shape=jax.ShapeDtypeStruct((_TC_NODES, _SW), jnp.float32),
    )(alpha3)



def _epilogue_body(sc_ref, tc_ref, beta_ref, i_ref, j_ref, theta_ref,
                   out_ref):
    em_sc = jnp.max(sc_ref[...], axis=2)
    em = jnp.concatenate([em_sc, tc_ref[...]], axis=0)
    m = jnp.max(em, axis=1, keepdims=True)
    p = jnp.exp(em - m)
    e = p / jnp.sum(p, axis=1, keepdims=True)

    beta = beta_ref[...]
    bm = jnp.max(beta, axis=1, keepdims=True)
    be = jnp.exp(beta - bm)
    denom = jnp.sum(be, axis=1, keepdims=True)
    n_iota = jax.lax.broadcasted_iota(jnp.int32, (_I_IDX.shape[0], 128), 1)
    oh = ((i_ref[...] == n_iota).astype(jnp.float32) +
          (j_ref[...] == n_iota).astype(jnp.float32))
    T = jax.lax.dot_general(be, oh, (((1,), (0,)), ((), ())),
                            preferred_element_type=jnp.float32)
    A = T / denom

    rows_all = []
    a_cols = []
    for j in range(2, _N_NODE + 2):
        rows = jnp.concatenate(
            [e[s * _N_NODE + j - 2][None, :] for s in range(_N_STAGES)], axis=0
        )
        if j < _SW:
            rows = jnp.concatenate(
                [jnp.zeros((_N_STAGES, _SW - j), jnp.float32), rows[:, :j]],
                axis=1)
        rows_all.append(rows)
        a_cols.append(A[:, j:j + 1])

    W = jnp.ones((_N_STAGES, _SW), jnp.float32)
    depth = jnp.zeros((_N_STAGES, 1), jnp.float32)
    for idx in range(_N_NODE):
        contrib = jnp.sum(rows_all[idx] * W, axis=1, keepdims=True)
        depth = depth + a_cols[idx] * contrib
        W = jnp.concatenate([W[:, 1:], contrib + 1.0], axis=1)
    out_ref[...] = jnp.sum(theta_ref[...] * depth, axis=0, keepdims=True)


def _epilogue(em_sc16, em_tc, beta, theta):
    return pl.pallas_call(
        _epilogue_body,
        out_shape=jax.ShapeDtypeStruct((1, 1), jnp.float32),
    )(em_sc16, em_tc, beta, jnp.asarray(_I_IDX), jnp.asarray(_J_IDX),
      theta.reshape(_N_STAGES, 1))


def kernel(alpha, beta, theta):
    a2 = alpha.reshape(_N_ROWS, _N_OPS)
    em_sc16 = _sc_rowmax_fn()(a2).reshape(_SC_NODES, _SW, 16)
    em_tc = _tc_rowmax(alpha)
    return _epilogue(em_sc16, em_tc, beta, theta)[0, 0]

# --- scband reference (transcript-rebuilt; emitter-appended) ---
"""Pipeline reference for scband-expected-depth-loss-beta-39719857554148 (READ-ONLY COPY).

The authoritative reference and input builder live on the scoring server;
editing this copy changes nothing except your own understanding.
"""

import jax, jax.numpy as jnp
import numpy as np

SW = 8
N_NODE = 64
N_STAGES = 4
N_OPS = 8192


def _pair_indices(n_node):
    I, J = [], []
    for i in range(2, n_node + 1):
        for j in range(i + 1, n_node + 2):
            I.append(i)
            J.append(j)
    return np.array(I, dtype=np.int64), np.array(J, dtype=np.int64)


def setup_inputs(seed: int = 0) -> dict:
    key = jax.random.key(seed)
    k1, k2 = jax.random.split(key)
    n_pairs = N_NODE * (N_NODE - 1) // 2  # 2016
    alpha = jax.random.normal(k1, (N_STAGES * N_NODE, SW, N_OPS), dtype=jnp.float32)
    beta = jax.random.normal(k2, (N_STAGES, n_pairs), dtype=jnp.float32)
    theta = jnp.array([0.1, 0.2, 0.3, 0.4], dtype=jnp.float32)
    return {"alpha": alpha, "beta": beta, "theta": theta}


def _expectation_dp(alpha_dag, ED, sw, n_node):
    for j in range(n_node + 2):
        if j == 0 or j == 1:
            ED = ED.at[j].set(0.0)
        elif j < sw:
            # torch.topk(alpha[j-2][:, :-1], 1) -> max over last dim, then softmax over rows
            em = jnp.max(alpha_dag[j - 2][:, :-1], axis=1)
            em = jax.nn.softmax(em, axis=0)
            contrib = jnp.sum(em[:j] * (ED[:j] + 1.0))
            ED = ED.at[j].set(ED[j] + contrib)
        else:
            em = jnp.max(alpha_dag[j - 2][:, :-1], axis=1)
            em = jax.nn.softmax(em, axis=0)
            contrib = jnp.sum(em * (ED[j - sw:j] + 1.0))
            ED = ED.at[j].set(ED[j] + contrib)
    return ED


def reference(alpha, beta, theta):
    sw, n_node = SW, N_NODE
    S = theta.shape[0]
    I, J = _pair_indices(n_node)
    # F.softmax(beta_s, dim=0) for each 1-D beta_s == softmax over axis 1 of stacked beta
    beta_sm = jax.nn.softmax(beta, axis=1)
    loss = jnp.float32(0.0)
    for s in range(S):
        alpha_dag = alpha[s * n_node:(s + 1) * n_node]
        ED = jnp.zeros((n_node + 2,), dtype=jnp.float32)
        ED = _expectation_dp(alpha_dag, ED, sw, n_node)
        # offsets enumerate pairs (i, j) in the exact loop order i=2..n_node, j=i+1..n_node+1
        depth = jnp.sum(beta_sm[s] * (ED[I] + ED[J]))
        loss = loss + theta[s] * depth
    return loss

if __name__ == "__main__":
    import jax
    _d = setup_inputs()
    print(jax.jit(kernel)(*tuple(_d.values())))

</pallas_src>

<mosaic_0001>
#map = affine_map<(d0, d1) -> (0, 0)>
module attributes {stable_mosaic.version = 14 : i64} {
  func.func @_sc_rowmax_body(%arg0: i32, %arg1: i32, %arg2: memref<2048x8192xf32, #tpu.memory_space<hbm>>, %arg3: memref<256x16xf32, #tpu.memory_space<hbm>>, %arg4: memref<4x8192xf32, #tpu.memory_space<vmem>>, %arg5: memref<4x8192xf32, #tpu.memory_space<vmem>>, %arg6: memref<16x16xf32, #tpu.memory_space<vmem>>, %arg7: memref<!tpu.dma_semaphore, #tpu.memory_space<semaphore_mem>>, %arg8: memref<!tpu.dma_semaphore, #tpu.memory_space<semaphore_mem>>) attributes {dimension_semantics = [#tpu.dimension_semantics<core_parallel>, #tpu.dimension_semantics<subcore_parallel>], iteration_bounds = array<i64: 1, 16>, scalar_prefetch = 0 : i64, scratch_operands = 5 : i64, tpu.core_type = #tpu.core_type<sc_vector_subcore>, window_params = [{transform_indices = #map}, {transform_indices = #map}]} {
    %mul3A = arith.constant 1 : i32
    %mul3A_0 = arith.muli %arg1, %mul3A : i32
    %add3A = arith.addi %mul3A_0, %arg0 : i32
    %mul3A_1 = arith.constant 16 : i32
    %mul3A_2 = arith.muli %add3A, %mul3A_1 : i32
    %add3A_3 = arith.constant 0 : i32
    %add3A_4 = arith.addi %mul3A_2, %add3A_3 : i32
    %dma_start3A = arith.constant 0 : i32
    %dma_start3A_5 = tpu.memref_slice %arg2[%add3A_4, %dma_start3A] : memref<2048x8192xf32, #tpu.memory_space<hbm>> -> memref<4x8192xf32, #tpu.memory_space<hbm>>
    %dma_start3A_6 = arith.constant 0 : i32
    %dma_start3A_7 = tpu.memref_slice %arg2[%add3A_4, %dma_start3A_6] : memref<2048x8192xf32, #tpu.memory_space<hbm>> -> memref<4x8192xf32, #tpu.memory_space<hbm>>
    tpu.enqueue_dma source(%dma_start3A_7 : memref<4x8192xf32, #tpu.memory_space<hbm>>) target(%arg4 : memref<4x8192xf32, #tpu.memory_space<vmem>>) target_semaphore(%arg7 : memref<!tpu.dma_semaphore, #tpu.memory_space<semaphore_mem>>)
    %iota3A = tpu.iota {dimensions = array<i32: 0>} : vector<16xi32>
    %broadcast_in_dim3A = arith.constant 0xFF800000 : f32
    %broadcast_in_dim3A_8 = vector.broadcast %broadcast_in_dim3A : f32 to vector<16xf32>
    %add3A_9 = arith.constant 4 : i32
    %add3A_10 = arith.addi %mul3A_2, %add3A_9 : i32
    %dma_start3A_11 = arith.constant 0 : i32
    %dma_start3A_12 = tpu.memref_slice %arg2[%add3A_10, %dma_start3A_11] : memref<2048x8192xf32, #tpu.memory_space<hbm>> -> memref<4x8192xf32, #tpu.memory_space<hbm>>
    %dma_start3A_13 = arith.constant 0 : i32
    %dma_start3A_14 = tpu.memref_slice %arg2[%add3A_10, %dma_start3A_13] : memref<2048x8192xf32, #tpu.memory_space<hbm>> -> memref<4x8192xf32, #tpu.memory_space<hbm>>
    tpu.enqueue_dma source(%dma_start3A_14 : memref<4x8192xf32, #tpu.memory_space<hbm>>) target(%arg5 : memref<4x8192xf32, #tpu.memory_space<vmem>>) target_semaphore(%arg8 : memref<!tpu.dma_semaphore, #tpu.memory_space<semaphore_mem>>)
    %add3A_15 = arith.constant 0 : i32
    %add3A_16 = arith.addi %mul3A_2, %add3A_15 : i32
    %dma_wait3A = arith.constant 0 : i32
    %dma_wait3A_17 = tpu.memref_slice %arg2[%add3A_16, %dma_wait3A] : memref<2048x8192xf32, #tpu.memory_space<hbm>> -> memref<4x8192xf32, #tpu.memory_space<hbm>>
    %dma_wait3A_18 = arith.constant 0 : i32
    %dma_wait3A_19 = tpu.memref_slice %arg2[%add3A_16, %dma_wait3A_18] : memref<2048x8192xf32, #tpu.memory_space<hbm>> -> memref<4x8192xf32, #tpu.memory_space<hbm>>
    tpu.wait_dma2 semaphore(%arg7 : memref<!tpu.dma_semaphore, #tpu.memory_space<semaphore_mem>>) src(%dma_wait3A_19 : memref<4x8192xf32, #tpu.memory_space<hbm>>) dst(%arg4 : memref<4x8192xf32, #tpu.memory_space<vmem>>)
    %get3A = arith.constant 0 : i32
    %get3A_20 = arith.index_cast %get3A : i32 to index
    %get3A_21 = arith.constant 8176 : index
    %get3A_22 = tpu.vector_load %arg4[%get3A_20, %get3A_21] {strides = array<i32>} : memref<4x8192xf32, #tpu.memory_space<vmem>>, vector<1x16xf32>,
    %get3A_23 = vector.shape_cast %get3A_22 : vector<1x16xf32> to vector<16xf32>
    %lt3A = arith.constant 15 : i32
    %lt3A_24 = vector.broadcast %lt3A : i32 to vector<16xi32>
    %lt3A_25 = arith.cmpi slt, %iota3A, %lt3A_24 : vector<16xi32>
    %jit3A = arith.constant 0xFF800000 : f32
    %broadcast_in_dim3A_26 = vector.broadcast %jit3A : f32 to vector<16xf32>
    %select_n3A = arith.select %lt3A_25, %get3A_23, %broadcast_in_dim3A_26 : vector<16xi1>, vector<16xf32>
    %swap3A = arith.constant 0 : i32
    %swap3A_27 = arith.index_cast %swap3A : i32 to index
    %swap3A_28 = arith.constant 8176 : index
    %swap3A_29 = tpu.vector_load %arg4[%swap3A_27, %swap3A_28] {strides = array<i32>} : memref<4x8192xf32, #tpu.memory_space<vmem>>, vector<1x16xf32>,
    %swap3A_30 = vector.shape_cast %swap3A_29 : vector<1x16xf32> to vector<16xf32>
    %swap3A_31 = vector.shape_cast %select_n3A : vector<16xf32> to vector<1x16xf32>
    tpu.vector_store %arg4[%swap3A_27, %swap3A_28], %swap3A_31 {strides = array<i32>} : memref<4x8192xf32, #tpu.memory_space<vmem>>, vector<1x16xf32>,
    %scan3A = arith.constant 0 : i32
    %scan3A_32 = arith.constant 64 : i32
    %scan3A_33 = arith.addi %scan3A, %scan3A_32 : i32
    %scan3A_34 = arith.constant 1 : i32
    %scan3A_35 = scf.for %scan3A_508 = %scan3A to %scan3A_33 step %scan3A_34 iter_args(%scan3A_509 = %broadcast_in_dim3A_8) -> (vector<16xf32>)  : i32 {
      %mul3A_510 = arith.constant 128 : i32
      %mul3A_511 = arith.muli %scan3A_508, %mul3A_510 : i32
      %get3A_512 = arith.constant 0 : i32
      %get3A_513 = arith.index_cast %get3A_512 : i32 to index
      %get3A_514 = arith.index_cast %mul3A_511 : i32 to index
      %get3A_515 = tpu.vector_load %arg4[%get3A_513, %get3A_514] {strides = array<i32>} : memref<4x8192xf32, #tpu.memory_space<vmem>>, vector<1x16xf32>,
      %get3A_516 = vector.shape_cast %get3A_515 : vector<1x16xf32> to vector<16xf32>
      %add3A_517 = arith.constant 16 : i32
      %add3A_518 = arith.addi %mul3A_511, %add3A_517 : i32
      %get3A_519 = arith.constant 0 : i32
      %get3A_520 = arith.index_cast %get3A_519 : i32 to index
      %get3A_521 = arith.index_cast %add3A_518 : i32 to index
      %get3A_522 = tpu.vector_load %arg4[%get3A_520, %get3A_521] {strides = array<i32>} : memref<4x8192xf32, #tpu.memory_space<vmem>>, vector<1x16xf32>,
      %get3A_523 = vector.shape_cast %get3A_522 : vector<1x16xf32> to vector<16xf32>
      %max3A = arith.maximumf %get3A_516, %get3A_523 : vector<16xf32>
      %add3A_524 = arith.constant 32 : i32
      %add3A_525 = arith.addi %mul3A_511, %add3A_524 : i32
      %get3A_526 = arith.constant 0 : i32
      %get3A_527 = arith.index_cast %get3A_526 : i32 to index
      %get3A_528 = arith.index_cast %add3A_525 : i32 to index
      %get3A_529 = tpu.vector_load %arg4[%get3A_527, %get3A_528] {strides = array<i32>} : memref<4x8192xf32, #tpu.memory_space<vmem>>, vector<1x16xf32>,
      %get3A_530 = vector.shape_cast %get3A_529 : vector<1x16xf32> to vector<16xf32>
      %add3A_531 = arith.constant 48 : i32
      %add3A_532 = arith.addi %mul3A_511, %add3A_531 : i32
      %get3A_533 = arith.constant 0 : i32
      %get3A_534 = arith.index_cast %get3A_533 : i32 to index
      %get3A_535 = arith.index_cast %add3A_532 : i32 to index
      %get3A_536 = tpu.vector_load %arg4[%get3A_534, %get3A_535] {strides = array<i32>} : memref<4x8192xf32, #tpu.memory_space<vmem>>, vector<1x16xf32>,
      %get3A_537 = vector.shape_cast %get3A_536 : vector<1x16xf32> to vector<16xf32>
      %max3A_538 = arith.maximumf %get3A_530, %get3A_537 : vector<16xf32>
      %add3A_539 = arith.constant 64 : i32
      %add3A_540 = arith.addi %mul3A_511, %add3A_539 : i32
      %get3A_541 = arith.constant 0 : i32
      %get3A_542 = arith.index_cast %get3A_541 : i32 to index
      %get3A_543 = arith.index_cast %add3A_540 : i32 to index
      %get3A_544 = tpu.vector_load %arg4[%get3A_542, %get3A_543] {strides = array<i32>} : memref<4x8192xf32, #tpu.memory_space<vmem>>, vector<1x16xf32>,
      %get3A_545 = vector.shape_cast %get3A_544 : vector<1x16xf32> to vector<16xf32>
      %add3A_546 = arith.constant 80 : i32
      %add3A_547 = arith.addi %mul3A_511, %add3A_546 : i32
      %get3A_548 = arith.constant 0 : i32
      %get3A_549 = arith.index_cast %get3A_548 : i32 to index
      %get3A_550 = arith.index_cast %add3A_547 : i32 to index
      %get3A_551 = tpu.vector_load %arg4[%get3A_549, %get3A_550] {strides = array<i32>} : memref<4x8192xf32, #tpu.memory_space<vmem>>, vector<1x16xf32>,
      %get3A_552 = vector.shape_cast %get3A_551 : vector<1x16xf32> to vector<16xf32>
      %max3A_553 = arith.maximumf %get3A_545, %get3A_552 : vector<16xf32>
      %add3A_554 = arith.constant 96 : i32
      %add3A_555 = arith.addi %mul3A_511, %add3A_554 : i32
      %get3A_556 = arith.constant 0 : i32
      %get3A_557 = arith.index_cast %get3A_556 : i32 to index
      %get3A_558 = arith.index_cast %add3A_555 : i32 to index
      %get3A_559 = tpu.vector_load %arg4[%get3A_557, %get3A_558] {strides = array<i32>} : memref<4x8192xf32, #tpu.memory_space<vmem>>, vector<1x16xf32>,
      %get3A_560 = vector.shape_cast %get3A_559 : vector<1x16xf32> to vector<16xf32>
      %add3A_561 = arith.constant 112 : i32
      %add3A_562 = arith.addi %mul3A_511, %add3A_561 : i32
      %get3A_563 = arith.constant 0 : i32
      %get3A_564 = arith.index_cast %get3A_563 : i32 to index
      %get3A_565 = arith.index_cast %add3A_562 : i32 to index
      %get3A_566 = tpu.vector_load %arg4[%get3A_564, %get3A_565] {strides = array<i32>} : memref<4x8192xf32, #tpu.memory_space<vmem>>, vector<1x16xf32>,
      %get3A_567 = vector.shape_cast %get3A_566 : vector<1x16xf32> to vector<16xf32>
      %max3A_568 = arith.maximumf %get3A_560, %get3A_567 : vector<16xf32>
      %max3A_569 = arith.maximumf %max3A, %max3A_538 : vector<16xf32>
      %max3A_570 = arith.maximumf %max3A_553, %max3A_568 : vector<16xf32>
      %max3A_571 = arith.maximumf %max3A_569, %max3A_570 : vector<16xf32>
      %max3A_572 = arith.maximumf %scan3A_509, %max3A_571 : vector<16xf32>
      scf.yield %max3A_572 : vector<16xf32>
    }
    %scan3A_36 = arith.constant 64 : i32
    %swap3A_37 = arith.constant 0 : i32
    %swap3A_38 = arith.index_cast %swap3A_37 : i32 to index
    %swap3A_39 = arith.constant 0 : index
    %swap3A_40 = tpu.vector_load %arg6[%swap3A_38, %swap3A_39] {strides = array<i32>} : memref<16x16xf32, #tpu.memory_space<vmem>>, vector<1x16xf32>,
    %swap3A_41 = vector.shape_cast %swap3A_40 : vector<1x16xf32> to vector<16xf32>
    %swap3A_42 = vector.shape_cast %scan3A_35 : vector<16xf32> to vector<1x16xf32>
    tpu.vector_store %arg6[%swap3A_38, %swap3A_39], %swap3A_42 {strides = array<i32>} : memref<16x16xf32, #tpu.memory_space<vmem>>, vector<1x16xf32>,
    %get3A_43 = arith.constant 1 : i32
    %get3A_44 = arith.index_cast %get3A_43 : i32 to index
    %get3A_45 = arith.constant 8176 : index
    %get3A_46 = tpu.vector_load %arg4[%get3A_44, %get3A_45] {strides = array<i32>} : memref<4x8192xf32, #tpu.memory_space<vmem>>, vector<1x16xf32>,
    %get3A_47 = vector.shape_cast %get3A_46 : vector<1x16xf32> to vector<16xf32>
    %lt3A_48 = arith.constant 15 : i32
    %lt3A_49 = vector.broadcast %lt3A_48 : i32 to vector<16xi32>
    %lt3A_50 = arith.cmpi slt, %iota3A, %lt3A_49 : vector<16xi32>
    %jit3A_51 = arith.constant 0xFF800000 : f32
    %broadcast_in_dim3A_52 = vector.broadcast %jit3A_51 : f32 to vector<16xf32>
    %select_n3A_53 = arith.select %lt3A_50, %get3A_47, %broadcast_in_dim3A_52 : vector<16xi1>, vector<16xf32>
    %swap3A_54 = arith.constant 1 : i32
    %swap3A_55 = arith.index_cast %swap3A_54 : i32 to index
    %swap3A_56 = arith.constant 8176 : index
    %swap3A_57 = tpu.vector_load %arg4[%swap3A_55, %swap3A_56] {strides = array<i32>} : memref<4x8192xf32, #tpu.memory_space<vmem>>, vector<1x16xf32>,
    %swap3A_58 = vector.shape_cast %swap3A_57 : vector<1x16xf32> to vector<16xf32>
    %swap3A_59 = vector.shape_cast %select_n3A_53 : vector<16xf32> to vector<1x16xf32>
    tpu.vector_store %arg4[%swap3A_55, %swap3A_56], %swap3A_59 {strides = array<i32>} : memref<4x8192xf32, #tpu.memory_space<vmem>>, vector<1x16xf32>,
    %scan3A_60 = arith.constant 0 : i32
    %scan3A_61 = arith.constant 64 : i32
    %scan3A_62 = arith.addi %scan3A_60, %scan3A_61 : i32
    %scan3A_63 = arith.constant 1 : i32
    %scan3A_64 = scf.for %scan3A_508 = %scan3A_60 to %scan3A_62 step %scan3A_63 iter_args(%scan3A_509 = %broadcast_in_dim3A_8) -> (vector<16xf32>)  : i32 {
      %mul3A_510 = arith.constant 128 : i32
      %mul3A_511 = arith.muli %scan3A_508, %mul3A_510 : i32
      %get3A_512 = arith.constant 1 : i32
      %get3A_513 = arith.index_cast %get3A_512 : i32 to index
      %get3A_514 = arith.index_cast %mul3A_511 : i32 to index
      %get3A_515 = tpu.vector_load %arg4[%get3A_513, %get3A_514] {strides = array<i32>} : memref<4x8192xf32, #tpu.memory_space<vmem>>, vector<1x16xf32>,
      %get3A_516 = vector.shape_cast %get3A_515 : vector<1x16xf32> to vector<16xf32>
      %add3A_517 = arith.constant 16 : i32
      %add3A_518 = arith.addi %mul3A_511, %add3A_517 : i32
      %get3A_519 = arith.constant 1 : i32
      %get3A_520 = arith.index_cast %get3A_519 : i32 to index
      %get3A_521 = arith.index_cast %add3A_518 : i32 to index
      %get3A_522 = tpu.vector_load %arg4[%get3A_520, %get3A_521] {strides = array<i32>} : memref<4x8192xf32, #tpu.memory_space<vmem>>, vector<1x16xf32>,
      %get3A_523 = vector.shape_cast %get3A_522 : vector<1x16xf32> to vector<16xf32>
      %max3A = arith.maximumf %get3A_516, %get3A_523 : vector<16xf32>
      %add3A_524 = arith.constant 32 : i32
      %add3A_525 = arith.addi %mul3A_511, %add3A_524 : i32
      %get3A_526 = arith.constant 1 : i32
      %get3A_527 = arith.index_cast %get3A_526 : i32 to index
      %get3A_528 = arith.index_cast %add3A_525 : i32 to index
      %get3A_529 = tpu.vector_load %arg4[%get3A_527, %get3A_528] {strides = array<i32>} : memref<4x8192xf32, #tpu.memory_space<vmem>>, vector<1x16xf32>,
      %get3A_530 = vector.shape_cast %get3A_529 : vector<1x16xf32> to vector<16xf32>
      %add3A_531 = arith.constant 48 : i32
      %add3A_532 = arith.addi %mul3A_511, %add3A_531 : i32
      %get3A_533 = arith.constant 1 : i32
      %get3A_534 = arith.index_cast %get3A_533 : i32 to index
      %get3A_535 = arith.index_cast %add3A_532 : i32 to index
      %get3A_536 = tpu.vector_load %arg4[%get3A_534, %get3A_535] {strides = array<i32>} : memref<4x8192xf32, #tpu.memory_space<vmem>>, vector<1x16xf32>,
      %get3A_537 = vector.shape_cast %get3A_536 : vector<1x16xf32> to vector<16xf32>
      %max3A_538 = arith.maximumf %get3A_530, %get3A_537 : vector<16xf32>
      %add3A_539 = arith.constant 64 : i32
      %add3A_540 = arith.addi %mul3A_511, %add3A_539 : i32
      %get3A_541 = arith.constant 1 : i32
      %get3A_542 = arith.index_cast %get3A_541 : i32 to index
      %get3A_543 = arith.index_cast %add3A_540 : i32 to index
      %get3A_544 = tpu.vector_load %arg4[%get3A_542, %get3A_543] {strides = array<i32>} : memref<4x8192xf32, #tpu.memory_space<vmem>>, vector<1x16xf32>,
      %get3A_545 = vector.shape_cast %get3A_544 : vector<1x16xf32> to vector<16xf32>
      %add3A_546 = arith.constant 80 : i32
      %add3A_547 = arith.addi %mul3A_511, %add3A_546 : i32
      %get3A_548 = arith.constant 1 : i32
      %get3A_549 = arith.index_cast %get3A_548 : i32 to index
      %get3A_550 = arith.index_cast %add3A_547 : i32 to index
      %get3A_551 = tpu.vector_load %arg4[%get3A_549, %get3A_550] {strides = array<i32>} : memref<4x8192xf32, #tpu.memory_space<vmem>>, vector<1x16xf32>,
      %get3A_552 = vector.shape_cast %get3A_551 : vector<1x16xf32> to vector<16xf32>
      %max3A_553 = arith.maximumf %get3A_545, %get3A_552 : vector<16xf32>
      %add3A_554 = arith.constant 96 : i32
      %add3A_555 = arith.addi %mul3A_511, %add3A_554 : i32
      %get3A_556 = arith.constant 1 : i32
      %get3A_557 = arith.index_cast %get3A_556 : i32 to index
      %get3A_558 = arith.index_cast %add3A_555 : i32 to index
      %get3A_559 = tpu.vector_load %arg4[%get3A_557, %get3A_558] {strides = array<i32>} : memref<4x8192xf32, #tpu.memory_space<vmem>>, vector<1x16xf32>,
      %get3A_560 = vector.shape_cast %get3A_559 : vector<1x16xf32> to vector<16xf32>
      %add3A_561 = arith.constant 112 : i32
      %add3A_562 = arith.addi %mul3A_511, %add3A_561 : i32
      %get3A_563 = arith.constant 1 : i32
      %get3A_564 = arith.index_cast %get3A_563 : i32 to index
      %get3A_565 = arith.index_cast %add3A_562 : i32 to index
      %get3A_566 = tpu.vector_load %arg4[%get3A_564, %get3A_565] {strides = array<i32>} : memref<4x8192xf32, #tpu.memory_space<vmem>>, vector<1x16xf32>,
      %get3A_567 = vector.shape_cast %get3A_566 : vector<1x16xf32> to vector<16xf32>
      %max3A_568 = arith.maximumf %get3A_560, %get3A_567 : vector<16xf32>
      %max3A_569 = arith.maximumf %max3A, %max3A_538 : vector<16xf32>
      %max3A_570 = arith.maximumf %max3A_553, %max3A_568 : vector<16xf32>
      %max3A_571 = arith.maximumf %max3A_569, %max3A_570 : vector<16xf32>
      %max3A_572 = arith.maximumf %scan3A_509, %max3A_571 : vector<16xf32>
      scf.yield %max3A_572 : vector<16xf32>
    }
    %scan3A_65 = arith.constant 64 : i32
    %swap3A_66 = arith.constant 1 : i32
    %swap3A_67 = arith.index_cast %swap3A_66 : i32 to index
    %swap3A_68 = arith.constant 0 : index
    %swap3A_69 = tpu.vector_load %arg6[%swap3A_67, %swap3A_68] {strides = array<i32>} : memref<16x16xf32, #tpu.memory_space<vmem>>, vector<1x16xf32>,
    %swap3A_70 = vector.shape_cast %swap3A_69 : vector<1x16xf32> to vector<16xf32>
    %swap3A_71 = vector.shape_cast %scan3A_64 : vector<16xf32> to vector<1x16xf32>
    tpu.vector_store %arg6[%swap3A_67, %swap3A_68], %swap3A_71 {strides = array<i32>} : memref<16x16xf32, #tpu.memory_space<vmem>>, vector<1x16xf32>,
    %get3A_72 = arith.constant 2 : i32
    %get3A_73 = arith.index_cast %get3A_72 : i32 to index
    %get3A_74 = arith.constant 8176 : index
    %get3A_75 = tpu.vector_load %arg4[%get3A_73, %get3A_74] {strides = array<i32>} : memref<4x8192xf32, #tpu.memory_space<vmem>>, vector<1x16xf32>,
    %get3A_76 = vector.shape_cast %get3A_75 : vector<1x16xf32> to vector<16xf32>
    %lt3A_77 = arith.constant 15 : i32
    %lt3A_78 = vector.broadcast %lt3A_77 : i32 to vector<16xi32>
    %lt3A_79 = arith.cmpi slt, %iota3A, %lt3A_78 : vector<16xi32>
    %jit3A_80 = arith.constant 0xFF800000 : f32
    %broadcast_in_dim3A_81 = vector.broadcast %jit3A_80 : f32 to vector<16xf32>
    %select_n3A_82 = arith.select %lt3A_79, %get3A_76, %broadcast_in_dim3A_81 : vector<16xi1>, vector<16xf32>
    %swap3A_83 = arith.constant 2 : i32
    %swap3A_84 = arith.index_cast %swap3A_83 : i32 to index
    %swap3A_85 = arith.constant 8176 : index
    %swap3A_86 = tpu.vector_load %arg4[%swap3A_84, %swap3A_85] {strides = array<i32>} : memref<4x8192xf32, #tpu.memory_space<vmem>>, vector<1x16xf32>,
    %swap3A_87 = vector.shape_cast %swap3A_86 : vector<1x16xf32> to vector<16xf32>
    %swap3A_88 = vector.shape_cast %select_n3A_82 : vector<16xf32> to vector<1x16xf32>
    tpu.vector_store %arg4[%swap3A_84, %swap3A_85], %swap3A_88 {strides = array<i32>} : memref<4x8192xf32, #tpu.memory_space<vmem>>, vector<1x16xf32>,
    %scan3A_89 = arith.constant 0 : i32
    %scan3A_90 = arith.constant 64 : i32
    %scan3A_91 = arith.addi %scan3A_89, %scan3A_90 : i32
    %scan3A_92 = arith.constant 1 : i32
    %scan3A_93 = scf.for %scan3A_508 = %scan3A_89 to %scan3A_91 step %scan3A_92 iter_args(%scan3A_509 = %broadcast_in_dim3A_8) -> (vector<16xf32>)  : i32 {
      %mul3A_510 = arith.constant 128 : i32
      %mul3A_511 = arith.muli %scan3A_508, %mul3A_510 : i32
      %get3A_512 = arith.constant 2 : i32
      %get3A_513 = arith.index_cast %get3A_512 : i32 to index
      %get3A_514 = arith.index_cast %mul3A_511 : i32 to index
      %get3A_515 = tpu.vector_load %arg4[%get3A_513, %get3A_514] {strides = array<i32>} : memref<4x8192xf32, #tpu.memory_space<vmem>>, vector<1x16xf32>,
      %get3A_516 = vector.shape_cast %get3A_515 : vector<1x16xf32> to vector<16xf32>
      %add3A_517 = arith.constant 16 : i32
      %add3A_518 = arith.addi %mul3A_511, %add3A_517 : i32
      %get3A_519 = arith.constant 2 : i32
      %get3A_520 = arith.index_cast %get3A_519 : i32 to index
      %get3A_521 = arith.index_cast %add3A_518 : i32 to index
      %get3A_522 = tpu.vector_load %arg4[%get3A_520, %get3A_521] {strides = array<i32>} : memref<4x8192xf32, #tpu.memory_space<vmem>>, vector<1x16xf32>,
      %get3A_523 = vector.shape_cast %get3A_522 : vector<1x16xf32> to vector<16xf32>
      %max3A = arith.maximumf %get3A_516, %get3A_523 : vector<16xf32>
      %add3A_524 = arith.constant 32 : i32
      %add3A_525 = arith.addi %mul3A_511, %add3A_524 : i32
      %get3A_526 = arith.constant 2 : i32
      %get3A_527 = arith.index_cast %get3A_526 : i32 to index
      %get3A_528 = arith.index_cast %add3A_525 : i32 to index
      %get3A_529 = tpu.vector_load %arg4[%get3A_527, %get3A_528] {strides = array<i32>} : memref<4x8192xf32, #tpu.memory_space<vmem>>, vector<1x16xf32>,
      %get3A_530 = vector.shape_cast %get3A_529 : vector<1x16xf32> to vector<16xf32>
      %add3A_531 = arith.constant 48 : i32
      %add3A_532 = arith.addi %mul3A_511, %add3A_531 : i32
      %get3A_533 = arith.constant 2 : i32
      %get3A_534 = arith.index_cast %get3A_533 : i32 to index
      %get3A_535 = arith.index_cast %add3A_532 : i32 to index
      %get3A_536 = tpu.vector_load %arg4[%get3A_534, %get3A_535] {strides = array<i32>} : memref<4x8192xf32, #tpu.memory_space<vmem>>, vector<1x16xf32>,
      %get3A_537 = vector.shape_cast %get3A_536 : vector<1x16xf32> to vector<16xf32>
      %max3A_538 = arith.maximumf %get3A_530, %get3A_537 : vector<16xf32>
      %add3A_539 = arith.constant 64 : i32
      %add3A_540 = arith.addi %mul3A_511, %add3A_539 : i32
      %get3A_541 = arith.constant 2 : i32
      %get3A_542 = arith.index_cast %get3A_541 : i32 to index
      %get3A_543 = arith.index_cast %add3A_540 : i32 to index
      %get3A_544 = tpu.vector_load %arg4[%get3A_542, %get3A_543] {strides = array<i32>} : memref<4x8192xf32, #tpu.memory_space<vmem>>, vector<1x16xf32>,
      %get3A_545 = vector.shape_cast %get3A_544 : vector<1x16xf32> to vector<16xf32>
      %add3A_546 = arith.constant 80 : i32
      %add3A_547 = arith.addi %mul3A_511, %add3A_546 : i32
      %get3A_548 = arith.constant 2 : i32
      %get3A_549 = arith.index_cast %get3A_548 : i32 to index
      %get3A_550 = arith.index_cast %add3A_547 : i32 to index
      %get3A_551 = tpu.vector_load %arg4[%get3A_549, %get3A_550] {strides = array<i32>} : memref<4x8192xf32, #tpu.memory_space<vmem>>, vector<1x16xf32>,
      %get3A_552 = vector.shape_cast %get3A_551 : vector<1x16xf32> to vector<16xf32>
      %max3A_553 = arith.maximumf %get3A_545, %get3A_552 : vector<16xf32>
      %add3A_554 = arith.constant 96 : i32
      %add3A_555 = arith.addi %mul3A_511, %add3A_554 : i32
      %get3A_556 = arith.constant 2 : i32
      %get3A_557 = arith.index_cast %get3A_556 : i32 to index
      %get3A_558 = arith.index_cast %add3A_555 : i32 to index
      %get3A_559 = tpu.vector_load %arg4[%get3A_557, %get3A_558] {strides = array<i32>} : memref<4x8192xf32, #tpu.memory_space<vmem>>, vector<1x16xf32>,
      %get3A_560 = vector.shape_cast %get3A_559 : vector<1x16xf32> to vector<16xf32>
      %add3A_561 = arith.constant 112 : i32
      %add3A_562 = arith.addi %mul3A_511, %add3A_561 : i32
      %get3A_563 = arith.constant 2 : i32
      %get3A_564 = arith.index_cast %get3A_563 : i32 to index
      %get3A_565 = arith.index_cast %add3A_562 : i32 to index
      %get3A_566 = tpu.vector_load %arg4[%get3A_564, %get3A_565] {strides = array<i32>} : memref<4x8192xf32, #tpu.memory_space<vmem>>, vector<1x16xf32>,
      %get3A_567 = vector.shape_cast %get3A_566 : vector<1x16xf32> to vector<16xf32>
      %max3A_568 = arith.maximumf %get3A_560, %get3A_567 : vector<16xf32>
      %max3A_569 = arith.maximumf %max3A, %max3A_538 : vector<16xf32>
      %max3A_570 = arith.maximumf %max3A_553, %max3A_568 : vector<16xf32>
      %max3A_571 = arith.maximumf %max3A_569, %max3A_570 : vector<16xf32>
      %max3A_572 = arith.maximumf %scan3A_509, %max3A_571 : vector<16xf32>
      scf.yield %max3A_572 : vector<16xf32>
    }
    %scan3A_94 = arith.constant 64 : i32
    %swap3A_95 = arith.constant 2 : i32
    %swap3A_96 = arith.index_cast %swap3A_95 : i32 to index
    %swap3A_97 = arith.constant 0 : index
    %swap3A_98 = tpu.vector_load %arg6[%swap3A_96, %swap3A_97] {strides = array<i32>} : memref<16x16xf32, #tpu.memory_space<vmem>>, vector<1x16xf32>,
    %swap3A_99 = vector.shape_cast %swap3A_98 : vector<1x16xf32> to vector<16xf32>
    %swap3A_100 = vector.shape_cast %scan3A_93 : vector<16xf32> to vector<1x16xf32>
    tpu.vector_store %arg6[%swap3A_96, %swap3A_97], %swap3A_100 {strides = array<i32>} : memref<16x16xf32, #tpu.memory_space<vmem>>, vector<1x16xf32>,
    %get3A_101 = arith.constant 3 : i32
    %get3A_102 = arith.index_cast %get3A_101 : i32 to index
    %get3A_103 = arith.constant 8176 : index
    %get3A_104 = tpu.vector_load %arg4[%get3A_102, %get3A_103] {strides = array<i32>} : memref<4x8192xf32, #tpu.memory_space<vmem>>, vector<1x16xf32>,
    %get3A_105 = vector.shape_cast %get3A_104 : vector<1x16xf32> to vector<16xf32>
    %lt3A_106 = arith.constant 15 : i32
    %lt3A_107 = vector.broadcast %lt3A_106 : i32 to vector<16xi32>
    %lt3A_108 = arith.cmpi slt, %iota3A, %lt3A_107 : vector<16xi32>
    %jit3A_109 = arith.constant 0xFF800000 : f32
    %broadcast_in_dim3A_110 = vector.broadcast %jit3A_109 : f32 to vector<16xf32>
    %select_n3A_111 = arith.select %lt3A_108, %get3A_105, %broadcast_in_dim3A_110 : vector<16xi1>, vector<16xf32>
    %swap3A_112 = arith.constant 3 : i32
    %swap3A_113 = arith.index_cast %swap3A_112 : i32 to index
    %swap3A_114 = arith.constant 8176 : index
    %swap3A_115 = tpu.vector_load %arg4[%swap3A_113, %swap3A_114] {strides = array<i32>} : memref<4x8192xf32, #tpu.memory_space<vmem>>, vector<1x16xf32>,
    %swap3A_116 = vector.shape_cast %swap3A_115 : vector<1x16xf32> to vector<16xf32>
    %swap3A_117 = vector.shape_cast %select_n3A_111 : vector<16xf32> to vector<1x16xf32>
    tpu.vector_store %arg4[%swap3A_113, %swap3A_114], %swap3A_117 {strides = array<i32>} : memref<4x8192xf32, #tpu.memory_space<vmem>>, vector<1x16xf32>,
    %scan3A_118 = arith.constant 0 : i32
    %scan3A_119 = arith.constant 64 : i32
    %scan3A_120 = arith.addi %scan3A_118, %scan3A_119 : i32
    %scan3A_121 = arith.constant 1 : i32
    %scan3A_122 = scf.for %scan3A_508 = %scan3A_118 to %scan3A_120 step %scan3A_121 iter_args(%scan3A_509 = %broadcast_in_dim3A_8) -> (vector<16xf32>)  : i32 {
      %mul3A_510 = arith.constant 128 : i32
      %mul3A_511 = arith.muli %scan3A_508, %mul3A_510 : i32
      %get3A_512 = arith.constant 3 : i32
      %get3A_513 = arith.index_cast %get3A_512 : i32 to index
      %get3A_514 = arith.index_cast %mul3A_511 : i32 to index
      %get3A_515 = tpu.vector_load %arg4[%get3A_513, %get3A_514] {strides = array<i32>} : memref<4x8192xf32, #tpu.memory_space<vmem>>, vector<1x16xf32>,
      %get3A_516 = vector.shape_cast %get3A_515 : vector<1x16xf32> to vector<16xf32>
      %add3A_517 = arith.constant 16 : i32
      %add3A_518 = arith.addi %mul3A_511, %add3A_517 : i32
      %get3A_519 = arith.constant 3 : i32
      %get3A_520 = arith.index_cast %get3A_519 : i32 to index
      %get3A_521 = arith.index_cast %add3A_518 : i32 to index
      %get3A_522 = tpu.vector_load %arg4[%get3A_520, %get3A_521] {strides = array<i32>} : memref<4x8192xf32, #tpu.memory_space<vmem>>, vector<1x16xf32>,
      %get3A_523 = vector.shape_cast %get3A_522 : vector<1x16xf32> to vector<16xf32>
      %max3A = arith.maximumf %get3A_516, %get3A_523 : vector<16xf32>
      %add3A_524 = arith.constant 32 : i32
      %add3A_525 = arith.addi %mul3A_511, %add3A_524 : i32
      %get3A_526 = arith.constant 3 : i32
      %get3A_527 = arith.index_cast %get3A_526 : i32 to index
      %get3A_528 = arith.index_cast %add3A_525 : i32 to index
      %get3A_529 = tpu.vector_load %arg4[%get3A_527, %get3A_528] {strides = array<i32>} : memref<4x8192xf32, #tpu.memory_space<vmem>>, vector<1x16xf32>,
      %get3A_530 = vector.shape_cast %get3A_529 : vector<1x16xf32> to vector<16xf32>
      %add3A_531 = arith.constant 48 : i32
      %add3A_532 = arith.addi %mul3A_511, %add3A_531 : i32
      %get3A_533 = arith.constant 3 : i32
      %get3A_534 = arith.index_cast %get3A_533 : i32 to index
      %get3A_535 = arith.index_cast %add3A_532 : i32 to index
      %get3A_536 = tpu.vector_load %arg4[%get3A_534, %get3A_535] {strides = array<i32>} : memref<4x8192xf32, #tpu.memory_space<vmem>>, vector<1x16xf32>,
      %get3A_537 = vector.shape_cast %get3A_536 : vector<1x16xf32> to vector<16xf32>
      %max3A_538 = arith.maximumf %get3A_530, %get3A_537 : vector<16xf32>
      %add3A_539 = arith.constant 64 : i32
      %add3A_540 = arith.addi %mul3A_511, %add3A_539 : i32
      %get3A_541 = arith.constant 3 : i32
      %get3A_542 = arith.index_cast %get3A_541 : i32 to index
      %get3A_543 = arith.index_cast %add3A_540 : i32 to index
      %get3A_544 = tpu.vector_load %arg4[%get3A_542, %get3A_543] {strides = array<i32>} : memref<4x8192xf32, #tpu.memory_space<vmem>>, vector<1x16xf32>,
      %get3A_545 = vector.shape_cast %get3A_544 : vector<1x16xf32> to vector<16xf32>
      %add3A_546 = arith.constant 80 : i32
      %add3A_547 = arith.addi %mul3A_511, %add3A_546 : i32
      %get3A_548 = arith.constant 3 : i32
      %get3A_549 = arith.index_cast %get3A_548 : i32 to index
      %get3A_550 = arith.index_cast %add3A_547 : i32 to index
      %get3A_551 = tpu.vector_load %arg4[%get3A_549, %get3A_550] {strides = array<i32>} : memref<4x8192xf32, #tpu.memory_space<vmem>>, vector<1x16xf32>,
      %get3A_552 = vector.shape_cast %get3A_551 : vector<1x16xf32> to vector<16xf32>
      %max3A_553 = arith.maximumf %get3A_545, %get3A_552 : vector<16xf32>
      %add3A_554 = arith.constant 96 : i32
      %add3A_555 = arith.addi %mul3A_511, %add3A_554 : i32
      %get3A_556 = arith.constant 3 : i32
      %get3A_557 = arith.index_cast %get3A_556 : i32 to index
      %get3A_558 = arith.index_cast %add3A_555 : i32 to index
      %get3A_559 = tpu.vector_load %arg4[%get3A_557, %get3A_558] {strides = array<i32>} : memref<4x8192xf32, #tpu.memory_space<vmem>>, vector<1x16xf32>,
      %get3A_560 = vector.shape_cast %get3A_559 : vector<1x16xf32> to vector<16xf32>
      %add3A_561 = arith.constant 112 : i32
      %add3A_562 = arith.addi %mul3A_511, %add3A_561 : i32
      %get3A_563 = arith.constant 3 : i32
      %get3A_564 = arith.index_cast %get3A_563 : i32 to index
      %get3A_565 = arith.index_cast %add3A_562 : i32 to index
      %get3A_566 = tpu.vector_load %arg4[%get3A_564, %get3A_565] {strides = array<i32>} : memref<4x8192xf32, #tpu.memory_space<vmem>>, vector<1x16xf32>,
      %get3A_567 = vector.shape_cast %get3A_566 : vector<1x16xf32> to vector<16xf32>
      %max3A_568 = arith.maximumf %get3A_560, %get3A_567 : vector<16xf32>
      %max3A_569 = arith.maximumf %max3A, %max3A_538 : vector<16xf32>
      %max3A_570 = arith.maximumf %max3A_553, %max3A_568 : vector<16xf32>
      %max3A_571 = arith.maximumf %max3A_569, %max3A_570 : vector<16xf32>
      %max3A_572 = arith.maximumf %scan3A_509, %max3A_571 : vector<16xf32>
      scf.yield %max3A_572 : vector<16xf32>
    }
    %scan3A_123 = arith.constant 64 : i32
    %swap3A_124 = arith.constant 3 : i32
    %swap3A_125 = arith.index_cast %swap3A_124 : i32 to index
    %swap3A_126 = arith.constant 0 : index
    %swap3A_127 = tpu.vector_load %arg6[%swap3A_125, %swap3A_126] {strides = array<i32>} : memref<16x16xf32, #tpu.memory_space<vmem>>, vector<1x16xf32>,
    %swap3A_128 = vector.shape_cast %swap3A_127 : vector<1x16xf32> to vector<16xf32>
    %swap3A_129 = vector.shape_cast %scan3A_122 : vector<16xf32> to vector<1x16xf32>
    tpu.vector_store %arg6[%swap3A_125, %swap3A_126], %swap3A_129 {strides = array<i32>} : memref<16x16xf32, #tpu.memory_space<vmem>>, vector<1x16xf32>,
    %add3A_130 = arith.constant 8 : i32
    %add3A_131 = arith.addi %mul3A_2, %add3A_130 : i32
    %dma_start3A_132 = arith.constant 0 : i32
    %dma_start3A_133 = tpu.memref_slice %arg2[%add3A_131, %dma_start3A_132] : memref<2048x8192xf32, #tpu.memory_space<hbm>> -> memref<4x8192xf32, #tpu.memory_space<hbm>>
    %dma_start3A_134 = arith.constant 0 : i32
    %dma_start3A_135 = tpu.memref_slice %arg2[%add3A_131, %dma_start3A_134] : memref<2048x8192xf32, #tpu.memory_space<hbm>> -> memref<4x8192xf32, #tpu.memory_space<hbm>>
    tpu.enqueue_dma source(%dma_start3A_135 : memref<4x8192xf32, #tpu.memory_space<hbm>>) target(%arg4 : memref<4x8192xf32, #tpu.memory_space<vmem>>) target_semaphore(%arg7 : memref<!tpu.dma_semaphore, #tpu.memory_space<semaphore_mem>>)
    %add3A_136 = arith.constant 4 : i32
    %add3A_137 = arith.addi %mul3A_2, %add3A_136 : i32
    %dma_wait3A_138 = arith.constant 0 : i32
    %dma_wait3A_139 = tpu.memref_slice %arg2[%add3A_137, %dma_wait3A_138] : memref<2048x8192xf32, #tpu.memory_space<hbm>> -> memref<4x8192xf32, #tpu.memory_space<hbm>>
    %dma_wait3A_140 = arith.constant 0 : i32
    %dma_wait3A_141 = tpu.memref_slice %arg2[%add3A_137, %dma_wait3A_140] : memref<2048x8192xf32, #tpu.memory_space<hbm>> -> memref<4x8192xf32, #tpu.memory_space<hbm>>
    tpu.wait_dma2 semaphore(%arg8 : memref<!tpu.dma_semaphore, #tpu.memory_space<semaphore_mem>>) src(%dma_wait3A_141 : memref<4x8192xf32, #tpu.memory_space<hbm>>) dst(%arg5 : memref<4x8192xf32, #tpu.memory_space<vmem>>)
    %get3A_142 = arith.constant 0 : i32
    %get3A_143 = arith.index_cast %get3A_142 : i32 to index
    %get3A_144 = arith.constant 8176 : index
    %get3A_145 = tpu.vector_load %arg5[%get3A_143, %get3A_144] {strides = array<i32>} : memref<4x8192xf32, #tpu.memory_space<vmem>>, vector<1x16xf32>,
    %get3A_146 = vector.shape_cast %get3A_145 : vector<1x16xf32> to vector<16xf32>
    %lt3A_147 = arith.constant 15 : i32
    %lt3A_148 = vector.broadcast %lt3A_147 : i32 to vector<16xi32>
    %lt3A_149 = arith.cmpi slt, %iota3A, %lt3A_148 : vector<16xi32>
    %jit3A_150 = arith.constant 0xFF800000 : f32
    %broadcast_in_dim3A_151 = vector.broadcast %jit3A_150 : f32 to vector<16xf32>
    %select_n3A_152 = arith.select %lt3A_149, %get3A_146, %broadcast_in_dim3A_151 : vector<16xi1>, vector<16xf32>
    %swap3A_153 = arith.constant 0 : i32
    %swap3A_154 = arith.index_cast %swap3A_153 : i32 to index
    %swap3A_155 = arith.constant 8176 : index
    %swap3A_156 = tpu.vector_load %arg5[%swap3A_154, %swap3A_155] {strides = array<i32>} : memref<4x8192xf32, #tpu.memory_space<vmem>>, vector<1x16xf32>,
    %swap3A_157 = vector.shape_cast %swap3A_156 : vector<1x16xf32> to vector<16xf32>
    %swap3A_158 = vector.shape_cast %select_n3A_152 : vector<16xf32> to vector<1x16xf32>
    tpu.vector_store %arg5[%swap3A_154, %swap3A_155], %swap3A_158 {strides = array<i32>} : memref<4x8192xf32, #tpu.memory_space<vmem>>, vector<1x16xf32>,
    %scan3A_159 = arith.constant 0 : i32
    %scan3A_160 = arith.constant 64 : i32
    %scan3A_161 = arith.addi %scan3A_159, %scan3A_160 : i32
    %scan3A_162 = arith.constant 1 : i32
    %scan3A_163 = scf.for %scan3A_508 = %scan3A_159 to %scan3A_161 step %scan3A_162 iter_args(%scan3A_509 = %broadcast_in_dim3A_8) -> (vector<16xf32>)  : i32 {
      %mul3A_510 = arith.constant 128 : i32
      %mul3A_511 = arith.muli %scan3A_508, %mul3A_510 : i32
      %get3A_512 = arith.constant 0 : i32
      %get3A_513 = arith.index_cast %get3A_512 : i32 to index
      %get3A_514 = arith.index_cast %mul3A_511 : i32 to index
      %get3A_515 = tpu.vector_load %arg5[%get3A_513, %get3A_514] {strides = array<i32>} : memref<4x8192xf32, #tpu.memory_space<vmem>>, vector<1x16xf32>,
      %get3A_516 = vector.shape_cast %get3A_515 : vector<1x16xf32> to vector<16xf32>
      %add3A_517 = arith.constant 16 : i32
      %add3A_518 = arith.addi %mul3A_511, %add3A_517 : i32
      %get3A_519 = arith.constant 0 : i32
      %get3A_520 = arith.index_cast %get3A_519 : i32 to index
      %get3A_521 = arith.index_cast %add3A_518 : i32 to index
      %get3A_522 = tpu.vector_load %arg5[%get3A_520, %get3A_521] {strides = array<i32>} : memref<4x8192xf32, #tpu.memory_space<vmem>>, vector<1x16xf32>,
      %get3A_523 = vector.shape_cast %get3A_522 : vector<1x16xf32> to vector<16xf32>
      %max3A = arith.maximumf %get3A_516, %get3A_523 : vector<16xf32>
      %add3A_524 = arith.constant 32 : i32
      %add3A_525 = arith.addi %mul3A_511, %add3A_524 : i32
      %get3A_526 = arith.constant 0 : i32
      %get3A_527 = arith.index_cast %get3A_526 : i32 to index
      %get3A_528 = arith.index_cast %add3A_525 : i32 to index
      %get3A_529 = tpu.vector_load %arg5[%get3A_527, %get3A_528] {strides = array<i32>} : memref<4x8192xf32, #tpu.memory_space<vmem>>, vector<1x16xf32>,
      %get3A_530 = vector.shape_cast %get3A_529 : vector<1x16xf32> to vector<16xf32>
      %add3A_531 = arith.constant 48 : i32
      %add3A_532 = arith.addi %mul3A_511, %add3A_531 : i32
      %get3A_533 = arith.constant 0 : i32
      %get3A_534 = arith.index_cast %get3A_533 : i32 to index
      %get3A_535 = arith.index_cast %add3A_532 : i32 to index
      %get3A_536 = tpu.vector_load %arg5[%get3A_534, %get3A_535] {strides = array<i32>} : memref<4x8192xf32, #tpu.memory_space<vmem>>, vector<1x16xf32>,
      %get3A_537 = vector.shape_cast %get3A_536 : vector<1x16xf32> to vector<16xf32>
      %max3A_538 = arith.maximumf %get3A_530, %get3A_537 : vector<16xf32>
      %add3A_539 = arith.constant 64 : i32
      %add3A_540 = arith.addi %mul3A_511, %add3A_539 : i32
      %get3A_541 = arith.constant 0 : i32
      %get3A_542 = arith.index_cast %get3A_541 : i32 to index
      %get3A_543 = arith.index_cast %add3A_540 : i32 to index
      %get3A_544 = tpu.vector_load %arg5[%get3A_542, %get3A_543] {strides = array<i32>} : memref<4x8192xf32, #tpu.memory_space<vmem>>, vector<1x16xf32>,
      %get3A_545 = vector.shape_cast %get3A_544 : vector<1x16xf32> to vector<16xf32>
      %add3A_546 = arith.constant 80 : i32
      %add3A_547 = arith.addi %mul3A_511, %add3A_546 : i32
      %get3A_548 = arith.constant 0 : i32
      %get3A_549 = arith.index_cast %get3A_548 : i32 to index
      %get3A_550 = arith.index_cast %add3A_547 : i32 to index
      %get3A_551 = tpu.vector_load %arg5[%get3A_549, %get3A_550] {strides = array<i32>} : memref<4x8192xf32, #tpu.memory_space<vmem>>, vector<1x16xf32>,
      %get3A_552 = vector.shape_cast %get3A_551 : vector<1x16xf32> to vector<16xf32>
      %max3A_553 = arith.maximumf %get3A_545, %get3A_552 : vector<16xf32>
      %add3A_554 = arith.constant 96 : i32
      %add3A_555 = arith.addi %mul3A_511, %add3A_554 : i32
      %get3A_556 = arith.constant 0 : i32
      %get3A_557 = arith.index_cast %get3A_556 : i32 to index
      %get3A_558 = arith.index_cast %add3A_555 : i32 to index
      %get3A_559 = tpu.vector_load %arg5[%get3A_557, %get3A_558] {strides = array<i32>} : memref<4x8192xf32, #tpu.memory_space<vmem>>, vector<1x16xf32>,
      %get3A_560 = vector.shape_cast %get3A_559 : vector<1x16xf32> to vector<16xf32>
      %add3A_561 = arith.constant 112 : i32
      %add3A_562 = arith.addi %mul3A_511, %add3A_561 : i32
      %get3A_563 = arith.constant 0 : i32
      %get3A_564 = arith.index_cast %get3A_563 : i32 to index
      %get3A_565 = arith.index_cast %add3A_562 : i32 to index
      %get3A_566 = tpu.vector_load %arg5[%get3A_564, %get3A_565] {strides = array<i32>} : memref<4x8192xf32, #tpu.memory_space<vmem>>, vector<1x16xf32>,
      %get3A_567 = vector.shape_cast %get3A_566 : vector<1x16xf32> to vector<16xf32>
      %max3A_568 = arith.maximumf %get3A_560, %get3A_567 : vector<16xf32>
      %max3A_569 = arith.maximumf %max3A, %max3A_538 : vector<16xf32>
      %max3A_570 = arith.maximumf %max3A_553, %max3A_568 : vector<16xf32>
      %max3A_571 = arith.maximumf %max3A_569, %max3A_570 : vector<16xf32>
      %max3A_572 = arith.maximumf %scan3A_509, %max3A_571 : vector<16xf32>
      scf.yield %max3A_572 : vector<16xf32>
    }
    %scan3A_164 = arith.constant 64 : i32
    %swap3A_165 = arith.constant 4 : i32
    %swap3A_166 = arith.index_cast %swap3A_165 : i32 to index
    %swap3A_167 = arith.constant 0 : index
    %swap3A_168 = tpu.vector_load %arg6[%swap3A_166, %swap3A_167] {strides = array<i32>} : memref<16x16xf32, #tpu.memory_space<vmem>>, vector<1x16xf32>,
    %swap3A_169 = vector.shape_cast %swap3A_168 : vector<1x16xf32> to vector<16xf32>
    %swap3A_170 = vector.shape_cast %scan3A_163 : vector<16xf32> to vector<1x16xf32>
    tpu.vector_store %arg6[%swap3A_166, %swap3A_167], %swap3A_170 {strides = array<i32>} : memref<16x16xf32, #tpu.memory_space<vmem>>, vector<1x16xf32>,
    %get3A_171 = arith.constant 1 : i32
    %get3A_172 = arith.index_cast %get3A_171 : i32 to index
    %get3A_173 = arith.constant 8176 : index
    %get3A_174 = tpu.vector_load %arg5[%get3A_172, %get3A_173] {strides = array<i32>} : memref<4x8192xf32, #tpu.memory_space<vmem>>, vector<1x16xf32>,
    %get3A_175 = vector.shape_cast %get3A_174 : vector<1x16xf32> to vector<16xf32>
    %lt3A_176 = arith.constant 15 : i32
    %lt3A_177 = vector.broadcast %lt3A_176 : i32 to vector<16xi32>
    %lt3A_178 = arith.cmpi slt, %iota3A, %lt3A_177 : vector<16xi32>
    %jit3A_179 = arith.constant 0xFF800000 : f32
    %broadcast_in_dim3A_180 = vector.broadcast %jit3A_179 : f32 to vector<16xf32>
    %select_n3A_181 = arith.select %lt3A_178, %get3A_175, %broadcast_in_dim3A_180 : vector<16xi1>, vector<16xf32>
    %swap3A_182 = arith.constant 1 : i32
    %swap3A_183 = arith.index_cast %swap3A_182 : i32 to index
    %swap3A_184 = arith.constant 8176 : index
    %swap3A_185 = tpu.vector_load %arg5[%swap3A_183, %swap3A_184] {strides = array<i32>} : memref<4x8192xf32, #tpu.memory_space<vmem>>, vector<1x16xf32>,
    %swap3A_186 = vector.shape_cast %swap3A_185 : vector<1x16xf32> to vector<16xf32>
    %swap3A_187 = vector.shape_cast %select_n3A_181 : vector<16xf32> to vector<1x16xf32>
    tpu.vector_store %arg5[%swap3A_183, %swap3A_184], %swap3A_187 {strides = array<i32>} : memref<4x8192xf32, #tpu.memory_space<vmem>>, vector<1x16xf32>,
    %scan3A_188 = arith.constant 0 : i32
    %scan3A_189 = arith.constant 64 : i32
    %scan3A_190 = arith.addi %scan3A_188, %scan3A_189 : i32
    %scan3A_191 = arith.constant 1 : i32
    %scan3A_192 = scf.for %scan3A_508 = %scan3A_188 to %scan3A_190 step %scan3A_191 iter_args(%scan3A_509 = %broadcast_in_dim3A_8) -> (vector<16xf32>)  : i32 {
      %mul3A_510 = arith.constant 128 : i32
      %mul3A_511 = arith.muli %scan3A_508, %mul3A_510 : i32
      %get3A_512 = arith.constant 1 : i32
      %get3A_513 = arith.index_cast %get3A_512 : i32 to index
      %get3A_514 = arith.index_cast %mul3A_511 : i32 to index
      %get3A_515 = tpu.vector_load %arg5[%get3A_513, %get3A_514] {strides = array<i32>} : memref<4x8192xf32, #tpu.memory_space<vmem>>, vector<1x16xf32>,
      %get3A_516 = vector.shape_cast %get3A_515 : vector<1x16xf32> to vector<16xf32>
      %add3A_517 = arith.constant 16 : i32
      %add3A_518 = arith.addi %mul3A_511, %add3A_517 : i32
      %get3A_519 = arith.constant 1 : i32
      %get3A_520 = arith.index_cast %get3A_519 : i32 to index
      %get3A_521 = arith.index_cast %add3A_518 : i32 to index
      %get3A_522 = tpu.vector_load %arg5[%get3A_520, %get3A_521] {strides = array<i32>} : memref<4x8192xf32, #tpu.memory_space<vmem>>, vector<1x16xf32>,
      %get3A_523 = vector.shape_cast %get3A_522 : vector<1x16xf32> to vector<16xf32>
      %max3A = arith.maximumf %get3A_516, %get3A_523 : vector<16xf32>
      %add3A_524 = arith.constant 32 : i32
      %add3A_525 = arith.addi %mul3A_511, %add3A_524 : i32
      %get3A_526 = arith.constant 1 : i32
      %get3A_527 = arith.index_cast %get3A_526 : i32 to index
      %get3A_528 = arith.index_cast %add3A_525 : i32 to index
      %get3A_529 = tpu.vector_load %arg5[%get3A_527, %get3A_528] {strides = array<i32>} : memref<4x8192xf32, #tpu.memory_space<vmem>>, vector<1x16xf32>,
      %get3A_530 = vector.shape_cast %get3A_529 : vector<1x16xf32> to vector<16xf32>
      %add3A_531 = arith.constant 48 : i32
      %add3A_532 = arith.addi %mul3A_511, %add3A_531 : i32
      %get3A_533 = arith.constant 1 : i32
      %get3A_534 = arith.index_cast %get3A_533 : i32 to index
      %get3A_535 = arith.index_cast %add3A_532 : i32 to index
      %get3A_536 = tpu.vector_load %arg5[%get3A_534, %get3A_535] {strides = array<i32>} : memref<4x8192xf32, #tpu.memory_space<vmem>>, vector<1x16xf32>,
      %get3A_537 = vector.shape_cast %get3A_536 : vector<1x16xf32> to vector<16xf32>
      %max3A_538 = arith.maximumf %get3A_530, %get3A_537 : vector<16xf32>
      %add3A_539 = arith.constant 64 : i32
      %add3A_540 = arith.addi %mul3A_511, %add3A_539 : i32
      %get3A_541 = arith.constant 1 : i32
      %get3A_542 = arith.index_cast %get3A_541 : i32 to index
      %get3A_543 = arith.index_cast %add3A_540 : i32 to index
      %get3A_544 = tpu.vector_load %arg5[%get3A_542, %get3A_543] {strides = array<i32>} : memref<4x8192xf32, #tpu.memory_space<vmem>>, vector<1x16xf32>,
      %get3A_545 = vector.shape_cast %get3A_544 : vector<1x16xf32> to vector<16xf32>
      %add3A_546 = arith.constant 80 : i32
      %add3A_547 = arith.addi %mul3A_511, %add3A_546 : i32
      %get3A_548 = arith.constant 1 : i32
      %get3A_549 = arith.index_cast %get3A_548 : i32 to index
      %get3A_550 = arith.index_cast %add3A_547 : i32 to index
      %get3A_551 = tpu.vector_load %arg5[%get3A_549, %get3A_550] {strides = array<i32>} : memref<4x8192xf32, #tpu.memory_space<vmem>>, vector<1x16xf32>,
      %get3A_552 = vector.shape_cast %get3A_551 : vector<1x16xf32> to vector<16xf32>
      %max3A_553 = arith.maximumf %get3A_545, %get3A_552 : vector<16xf32>
      %add3A_554 = arith.constant 96 : i32
      %add3A_555 = arith.addi %mul3A_511, %add3A_554 : i32
      %get3A_556 = arith.constant 1 : i32
      %get3A_557 = arith.index_cast %get3A_556 : i32 to index
      %get3A_558 = arith.index_cast %add3A_555 : i32 to index
      %get3A_559 = tpu.vector_load %arg5[%get3A_557, %get3A_558] {strides = array<i32>} : memref<4x8192xf32, #tpu.memory_space<vmem>>, vector<1x16xf32>,
      %get3A_560 = vector.shape_cast %get3A_559 : vector<1x16xf32> to vector<16xf32>
      %add3A_561 = arith.constant 112 : i32
      %add3A_562 = arith.addi %mul3A_511, %add3A_561 : i32
      %get3A_563 = arith.constant 1 : i32
      %get3A_564 = arith.index_cast %get3A_563 : i32 to index
      %get3A_565 = arith.index_cast %add3A_562 : i32 to index
      %get3A_566 = tpu.vector_load %arg5[%get3A_564, %get3A_565] {strides = array<i32>} : memref<4x8192xf32, #tpu.memory_space<vmem>>, vector<1x16xf32>,
      %get3A_567 = vector.shape_cast %get3A_566 : vector<1x16xf32> to vector<16xf32>
      %max3A_568 = arith.maximumf %get3A_560, %get3A_567 : vector<16xf32>
      %max3A_569 = arith.maximumf %max3A, %max3A_538 : vector<16xf32>
      %max3A_570 = arith.maximumf %max3A_553, %max3A_568 : vector<16xf32>
      %max3A_571 = arith.maximumf %max3A_569, %max3A_570 : vector<16xf32>
      %max3A_572 = arith.maximumf %scan3A_509, %max3A_571 : vector<16xf32>
      scf.yield %max3A_572 : vector<16xf32>
    }
    %scan3A_193 = arith.constant 64 : i32
    %swap3A_194 = arith.constant 5 : i32
    %swap3A_195 = arith.index_cast %swap3A_194 : i32 to index
    %swap3A_196 = arith.constant 0 : index
    %swap3A_197 = tpu.vector_load %arg6[%swap3A_195, %swap3A_196] {strides = array<i32>} : memref<16x16xf32, #tpu.memory_space<vmem>>, vector<1x16xf32>,
    %swap3A_198 = vector.shape_cast %swap3A_197 : vector<1x16xf32> to vector<16xf32>
    %swap3A_199 = vector.shape_cast %scan3A_192 : vector<16xf32> to vector<1x16xf32>
    tpu.vector_store %arg6[%swap3A_195, %swap3A_196], %swap3A_199 {strides = array<i32>} : memref<16x16xf32, #tpu.memory_space<vmem>>, vector<1x16xf32>,
    %get3A_200 = arith.constant 2 : i32
    %get3A_201 = arith.index_cast %get3A_200 : i32 to index
    %get3A_202 = arith.constant 8176 : index
    %get3A_203 = tpu.vector_load %arg5[%get3A_201, %get3A_202] {strides = array<i32>} : memref<4x8192xf32, #tpu.memory_space<vmem>>, vector<1x16xf32>,
    %get3A_204 = vector.shape_cast %get3A_203 : vector<1x16xf32> to vector<16xf32>
    %lt3A_205 = arith.constant 15 : i32
    %lt3A_206 = vector.broadcast %lt3A_205 : i32 to vector<16xi32>
    %lt3A_207 = arith.cmpi slt, %iota3A, %lt3A_206 : vector<16xi32>
    %jit3A_208 = arith.constant 0xFF800000 : f32
    %broadcast_in_dim3A_209 = vector.broadcast %jit3A_208 : f32 to vector<16xf32>
    %select_n3A_210 = arith.select %lt3A_207, %get3A_204, %broadcast_in_dim3A_209 : vector<16xi1>, vector<16xf32>
    %swap3A_211 = arith.constant 2 : i32
    %swap3A_212 = arith.index_cast %swap3A_211 : i32 to index
    %swap3A_213 = arith.constant 8176 : index
    %swap3A_214 = tpu.vector_load %arg5[%swap3A_212, %swap3A_213] {strides = array<i32>} : memref<4x8192xf32, #tpu.memory_space<vmem>>, vector<1x16xf32>,
    %swap3A_215 = vector.shape_cast %swap3A_214 : vector<1x16xf32> to vector<16xf32>
    %swap3A_216 = vector.shape_cast %select_n3A_210 : vector<16xf32> to vector<1x16xf32>
    tpu.vector_store %arg5[%swap3A_212, %swap3A_213], %swap3A_216 {strides = array<i32>} : memref<4x8192xf32, #tpu.memory_space<vmem>>, vector<1x16xf32>,
    %scan3A_217 = arith.constant 0 : i32
    %scan3A_218 = arith.constant 64 : i32
    %scan3A_219 = arith.addi %scan3A_217, %scan3A_218 : i32
    %scan3A_220 = arith.constant 1 : i32
    %scan3A_221 = scf.for %scan3A_508 = %scan3A_217 to %scan3A_219 step %scan3A_220 iter_args(%scan3A_509 = %broadcast_in_dim3A_8) -> (vector<16xf32>)  : i32 {
      %mul3A_510 = arith.constant 128 : i32
      %mul3A_511 = arith.muli %scan3A_508, %mul3A_510 : i32
      %get3A_512 = arith.constant 2 : i32
      %get3A_513 = arith.index_cast %get3A_512 : i32 to index
      %get3A_514 = arith.index_cast %mul3A_511 : i32 to index
      %get3A_515 = tpu.vector_load %arg5[%get3A_513, %get3A_514] {strides = array<i32>} : memref<4x8192xf32, #tpu.memory_space<vmem>>, vector<1x16xf32>,
      %get3A_516 = vector.shape_cast %get3A_515 : vector<1x16xf32> to vector<16xf32>
      %add3A_517 = arith.constant 16 : i32
      %add3A_518 = arith.addi %mul3A_511, %add3A_517 : i32
      %get3A_519 = arith.constant 2 : i32
      %get3A_520 = arith.index_cast %get3A_519 : i32 to index
      %get3A_521 = arith.index_cast %add3A_518 : i32 to index
      %get3A_522 = tpu.vector_load %arg5[%get3A_520, %get3A_521] {strides = array<i32>} : memref<4x8192xf32, #tpu.memory_space<vmem>>, vector<1x16xf32>,
      %get3A_523 = vector.shape_cast %get3A_522 : vector<1x16xf32> to vector<16xf32>
      %max3A = arith.maximumf %get3A_516, %get3A_523 : vector<16xf32>
      %add3A_524 = arith.constant 32 : i32
      %add3A_525 = arith.addi %mul3A_511, %add3A_524 : i32
      %get3A_526 = arith.constant 2 : i32
      %get3A_527 = arith.index_cast %get3A_526 : i32 to index
      %get3A_528 = arith.index_cast %add3A_525 : i32 to index
      %get3A_529 = tpu.vector_load %arg5[%get3A_527, %get3A_528] {strides = array<i32>} : memref<4x8192xf32, #tpu.memory_space<vmem>>, vector<1x16xf32>,
      %get3A_530 = vector.shape_cast %get3A_529 : vector<1x16xf32> to vector<16xf32>
      %add3A_531 = arith.constant 48 : i32
      %add3A_532 = arith.addi %mul3A_511, %add3A_531 : i32
      %get3A_533 = arith.constant 2 : i32
      %get3A_534 = arith.index_cast %get3A_533 : i32 to index
      %get3A_535 = arith.index_cast %add3A_532 : i32 to index
      %get3A_536 = tpu.vector_load %arg5[%get3A_534, %get3A_535] {strides = array<i32>} : memref<4x8192xf32, #tpu.memory_space<vmem>>, vector<1x16xf32>,
      %get3A_537 = vector.shape_cast %get3A_536 : vector<1x16xf32> to vector<16xf32>
      %max3A_538 = arith.maximumf %get3A_530, %get3A_537 : vector<16xf32>
      %add3A_539 = arith.constant 64 : i32
      %add3A_540 = arith.addi %mul3A_511, %add3A_539 : i32
      %get3A_541 = arith.constant 2 : i32
      %get3A_542 = arith.index_cast %get3A_541 : i32 to index
      %get3A_543 = arith.index_cast %add3A_540 : i32 to index
      %get3A_544 = tpu.vector_load %arg5[%get3A_542, %get3A_543] {strides = array<i32>} : memref<4x8192xf32, #tpu.memory_space<vmem>>, vector<1x16xf32>,
      %get3A_545 = vector.shape_cast %get3A_544 : vector<1x16xf32> to vector<16xf32>
      %add3A_546 = arith.constant 80 : i32
      %add3A_547 = arith.addi %mul3A_511, %add3A_546 : i32
      %get3A_548 = arith.constant 2 : i32
      %get3A_549 = arith.index_cast %get3A_548 : i32 to index
      %get3A_550 = arith.index_cast %add3A_547 : i32 to index
      %get3A_551 = tpu.vector_load %arg5[%get3A_549, %get3A_550] {strides = array<i32>} : memref<4x8192xf32, #tpu.memory_space<vmem>>, vector<1x16xf32>,
      %get3A_552 = vector.shape_cast %get3A_551 : vector<1x16xf32> to vector<16xf32>
      %max3A_553 = arith.maximumf %get3A_545, %get3A_552 : vector<16xf32>
      %add3A_554 = arith.constant 96 : i32
      %add3A_555 = arith.addi %mul3A_511, %add3A_554 : i32
      %get3A_556 = arith.constant 2 : i32
      %get3A_557 = arith.index_cast %get3A_556 : i32 to index
      %get3A_558 = arith.index_cast %add3A_555 : i32 to index
      %get3A_559 = tpu.vector_load %arg5[%get3A_557, %get3A_558] {strides = array<i32>} : memref<4x8192xf32, #tpu.memory_space<vmem>>, vector<1x16xf32>,
      %get3A_560 = vector.shape_cast %get3A_559 : vector<1x16xf32> to vector<16xf32>
      %add3A_561 = arith.constant 112 : i32
      %add3A_562 = arith.addi %mul3A_511, %add3A_561 : i32
      %get3A_563 = arith.constant 2 : i32
      %get3A_564 = arith.index_cast %get3A_563 : i32 to index
      %get3A_565 = arith.index_cast %add3A_562 : i32 to index
      %get3A_566 = tpu.vector_load %arg5[%get3A_564, %get3A_565] {strides = array<i32>} : memref<4x8192xf32, #tpu.memory_space<vmem>>, vector<1x16xf32>,
      %get3A_567 = vector.shape_cast %get3A_566 : vector<1x16xf32> to vector<16xf32>
      %max3A_568 = arith.maximumf %get3A_560, %get3A_567 : vector<16xf32>
      %max3A_569 = arith.maximumf %max3A, %max3A_538 : vector<16xf32>
      %max3A_570 = arith.maximumf %max3A_553, %max3A_568 : vector<16xf32>
      %max3A_571 = arith.maximumf %max3A_569, %max3A_570 : vector<16xf32>
      %max3A_572 = arith.maximumf %scan3A_509, %max3A_571 : vector<16xf32>
      scf.yield %max3A_572 : vector<16xf32>
    }
    %scan3A_222 = arith.constant 64 : i32
    %swap3A_223 = arith.constant 6 : i32
    %swap3A_224 = arith.index_cast %swap3A_223 : i32 to index
    %swap3A_225 = arith.constant 0 : index
    %swap3A_226 = tpu.vector_load %arg6[%swap3A_224, %swap3A_225] {strides = array<i32>} : memref<16x16xf32, #tpu.memory_space<vmem>>, vector<1x16xf32>,
    %swap3A_227 = vector.shape_cast %swap3A_226 : vector<1x16xf32> to vector<16xf32>
    %swap3A_228 = vector.shape_cast %scan3A_221 : vector<16xf32> to vector<1x16xf32>
    tpu.vector_store %arg6[%swap3A_224, %swap3A_225], %swap3A_228 {strides = array<i32>} : memref<16x16xf32, #tpu.memory_space<vmem>>, vector<1x16xf32>,
    %get3A_229 = arith.constant 3 : i32
    %get3A_230 = arith.index_cast %get3A_229 : i32 to index
    %get3A_231 = arith.constant 8176 : index
    %get3A_232 = tpu.vector_load %arg5[%get3A_230, %get3A_231] {strides = array<i32>} : memref<4x8192xf32, #tpu.memory_space<vmem>>, vector<1x16xf32>,
    %get3A_233 = vector.shape_cast %get3A_232 : vector<1x16xf32> to vector<16xf32>
    %lt3A_234 = arith.constant 15 : i32
    %lt3A_235 = vector.broadcast %lt3A_234 : i32 to vector<16xi32>
    %lt3A_236 = arith.cmpi slt, %iota3A, %lt3A_235 : vector<16xi32>
    %jit3A_237 = arith.constant 0xFF800000 : f32
    %broadcast_in_dim3A_238 = vector.broadcast %jit3A_237 : f32 to vector<16xf32>
    %select_n3A_239 = arith.select %lt3A_236, %get3A_233, %broadcast_in_dim3A_238 : vector<16xi1>, vector<16xf32>
    %swap3A_240 = arith.constant 3 : i32
    %swap3A_241 = arith.index_cast %swap3A_240 : i32 to index
    %swap3A_242 = arith.constant 8176 : index
    %swap3A_243 = tpu.vector_load %arg5[%swap3A_241, %swap3A_242] {strides = array<i32>} : memref<4x8192xf32, #tpu.memory_space<vmem>>, vector<1x16xf32>,
    %swap3A_244 = vector.shape_cast %swap3A_243 : vector<1x16xf32> to vector<16xf32>
    %swap3A_245 = vector.shape_cast %select_n3A_239 : vector<16xf32> to vector<1x16xf32>
    tpu.vector_store %arg5[%swap3A_241, %swap3A_242], %swap3A_245 {strides = array<i32>} : memref<4x8192xf32, #tpu.memory_space<vmem>>, vector<1x16xf32>,
    %scan3A_246 = arith.constant 0 : i32
    %scan3A_247 = arith.constant 64 : i32
    %scan3A_248 = arith.addi %scan3A_246, %scan3A_247 : i32
    %scan3A_249 = arith.constant 1 : i32
    %scan3A_250 = scf.for %scan3A_508 = %scan3A_246 to %scan3A_248 step %scan3A_249 iter_args(%scan3A_509 = %broadcast_in_dim3A_8) -> (vector<16xf32>)  : i32 {
      %mul3A_510 = arith.constant 128 : i32
      %mul3A_511 = arith.muli %scan3A_508, %mul3A_510 : i32
      %get3A_512 = arith.constant 3 : i32
      %get3A_513 = arith.index_cast %get3A_512 : i32 to index
      %get3A_514 = arith.index_cast %mul3A_511 : i32 to index
      %get3A_515 = tpu.vector_load %arg5[%get3A_513, %get3A_514] {strides = array<i32>} : memref<4x8192xf32, #tpu.memory_space<vmem>>, vector<1x16xf32>,
      %get3A_516 = vector.shape_cast %get3A_515 : vector<1x16xf32> to vector<16xf32>
      %add3A_517 = arith.constant 16 : i32
      %add3A_518 = arith.addi %mul3A_511, %add3A_517 : i32
      %get3A_519 = arith.constant 3 : i32
      %get3A_520 = arith.index_cast %get3A_519 : i32 to index
      %get3A_521 = arith.index_cast %add3A_518 : i32 to index
      %get3A_522 = tpu.vector_load %arg5[%get3A_520, %get3A_521] {strides = array<i32>} : memref<4x8192xf32, #tpu.memory_space<vmem>>, vector<1x16xf32>,
      %get3A_523 = vector.shape_cast %get3A_522 : vector<1x16xf32> to vector<16xf32>
      %max3A = arith.maximumf %get3A_516, %get3A_523 : vector<16xf32>
      %add3A_524 = arith.constant 32 : i32
      %add3A_525 = arith.addi %mul3A_511, %add3A_524 : i32
      %get3A_526 = arith.constant 3 : i32
      %get3A_527 = arith.index_cast %get3A_526 : i32 to index
      %get3A_528 = arith.index_cast %add3A_525 : i32 to index
      %get3A_529 = tpu.vector_load %arg5[%get3A_527, %get3A_528] {strides = array<i32>} : memref<4x8192xf32, #tpu.memory_space<vmem>>, vector<1x16xf32>,
      %get3A_530 = vector.shape_cast %get3A_529 : vector<1x16xf32> to vector<16xf32>
      %add3A_531 = arith.constant 48 : i32
      %add3A_532 = arith.addi %mul3A_511, %add3A_531 : i32
      %get3A_533 = arith.constant 3 : i32
      %get3A_534 = arith.index_cast %get3A_533 : i32 to index
      %get3A_535 = arith.index_cast %add3A_532 : i32 to index
      %get3A_536 = tpu.vector_load %arg5[%get3A_534, %get3A_535] {strides = array<i32>} : memref<4x8192xf32, #tpu.memory_space<vmem>>, vector<1x16xf32>,
      %get3A_537 = vector.shape_cast %get3A_536 : vector<1x16xf32> to vector<16xf32>
      %max3A_538 = arith.maximumf %get3A_530, %get3A_537 : vector<16xf32>
      %add3A_539 = arith.constant 64 : i32
      %add3A_540 = arith.addi %mul3A_511, %add3A_539 : i32
      %get3A_541 = arith.constant 3 : i32
      %get3A_542 = arith.index_cast %get3A_541 : i32 to index
      %get3A_543 = arith.index_cast %add3A_540 : i32 to index
      %get3A_544 = tpu.vector_load %arg5[%get3A_542, %get3A_543] {strides = array<i32>} : memref<4x8192xf32, #tpu.memory_space<vmem>>, vector<1x16xf32>,
      %get3A_545 = vector.shape_cast %get3A_544 : vector<1x16xf32> to vector<16xf32>
      %add3A_546 = arith.constant 80 : i32
      %add3A_547 = arith.addi %mul3A_511, %add3A_546 : i32
      %get3A_548 = arith.constant 3 : i32
      %get3A_549 = arith.index_cast %get3A_548 : i32 to index
      %get3A_550 = arith.index_cast %add3A_547 : i32 to index
      %get3A_551 = tpu.vector_load %arg5[%get3A_549, %get3A_550] {strides = array<i32>} : memref<4x8192xf32, #tpu.memory_space<vmem>>, vector<1x16xf32>,
      %get3A_552 = vector.shape_cast %get3A_551 : vector<1x16xf32> to vector<16xf32>
      %max3A_553 = arith.maximumf %get3A_545, %get3A_552 : vector<16xf32>
      %add3A_554 = arith.constant 96 : i32
      %add3A_555 = arith.addi %mul3A_511, %add3A_554 : i32
      %get3A_556 = arith.constant 3 : i32
      %get3A_557 = arith.index_cast %get3A_556 : i32 to index
      %get3A_558 = arith.index_cast %add3A_555 : i32 to index
      %get3A_559 = tpu.vector_load %arg5[%get3A_557, %get3A_558] {strides = array<i32>} : memref<4x8192xf32, #tpu.memory_space<vmem>>, vector<1x16xf32>,
      %get3A_560 = vector.shape_cast %get3A_559 : vector<1x16xf32> to vector<16xf32>
      %add3A_561 = arith.constant 112 : i32
      %add3A_562 = arith.addi %mul3A_511, %add3A_561 : i32
      %get3A_563 = arith.constant 3 : i32
      %get3A_564 = arith.index_cast %get3A_563 : i32 to index
      %get3A_565 = arith.index_cast %add3A_562 : i32 to index
      %get3A_566 = tpu.vector_load %arg5[%get3A_564, %get3A_565] {strides = array<i32>} : memref<4x8192xf32, #tpu.memory_space<vmem>>, vector<1x16xf32>,
      %get3A_567 = vector.shape_cast %get3A_566 : vector<1x16xf32> to vector<16xf32>
      %max3A_568 = arith.maximumf %get3A_560, %get3A_567 : vector<16xf32>
      %max3A_569 = arith.maximumf %max3A, %max3A_538 : vector<16xf32>
      %max3A_570 = arith.maximumf %max3A_553, %max3A_568 : vector<16xf32>
      %max3A_571 = arith.maximumf %max3A_569, %max3A_570 : vector<16xf32>
      %max3A_572 = arith.maximumf %scan3A_509, %max3A_571 : vector<16xf32>
      scf.yield %max3A_572 : vector<16xf32>
    }
    %scan3A_251 = arith.constant 64 : i32
    %swap3A_252 = arith.constant 7 : i32
    %swap3A_253 = arith.index_cast %swap3A_252 : i32 to index
    %swap3A_254 = arith.constant 0 : index
    %swap3A_255 = tpu.vector_load %arg6[%swap3A_253, %swap3A_254] {strides = array<i32>} : memref<16x16xf32, #tpu.memory_space<vmem>>, vector<1x16xf32>,
    %swap3A_256 = vector.shape_cast %swap3A_255 : vector<1x16xf32> to vector<16xf32>
    %swap3A_257 = vector.shape_cast %scan3A_250 : vector<16xf32> to vector<1x16xf32>
    tpu.vector_store %arg6[%swap3A_253, %swap3A_254], %swap3A_257 {strides = array<i32>} : memref<16x16xf32, #tpu.memory_space<vmem>>, vector<1x16xf32>,
    %add3A_258 = arith.constant 12 : i32
    %add3A_259 = arith.addi %mul3A_2, %add3A_258 : i32
    %dma_start3A_260 = arith.constant 0 : i32
    %dma_start3A_261 = tpu.memref_slice %arg2[%add3A_259, %dma_start3A_260] : memref<2048x8192xf32, #tpu.memory_space<hbm>> -> memref<4x8192xf32, #tpu.memory_space<hbm>>
    %dma_start3A_262 = arith.constant 0 : i32
    %dma_start3A_263 = tpu.memref_slice %arg2[%add3A_259, %dma_start3A_262] : memref<2048x8192xf32, #tpu.memory_space<hbm>> -> memref<4x8192xf32, #tpu.memory_space<hbm>>
    tpu.enqueue_dma source(%dma_start3A_263 : memref<4x8192xf32, #tpu.memory_space<hbm>>) target(%arg5 : memref<4x8192xf32, #tpu.memory_space<vmem>>) target_semaphore(%arg8 : memref<!tpu.dma_semaphore, #tpu.memory_space<semaphore_mem>>)
    %add3A_264 = arith.constant 8 : i32
    %add3A_265 = arith.addi %mul3A_2, %add3A_264 : i32
    %dma_wait3A_266 = arith.constant 0 : i32
    %dma_wait3A_267 = tpu.memref_slice %arg2[%add3A_265, %dma_wait3A_266] : memref<2048x8192xf32, #tpu.memory_space<hbm>> -> memref<4x8192xf32, #tpu.memory_space<hbm>>
    %dma_wait3A_268 = arith.constant 0 : i32
    %dma_wait3A_269 = tpu.memref_slice %arg2[%add3A_265, %dma_wait3A_268] : memref<2048x8192xf32, #tpu.memory_space<hbm>> -> memref<4x8192xf32, #tpu.memory_space<hbm>>
    tpu.wait_dma2 semaphore(%arg7 : memref<!tpu.dma_semaphore, #tpu.memory_space<semaphore_mem>>) src(%dma_wait3A_269 : memref<4x8192xf32, #tpu.memory_space<hbm>>) dst(%arg4 : memref<4x8192xf32, #tpu.memory_space<vmem>>)
    %get3A_270 = arith.constant 0 : i32
    %get3A_271 = arith.index_cast %get3A_270 : i32 to index
    %get3A_272 = arith.constant 8176 : index
    %get3A_273 = tpu.vector_load %arg4[%get3A_271, %get3A_272] {strides = array<i32>} : memref<4x8192xf32, #tpu.memory_space<vmem>>, vector<1x16xf32>,
    %get3A_274 = vector.shape_cast %get3A_273 : vector<1x16xf32> to vector<16xf32>
    %lt3A_275 = arith.constant 15 : i32
    %lt3A_276 = vector.broadcast %lt3A_275 : i32 to vector<16xi32>
    %lt3A_277 = arith.cmpi slt, %iota3A, %lt3A_276 : vector<16xi32>
    %jit3A_278 = arith.constant 0xFF800000 : f32
    %broadcast_in_dim3A_279 = vector.broadcast %jit3A_278 : f32 to vector<16xf32>
    %select_n3A_280 = arith.select %lt3A_277, %get3A_274, %broadcast_in_dim3A_279 : vector<16xi1>, vector<16xf32>
    %swap3A_281 = arith.constant 0 : i32
    %swap3A_282 = arith.index_cast %swap3A_281 : i32 to index
    %swap3A_283 = arith.constant 8176 : index
    %swap3A_284 = tpu.vector_load %arg4[%swap3A_282, %swap3A_283] {strides = array<i32>} : memref<4x8192xf32, #tpu.memory_space<vmem>>, vector<1x16xf32>,
    %swap3A_285 = vector.shape_cast %swap3A_284 : vector<1x16xf32> to vector<16xf32>
    %swap3A_286 = vector.shape_cast %select_n3A_280 : vector<16xf32> to vector<1x16xf32>
    tpu.vector_store %arg4[%swap3A_282, %swap3A_283], %swap3A_286 {strides = array<i32>} : memref<4x8192xf32, #tpu.memory_space<vmem>>, vector<1x16xf32>,
    %scan3A_287 = arith.constant 0 : i32
    %scan3A_288 = arith.constant 64 : i32
    %scan3A_289 = arith.addi %scan3A_287, %scan3A_288 : i32
    %scan3A_290 = arith.constant 1 : i32
    %scan3A_291 = scf.for %scan3A_508 = %scan3A_287 to %scan3A_289 step %scan3A_290 iter_args(%scan3A_509 = %broadcast_in_dim3A_8) -> (vector<16xf32>)  : i32 {
      %mul3A_510 = arith.constant 128 : i32
      %mul3A_511 = arith.muli %scan3A_508, %mul3A_510 : i32
      %get3A_512 = arith.constant 0 : i32
      %get3A_513 = arith.index_cast %get3A_512 : i32 to index
      %get3A_514 = arith.index_cast %mul3A_511 : i32 to index
      %get3A_515 = tpu.vector_load %arg4[%get3A_513, %get3A_514] {strides = array<i32>} : memref<4x8192xf32, #tpu.memory_space<vmem>>, vector<1x16xf32>,
      %get3A_516 = vector.shape_cast %get3A_515 : vector<1x16xf32> to vector<16xf32>
      %add3A_517 = arith.constant 16 : i32
      %add3A_518 = arith.addi %mul3A_511, %add3A_517 : i32
      %get3A_519 = arith.constant 0 : i32
      %get3A_520 = arith.index_cast %get3A_519 : i32 to index
      %get3A_521 = arith.index_cast %add3A_518 : i32 to index
      %get3A_522 = tpu.vector_load %arg4[%get3A_520, %get3A_521] {strides = array<i32>} : memref<4x8192xf32, #tpu.memory_space<vmem>>, vector<1x16xf32>,
      %get3A_523 = vector.shape_cast %get3A_522 : vector<1x16xf32> to vector<16xf32>
      %max3A = arith.maximumf %get3A_516, %get3A_523 : vector<16xf32>
      %add3A_524 = arith.constant 32 : i32
      %add3A_525 = arith.addi %mul3A_511, %add3A_524 : i32
      %get3A_526 = arith.constant 0 : i32
      %get3A_527 = arith.index_cast %get3A_526 : i32 to index
      %get3A_528 = arith.index_cast %add3A_525 : i32 to index
      %get3A_529 = tpu.vector_load %arg4[%get3A_527, %get3A_528] {strides = array<i32>} : memref<4x8192xf32, #tpu.memory_space<vmem>>, vector<1x16xf32>,
      %get3A_530 = vector.shape_cast %get3A_529 : vector<1x16xf32> to vector<16xf32>
      %add3A_531 = arith.constant 48 : i32
      %add3A_532 = arith.addi %mul3A_511, %add3A_531 : i32
      %get3A_533 = arith.constant 0 : i32
      %get3A_534 = arith.index_cast %get3A_533 : i32 to index
      %get3A_535 = arith.index_cast %add3A_532 : i32 to index
      %get3A_536 = tpu.vector_load %arg4[%get3A_534, %get3A_535] {strides = array<i32>} : memref<4x8192xf32, #tpu.memory_space<vmem>>, vector<1x16xf32>,
      %get3A_537 = vector.shape_cast %get3A_536 : vector<1x16xf32> to vector<16xf32>
      %max3A_538 = arith.maximumf %get3A_530, %get3A_537 : vector<16xf32>
      %add3A_539 = arith.constant 64 : i32
      %add3A_540 = arith.addi %mul3A_511, %add3A_539 : i32
      %get3A_541 = arith.constant 0 : i32
      %get3A_542 = arith.index_cast %get3A_541 : i32 to index
      %get3A_543 = arith.index_cast %add3A_540 : i32 to index
      %get3A_544 = tpu.vector_load %arg4[%get3A_542, %get3A_543] {strides = array<i32>} : memref<4x8192xf32, #tpu.memory_space<vmem>>, vector<1x16xf32>,
      %get3A_545 = vector.shape_cast %get3A_544 : vector<1x16xf32> to vector<16xf32>
      %add3A_546 = arith.constant 80 : i32
      %add3A_547 = arith.addi %mul3A_511, %add3A_546 : i32
      %get3A_548 = arith.constant 0 : i32
      %get3A_549 = arith.index_cast %get3A_548 : i32 to index
      %get3A_550 = arith.index_cast %add3A_547 : i32 to index
      %get3A_551 = tpu.vector_load %arg4[%get3A_549, %get3A_550] {strides = array<i32>} : memref<4x8192xf32, #tpu.memory_space<vmem>>, vector<1x16xf32>,
      %get3A_552 = vector.shape_cast %get3A_551 : vector<1x16xf32> to vector<16xf32>
      %max3A_553 = arith.maximumf %get3A_545, %get3A_552 : vector<16xf32>
      %add3A_554 = arith.constant 96 : i32
      %add3A_555 = arith.addi %mul3A_511, %add3A_554 : i32
      %get3A_556 = arith.constant 0 : i32
      %get3A_557 = arith.index_cast %get3A_556 : i32 to index
      %get3A_558 = arith.index_cast %add3A_555 : i32 to index
      %get3A_559 = tpu.vector_load %arg4[%get3A_557, %get3A_558] {strides = array<i32>} : memref<4x8192xf32, #tpu.memory_space<vmem>>, vector<1x16xf32>,
      %get3A_560 = vector.shape_cast %get3A_559 : vector<1x16xf32> to vector<16xf32>
      %add3A_561 = arith.constant 112 : i32
      %add3A_562 = arith.addi %mul3A_511, %add3A_561 : i32
      %get3A_563 = arith.constant 0 : i32
      %get3A_564 = arith.index_cast %get3A_563 : i32 to index
      %get3A_565 = arith.index_cast %add3A_562 : i32 to index
      %get3A_566 = tpu.vector_load %arg4[%get3A_564, %get3A_565] {strides = array<i32>} : memref<4x8192xf32, #tpu.memory_space<vmem>>, vector<1x16xf32>,
      %get3A_567 = vector.shape_cast %get3A_566 : vector<1x16xf32> to vector<16xf32>
      %max3A_568 = arith.maximumf %get3A_560, %get3A_567 : vector<16xf32>
      %max3A_569 = arith.maximumf %max3A, %max3A_538 : vector<16xf32>
      %max3A_570 = arith.maximumf %max3A_553, %max3A_568 : vector<16xf32>
      %max3A_571 = arith.maximumf %max3A_569, %max3A_570 : vector<16xf32>
      %max3A_572 = arith.maximumf %scan3A_509, %max3A_571 : vector<16xf32>
      scf.yield %max3A_572 : vector<16xf32>
    }
    %scan3A_292 = arith.constant 64 : i32
    %swap3A_293 = arith.constant 8 : i32
    %swap3A_294 = arith.index_cast %swap3A_293 : i32 to index
    %swap3A_295 = arith.constant 0 : index
    %swap3A_296 = tpu.vector_load %arg6[%swap3A_294, %swap3A_295] {strides = array<i32>} : memref<16x16xf32, #tpu.memory_space<vmem>>, vector<1x16xf32>,
    %swap3A_297 = vector.shape_cast %swap3A_296 : vector<1x16xf32> to vector<16xf32>
    %swap3A_298 = vector.shape_cast %scan3A_291 : vector<16xf32> to vector<1x16xf32>
    tpu.vector_store %arg6[%swap3A_294, %swap3A_295], %swap3A_298 {strides = array<i32>} : memref<16x16xf32, #tpu.memory_space<vmem>>, vector<1x16xf32>,
    %get3A_299 = arith.constant 1 : i32
    %get3A_300 = arith.index_cast %get3A_299 : i32 to index
    %get3A_301 = arith.constant 8176 : index
    %get3A_302 = tpu.vector_load %arg4[%get3A_300, %get3A_301] {strides = array<i32>} : memref<4x8192xf32, #tpu.memory_space<vmem>>, vector<1x16xf32>,
    %get3A_303 = vector.shape_cast %get3A_302 : vector<1x16xf32> to vector<16xf32>
    %lt3A_304 = arith.constant 15 : i32
    %lt3A_305 = vector.broadcast %lt3A_304 : i32 to vector<16xi32>
    %lt3A_306 = arith.cmpi slt, %iota3A, %lt3A_305 : vector<16xi32>
    %jit3A_307 = arith.constant 0xFF800000 : f32
    %broadcast_in_dim3A_308 = vector.broadcast %jit3A_307 : f32 to vector<16xf32>
    %select_n3A_309 = arith.select %lt3A_306, %get3A_303, %broadcast_in_dim3A_308 : vector<16xi1>, vector<16xf32>
    %swap3A_310 = arith.constant 1 : i32
    %swap3A_311 = arith.index_cast %swap3A_310 : i32 to index
    %swap3A_312 = arith.constant 8176 : index
    %swap3A_313 = tpu.vector_load %arg4[%swap3A_311, %swap3A_312] {strides = array<i32>} : memref<4x8192xf32, #tpu.memory_space<vmem>>, vector<1x16xf32>,
    %swap3A_314 = vector.shape_cast %swap3A_313 : vector<1x16xf32> to vector<16xf32>
    %swap3A_315 = vector.shape_cast %select_n3A_309 : vector<16xf32> to vector<1x16xf32>
    tpu.vector_store %arg4[%swap3A_311, %swap3A_312], %swap3A_315 {strides = array<i32>} : memref<4x8192xf32, #tpu.memory_space<vmem>>, vector<1x16xf32>,
    %scan3A_316 = arith.constant 0 : i32
    %scan3A_317 = arith.constant 64 : i32
    %scan3A_318 = arith.addi %scan3A_316, %scan3A_317 : i32
    %scan3A_319 = arith.constant 1 : i32
    %scan3A_320 = scf.for %scan3A_508 = %scan3A_316 to %scan3A_318 step %scan3A_319 iter_args(%scan3A_509 = %broadcast_in_dim3A_8) -> (vector<16xf32>)  : i32 {
      %mul3A_510 = arith.constant 128 : i32
      %mul3A_511 = arith.muli %scan3A_508, %mul3A_510 : i32
      %get3A_512 = arith.constant 1 : i32
      %get3A_513 = arith.index_cast %get3A_512 : i32 to index
      %get3A_514 = arith.index_cast %mul3A_511 : i32 to index
      %get3A_515 = tpu.vector_load %arg4[%get3A_513, %get3A_514] {strides = array<i32>} : memref<4x8192xf32, #tpu.memory_space<vmem>>, vector<1x16xf32>,
      %get3A_516 = vector.shape_cast %get3A_515 : vector<1x16xf32> to vector<16xf32>
      %add3A_517 = arith.constant 16 : i32
      %add3A_518 = arith.addi %mul3A_511, %add3A_517 : i32
      %get3A_519 = arith.constant 1 : i32
      %get3A_520 = arith.index_cast %get3A_519 : i32 to index
      %get3A_521 = arith.index_cast %add3A_518 : i32 to index
      %get3A_522 = tpu.vector_load %arg4[%get3A_520, %get3A_521] {strides = array<i32>} : memref<4x8192xf32, #tpu.memory_space<vmem>>, vector<1x16xf32>,
      %get3A_523 = vector.shape_cast %get3A_522 : vector<1x16xf32> to vector<16xf32>
      %max3A = arith.maximumf %get3A_516, %get3A_523 : vector<16xf32>
      %add3A_524 = arith.constant 32 : i32
      %add3A_525 = arith.addi %mul3A_511, %add3A_524 : i32
      %get3A_526 = arith.constant 1 : i32
      %get3A_527 = arith.index_cast %get3A_526 : i32 to index
      %get3A_528 = arith.index_cast %add3A_525 : i32 to index
      %get3A_529 = tpu.vector_load %arg4[%get3A_527, %get3A_528] {strides = array<i32>} : memref<4x8192xf32, #tpu.memory_space<vmem>>, vector<1x16xf32>,
      %get3A_530 = vector.shape_cast %get3A_529 : vector<1x16xf32> to vector<16xf32>
      %add3A_531 = arith.constant 48 : i32
      %add3A_532 = arith.addi %mul3A_511, %add3A_531 : i32
      %get3A_533 = arith.constant 1 : i32
      %get3A_534 = arith.index_cast %get3A_533 : i32 to index
      %get3A_535 = arith.index_cast %add3A_532 : i32 to index
      %get3A_536 = tpu.vector_load %arg4[%get3A_534, %get3A_535] {strides = array<i32>} : memref<4x8192xf32, #tpu.memory_space<vmem>>, vector<1x16xf32>,
      %get3A_537 = vector.shape_cast %get3A_536 : vector<1x16xf32> to vector<16xf32>
      %max3A_538 = arith.maximumf %get3A_530, %get3A_537 : vector<16xf32>
      %add3A_539 = arith.constant 64 : i32
      %add3A_540 = arith.addi %mul3A_511, %add3A_539 : i32
      %get3A_541 = arith.constant 1 : i32
      %get3A_542 = arith.index_cast %get3A_541 : i32 to index
      %get3A_543 = arith.index_cast %add3A_540 : i32 to index
      %get3A_544 = tpu.vector_load %arg4[%get3A_542, %get3A_543] {strides = array<i32>} : memref<4x8192xf32, #tpu.memory_space<vmem>>, vector<1x16xf32>,
      %get3A_545 = vector.shape_cast %get3A_544 : vector<1x16xf32> to vector<16xf32>
      %add3A_546 = arith.constant 80 : i32
      %add3A_547 = arith.addi %mul3A_511, %add3A_546 : i32
      %get3A_548 = arith.constant 1 : i32
      %get3A_549 = arith.index_cast %get3A_548 : i32 to index
      %get3A_550 = arith.index_cast %add3A_547 : i32 to index
      %get3A_551 = tpu.vector_load %arg4[%get3A_549, %get3A_550] {strides = array<i32>} : memref<4x8192xf32, #tpu.memory_space<vmem>>, vector<1x16xf32>,
      %get3A_552 = vector.shape_cast %get3A_551 : vector<1x16xf32> to vector<16xf32>
      %max3A_553 = arith.maximumf %get3A_545, %get3A_552 : vector<16xf32>
      %add3A_554 = arith.constant 96 : i32
      %add3A_555 = arith.addi %mul3A_511, %add3A_554 : i32
      %get3A_556 = arith.constant 1 : i32
      %get3A_557 = arith.index_cast %get3A_556 : i32 to index
      %get3A_558 = arith.index_cast %add3A_555 : i32 to index
      %get3A_559 = tpu.vector_load %arg4[%get3A_557, %get3A_558] {strides = array<i32>} : memref<4x8192xf32, #tpu.memory_space<vmem>>, vector<1x16xf32>,
      %get3A_560 = vector.shape_cast %get3A_559 : vector<1x16xf32> to vector<16xf32>
      %add3A_561 = arith.constant 112 : i32
      %add3A_562 = arith.addi %mul3A_511, %add3A_561 : i32
      %get3A_563 = arith.constant 1 : i32
      %get3A_564 = arith.index_cast %get3A_563 : i32 to index
      %get3A_565 = arith.index_cast %add3A_562 : i32 to index
      %get3A_566 = tpu.vector_load %arg4[%get3A_564, %get3A_565] {strides = array<i32>} : memref<4x8192xf32, #tpu.memory_space<vmem>>, vector<1x16xf32>,
      %get3A_567 = vector.shape_cast %get3A_566 : vector<1x16xf32> to vector<16xf32>
      %max3A_568 = arith.maximumf %get3A_560, %get3A_567 : vector<16xf32>
      %max3A_569 = arith.maximumf %max3A, %max3A_538 : vector<16xf32>
      %max3A_570 = arith.maximumf %max3A_553, %max3A_568 : vector<16xf32>
      %max3A_571 = arith.maximumf %max3A_569, %max3A_570 : vector<16xf32>
      %max3A_572 = arith.maximumf %scan3A_509, %max3A_571 : vector<16xf32>
      scf.yield %max3A_572 : vector<16xf32>
    }
    %scan3A_321 = arith.constant 64 : i32
    %swap3A_322 = arith.constant 9 : i32
    %swap3A_323 = arith.index_cast %swap3A_322 : i32 to index
    %swap3A_324 = arith.constant 0 : index
    %swap3A_325 = tpu.vector_load %arg6[%swap3A_323, %swap3A_324] {strides = array<i32>} : memref<16x16xf32, #tpu.memory_space<vmem>>, vector<1x16xf32>,
    %swap3A_326 = vector.shape_cast %swap3A_325 : vector<1x16xf32> to vector<16xf32>
    %swap3A_327 = vector.shape_cast %scan3A_320 : vector<16xf32> to vector<1x16xf32>
    tpu.vector_store %arg6[%swap3A_323, %swap3A_324], %swap3A_327 {strides = array<i32>} : memref<16x16xf32, #tpu.memory_space<vmem>>, vector<1x16xf32>,
    %get3A_328 = arith.constant 2 : i32
    %get3A_329 = arith.index_cast %get3A_328 : i32 to index
    %get3A_330 = arith.constant 8176 : index
    %get3A_331 = tpu.vector_load %arg4[%get3A_329, %get3A_330] {strides = array<i32>} : memref<4x8192xf32, #tpu.memory_space<vmem>>, vector<1x16xf32>,
    %get3A_332 = vector.shape_cast %get3A_331 : vector<1x16xf32> to vector<16xf32>
    %lt3A_333 = arith.constant 15 : i32
    %lt3A_334 = vector.broadcast %lt3A_333 : i32 to vector<16xi32>
    %lt3A_335 = arith.cmpi slt, %iota3A, %lt3A_334 : vector<16xi32>
    %jit3A_336 = arith.constant 0xFF800000 : f32
    %broadcast_in_dim3A_337 = vector.broadcast %jit3A_336 : f32 to vector<16xf32>
    %select_n3A_338 = arith.select %lt3A_335, %get3A_332, %broadcast_in_dim3A_337 : vector<16xi1>, vector<16xf32>
    %swap3A_339 = arith.constant 2 : i32
    %swap3A_340 = arith.index_cast %swap3A_339 : i32 to index
    %swap3A_341 = arith.constant 8176 : index
    %swap3A_342 = tpu.vector_load %arg4[%swap3A_340, %swap3A_341] {strides = array<i32>} : memref<4x8192xf32, #tpu.memory_space<vmem>>, vector<1x16xf32>,
    %swap3A_343 = vector.shape_cast %swap3A_342 : vector<1x16xf32> to vector<16xf32>
    %swap3A_344 = vector.shape_cast %select_n3A_338 : vector<16xf32> to vector<1x16xf32>
    tpu.vector_store %arg4[%swap3A_340, %swap3A_341], %swap3A_344 {strides = array<i32>} : memref<4x8192xf32, #tpu.memory_space<vmem>>, vector<1x16xf32>,
    %scan3A_345 = arith.constant 0 : i32
    %scan3A_346 = arith.constant 64 : i32
    %scan3A_347 = arith.addi %scan3A_345, %scan3A_346 : i32
    %scan3A_348 = arith.constant 1 : i32
    %scan3A_349 = scf.for %scan3A_508 = %scan3A_345 to %scan3A_347 step %scan3A_348 iter_args(%scan3A_509 = %broadcast_in_dim3A_8) -> (vector<16xf32>)  : i32 {
      %mul3A_510 = arith.constant 128 : i32
      %mul3A_511 = arith.muli %scan3A_508, %mul3A_510 : i32
      %get3A_512 = arith.constant 2 : i32
      %get3A_513 = arith.index_cast %get3A_512 : i32 to index
      %get3A_514 = arith.index_cast %mul3A_511 : i32 to index
      %get3A_515 = tpu.vector_load %arg4[%get3A_513, %get3A_514] {strides = array<i32>} : memref<4x8192xf32, #tpu.memory_space<vmem>>, vector<1x16xf32>,
      %get3A_516 = vector.shape_cast %get3A_515 : vector<1x16xf32> to vector<16xf32>
      %add3A_517 = arith.constant 16 : i32
      %add3A_518 = arith.addi %mul3A_511, %add3A_517 : i32
      %get3A_519 = arith.constant 2 : i32
      %get3A_520 = arith.index_cast %get3A_519 : i32 to index
      %get3A_521 = arith.index_cast %add3A_518 : i32 to index
      %get3A_522 = tpu.vector_load %arg4[%get3A_520, %get3A_521] {strides = array<i32>} : memref<4x8192xf32, #tpu.memory_space<vmem>>, vector<1x16xf32>,
      %get3A_523 = vector.shape_cast %get3A_522 : vector<1x16xf32> to vector<16xf32>
      %max3A = arith.maximumf %get3A_516, %get3A_523 : vector<16xf32>
      %add3A_524 = arith.constant 32 : i32
      %add3A_525 = arith.addi %mul3A_511, %add3A_524 : i32
      %get3A_526 = arith.constant 2 : i32
      %get3A_527 = arith.index_cast %get3A_526 : i32 to index
      %get3A_528 = arith.index_cast %add3A_525 : i32 to index
      %get3A_529 = tpu.vector_load %arg4[%get3A_527, %get3A_528] {strides = array<i32>} : memref<4x8192xf32, #tpu.memory_space<vmem>>, vector<1x16xf32>,
      %get3A_530 = vector.shape_cast %get3A_529 : vector<1x16xf32> to vector<16xf32>
      %add3A_531 = arith.constant 48 : i32
      %add3A_532 = arith.addi %mul3A_511, %add3A_531 : i32
      %get3A_533 = arith.constant 2 : i32
      %get3A_534 = arith.index_cast %get3A_533 : i32 to index
      %get3A_535 = arith.index_cast %add3A_532 : i32 to index
      %get3A_536 = tpu.vector_load %arg4[%get3A_534, %get3A_535] {strides = array<i32>} : memref<4x8192xf32, #tpu.memory_space<vmem>>, vector<1x16xf32>,
      %get3A_537 = vector.shape_cast %get3A_536 : vector<1x16xf32> to vector<16xf32>
      %max3A_538 = arith.maximumf %get3A_530, %get3A_537 : vector<16xf32>
      %add3A_539 = arith.constant 64 : i32
      %add3A_540 = arith.addi %mul3A_511, %add3A_539 : i32
      %get3A_541 = arith.constant 2 : i32
      %get3A_542 = arith.index_cast %get3A_541 : i32 to index
      %get3A_543 = arith.index_cast %add3A_540 : i32 to index
      %get3A_544 = tpu.vector_load %arg4[%get3A_542, %get3A_543] {strides = array<i32>} : memref<4x8192xf32, #tpu.memory_space<vmem>>, vector<1x16xf32>,
      %get3A_545 = vector.shape_cast %get3A_544 : vector<1x16xf32> to vector<16xf32>
      %add3A_546 = arith.constant 80 : i32
      %add3A_547 = arith.addi %mul3A_511, %add3A_546 : i32
      %get3A_548 = arith.constant 2 : i32
      %get3A_549 = arith.index_cast %get3A_548 : i32 to index
      %get3A_550 = arith.index_cast %add3A_547 : i32 to index
      %get3A_551 = tpu.vector_load %arg4[%get3A_549, %get3A_550] {strides = array<i32>} : memref<4x8192xf32, #tpu.memory_space<vmem>>, vector<1x16xf32>,
      %get3A_552 = vector.shape_cast %get3A_551 : vector<1x16xf32> to vector<16xf32>
      %max3A_553 = arith.maximumf %get3A_545, %get3A_552 : vector<16xf32>
      %add3A_554 = arith.constant 96 : i32
      %add3A_555 = arith.addi %mul3A_511, %add3A_554 : i32
      %get3A_556 = arith.constant 2 : i32
      %get3A_557 = arith.index_cast %get3A_556 : i32 to index
      %get3A_558 = arith.index_cast %add3A_555 : i32 to index
      %get3A_559 = tpu.vector_load %arg4[%get3A_557, %get3A_558] {strides = array<i32>} : memref<4x8192xf32, #tpu.memory_space<vmem>>, vector<1x16xf32>,
      %get3A_560 = vector.shape_cast %get3A_559 : vector<1x16xf32> to vector<16xf32>
      %add3A_561 = arith.constant 112 : i32
      %add3A_562 = arith.addi %mul3A_511, %add3A_561 : i32
      %get3A_563 = arith.constant 2 : i32
      %get3A_564 = arith.index_cast %get3A_563 : i32 to index
      %get3A_565 = arith.index_cast %add3A_562 : i32 to index
      %get3A_566 = tpu.vector_load %arg4[%get3A_564, %get3A_565] {strides = array<i32>} : memref<4x8192xf32, #tpu.memory_space<vmem>>, vector<1x16xf32>,
      %get3A_567 = vector.shape_cast %get3A_566 : vector<1x16xf32> to vector<16xf32>
      %max3A_568 = arith.maximumf %get3A_560, %get3A_567 : vector<16xf32>
      %max3A_569 = arith.maximumf %max3A, %max3A_538 : vector<16xf32>
      %max3A_570 = arith.maximumf %max3A_553, %max3A_568 : vector<16xf32>
      %max3A_571 = arith.maximumf %max3A_569, %max3A_570 : vector<16xf32>
      %max3A_572 = arith.maximumf %scan3A_509, %max3A_571 : vector<16xf32>
      scf.yield %max3A_572 : vector<16xf32>
    }
    %scan3A_350 = arith.constant 64 : i32
    %swap3A_351 = arith.constant 10 : i32
    %swap3A_352 = arith.index_cast %swap3A_351 : i32 to index
    %swap3A_353 = arith.constant 0 : index
    %swap3A_354 = tpu.vector_load %arg6[%swap3A_352, %swap3A_353] {strides = array<i32>} : memref<16x16xf32, #tpu.memory_space<vmem>>, vector<1x16xf32>,
    %swap3A_355 = vector.shape_cast %swap3A_354 : vector<1x16xf32> to vector<16xf32>
    %swap3A_356 = vector.shape_cast %scan3A_349 : vector<16xf32> to vector<1x16xf32>
    tpu.vector_store %arg6[%swap3A_352, %swap3A_353], %swap3A_356 {strides = array<i32>} : memref<16x16xf32, #tpu.memory_space<vmem>>, vector<1x16xf32>,
    %get3A_357 = arith.constant 3 : i32
    %get3A_358 = arith.index_cast %get3A_357 : i32 to index
    %get3A_359 = arith.constant 8176 : index
    %get3A_360 = tpu.vector_load %arg4[%get3A_358, %get3A_359] {strides = array<i32>} : memref<4x8192xf32, #tpu.memory_space<vmem>>, vector<1x16xf32>,
    %get3A_361 = vector.shape_cast %get3A_360 : vector<1x16xf32> to vector<16xf32>
    %lt3A_362 = arith.constant 15 : i32
    %lt3A_363 = vector.broadcast %lt3A_362 : i32 to vector<16xi32>
    %lt3A_364 = arith.cmpi slt, %iota3A, %lt3A_363 : vector<16xi32>
    %jit3A_365 = arith.constant 0xFF800000 : f32
    %broadcast_in_dim3A_366 = vector.broadcast %jit3A_365 : f32 to vector<16xf32>
    %select_n3A_367 = arith.select %lt3A_364, %get3A_361, %broadcast_in_dim3A_366 : vector<16xi1>, vector<16xf32>
    %swap3A_368 = arith.constant 3 : i32
    %swap3A_369 = arith.index_cast %swap3A_368 : i32 to index
    %swap3A_370 = arith.constant 8176 : index
    %swap3A_371 = tpu.vector_load %arg4[%swap3A_369, %swap3A_370] {strides = array<i32>} : memref<4x8192xf32, #tpu.memory_space<vmem>>, vector<1x16xf32>,
    %swap3A_372 = vector.shape_cast %swap3A_371 : vector<1x16xf32> to vector<16xf32>
    %swap3A_373 = vector.shape_cast %select_n3A_367 : vector<16xf32> to vector<1x16xf32>
    tpu.vector_store %arg4[%swap3A_369, %swap3A_370], %swap3A_373 {strides = array<i32>} : memref<4x8192xf32, #tpu.memory_space<vmem>>, vector<1x16xf32>,
    %scan3A_374 = arith.constant 0 : i32
    %scan3A_375 = arith.constant 64 : i32
    %scan3A_376 = arith.addi %scan3A_374, %scan3A_375 : i32
    %scan3A_377 = arith.constant 1 : i32
    %scan3A_378 = scf.for %scan3A_508 = %scan3A_374 to %scan3A_376 step %scan3A_377 iter_args(%scan3A_509 = %broadcast_in_dim3A_8) -> (vector<16xf32>)  : i32 {
      %mul3A_510 = arith.constant 128 : i32
      %mul3A_511 = arith.muli %scan3A_508, %mul3A_510 : i32
      %get3A_512 = arith.constant 3 : i32
      %get3A_513 = arith.index_cast %get3A_512 : i32 to index
      %get3A_514 = arith.index_cast %mul3A_511 : i32 to index
      %get3A_515 = tpu.vector_load %arg4[%get3A_513, %get3A_514] {strides = array<i32>} : memref<4x8192xf32, #tpu.memory_space<vmem>>, vector<1x16xf32>,
      %get3A_516 = vector.shape_cast %get3A_515 : vector<1x16xf32> to vector<16xf32>
      %add3A_517 = arith.constant 16 : i32
      %add3A_518 = arith.addi %mul3A_511, %add3A_517 : i32
      %get3A_519 = arith.constant 3 : i32
      %get3A_520 = arith.index_cast %get3A_519 : i32 to index
      %get3A_521 = arith.index_cast %add3A_518 : i32 to index
      %get3A_522 = tpu.vector_load %arg4[%get3A_520, %get3A_521] {strides = array<i32>} : memref<4x8192xf32, #tpu.memory_space<vmem>>, vector<1x16xf32>,
      %get3A_523 = vector.shape_cast %get3A_522 : vector<1x16xf32> to vector<16xf32>
      %max3A = arith.maximumf %get3A_516, %get3A_523 : vector<16xf32>
      %add3A_524 = arith.constant 32 : i32
      %add3A_525 = arith.addi %mul3A_511, %add3A_524 : i32
      %get3A_526 = arith.constant 3 : i32
      %get3A_527 = arith.index_cast %get3A_526 : i32 to index
      %get3A_528 = arith.index_cast %add3A_525 : i32 to index
      %get3A_529 = tpu.vector_load %arg4[%get3A_527, %get3A_528] {strides = array<i32>} : memref<4x8192xf32, #tpu.memory_space<vmem>>, vector<1x16xf32>,
      %get3A_530 = vector.shape_cast %get3A_529 : vector<1x16xf32> to vector<16xf32>
      %add3A_531 = arith.constant 48 : i32
      %add3A_532 = arith.addi %mul3A_511, %add3A_531 : i32
      %get3A_533 = arith.constant 3 : i32
      %get3A_534 = arith.index_cast %get3A_533 : i32 to index
      %get3A_535 = arith.index_cast %add3A_532 : i32 to index
      %get3A_536 = tpu.vector_load %arg4[%get3A_534, %get3A_535] {strides = array<i32>} : memref<4x8192xf32, #tpu.memory_space<vmem>>, vector<1x16xf32>,
      %get3A_537 = vector.shape_cast %get3A_536 : vector<1x16xf32> to vector<16xf32>
      %max3A_538 = arith.maximumf %get3A_530, %get3A_537 : vector<16xf32>
      %add3A_539 = arith.constant 64 : i32
      %add3A_540 = arith.addi %mul3A_511, %add3A_539 : i32
      %get3A_541 = arith.constant 3 : i32
      %get3A_542 = arith.index_cast %get3A_541 : i32 to index
      %get3A_543 = arith.index_cast %add3A_540 : i32 to index
      %get3A_544 = tpu.vector_load %arg4[%get3A_542, %get3A_543] {strides = array<i32>} : memref<4x8192xf32, #tpu.memory_space<vmem>>, vector<1x16xf32>,
      %get3A_545 = vector.shape_cast %get3A_544 : vector<1x16xf32> to vector<16xf32>
      %add3A_546 = arith.constant 80 : i32
      %add3A_547 = arith.addi %mul3A_511, %add3A_546 : i32
      %get3A_548 = arith.constant 3 : i32
      %get3A_549 = arith.index_cast %get3A_548 : i32 to index
      %get3A_550 = arith.index_cast %add3A_547 : i32 to index
      %get3A_551 = tpu.vector_load %arg4[%get3A_549, %get3A_550] {strides = array<i32>} : memref<4x8192xf32, #tpu.memory_space<vmem>>, vector<1x16xf32>,
      %get3A_552 = vector.shape_cast %get3A_551 : vector<1x16xf32> to vector<16xf32>
      %max3A_553 = arith.maximumf %get3A_545, %get3A_552 : vector<16xf32>
      %add3A_554 = arith.constant 96 : i32
      %add3A_555 = arith.addi %mul3A_511, %add3A_554 : i32
      %get3A_556 = arith.constant 3 : i32
      %get3A_557 = arith.index_cast %get3A_556 : i32 to index
      %get3A_558 = arith.index_cast %add3A_555 : i32 to index
      %get3A_559 = tpu.vector_load %arg4[%get3A_557, %get3A_558] {strides = array<i32>} : memref<4x8192xf32, #tpu.memory_space<vmem>>, vector<1x16xf32>,
      %get3A_560 = vector.shape_cast %get3A_559 : vector<1x16xf32> to vector<16xf32>
      %add3A_561 = arith.constant 112 : i32
      %add3A_562 = arith.addi %mul3A_511, %add3A_561 : i32
      %get3A_563 = arith.constant 3 : i32
      %get3A_564 = arith.index_cast %get3A_563 : i32 to index
      %get3A_565 = arith.index_cast %add3A_562 : i32 to index
      %get3A_566 = tpu.vector_load %arg4[%get3A_564, %get3A_565] {strides = array<i32>} : memref<4x8192xf32, #tpu.memory_space<vmem>>, vector<1x16xf32>,
      %get3A_567 = vector.shape_cast %get3A_566 : vector<1x16xf32> to vector<16xf32>
      %max3A_568 = arith.maximumf %get3A_560, %get3A_567 : vector<16xf32>
      %max3A_569 = arith.maximumf %max3A, %max3A_538 : vector<16xf32>
      %max3A_570 = arith.maximumf %max3A_553, %max3A_568 : vector<16xf32>
      %max3A_571 = arith.maximumf %max3A_569, %max3A_570 : vector<16xf32>
      %max3A_572 = arith.maximumf %scan3A_509, %max3A_571 : vector<16xf32>
      scf.yield %max3A_572 : vector<16xf32>
    }
    %scan3A_379 = arith.constant 64 : i32
    %swap3A_380 = arith.constant 11 : i32
    %swap3A_381 = arith.index_cast %swap3A_380 : i32 to index
    %swap3A_382 = arith.constant 0 : index
    %swap3A_383 = tpu.vector_load %arg6[%swap3A_381, %swap3A_382] {strides = array<i32>} : memref<16x16xf32, #tpu.memory_space<vmem>>, vector<1x16xf32>,
    %swap3A_384 = vector.shape_cast %swap3A_383 : vector<1x16xf32> to vector<16xf32>
    %swap3A_385 = vector.shape_cast %scan3A_378 : vector<16xf32> to vector<1x16xf32>
    tpu.vector_store %arg6[%swap3A_381, %swap3A_382], %swap3A_385 {strides = array<i32>} : memref<16x16xf32, #tpu.memory_space<vmem>>, vector<1x16xf32>,
    %add3A_386 = arith.constant 12 : i32
    %add3A_387 = arith.addi %mul3A_2, %add3A_386 : i32
    %dma_wait3A_388 = arith.constant 0 : i32
    %dma_wait3A_389 = tpu.memref_slice %arg2[%add3A_387, %dma_wait3A_388] : memref<2048x8192xf32, #tpu.memory_space<hbm>> -> memref<4x8192xf32, #tpu.memory_space<hbm>>
    %dma_wait3A_390 = arith.constant 0 : i32
    %dma_wait3A_391 = tpu.memref_slice %arg2[%add3A_387, %dma_wait3A_390] : memref<2048x8192xf32, #tpu.memory_space<hbm>> -> memref<4x8192xf32, #tpu.memory_space<hbm>>
    tpu.wait_dma2 semaphore(%arg8 : memref<!tpu.dma_semaphore, #tpu.memory_space<semaphore_mem>>) src(%dma_wait3A_391 : memref<4x8192xf32, #tpu.memory_space<hbm>>) dst(%arg5 : memref<4x8192xf32, #tpu.memory_space<vmem>>)
    %get3A_392 = arith.constant 0 : i32
    %get3A_393 = arith.index_cast %get3A_392 : i32 to index
    %get3A_394 = arith.constant 8176 : index
    %get3A_395 = tpu.vector_load %arg5[%get3A_393, %get3A_394] {strides = array<i32>} : memref<4x8192xf32, #tpu.memory_space<vmem>>, vector<1x16xf32>,
    %get3A_396 = vector.shape_cast %get3A_395 : vector<1x16xf32> to vector<16xf32>
    %lt3A_397 = arith.constant 15 : i32
    %lt3A_398 = vector.broadcast %lt3A_397 : i32 to vector<16xi32>
    %lt3A_399 = arith.cmpi slt, %iota3A, %lt3A_398 : vector<16xi32>
    %jit3A_400 = arith.constant 0xFF800000 : f32
    %broadcast_in_dim3A_401 = vector.broadcast %jit3A_400 : f32 to vector<16xf32>
    %select_n3A_402 = arith.select %lt3A_399, %get3A_396, %broadcast_in_dim3A_401 : vector<16xi1>, vector<16xf32>
    %swap3A_403 = arith.constant 0 : i32
    %swap3A_404 = arith.index_cast %swap3A_403 : i32 to index
    %swap3A_405 = arith.constant 8176 : index
    %swap3A_406 = tpu.vector_load %arg5[%swap3A_404, %swap3A_405] {strides = array<i32>} : memref<4x8192xf32, #tpu.memory_space<vmem>>, vector<1x16xf32>,
    %swap3A_407 = vector.shape_cast %swap3A_406 : vector<1x16xf32> to vector<16xf32>
    %swap3A_408 = vector.shape_cast %select_n3A_402 : vector<16xf32> to vector<1x16xf32>
    tpu.vector_store %arg5[%swap3A_404, %swap3A_405], %swap3A_408 {strides = array<i32>} : memref<4x8192xf32, #tpu.memory_space<vmem>>, vector<1x16xf32>,
    %scan3A_409 = arith.constant 0 : i32
    %scan3A_410 = arith.constant 64 : i32
    %scan3A_411 = arith.addi %scan3A_409, %scan3A_410 : i32
    %scan3A_412 = arith.constant 1 : i32
    %scan3A_413 = scf.for %scan3A_508 = %scan3A_409 to %scan3A_411 step %scan3A_412 iter_args(%scan3A_509 = %broadcast_in_dim3A_8) -> (vector<16xf32>)  : i32 {
      %mul3A_510 = arith.constant 128 : i32
      %mul3A_511 = arith.muli %scan3A_508, %mul3A_510 : i32
      %get3A_512 = arith.constant 0 : i32
      %get3A_513 = arith.index_cast %get3A_512 : i32 to index
      %get3A_514 = arith.index_cast %mul3A_511 : i32 to index
      %get3A_515 = tpu.vector_load %arg5[%get3A_513, %get3A_514] {strides = array<i32>} : memref<4x8192xf32, #tpu.memory_space<vmem>>, vector<1x16xf32>,
      %get3A_516 = vector.shape_cast %get3A_515 : vector<1x16xf32> to vector<16xf32>
      %add3A_517 = arith.constant 16 : i32
      %add3A_518 = arith.addi %mul3A_511, %add3A_517 : i32
      %get3A_519 = arith.constant 0 : i32
      %get3A_520 = arith.index_cast %get3A_519 : i32 to index
      %get3A_521 = arith.index_cast %add3A_518 : i32 to index
      %get3A_522 = tpu.vector_load %arg5[%get3A_520, %get3A_521] {strides = array<i32>} : memref<4x8192xf32, #tpu.memory_space<vmem>>, vector<1x16xf32>,
      %get3A_523 = vector.shape_cast %get3A_522 : vector<1x16xf32> to vector<16xf32>
      %max3A = arith.maximumf %get3A_516, %get3A_523 : vector<16xf32>
      %add3A_524 = arith.constant 32 : i32
      %add3A_525 = arith.addi %mul3A_511, %add3A_524 : i32
      %get3A_526 = arith.constant 0 : i32
      %get3A_527 = arith.index_cast %get3A_526 : i32 to index
      %get3A_528 = arith.index_cast %add3A_525 : i32 to index
      %get3A_529 = tpu.vector_load %arg5[%get3A_527, %get3A_528] {strides = array<i32>} : memref<4x8192xf32, #tpu.memory_space<vmem>>, vector<1x16xf32>,
      %get3A_530 = vector.shape_cast %get3A_529 : vector<1x16xf32> to vector<16xf32>
      %add3A_531 = arith.constant 48 : i32
      %add3A_532 = arith.addi %mul3A_511, %add3A_531 : i32
      %get3A_533 = arith.constant 0 : i32
      %get3A_534 = arith.index_cast %get3A_533 : i32 to index
      %get3A_535 = arith.index_cast %add3A_532 : i32 to index
      %get3A_536 = tpu.vector_load %arg5[%get3A_534, %get3A_535] {strides = array<i32>} : memref<4x8192xf32, #tpu.memory_space<vmem>>, vector<1x16xf32>,
      %get3A_537 = vector.shape_cast %get3A_536 : vector<1x16xf32> to vector<16xf32>
      %max3A_538 = arith.maximumf %get3A_530, %get3A_537 : vector<16xf32>
      %add3A_539 = arith.constant 64 : i32
      %add3A_540 = arith.addi %mul3A_511, %add3A_539 : i32
      %get3A_541 = arith.constant 0 : i32
      %get3A_542 = arith.index_cast %get3A_541 : i32 to index
      %get3A_543 = arith.index_cast %add3A_540 : i32 to index
      %get3A_544 = tpu.vector_load %arg5[%get3A_542, %get3A_543] {strides = array<i32>} : memref<4x8192xf32, #tpu.memory_space<vmem>>, vector<1x16xf32>,
      %get3A_545 = vector.shape_cast %get3A_544 : vector<1x16xf32> to vector<16xf32>
      %add3A_546 = arith.constant 80 : i32
      %add3A_547 = arith.addi %mul3A_511, %add3A_546 : i32
      %get3A_548 = arith.constant 0 : i32
      %get3A_549 = arith.index_cast %get3A_548 : i32 to index
      %get3A_550 = arith.index_cast %add3A_547 : i32 to index
      %get3A_551 = tpu.vector_load %arg5[%get3A_549, %get3A_550] {strides = array<i32>} : memref<4x8192xf32, #tpu.memory_space<vmem>>, vector<1x16xf32>,
      %get3A_552 = vector.shape_cast %get3A_551 : vector<1x16xf32> to vector<16xf32>
      %max3A_553 = arith.maximumf %get3A_545, %get3A_552 : vector<16xf32>
      %add3A_554 = arith.constant 96 : i32
      %add3A_555 = arith.addi %mul3A_511, %add3A_554 : i32
      %get3A_556 = arith.constant 0 : i32
      %get3A_557 = arith.index_cast %get3A_556 : i32 to index
      %get3A_558 = arith.index_cast %add3A_555 : i32 to index
      %get3A_559 = tpu.vector_load %arg5[%get3A_557, %get3A_558] {strides = array<i32>} : memref<4x8192xf32, #tpu.memory_space<vmem>>, vector<1x16xf32>,
      %get3A_560 = vector.shape_cast %get3A_559 : vector<1x16xf32> to vector<16xf32>
      %add3A_561 = arith.constant 112 : i32
      %add3A_562 = arith.addi %mul3A_511, %add3A_561 : i32
      %get3A_563 = arith.constant 0 : i32
      %get3A_564 = arith.index_cast %get3A_563 : i32 to index
      %get3A_565 = arith.index_cast %add3A_562 : i32 to index
      %get3A_566 = tpu.vector_load %arg5[%get3A_564, %get3A_565] {strides = array<i32>} : memref<4x8192xf32, #tpu.memory_space<vmem>>, vector<1x16xf32>,
      %get3A_567 = vector.shape_cast %get3A_566 : vector<1x16xf32> to vector<16xf32>
      %max3A_568 = arith.maximumf %get3A_560, %get3A_567 : vector<16xf32>
      %max3A_569 = arith.maximumf %max3A, %max3A_538 : vector<16xf32>
      %max3A_570 = arith.maximumf %max3A_553, %max3A_568 : vector<16xf32>
      %max3A_571 = arith.maximumf %max3A_569, %max3A_570 : vector<16xf32>
      %max3A_572 = arith.maximumf %scan3A_509, %max3A_571 : vector<16xf32>
      scf.yield %max3A_572 : vector<16xf32>
    }
    %scan3A_414 = arith.constant 64 : i32
    %swap3A_415 = arith.constant 12 : i32
    %swap3A_416 = arith.index_cast %swap3A_415 : i32 to index
    %swap3A_417 = arith.constant 0 : index
    %swap3A_418 = tpu.vector_load %arg6[%swap3A_416, %swap3A_417] {strides = array<i32>} : memref<16x16xf32, #tpu.memory_space<vmem>>, vector<1x16xf32>,
    %swap3A_419 = vector.shape_cast %swap3A_418 : vector<1x16xf32> to vector<16xf32>
    %swap3A_420 = vector.shape_cast %scan3A_413 : vector<16xf32> to vector<1x16xf32>
    tpu.vector_store %arg6[%swap3A_416, %swap3A_417], %swap3A_420 {strides = array<i32>} : memref<16x16xf32, #tpu.memory_space<vmem>>, vector<1x16xf32>,
    %get3A_421 = arith.constant 1 : i32
    %get3A_422 = arith.index_cast %get3A_421 : i32 to index
    %get3A_423 = arith.constant 8176 : index
    %get3A_424 = tpu.vector_load %arg5[%get3A_422, %get3A_423] {strides = array<i32>} : memref<4x8192xf32, #tpu.memory_space<vmem>>, vector<1x16xf32>,
    %get3A_425 = vector.shape_cast %get3A_424 : vector<1x16xf32> to vector<16xf32>
    %lt3A_426 = arith.constant 15 : i32
    %lt3A_427 = vector.broadcast %lt3A_426 : i32 to vector<16xi32>
    %lt3A_428 = arith.cmpi slt, %iota3A, %lt3A_427 : vector<16xi32>
    %jit3A_429 = arith.constant 0xFF800000 : f32
    %broadcast_in_dim3A_430 = vector.broadcast %jit3A_429 : f32 to vector<16xf32>
    %select_n3A_431 = arith.select %lt3A_428, %get3A_425, %broadcast_in_dim3A_430 : vector<16xi1>, vector<16xf32>
    %swap3A_432 = arith.constant 1 : i32
    %swap3A_433 = arith.index_cast %swap3A_432 : i32 to index
    %swap3A_434 = arith.constant 8176 : index
    %swap3A_435 = tpu.vector_load %arg5[%swap3A_433, %swap3A_434] {strides = array<i32>} : memref<4x8192xf32, #tpu.memory_space<vmem>>, vector<1x16xf32>,
    %swap3A_436 = vector.shape_cast %swap3A_435 : vector<1x16xf32> to vector<16xf32>
    %swap3A_437 = vector.shape_cast %select_n3A_431 : vector<16xf32> to vector<1x16xf32>
    tpu.vector_store %arg5[%swap3A_433, %swap3A_434], %swap3A_437 {strides = array<i32>} : memref<4x8192xf32, #tpu.memory_space<vmem>>, vector<1x16xf32>,
    %scan3A_438 = arith.constant 0 : i32
    %scan3A_439 = arith.constant 64 : i32
    %scan3A_440 = arith.addi %scan3A_438, %scan3A_439 : i32
    %scan3A_441 = arith.constant 1 : i32
    %scan3A_442 = scf.for %scan3A_508 = %scan3A_438 to %scan3A_440 step %scan3A_441 iter_args(%scan3A_509 = %broadcast_in_dim3A_8) -> (vector<16xf32>)  : i32 {
      %mul3A_510 = arith.constant 128 : i32
      %mul3A_511 = arith.muli %scan3A_508, %mul3A_510 : i32
      %get3A_512 = arith.constant 1 : i32
      %get3A_513 = arith.index_cast %get3A_512 : i32 to index
      %get3A_514 = arith.index_cast %mul3A_511 : i32 to index
      %get3A_515 = tpu.vector_load %arg5[%get3A_513, %get3A_514] {strides = array<i32>} : memref<4x8192xf32, #tpu.memory_space<vmem>>, vector<1x16xf32>,
      %get3A_516 = vector.shape_cast %get3A_515 : vector<1x16xf32> to vector<16xf32>
      %add3A_517 = arith.constant 16 : i32
      %add3A_518 = arith.addi %mul3A_511, %add3A_517 : i32
      %get3A_519 = arith.constant 1 : i32
      %get3A_520 = arith.index_cast %get3A_519 : i32 to index
      %get3A_521 = arith.index_cast %add3A_518 : i32 to index
      %get3A_522 = tpu.vector_load %arg5[%get3A_520, %get3A_521] {strides = array<i32>} : memref<4x8192xf32, #tpu.memory_space<vmem>>, vector<1x16xf32>,
      %get3A_523 = vector.shape_cast %get3A_522 : vector<1x16xf32> to vector<16xf32>
      %max3A = arith.maximumf %get3A_516, %get3A_523 : vector<16xf32>
      %add3A_524 = arith.constant 32 : i32
      %add3A_525 = arith.addi %mul3A_511, %add3A_524 : i32
      %get3A_526 = arith.constant 1 : i32
      %get3A_527 = arith.index_cast %get3A_526 : i32 to index
      %get3A_528 = arith.index_cast %add3A_525 : i32 to index
      %get3A_529 = tpu.vector_load %arg5[%get3A_527, %get3A_528] {strides = array<i32>} : memref<4x8192xf32, #tpu.memory_space<vmem>>, vector<1x16xf32>,
      %get3A_530 = vector.shape_cast %get3A_529 : vector<1x16xf32> to vector<16xf32>
      %add3A_531 = arith.constant 48 : i32
      %add3A_532 = arith.addi %mul3A_511, %add3A_531 : i32
      %get3A_533 = arith.constant 1 : i32
      %get3A_534 = arith.index_cast %get3A_533 : i32 to index
      %get3A_535 = arith.index_cast %add3A_532 : i32 to index
      %get3A_536 = tpu.vector_load %arg5[%get3A_534, %get3A_535] {strides = array<i32>} : memref<4x8192xf32, #tpu.memory_space<vmem>>, vector<1x16xf32>,
      %get3A_537 = vector.shape_cast %get3A_536 : vector<1x16xf32> to vector<16xf32>
      %max3A_538 = arith.maximumf %get3A_530, %get3A_537 : vector<16xf32>
      %add3A_539 = arith.constant 64 : i32
      %add3A_540 = arith.addi %mul3A_511, %add3A_539 : i32
      %get3A_541 = arith.constant 1 : i32
      %get3A_542 = arith.index_cast %get3A_541 : i32 to index
      %get3A_543 = arith.index_cast %add3A_540 : i32 to index
      %get3A_544 = tpu.vector_load %arg5[%get3A_542, %get3A_543] {strides = array<i32>} : memref<4x8192xf32, #tpu.memory_space<vmem>>, vector<1x16xf32>,
      %get3A_545 = vector.shape_cast %get3A_544 : vector<1x16xf32> to vector<16xf32>
      %add3A_546 = arith.constant 80 : i32
      %add3A_547 = arith.addi %mul3A_511, %add3A_546 : i32
      %get3A_548 = arith.constant 1 : i32
      %get3A_549 = arith.index_cast %get3A_548 : i32 to index
      %get3A_550 = arith.index_cast %add3A_547 : i32 to index
      %get3A_551 = tpu.vector_load %arg5[%get3A_549, %get3A_550] {strides = array<i32>} : memref<4x8192xf32, #tpu.memory_space<vmem>>, vector<1x16xf32>,
      %get3A_552 = vector.shape_cast %get3A_551 : vector<1x16xf32> to vector<16xf32>
      %max3A_553 = arith.maximumf %get3A_545, %get3A_552 : vector<16xf32>
      %add3A_554 = arith.constant 96 : i32
      %add3A_555 = arith.addi %mul3A_511, %add3A_554 : i32
      %get3A_556 = arith.constant 1 : i32
      %get3A_557 = arith.index_cast %get3A_556 : i32 to index
      %get3A_558 = arith.index_cast %add3A_555 : i32 to index
      %get3A_559 = tpu.vector_load %arg5[%get3A_557, %get3A_558] {strides = array<i32>} : memref<4x8192xf32, #tpu.memory_space<vmem>>, vector<1x16xf32>,
      %get3A_560 = vector.shape_cast %get3A_559 : vector<1x16xf32> to vector<16xf32>
      %add3A_561 = arith.constant 112 : i32
      %add3A_562 = arith.addi %mul3A_511, %add3A_561 : i32
      %get3A_563 = arith.constant 1 : i32
      %get3A_564 = arith.index_cast %get3A_563 : i32 to index
      %get3A_565 = arith.index_cast %add3A_562 : i32 to index
      %get3A_566 = tpu.vector_load %arg5[%get3A_564, %get3A_565] {strides = array<i32>} : memref<4x8192xf32, #tpu.memory_space<vmem>>, vector<1x16xf32>,
      %get3A_567 = vector.shape_cast %get3A_566 : vector<1x16xf32> to vector<16xf32>
      %max3A_568 = arith.maximumf %get3A_560, %get3A_567 : vector<16xf32>
      %max3A_569 = arith.maximumf %max3A, %max3A_538 : vector<16xf32>
      %max3A_570 = arith.maximumf %max3A_553, %max3A_568 : vector<16xf32>
      %max3A_571 = arith.maximumf %max3A_569, %max3A_570 : vector<16xf32>
      %max3A_572 = arith.maximumf %scan3A_509, %max3A_571 : vector<16xf32>
      scf.yield %max3A_572 : vector<16xf32>
    }
    %scan3A_443 = arith.constant 64 : i32
    %swap3A_444 = arith.constant 13 : i32
    %swap3A_445 = arith.index_cast %swap3A_444 : i32 to index
    %swap3A_446 = arith.constant 0 : index
    %swap3A_447 = tpu.vector_load %arg6[%swap3A_445, %swap3A_446] {strides = array<i32>} : memref<16x16xf32, #tpu.memory_space<vmem>>, vector<1x16xf32>,
    %swap3A_448 = vector.shape_cast %swap3A_447 : vector<1x16xf32> to vector<16xf32>
    %swap3A_449 = vector.shape_cast %scan3A_442 : vector<16xf32> to vector<1x16xf32>
    tpu.vector_store %arg6[%swap3A_445, %swap3A_446], %swap3A_449 {strides = array<i32>} : memref<16x16xf32, #tpu.memory_space<vmem>>, vector<1x16xf32>,
    %get3A_450 = arith.constant 2 : i32
    %get3A_451 = arith.index_cast %get3A_450 : i32 to index
    %get3A_452 = arith.constant 8176 : index
    %get3A_453 = tpu.vector_load %arg5[%get3A_451, %get3A_452] {strides = array<i32>} : memref<4x8192xf32, #tpu.memory_space<vmem>>, vector<1x16xf32>,
    %get3A_454 = vector.shape_cast %get3A_453 : vector<1x16xf32> to vector<16xf32>
    %lt3A_455 = arith.constant 15 : i32
    %lt3A_456 = vector.broadcast %lt3A_455 : i32 to vector<16xi32>
    %lt3A_457 = arith.cmpi slt, %iota3A, %lt3A_456 : vector<16xi32>
    %jit3A_458 = arith.constant 0xFF800000 : f32
    %broadcast_in_dim3A_459 = vector.broadcast %jit3A_458 : f32 to vector<16xf32>
    %select_n3A_460 = arith.select %lt3A_457, %get3A_454, %broadcast_in_dim3A_459 : vector<16xi1>, vector<16xf32>
    %swap3A_461 = arith.constant 2 : i32
    %swap3A_462 = arith.index_cast %swap3A_461 : i32 to index
    %swap3A_463 = arith.constant 8176 : index
    %swap3A_464 = tpu.vector_load %arg5[%swap3A_462, %swap3A_463] {strides = array<i32>} : memref<4x8192xf32, #tpu.memory_space<vmem>>, vector<1x16xf32>,
    %swap3A_465 = vector.shape_cast %swap3A_464 : vector<1x16xf32> to vector<16xf32>
    %swap3A_466 = vector.shape_cast %select_n3A_460 : vector<16xf32> to vector<1x16xf32>
    tpu.vector_store %arg5[%swap3A_462, %swap3A_463], %swap3A_466 {strides = array<i32>} : memref<4x8192xf32, #tpu.memory_space<vmem>>, vector<1x16xf32>,
    %scan3A_467 = arith.constant 0 : i32
    %scan3A_468 = arith.constant 64 : i32
    %scan3A_469 = arith.addi %scan3A_467, %scan3A_468 : i32
    %scan3A_470 = arith.constant 1 : i32
    %scan3A_471 = scf.for %scan3A_508 = %scan3A_467 to %scan3A_469 step %scan3A_470 iter_args(%scan3A_509 = %broadcast_in_dim3A_8) -> (vector<16xf32>)  : i32 {
      %mul3A_510 = arith.constant 128 : i32
      %mul3A_511 = arith.muli %scan3A_508, %mul3A_510 : i32
      %get3A_512 = arith.constant 2 : i32
      %get3A_513 = arith.index_cast %get3A_512 : i32 to index
      %get3A_514 = arith.index_cast %mul3A_511 : i32 to index
      %get3A_515 = tpu.vector_load %arg5[%get3A_513, %get3A_514] {strides = array<i32>} : memref<4x8192xf32, #tpu.memory_space<vmem>>, vector<1x16xf32>,
      %get3A_516 = vector.shape_cast %get3A_515 : vector<1x16xf32> to vector<16xf32>
      %add3A_517 = arith.constant 16 : i32
      %add3A_518 = arith.addi %mul3A_511, %add3A_517 : i32
      %get3A_519 = arith.constant 2 : i32
      %get3A_520 = arith.index_cast %get3A_519 : i32 to index
      %get3A_521 = arith.index_cast %add3A_518 : i32 to index
      %get3A_522 = tpu.vector_load %arg5[%get3A_520, %get3A_521] {strides = array<i32>} : memref<4x8192xf32, #tpu.memory_space<vmem>>, vector<1x16xf32>,
      %get3A_523 = vector.shape_cast %get3A_522 : vector<1x16xf32> to vector<16xf32>
      %max3A = arith.maximumf %get3A_516, %get3A_523 : vector<16xf32>
      %add3A_524 = arith.constant 32 : i32
      %add3A_525 = arith.addi %mul3A_511, %add3A_524 : i32
      %get3A_526 = arith.constant 2 : i32
      %get3A_527 = arith.index_cast %get3A_526 : i32 to index
      %get3A_528 = arith.index_cast %add3A_525 : i32 to index
      %get3A_529 = tpu.vector_load %arg5[%get3A_527, %get3A_528] {strides = array<i32>} : memref<4x8192xf32, #tpu.memory_space<vmem>>, vector<1x16xf32>,
      %get3A_530 = vector.shape_cast %get3A_529 : vector<1x16xf32> to vector<16xf32>
      %add3A_531 = arith.constant 48 : i32
      %add3A_532 = arith.addi %mul3A_511, %add3A_531 : i32
      %get3A_533 = arith.constant 2 : i32
      %get3A_534 = arith.index_cast %get3A_533 : i32 to index
      %get3A_535 = arith.index_cast %add3A_532 : i32 to index
      %get3A_536 = tpu.vector_load %arg5[%get3A_534, %get3A_535] {strides = array<i32>} : memref<4x8192xf32, #tpu.memory_space<vmem>>, vector<1x16xf32>,
      %get3A_537 = vector.shape_cast %get3A_536 : vector<1x16xf32> to vector<16xf32>
      %max3A_538 = arith.maximumf %get3A_530, %get3A_537 : vector<16xf32>
      %add3A_539 = arith.constant 64 : i32
      %add3A_540 = arith.addi %mul3A_511, %add3A_539 : i32
      %get3A_541 = arith.constant 2 : i32
      %get3A_542 = arith.index_cast %get3A_541 : i32 to index
      %get3A_543 = arith.index_cast %add3A_540 : i32 to index
      %get3A_544 = tpu.vector_load %arg5[%get3A_542, %get3A_543] {strides = array<i32>} : memref<4x8192xf32, #tpu.memory_space<vmem>>, vector<1x16xf32>,
      %get3A_545 = vector.shape_cast %get3A_544 : vector<1x16xf32> to vector<16xf32>
      %add3A_546 = arith.constant 80 : i32
      %add3A_547 = arith.addi %mul3A_511, %add3A_546 : i32
      %get3A_548 = arith.constant 2 : i32
      %get3A_549 = arith.index_cast %get3A_548 : i32 to index
      %get3A_550 = arith.index_cast %add3A_547 : i32 to index
      %get3A_551 = tpu.vector_load %arg5[%get3A_549, %get3A_550] {strides = array<i32>} : memref<4x8192xf32, #tpu.memory_space<vmem>>, vector<1x16xf32>,
      %get3A_552 = vector.shape_cast %get3A_551 : vector<1x16xf32> to vector<16xf32>
      %max3A_553 = arith.maximumf %get3A_545, %get3A_552 : vector<16xf32>
      %add3A_554 = arith.constant 96 : i32
      %add3A_555 = arith.addi %mul3A_511, %add3A_554 : i32
      %get3A_556 = arith.constant 2 : i32
      %get3A_557 = arith.index_cast %get3A_556 : i32 to index
      %get3A_558 = arith.index_cast %add3A_555 : i32 to index
      %get3A_559 = tpu.vector_load %arg5[%get3A_557, %get3A_558] {strides = array<i32>} : memref<4x8192xf32, #tpu.memory_space<vmem>>, vector<1x16xf32>,
      %get3A_560 = vector.shape_cast %get3A_559 : vector<1x16xf32> to vector<16xf32>
      %add3A_561 = arith.constant 112 : i32
      %add3A_562 = arith.addi %mul3A_511, %add3A_561 : i32
      %get3A_563 = arith.constant 2 : i32
      %get3A_564 = arith.index_cast %get3A_563 : i32 to index
      %get3A_565 = arith.index_cast %add3A_562 : i32 to index
      %get3A_566 = tpu.vector_load %arg5[%get3A_564, %get3A_565] {strides = array<i32>} : memref<4x8192xf32, #tpu.memory_space<vmem>>, vector<1x16xf32>,
      %get3A_567 = vector.shape_cast %get3A_566 : vector<1x16xf32> to vector<16xf32>
      %max3A_568 = arith.maximumf %get3A_560, %get3A_567 : vector<16xf32>
      %max3A_569 = arith.maximumf %max3A, %max3A_538 : vector<16xf32>
      %max3A_570 = arith.maximumf %max3A_553, %max3A_568 : vector<16xf32>
      %max3A_571 = arith.maximumf %max3A_569, %max3A_570 : vector<16xf32>
      %max3A_572 = arith.maximumf %scan3A_509, %max3A_571 : vector<16xf32>
      scf.yield %max3A_572 : vector<16xf32>
    }
    %scan3A_472 = arith.constant 64 : i32
    %swap3A_473 = arith.constant 14 : i32
    %swap3A_474 = arith.index_cast %swap3A_473 : i32 to index
    %swap3A_475 = arith.constant 0 : index
    %swap3A_476 = tpu.vector_load %arg6[%swap3A_474, %swap3A_475] {strides = array<i32>} : memref<16x16xf32, #tpu.memory_space<vmem>>, vector<1x16xf32>,
    %swap3A_477 = vector.shape_cast %swap3A_476 : vector<1x16xf32> to vector<16xf32>
    %swap3A_478 = vector.shape_cast %scan3A_471 : vector<16xf32> to vector<1x16xf32>
    tpu.vector_store %arg6[%swap3A_474, %swap3A_475], %swap3A_478 {strides = array<i32>} : memref<16x16xf32, #tpu.memory_space<vmem>>, vector<1x16xf32>,
    %get3A_479 = arith.constant 3 : i32
    %get3A_480 = arith.index_cast %get3A_479 : i32 to index
    %get3A_481 = arith.constant 8176 : index
    %get3A_482 = tpu.vector_load %arg5[%get3A_480, %get3A_481] {strides = array<i32>} : memref<4x8192xf32, #tpu.memory_space<vmem>>, vector<1x16xf32>,
    %get3A_483 = vector.shape_cast %get3A_482 : vector<1x16xf32> to vector<16xf32>
    %lt3A_484 = arith.constant 15 : i32
    %lt3A_485 = vector.broadcast %lt3A_484 : i32 to vector<16xi32>
    %lt3A_486 = arith.cmpi slt, %iota3A, %lt3A_485 : vector<16xi32>
    %jit3A_487 = arith.constant 0xFF800000 : f32
    %broadcast_in_dim3A_488 = vector.broadcast %jit3A_487 : f32 to vector<16xf32>
    %select_n3A_489 = arith.select %lt3A_486, %get3A_483, %broadcast_in_dim3A_488 : vector<16xi1>, vector<16xf32>
    %swap3A_490 = arith.constant 3 : i32
    %swap3A_491 = arith.index_cast %swap3A_490 : i32 to index
    %swap3A_492 = arith.constant 8176 : index
    %swap3A_493 = tpu.vector_load %arg5[%swap3A_491, %swap3A_492] {strides = array<i32>} : memref<4x8192xf32, #tpu.memory_space<vmem>>, vector<1x16xf32>,
    %swap3A_494 = vector.shape_cast %swap3A_493 : vector<1x16xf32> to vector<16xf32>
    %swap3A_495 = vector.shape_cast %select_n3A_489 : vector<16xf32> to vector<1x16xf32>
    tpu.vector_store %arg5[%swap3A_491, %swap3A_492], %swap3A_495 {strides = array<i32>} : memref<4x8192xf32, #tpu.memory_space<vmem>>, vector<1x16xf32>,
    %scan3A_496 = arith.constant 0 : i32
    %scan3A_497 = arith.constant 64 : i32
    %scan3A_498 = arith.addi %scan3A_496, %scan3A_497 : i32
    %scan3A_499 = arith.constant 1 : i32
    %scan3A_500 = scf.for %scan3A_508 = %scan3A_496 to %scan3A_498 step %scan3A_499 iter_args(%scan3A_509 = %broadcast_in_dim3A_8) -> (vector<16xf32>)  : i32 {
      %mul3A_510 = arith.constant 128 : i32
      %mul3A_511 = arith.muli %scan3A_508, %mul3A_510 : i32
      %get3A_512 = arith.constant 3 : i32
      %get3A_513 = arith.index_cast %get3A_512 : i32 to index
      %get3A_514 = arith.index_cast %mul3A_511 : i32 to index
      %get3A_515 = tpu.vector_load %arg5[%get3A_513, %get3A_514] {strides = array<i32>} : memref<4x8192xf32, #tpu.memory_space<vmem>>, vector<1x16xf32>,
      %get3A_516 = vector.shape_cast %get3A_515 : vector<1x16xf32> to vector<16xf32>
      %add3A_517 = arith.constant 16 : i32
      %add3A_518 = arith.addi %mul3A_511, %add3A_517 : i32
      %get3A_519 = arith.constant 3 : i32
      %get3A_520 = arith.index_cast %get3A_519 : i32 to index
      %get3A_521 = arith.index_cast %add3A_518 : i32 to index
      %get3A_522 = tpu.vector_load %arg5[%get3A_520, %get3A_521] {strides = array<i32>} : memref<4x8192xf32, #tpu.memory_space<vmem>>, vector<1x16xf32>,
      %get3A_523 = vector.shape_cast %get3A_522 : vector<1x16xf32> to vector<16xf32>
      %max3A = arith.maximumf %get3A_516, %get3A_523 : vector<16xf32>
      %add3A_524 = arith.constant 32 : i32
      %add3A_525 = arith.addi %mul3A_511, %add3A_524 : i32
      %get3A_526 = arith.constant 3 : i32
      %get3A_527 = arith.index_cast %get3A_526 : i32 to index
      %get3A_528 = arith.index_cast %add3A_525 : i32 to index
      %get3A_529 = tpu.vector_load %arg5[%get3A_527, %get3A_528] {strides = array<i32>} : memref<4x8192xf32, #tpu.memory_space<vmem>>, vector<1x16xf32>,
      %get3A_530 = vector.shape_cast %get3A_529 : vector<1x16xf32> to vector<16xf32>
      %add3A_531 = arith.constant 48 : i32
      %add3A_532 = arith.addi %mul3A_511, %add3A_531 : i32
      %get3A_533 = arith.constant 3 : i32
      %get3A_534 = arith.index_cast %get3A_533 : i32 to index
      %get3A_535 = arith.index_cast %add3A_532 : i32 to index
      %get3A_536 = tpu.vector_load %arg5[%get3A_534, %get3A_535] {strides = array<i32>} : memref<4x8192xf32, #tpu.memory_space<vmem>>, vector<1x16xf32>,
      %get3A_537 = vector.shape_cast %get3A_536 : vector<1x16xf32> to vector<16xf32>
      %max3A_538 = arith.maximumf %get3A_530, %get3A_537 : vector<16xf32>
      %add3A_539 = arith.constant 64 : i32
      %add3A_540 = arith.addi %mul3A_511, %add3A_539 : i32
      %get3A_541 = arith.constant 3 : i32
      %get3A_542 = arith.index_cast %get3A_541 : i32 to index
      %get3A_543 = arith.index_cast %add3A_540 : i32 to index
      %get3A_544 = tpu.vector_load %arg5[%get3A_542, %get3A_543] {strides = array<i32>} : memref<4x8192xf32, #tpu.memory_space<vmem>>, vector<1x16xf32>,
      %get3A_545 = vector.shape_cast %get3A_544 : vector<1x16xf32> to vector<16xf32>
      %add3A_546 = arith.constant 80 : i32
      %add3A_547 = arith.addi %mul3A_511, %add3A_546 : i32
      %get3A_548 = arith.constant 3 : i32
      %get3A_549 = arith.index_cast %get3A_548 : i32 to index
      %get3A_550 = arith.index_cast %add3A_547 : i32 to index
      %get3A_551 = tpu.vector_load %arg5[%get3A_549, %get3A_550] {strides = array<i32>} : memref<4x8192xf32, #tpu.memory_space<vmem>>, vector<1x16xf32>,
      %get3A_552 = vector.shape_cast %get3A_551 : vector<1x16xf32> to vector<16xf32>
      %max3A_553 = arith.maximumf %get3A_545, %get3A_552 : vector<16xf32>
      %add3A_554 = arith.constant 96 : i32
      %add3A_555 = arith.addi %mul3A_511, %add3A_554 : i32
      %get3A_556 = arith.constant 3 : i32
      %get3A_557 = arith.index_cast %get3A_556 : i32 to index
      %get3A_558 = arith.index_cast %add3A_555 : i32 to index
      %get3A_559 = tpu.vector_load %arg5[%get3A_557, %get3A_558] {strides = array<i32>} : memref<4x8192xf32, #tpu.memory_space<vmem>>, vector<1x16xf32>,
      %get3A_560 = vector.shape_cast %get3A_559 : vector<1x16xf32> to vector<16xf32>
      %add3A_561 = arith.constant 112 : i32
      %add3A_562 = arith.addi %mul3A_511, %add3A_561 : i32
      %get3A_563 = arith.constant 3 : i32
      %get3A_564 = arith.index_cast %get3A_563 : i32 to index
      %get3A_565 = arith.index_cast %add3A_562 : i32 to index
      %get3A_566 = tpu.vector_load %arg5[%get3A_564, %get3A_565] {strides = array<i32>} : memref<4x8192xf32, #tpu.memory_space<vmem>>, vector<1x16xf32>,
      %get3A_567 = vector.shape_cast %get3A_566 : vector<1x16xf32> to vector<16xf32>
      %max3A_568 = arith.maximumf %get3A_560, %get3A_567 : vector<16xf32>
      %max3A_569 = arith.maximumf %max3A, %max3A_538 : vector<16xf32>
      %max3A_570 = arith.maximumf %max3A_553, %max3A_568 : vector<16xf32>
      %max3A_571 = arith.maximumf %max3A_569, %max3A_570 : vector<16xf32>
      %max3A_572 = arith.maximumf %scan3A_509, %max3A_571 : vector<16xf32>
      scf.yield %max3A_572 : vector<16xf32>
    }
    %scan3A_501 = arith.constant 64 : i32
    %swap3A_502 = arith.constant 15 : i32
    %swap3A_503 = arith.index_cast %swap3A_502 : i32 to index
    %swap3A_504 = arith.constant 0 : index
    %swap3A_505 = tpu.vector_load %arg6[%swap3A_503, %swap3A_504] {strides = array<i32>} : memref<16x16xf32, #tpu.memory_space<vmem>>, vector<1x16xf32>,
    %swap3A_506 = vector.shape_cast %swap3A_505 : vector<1x16xf32> to vector<16xf32>
    %swap3A_507 = vector.shape_cast %scan3A_500 : vector<16xf32> to vector<1x16xf32>
    tpu.vector_store %arg6[%swap3A_503, %swap3A_504], %swap3A_507 {strides = array<i32>} : memref<16x16xf32, #tpu.memory_space<vmem>>, vector<1x16xf32>,
    "tpu.region"() ({
      %run_scoped3A = tpu.sem_alloc : memref<!tpu.dma_semaphore, #tpu.memory_space<semaphore_mem>>
      %dma_start3A_508 = arith.constant 0 : i32
      %dma_start3A_509 = tpu.memref_slice %arg3[%mul3A_2, %dma_start3A_508] : memref<256x16xf32, #tpu.memory_space<hbm>> -> memref<16x16xf32, #tpu.memory_space<hbm>>
      %dma_start3A_510 = arith.constant 0 : i32
      %dma_start3A_511 = tpu.memref_slice %arg3[%mul3A_2, %dma_start3A_510] : memref<256x16xf32, #tpu.memory_space<hbm>> -> memref<16x16xf32, #tpu.memory_space<hbm>>
      tpu.enqueue_dma source(%arg6 : memref<16x16xf32, #tpu.memory_space<vmem>>) target(%dma_start3A_511 : memref<16x16xf32, #tpu.memory_space<hbm>>) target_semaphore(%run_scoped3A : memref<!tpu.dma_semaphore, #tpu.memory_space<semaphore_mem>>)
      %dma_wait3A_512 = arith.constant 0 : i32
      %dma_wait3A_513 = tpu.memref_slice %arg3[%mul3A_2, %dma_wait3A_512] : memref<256x16xf32, #tpu.memory_space<hbm>> -> memref<16x16xf32, #tpu.memory_space<hbm>>
      %dma_wait3A_514 = arith.constant 0 : i32
      %dma_wait3A_515 = tpu.memref_slice %arg3[%mul3A_2, %dma_wait3A_514] : memref<256x16xf32, #tpu.memory_space<hbm>> -> memref<16x16xf32, #tpu.memory_space<hbm>>
      tpu.wait_dma2 semaphore(%run_scoped3A : memref<!tpu.dma_semaphore, #tpu.memory_space<semaphore_mem>>) src(%arg6 : memref<16x16xf32, #tpu.memory_space<vmem>>) dst(%dma_wait3A_515 : memref<16x16xf32, #tpu.memory_space<hbm>>)
      tpu.yield
    }) : () -> ()
    return
  }
}

module attributes {stable_mosaic.version = 14 : i64} {
  func.func @_tc_rowmax_body(%arg0: i32, %arg1: memref<16x8x8192xf32, #tpu.memory_space<vmem>>, %arg2: memref<16x8xf32, #tpu.memory_space<vmem>>) attributes {dimension_semantics = [#tpu.dimension_semantics<arbitrary>], iteration_bounds = array<i64: 14>, scalar_prefetch = 0 : i64, scratch_operands = 0 : i64, tpu.core_type = #tpu.core_type<tc>, window_params = [{transform_indices = @transform_0, window_bounds = array<i64: 16, 8, 8192>}, {transform_indices = @transform_1, window_bounds = array<i64: 16, 8>}]} {
    %get3A = arith.constant 0 : index
    %get3A_0 = arith.constant 0 : index
    %get3A_1 = arith.constant 0 : index
    %get3A_2 = vector.load %arg1[%get3A, %get3A_0, %get3A_1] : memref<16x8x8192xf32, #tpu.memory_space<vmem>>, vector<16x8x8192xf32>
    %iota3A = tpu.iota {dimensions = array<i32: 2>} : vector<16x8x8192xi32>
    %lt3A = arith.constant 8191 : i32
    %lt3A_3 = vector.broadcast %lt3A : i32 to vector<16x8x8192xi32>
    %lt3A_4 = arith.cmpi slt, %iota3A, %lt3A_3 : vector<16x8x8192xi32>
    %jit3A = arith.constant 0xFF800000 : f32
    %broadcast_in_dim3A = vector.broadcast %jit3A : f32 to vector<16x8x8192xf32>
    %select_n3A = arith.select %lt3A_4, %get3A_2, %broadcast_in_dim3A : vector<16x8x8192xi1>, vector<16x8x8192xf32>
    %reduce_max3A = arith.constant dense<0xFF800000> : vector<16x8xf32>
    %reduce_max3A_5 = vector.multi_reduction <maximumf>, %select_n3A, %reduce_max3A [2] : vector<16x8x8192xf32> to vector<16x8xf32>
    %swap3A = arith.constant 0 : index
    %swap3A_6 = arith.constant 0 : index
    %swap3A_7 = vector.load %arg2[%swap3A, %swap3A_6] : memref<16x8xf32, #tpu.memory_space<vmem>>, vector<16x8xf32>
    tpu.vector_store %arg2[%swap3A, %swap3A_6], %reduce_max3A_5 {strides = array<i32>} : memref<16x8xf32, #tpu.memory_space<vmem>>, vector<16x8xf32>,
    return
  }
  func.func @transform_0(%arg0: i32) -> (i32, i32, i32) {
    %add3A = arith.constant 2 : i32
    %add3A_0 = arith.addi %arg0, %add3A : i32
    %c0_i32 = arith.constant 0 : i32
    %c0_i32_1 = arith.constant 0 : i32
    %c0_i32_2 = arith.constant 0 : i32
    return %add3A_0, %c0_i32, %c0_i32_1 : i32, i32, i32
  }
  func.func @transform_1(%arg0: i32) -> (i32, i32) {
    %c0_i32 = arith.constant 0 : i32
    %c0_i32_0 = arith.constant 0 : i32
    return %arg0, %c0_i32 : i32, i32
  }
}

module attributes {stable_mosaic.version = 14 : i64} {
  func.func @_epilogue_body(%arg0: memref<32x8x16xf32, #tpu.memory_space<vmem>>, %arg1: memref<224x8xf32, #tpu.memory_space<vmem>>, %arg2: memref<4x2016xf32, #tpu.memory_space<vmem>>, %arg3: memref<2016x1xi32, #tpu.memory_space<vmem>>, %arg4: memref<2016x1xi32, #tpu.memory_space<vmem>>, %arg5: memref<4x1xf32, #tpu.memory_space<vmem>>, %arg6: memref<1x1xf32, #tpu.memory_space<vmem>>) attributes {dimension_semantics = [], scalar_prefetch = 0 : i64, scratch_operands = 0 : i64, tpu.core_type = #tpu.core_type<tc>} {
    %get3A = arith.constant 0 : index
    %get3A_0 = arith.constant 0 : index
    %get3A_1 = arith.constant 0 : index
    %get3A_2 = vector.load %arg0[%get3A, %get3A_0, %get3A_1] : memref<32x8x16xf32, #tpu.memory_space<vmem>>, vector<32x8x16xf32>
    %reduce_max3A = arith.constant dense<0xFF800000> : vector<32x8xf32>
    %reduce_max3A_3 = vector.multi_reduction <maximumf>, %get3A_2, %reduce_max3A [2] : vector<32x8x16xf32> to vector<32x8xf32>
    %get3A_4 = arith.constant 0 : index
    %get3A_5 = arith.constant 0 : index
    %get3A_6 = vector.load %arg1[%get3A_4, %get3A_5] : memref<224x8xf32, #tpu.memory_space<vmem>>, vector<224x8xf32>
    %concatenate3A = tpu.concatenate %reduce_max3A_3, %get3A_6 in 0 : vector<32x8xf32>, vector<224x8xf32> -> vector<256x8xf32>
    %reduce_max3A_7 = arith.constant dense<0xFF800000> : vector<256xf32>
    %reduce_max3A_8 = vector.multi_reduction <maximumf>, %concatenate3A, %reduce_max3A_7 [1] : vector<256x8xf32> to vector<256xf32>
    %broadcast_in_dim3A = vector.shape_cast %reduce_max3A_8 : vector<256xf32> to vector<256x1xf32>
    %sub3A = vector.broadcast %broadcast_in_dim3A : vector<256x1xf32> to vector<256x8xf32>
    %sub3A_9 = arith.subf %concatenate3A, %sub3A : vector<256x8xf32>
    %exp3A = math.exp %sub3A_9 : vector<256x8xf32>
    %reduce_sum3A = arith.constant dense<0.000000e+00> : vector<256xf32>
    %reduce_sum3A_10 = vector.multi_reduction <add>, %exp3A, %reduce_sum3A [1] : vector<256x8xf32> to vector<256xf32>
    %broadcast_in_dim3A_11 = vector.shape_cast %reduce_sum3A_10 : vector<256xf32> to vector<256x1xf32>
    %div3A = vector.broadcast %broadcast_in_dim3A_11 : vector<256x1xf32> to vector<256x8xf32>
    %div3A_12 = arith.divf %exp3A, %div3A : vector<256x8xf32>
    %get3A_13 = arith.constant 0 : index
    %get3A_14 = arith.constant 0 : index
    %get3A_15 = vector.load %arg2[%get3A_13, %get3A_14] : memref<4x2016xf32, #tpu.memory_space<vmem>>, vector<4x2016xf32>
    %reduce_max3A_16 = arith.constant dense<0xFF800000> : vector<4xf32>
    %reduce_max3A_17 = vector.multi_reduction <maximumf>, %get3A_15, %reduce_max3A_16 [1] : vector<4x2016xf32> to vector<4xf32>
    %broadcast_in_dim3A_18 = vector.shape_cast %reduce_max3A_17 : vector<4xf32> to vector<4x1xf32>
    %sub3A_19 = vector.broadcast %broadcast_in_dim3A_18 : vector<4x1xf32> to vector<4x2016xf32>
    %sub3A_20 = arith.subf %get3A_15, %sub3A_19 : vector<4x2016xf32>
    %exp3A_21 = math.exp %sub3A_20 : vector<4x2016xf32>
    %reduce_sum3A_22 = arith.constant dense<0.000000e+00> : vector<4xf32>
    %reduce_sum3A_23 = vector.multi_reduction <add>, %exp3A_21, %reduce_sum3A_22 [1] : vector<4x2016xf32> to vector<4xf32>
    %broadcast_in_dim3A_24 = vector.shape_cast %reduce_sum3A_23 : vector<4xf32> to vector<4x1xf32>
    %iota3A = tpu.iota {dimensions = array<i32: 1>} : vector<2016x128xi32>
    %get3A_25 = arith.constant 0 : index
    %get3A_26 = arith.constant 0 : index
    %get3A_27 = vector.load %arg3[%get3A_25, %get3A_26] : memref<2016x1xi32, #tpu.memory_space<vmem>>, vector<2016x1xi32>
    %eq3A = vector.broadcast %get3A_27 : vector<2016x1xi32> to vector<2016x128xi32>
    %eq3A_28 = arith.cmpi eq, %eq3A, %iota3A : vector<2016x128xi32>
    %convert_element_type3A = arith.extui %eq3A_28 : vector<2016x128xi1> to vector<2016x128xi32>
    %convert_element_type3A_29 = arith.sitofp %convert_element_type3A : vector<2016x128xi32> to vector<2016x128xf32>
    %get3A_30 = arith.constant 0 : index
    %get3A_31 = arith.constant 0 : index
    %get3A_32 = vector.load %arg4[%get3A_30, %get3A_31] : memref<2016x1xi32, #tpu.memory_space<vmem>>, vector<2016x1xi32>
    %eq3A_33 = vector.broadcast %get3A_32 : vector<2016x1xi32> to vector<2016x128xi32>
    %eq3A_34 = arith.cmpi eq, %eq3A_33, %iota3A : vector<2016x128xi32>
    %convert_element_type3A_35 = arith.extui %eq3A_34 : vector<2016x128xi1> to vector<2016x128xi32>
    %convert_element_type3A_36 = arith.sitofp %convert_element_type3A_35 : vector<2016x128xi32> to vector<2016x128xf32>
    %add3A = arith.addf %convert_element_type3A_29, %convert_element_type3A_36 : vector<2016x128xf32>
    %dot_general3A = arith.constant dense<0.000000e+00> : vector<4x128xf32>
    %dot_general3A_37 = tpu.matmul %exp3A_21, %add3A, %dot_general3A {dimension_numbers = #tpu.dot_dimension_numbers<[1], [0], [0], [1], [0, 0, 1, 1], [], []>, transpose_lhs_hint = false} : vector<4x2016xf32>, vector<2016x128xf32>, vector<4x128xf32> -> vector<4x128xf32>
    %div3A_38 = vector.broadcast %broadcast_in_dim3A_24 : vector<4x1xf32> to vector<4x128xf32>
    %div3A_39 = arith.divf %dot_general3A_37, %div3A_38 : vector<4x128xf32>
    %slice3A = vector.extract_strided_slice %div3A_12 {offsets = [0, 0], sizes = [1, 8], strides = [1, 1]} : vector<256x8xf32> to vector<1x8xf32>
    %squeeze3A = vector.shape_cast %slice3A : vector<1x8xf32> to vector<8xf32>
    %broadcast_in_dim3A_40 = vector.shape_cast %squeeze3A : vector<8xf32> to vector<1x8xf32>
    %slice3A_41 = vector.extract_strided_slice %div3A_12 {offsets = [64, 0], sizes = [1, 8], strides = [1, 1]} : vector<256x8xf32> to vector<1x8xf32>
    %squeeze3A_42 = vector.shape_cast %slice3A_41 : vector<1x8xf32> to vector<8xf32>
    %broadcast_in_dim3A_43 = vector.shape_cast %squeeze3A_42 : vector<8xf32> to vector<1x8xf32>
    %slice3A_44 = vector.extract_strided_slice %div3A_12 {offsets = [128, 0], sizes = [1, 8], strides = [1, 1]} : vector<256x8xf32> to vector<1x8xf32>
    %squeeze3A_45 = vector.shape_cast %slice3A_44 : vector<1x8xf32> to vector<8xf32>
    %broadcast_in_dim3A_46 = vector.shape_cast %squeeze3A_45 : vector<8xf32> to vector<1x8xf32>
    %slice3A_47 = vector.extract_strided_slice %div3A_12 {offsets = [192, 0], sizes = [1, 8], strides = [1, 1]} : vector<256x8xf32> to vector<1x8xf32>
    %squeeze3A_48 = vector.shape_cast %slice3A_47 : vector<1x8xf32> to vector<8xf32>
    %broadcast_in_dim3A_49 = vector.shape_cast %squeeze3A_48 : vector<8xf32> to vector<1x8xf32>
    %concatenate3A_50 = tpu.concatenate %broadcast_in_dim3A_40, %broadcast_in_dim3A_43, %broadcast_in_dim3A_46, %broadcast_in_dim3A_49 in 0 : vector<1x8xf32>, vector<1x8xf32>, vector<1x8xf32>, vector<1x8xf32> -> vector<4x8xf32>
    %broadcast_in_dim3A_51 = arith.constant 0.000000e+00 : f32
    %broadcast_in_dim3A_52 = vector.broadcast %broadcast_in_dim3A_51 : f32 to vector<4x6xf32>
    %slice3A_53 = vector.extract_strided_slice %concatenate3A_50 {offsets = [0, 0], sizes = [4, 2], strides = [1, 1]} : vector<4x8xf32> to vector<4x2xf32>
    %concatenate3A_54 = tpu.concatenate %broadcast_in_dim3A_52, %slice3A_53 in 1 : vector<4x6xf32>, vector<4x2xf32> -> vector<4x8xf32>
    %slice3A_55 = vector.extract_strided_slice %div3A_39 {offsets = [0, 2], sizes = [4, 1], strides = [1, 1]} : vector<4x128xf32> to vector<4x1xf32>
    %slice3A_56 = vector.extract_strided_slice %div3A_12 {offsets = [1, 0], sizes = [1, 8], strides = [1, 1]} : vector<256x8xf32> to vector<1x8xf32>
    %squeeze3A_57 = vector.shape_cast %slice3A_56 : vector<1x8xf32> to vector<8xf32>
    %broadcast_in_dim3A_58 = vector.shape_cast %squeeze3A_57 : vector<8xf32> to vector<1x8xf32>
    %slice3A_59 = vector.extract_strided_slice %div3A_12 {offsets = [65, 0], sizes = [1, 8], strides = [1, 1]} : vector<256x8xf32> to vector<1x8xf32>
    %squeeze3A_60 = vector.shape_cast %slice3A_59 : vector<1x8xf32> to vector<8xf32>
    %broadcast_in_dim3A_61 = vector.shape_cast %squeeze3A_60 : vector<8xf32> to vector<1x8xf32>
    %slice3A_62 = vector.extract_strided_slice %div3A_12 {offsets = [129, 0], sizes = [1, 8], strides = [1, 1]} : vector<256x8xf32> to vector<1x8xf32>
    %squeeze3A_63 = vector.shape_cast %slice3A_62 : vector<1x8xf32> to vector<8xf32>
    %broadcast_in_dim3A_64 = vector.shape_cast %squeeze3A_63 : vector<8xf32> to vector<1x8xf32>
    %slice3A_65 = vector.extract_strided_slice %div3A_12 {offsets = [193, 0], sizes = [1, 8], strides = [1, 1]} : vector<256x8xf32> to vector<1x8xf32>
    %squeeze3A_66 = vector.shape_cast %slice3A_65 : vector<1x8xf32> to vector<8xf32>
    %broadcast_in_dim3A_67 = vector.shape_cast %squeeze3A_66 : vector<8xf32> to vector<1x8xf32>
    %concatenate3A_68 = tpu.concatenate %broadcast_in_dim3A_58, %broadcast_in_dim3A_61, %broadcast_in_dim3A_64, %broadcast_in_dim3A_67 in 0 : vector<1x8xf32>, vector<1x8xf32>, vector<1x8xf32>, vector<1x8xf32> -> vector<4x8xf32>
    %broadcast_in_dim3A_69 = arith.constant 0.000000e+00 : f32
    %broadcast_in_dim3A_70 = vector.broadcast %broadcast_in_dim3A_69 : f32 to vector<4x5xf32>
    %slice3A_71 = vector.extract_strided_slice %concatenate3A_68 {offsets = [0, 0], sizes = [4, 3], strides = [1, 1]} : vector<4x8xf32> to vector<4x3xf32>
    %concatenate3A_72 = tpu.concatenate %broadcast_in_dim3A_70, %slice3A_71 in 1 : vector<4x5xf32>, vector<4x3xf32> -> vector<4x8xf32>
    %slice3A_73 = vector.extract_strided_slice %div3A_39 {offsets = [0, 3], sizes = [4, 1], strides = [1, 1]} : vector<4x128xf32> to vector<4x1xf32>
    %slice3A_74 = vector.extract_strided_slice %div3A_12 {offsets = [2, 0], sizes = [1, 8], strides = [1, 1]} : vector<256x8xf32> to vector<1x8xf32>
    %squeeze3A_75 = vector.shape_cast %slice3A_74 : vector<1x8xf32> to vector<8xf32>
    %broadcast_in_dim3A_76 = vector.shape_cast %squeeze3A_75 : vector<8xf32> to vector<1x8xf32>
    %slice3A_77 = vector.extract_strided_slice %div3A_12 {offsets = [66, 0], sizes = [1, 8], strides = [1, 1]} : vector<256x8xf32> to vector<1x8xf32>
    %squeeze3A_78 = vector.shape_cast %slice3A_77 : vector<1x8xf32> to vector<8xf32>
    %broadcast_in_dim3A_79 = vector.shape_cast %squeeze3A_78 : vector<8xf32> to vector<1x8xf32>
    %slice3A_80 = vector.extract_strided_slice %div3A_12 {offsets = [130, 0], sizes = [1, 8], strides = [1, 1]} : vector<256x8xf32> to vector<1x8xf32>
    %squeeze3A_81 = vector.shape_cast %slice3A_80 : vector<1x8xf32> to vector<8xf32>
    %broadcast_in_dim3A_82 = vector.shape_cast %squeeze3A_81 : vector<8xf32> to vector<1x8xf32>
    %slice3A_83 = vector.extract_strided_slice %div3A_12 {offsets = [194, 0], sizes = [1, 8], strides = [1, 1]} : vector<256x8xf32> to vector<1x8xf32>
    %squeeze3A_84 = vector.shape_cast %slice3A_83 : vector<1x8xf32> to vector<8xf32>
    %broadcast_in_dim3A_85 = vector.shape_cast %squeeze3A_84 : vector<8xf32> to vector<1x8xf32>
    %concatenate3A_86 = tpu.concatenate %broadcast_in_dim3A_76, %broadcast_in_dim3A_79, %broadcast_in_dim3A_82, %broadcast_in_dim3A_85 in 0 : vector<1x8xf32>, vector<1x8xf32>, vector<1x8xf32>, vector<1x8xf32> -> vector<4x8xf32>
    %broadcast_in_dim3A_87 = arith.constant 0.000000e+00 : f32
    %broadcast_in_dim3A_88 = vector.broadcast %broadcast_in_dim3A_87 : f32 to vector<4x4xf32>
    %slice3A_89 = vector.extract_strided_slice %concatenate3A_86 {offsets = [0, 0], sizes = [4, 4], strides = [1, 1]} : vector<4x8xf32> to vector<4x4xf32>
    %concatenate3A_90 = tpu.concatenate %broadcast_in_dim3A_88, %slice3A_89 in 1 : vector<4x4xf32>, vector<4x4xf32> -> vector<4x8xf32>
    %slice3A_91 = vector.extract_strided_slice %div3A_39 {offsets = [0, 4], sizes = [4, 1], strides = [1, 1]} : vector<4x128xf32> to vector<4x1xf32>
    %slice3A_92 = vector.extract_strided_slice %div3A_12 {offsets = [3, 0], sizes = [1, 8], strides = [1, 1]} : vector<256x8xf32> to vector<1x8xf32>
    %squeeze3A_93 = vector.shape_cast %slice3A_92 : vector<1x8xf32> to vector<8xf32>
    %broadcast_in_dim3A_94 = vector.shape_cast %squeeze3A_93 : vector<8xf32> to vector<1x8xf32>
    %slice3A_95 = vector.extract_strided_slice %div3A_12 {offsets = [67, 0], sizes = [1, 8], strides = [1, 1]} : vector<256x8xf32> to vector<1x8xf32>
    %squeeze3A_96 = vector.shape_cast %slice3A_95 : vector<1x8xf32> to vector<8xf32>
    %broadcast_in_dim3A_97 = vector.shape_cast %squeeze3A_96 : vector<8xf32> to vector<1x8xf32>
    %slice3A_98 = vector.extract_strided_slice %div3A_12 {offsets = [131, 0], sizes = [1, 8], strides = [1, 1]} : vector<256x8xf32> to vector<1x8xf32>
    %squeeze3A_99 = vector.shape_cast %slice3A_98 : vector<1x8xf32> to vector<8xf32>
    %broadcast_in_dim3A_100 = vector.shape_cast %squeeze3A_99 : vector<8xf32> to vector<1x8xf32>
    %slice3A_101 = vector.extract_strided_slice %div3A_12 {offsets = [195, 0], sizes = [1, 8], strides = [1, 1]} : vector<256x8xf32> to vector<1x8xf32>
    %squeeze3A_102 = vector.shape_cast %slice3A_101 : vector<1x8xf32> to vector<8xf32>
    %broadcast_in_dim3A_103 = vector.shape_cast %squeeze3A_102 : vector<8xf32> to vector<1x8xf32>
    %concatenate3A_104 = tpu.concatenate %broadcast_in_dim3A_94, %broadcast_in_dim3A_97, %broadcast_in_dim3A_100, %broadcast_in_dim3A_103 in 0 : vector<1x8xf32>, vector<1x8xf32>, vector<1x8xf32>, vector<1x8xf32> -> vector<4x8xf32>
    %broadcast_in_dim3A_105 = arith.constant 0.000000e+00 : f32
    %broadcast_in_dim3A_106 = vector.broadcast %broadcast_in_dim3A_105 : f32 to vector<4x3xf32>
    %slice3A_107 = vector.extract_strided_slice %concatenate3A_104 {offsets = [0, 0], sizes = [4, 5], strides = [1, 1]} : vector<4x8xf32> to vector<4x5xf32>
    %concatenate3A_108 = tpu.concatenate %broadcast_in_dim3A_106, %slice3A_107 in 1 : vector<4x3xf32>, vector<4x5xf32> -> vector<4x8xf32>
    %slice3A_109 = vector.extract_strided_slice %div3A_39 {offsets = [0, 5], sizes = [4, 1], strides = [1, 1]} : vector<4x128xf32> to vector<4x1xf32>
    %slice3A_110 = vector.extract_strided_slice %div3A_12 {offsets = [4, 0], sizes = [1, 8], strides = [1, 1]} : vector<256x8xf32> to vector<1x8xf32>
    %squeeze3A_111 = vector.shape_cast %slice3A_110 : vector<1x8xf32> to vector<8xf32>
    %broadcast_in_dim3A_112 = vector.shape_cast %squeeze3A_111 : vector<8xf32> to vector<1x8xf32>
    %slice3A_113 = vector.extract_strided_slice %div3A_12 {offsets = [68, 0], sizes = [1, 8], strides = [1, 1]} : vector<256x8xf32> to vector<1x8xf32>
    %squeeze3A_114 = vector.shape_cast %slice3A_113 : vector<1x8xf32> to vector<8xf32>
    %broadcast_in_dim3A_115 = vector.shape_cast %squeeze3A_114 : vector<8xf32> to vector<1x8xf32>
    %slice3A_116 = vector.extract_strided_slice %div3A_12 {offsets = [132, 0], sizes = [1, 8], strides = [1, 1]} : vector<256x8xf32> to vector<1x8xf32>
    %squeeze3A_117 = vector.shape_cast %slice3A_116 : vector<1x8xf32> to vector<8xf32>
    %broadcast_in_dim3A_118 = vector.shape_cast %squeeze3A_117 : vector<8xf32> to vector<1x8xf32>
    %slice3A_119 = vector.extract_strided_slice %div3A_12 {offsets = [196, 0], sizes = [1, 8], strides = [1, 1]} : vector<256x8xf32> to vector<1x8xf32>
    %squeeze3A_120 = vector.shape_cast %slice3A_119 : vector<1x8xf32> to vector<8xf32>
    %broadcast_in_dim3A_121 = vector.shape_cast %squeeze3A_120 : vector<8xf32> to vector<1x8xf32>
    %concatenate3A_122 = tpu.concatenate %broadcast_in_dim3A_112, %broadcast_in_dim3A_115, %broadcast_in_dim3A_118, %broadcast_in_dim3A_121 in 0 : vector<1x8xf32>, vector<1x8xf32>, vector<1x8xf32>, vector<1x8xf32> -> vector<4x8xf32>
    %broadcast_in_dim3A_123 = arith.constant 0.000000e+00 : f32
    %broadcast_in_dim3A_124 = vector.broadcast %broadcast_in_dim3A_123 : f32 to vector<4x2xf32>
    %slice3A_125 = vector.extract_strided_slice %concatenate3A_122 {offsets = [0, 0], sizes = [4, 6], strides = [1, 1]} : vector<4x8xf32> to vector<4x6xf32>
    %concatenate3A_126 = tpu.concatenate %broadcast_in_dim3A_124, %slice3A_125 in 1 : vector<4x2xf32>, vector<4x6xf32> -> vector<4x8xf32>
    %slice3A_127 = vector.extract_strided_slice %div3A_39 {offsets = [0, 6], sizes = [4, 1], strides = [1, 1]} : vector<4x128xf32> to vector<4x1xf32>
    %slice3A_128 = vector.extract_strided_slice %div3A_12 {offsets = [5, 0], sizes = [1, 8], strides = [1, 1]} : vector<256x8xf32> to vector<1x8xf32>
    %squeeze3A_129 = vector.shape_cast %slice3A_128 : vector<1x8xf32> to vector<8xf32>
    %broadcast_in_dim3A_130 = vector.shape_cast %squeeze3A_129 : vector<8xf32> to vector<1x8xf32>
    %slice3A_131 = vector.extract_strided_slice %div3A_12 {offsets = [69, 0], sizes = [1, 8], strides = [1, 1]} : vector<256x8xf32> to vector<1x8xf32>
    %squeeze3A_132 = vector.shape_cast %slice3A_131 : vector<1x8xf32> to vector<8xf32>
    %broadcast_in_dim3A_133 = vector.shape_cast %squeeze3A_132 : vector<8xf32> to vector<1x8xf32>
    %slice3A_134 = vector.extract_strided_slice %div3A_12 {offsets = [133, 0], sizes = [1, 8], strides = [1, 1]} : vector<256x8xf32> to vector<1x8xf32>
    %squeeze3A_135 = vector.shape_cast %slice3A_134 : vector<1x8xf32> to vector<8xf32>
    %broadcast_in_dim3A_136 = vector.shape_cast %squeeze3A_135 : vector<8xf32> to vector<1x8xf32>
    %slice3A_137 = vector.extract_strided_slice %div3A_12 {offsets = [197, 0], sizes = [1, 8], strides = [1, 1]} : vector<256x8xf32> to vector<1x8xf32>
    %squeeze3A_138 = vector.shape_cast %slice3A_137 : vector<1x8xf32> to vector<8xf32>
    %broadcast_in_dim3A_139 = vector.shape_cast %squeeze3A_138 : vector<8xf32> to vector<1x8xf32>
    %concatenate3A_140 = tpu.concatenate %broadcast_in_dim3A_130, %broadcast_in_dim3A_133, %broadcast_in_dim3A_136, %broadcast_in_dim3A_139 in 0 : vector<1x8xf32>, vector<1x8xf32>, vector<1x8xf32>, vector<1x8xf32> -> vector<4x8xf32>
    %broadcast_in_dim3A_141 = arith.constant 0.000000e+00 : f32
    %broadcast_in_dim3A_142 = vector.broadcast %broadcast_in_dim3A_141 : f32 to vector<4x1xf32>
    %slice3A_143 = vector.extract_strided_slice %concatenate3A_140 {offsets = [0, 0], sizes = [4, 7], strides = [1, 1]} : vector<4x8xf32> to vector<4x7xf32>
    %concatenate3A_144 = tpu.concatenate %broadcast_in_dim3A_142, %slice3A_143 in 1 : vector<4x1xf32>, vector<4x7xf32> -> vector<4x8xf32>
    %slice3A_145 = vector.extract_strided_slice %div3A_39 {offsets = [0, 7], sizes = [4, 1], strides = [1, 1]} : vector<4x128xf32> to vector<4x1xf32>
    %slice3A_146 = vector.extract_strided_slice %div3A_12 {offsets = [6, 0], sizes = [1, 8], strides = [1, 1]} : vector<256x8xf32> to vector<1x8xf32>
    %squeeze3A_147 = vector.shape_cast %slice3A_146 : vector<1x8xf32> to vector<8xf32>
    %broadcast_in_dim3A_148 = vector.shape_cast %squeeze3A_147 : vector<8xf32> to vector<1x8xf32>
    %slice3A_149 = vector.extract_strided_slice %div3A_12 {offsets = [70, 0], sizes = [1, 8], strides = [1, 1]} : vector<256x8xf32> to vector<1x8xf32>
    %squeeze3A_150 = vector.shape_cast %slice3A_149 : vector<1x8xf32> to vector<8xf32>
    %broadcast_in_dim3A_151 = vector.shape_cast %squeeze3A_150 : vector<8xf32> to vector<1x8xf32>
    %slice3A_152 = vector.extract_strided_slice %div3A_12 {offsets = [134, 0], sizes = [1, 8], strides = [1, 1]} : vector<256x8xf32> to vector<1x8xf32>
    %squeeze3A_153 = vector.shape_cast %slice3A_152 : vector<1x8xf32> to vector<8xf32>
    %broadcast_in_dim3A_154 = vector.shape_cast %squeeze3A_153 : vector<8xf32> to vector<1x8xf32>
    %slice3A_155 = vector.extract_strided_slice %div3A_12 {offsets = [198, 0], sizes = [1, 8], strides = [1, 1]} : vector<256x8xf32> to vector<1x8xf32>
    %squeeze3A_156 = vector.shape_cast %slice3A_155 : vector<1x8xf32> to vector<8xf32>
    %broadcast_in_dim3A_157 = vector.shape_cast %squeeze3A_156 : vector<8xf32> to vector<1x8xf32>
    %concatenate3A_158 = tpu.concatenate %broadcast_in_dim3A_148, %broadcast_in_dim3A_151, %broadcast_in_dim3A_154, %broadcast_in_dim3A_157 in 0 : vector<1x8xf32>, vector<1x8xf32>, vector<1x8xf32>, vector<1x8xf32> -> vector<4x8xf32>
    %slice3A_159 = vector.extract_strided_slice %div3A_39 {offsets = [0, 8], sizes = [4, 1], strides = [1, 1]} : vector<4x128xf32> to vector<4x1xf32>
    %slice3A_160 = vector.extract_strided_slice %div3A_12 {offsets = [7, 0], sizes = [1, 8], strides = [1, 1]} : vector<256x8xf32> to vector<1x8xf32>
    %squeeze3A_161 = vector.shape_cast %slice3A_160 : vector<1x8xf32> to vector<8xf32>
    %broadcast_in_dim3A_162 = vector.shape_cast %squeeze3A_161 : vector<8xf32> to vector<1x8xf32>
    %slice3A_163 = vector.extract_strided_slice %div3A_12 {offsets = [71, 0], sizes = [1, 8], strides = [1, 1]} : vector<256x8xf32> to vector<1x8xf32>
    %squeeze3A_164 = vector.shape_cast %slice3A_163 : vector<1x8xf32> to vector<8xf32>
    %broadcast_in_dim3A_165 = vector.shape_cast %squeeze3A_164 : vector<8xf32> to vector<1x8xf32>
    %slice3A_166 = vector.extract_strided_slice %div3A_12 {offsets = [135, 0], sizes = [1, 8], strides = [1, 1]} : vector<256x8xf32> to vector<1x8xf32>
    %squeeze3A_167 = vector.shape_cast %slice3A_166 : vector<1x8xf32> to vector<8xf32>
    %broadcast_in_dim3A_168 = vector.shape_cast %squeeze3A_167 : vector<8xf32> to vector<1x8xf32>
    %slice3A_169 = vector.extract_strided_slice %div3A_12 {offsets = [199, 0], sizes = [1, 8], strides = [1, 1]} : vector<256x8xf32> to vector<1x8xf32>
    %squeeze3A_170 = vector.shape_cast %slice3A_169 : vector<1x8xf32> to vector<8xf32>
    %broadcast_in_dim3A_171 = vector.shape_cast %squeeze3A_170 : vector<8xf32> to vector<1x8xf32>
    %concatenate3A_172 = tpu.concatenate %broadcast_in_dim3A_162, %broadcast_in_dim3A_165, %broadcast_in_dim3A_168, %broadcast_in_dim3A_171 in 0 : vector<1x8xf32>, vector<1x8xf32>, vector<1x8xf32>, vector<1x8xf32> -> vector<4x8xf32>
    %slice3A_173 = vector.extract_strided_slice %div3A_39 {offsets = [0, 9], sizes = [4, 1], strides = [1, 1]} : vector<4x128xf32> to vector<4x1xf32>
    %slice3A_174 = vector.extract_strided_slice %div3A_12 {offsets = [8, 0], sizes = [1, 8], strides = [1, 1]} : vector<256x8xf32> to vector<1x8xf32>
    %squeeze3A_175 = vector.shape_cast %slice3A_174 : vector<1x8xf32> to vector<8xf32>
    %broadcast_in_dim3A_176 = vector.shape_cast %squeeze3A_175 : vector<8xf32> to vector<1x8xf32>
    %slice3A_177 = vector.extract_strided_slice %div3A_12 {offsets = [72, 0], sizes = [1, 8], strides = [1, 1]} : vector<256x8xf32> to vector<1x8xf32>
    %squeeze3A_178 = vector.shape_cast %slice3A_177 : vector<1x8xf32> to vector<8xf32>
    %broadcast_in_dim3A_179 = vector.shape_cast %squeeze3A_178 : vector<8xf32> to vector<1x8xf32>
    %slice3A_180 = vector.extract_strided_slice %div3A_12 {offsets = [136, 0], sizes = [1, 8], strides = [1, 1]} : vector<256x8xf32> to vector<1x8xf32>
    %squeeze3A_181 = vector.shape_cast %slice3A_180 : vector<1x8xf32> to vector<8xf32>
    %broadcast_in_dim3A_182 = vector.shape_cast %squeeze3A_181 : vector<8xf32> to vector<1x8xf32>
    %slice3A_183 = vector.extract_strided_slice %div3A_12 {offsets = [200, 0], sizes = [1, 8], strides = [1, 1]} : vector<256x8xf32> to vector<1x8xf32>
    %squeeze3A_184 = vector.shape_cast %slice3A_183 : vector<1x8xf32> to vector<8xf32>
    %broadcast_in_dim3A_185 = vector.shape_cast %squeeze3A_184 : vector<8xf32> to vector<1x8xf32>
    %concatenate3A_186 = tpu.concatenate %broadcast_in_dim3A_176, %broadcast_in_dim3A_179, %broadcast_in_dim3A_182, %broadcast_in_dim3A_185 in 0 : vector<1x8xf32>, vector<1x8xf32>, vector<1x8xf32>, vector<1x8xf32> -> vector<4x8xf32>
    %slice3A_187 = vector.extract_strided_slice %div3A_39 {offsets = [0, 10], sizes = [4, 1], strides = [1, 1]} : vector<4x128xf32> to vector<4x1xf32>
    %slice3A_188 = vector.extract_strided_slice %div3A_12 {offsets = [9, 0], sizes = [1, 8], strides = [1, 1]} : vector<256x8xf32> to vector<1x8xf32>
    %squeeze3A_189 = vector.shape_cast %slice3A_188 : vector<1x8xf32> to vector<8xf32>
    %broadcast_in_dim3A_190 = vector.shape_cast %squeeze3A_189 : vector<8xf32> to vector<1x8xf32>
    %slice3A_191 = vector.extract_strided_slice %div3A_12 {offsets = [73, 0], sizes = [1, 8], strides = [1, 1]} : vector<256x8xf32> to vector<1x8xf32>
    %squeeze3A_192 = vector.shape_cast %slice3A_191 : vector<1x8xf32> to vector<8xf32>
    %broadcast_in_dim3A_193 = vector.shape_cast %squeeze3A_192 : vector<8xf32> to vector<1x8xf32>
    %slice3A_194 = vector.extract_strided_slice %div3A_12 {offsets = [137, 0], sizes = [1, 8], strides = [1, 1]} : vector<256x8xf32> to vector<1x8xf32>
    %squeeze3A_195 = vector.shape_cast %slice3A_194 : vector<1x8xf32> to vector<8xf32>
    %broadcast_in_dim3A_196 = vector.shape_cast %squeeze3A_195 : vector<8xf32> to vector<1x8xf32>
    %slice3A_197 = vector.extract_strided_slice %div3A_12 {offsets = [201, 0], sizes = [1, 8], strides = [1, 1]} : vector<256x8xf32> to vector<1x8xf32>
    %squeeze3A_198 = vector.shape_cast %slice3A_197 : vector<1x8xf32> to vector<8xf32>
    %broadcast_in_dim3A_199 = vector.shape_cast %squeeze3A_198 : vector<8xf32> to vector<1x8xf32>
    %concatenate3A_200 = tpu.concatenate %broadcast_in_dim3A_190, %broadcast_in_dim3A_193, %broadcast_in_dim3A_196, %broadcast_in_dim3A_199 in 0 : vector<1x8xf32>, vector<1x8xf32>, vector<1x8xf32>, vector<1x8xf32> -> vector<4x8xf32>
    %slice3A_201 = vector.extract_strided_slice %div3A_39 {offsets = [0, 11], sizes = [4, 1], strides = [1, 1]} : vector<4x128xf32> to vector<4x1xf32>
    %slice3A_202 = vector.extract_strided_slice %div3A_12 {offsets = [10, 0], sizes = [1, 8], strides = [1, 1]} : vector<256x8xf32> to vector<1x8xf32>
    %squeeze3A_203 = vector.shape_cast %slice3A_202 : vector<1x8xf32> to vector<8xf32>
    %broadcast_in_dim3A_204 = vector.shape_cast %squeeze3A_203 : vector<8xf32> to vector<1x8xf32>
    %slice3A_205 = vector.extract_strided_slice %div3A_12 {offsets = [74, 0], sizes = [1, 8], strides = [1, 1]} : vector<256x8xf32> to vector<1x8xf32>
    %squeeze3A_206 = vector.shape_cast %slice3A_205 : vector<1x8xf32> to vector<8xf32>
    %broadcast_in_dim3A_207 = vector.shape_cast %squeeze3A_206 : vector<8xf32> to vector<1x8xf32>
    %slice3A_208 = vector.extract_strided_slice %div3A_12 {offsets = [138, 0], sizes = [1, 8], strides = [1, 1]} : vector<256x8xf32> to vector<1x8xf32>
    %squeeze3A_209 = vector.shape_cast %slice3A_208 : vector<1x8xf32> to vector<8xf32>
    %broadcast_in_dim3A_210 = vector.shape_cast %squeeze3A_209 : vector<8xf32> to vector<1x8xf32>
    %slice3A_211 = vector.extract_strided_slice %div3A_12 {offsets = [202, 0], sizes = [1, 8], strides = [1, 1]} : vector<256x8xf32> to vector<1x8xf32>
    %squeeze3A_212 = vector.shape_cast %slice3A_211 : vector<1x8xf32> to vector<8xf32>
    %broadcast_in_dim3A_213 = vector.shape_cast %squeeze3A_212 : vector<8xf32> to vector<1x8xf32>
    %concatenate3A_214 = tpu.concatenate %broadcast_in_dim3A_204, %broadcast_in_dim3A_207, %broadcast_in_dim3A_210, %broadcast_in_dim3A_213 in 0 : vector<1x8xf32>, vector<1x8xf32>, vector<1x8xf32>, vector<1x8xf32> -> vector<4x8xf32>
    %slice3A_215 = vector.extract_strided_slice %div3A_39 {offsets = [0, 12], sizes = [4, 1], strides = [1, 1]} : vector<4x128xf32> to vector<4x1xf32>
    %slice3A_216 = vector.extract_strided_slice %div3A_12 {offsets = [11, 0], sizes = [1, 8], strides = [1, 1]} : vector<256x8xf32> to vector<1x8xf32>
    %squeeze3A_217 = vector.shape_cast %slice3A_216 : vector<1x8xf32> to vector<8xf32>
    %broadcast_in_dim3A_218 = vector.shape_cast %squeeze3A_217 : vector<8xf32> to vector<1x8xf32>
    %slice3A_219 = vector.extract_strided_slice %div3A_12 {offsets = [75, 0], sizes = [1, 8], strides = [1, 1]} : vector<256x8xf32> to vector<1x8xf32>
    %squeeze3A_220 = vector.shape_cast %slice3A_219 : vector<1x8xf32> to vector<8xf32>
    %broadcast_in_dim3A_221 = vector.shape_cast %squeeze3A_220 : vector<8xf32> to vector<1x8xf32>
    %slice3A_222 = vector.extract_strided_slice %div3A_12 {offsets = [139, 0], sizes = [1, 8], strides = [1, 1]} : vector<256x8xf32> to vector<1x8xf32>
    %squeeze3A_223 = vector.shape_cast %slice3A_222 : vector<1x8xf32> to vector<8xf32>
    %broadcast_in_dim3A_224 = vector.shape_cast %squeeze3A_223 : vector<8xf32> to vector<1x8xf32>
    %slice3A_225 = vector.extract_strided_slice %div3A_12 {offsets = [203, 0], sizes = [1, 8], strides = [1, 1]} : vector<256x8xf32> to vector<1x8xf32>
    %squeeze3A_226 = vector.shape_cast %slice3A_225 : vector<1x8xf32> to vector<8xf32>
    %broadcast_in_dim3A_227 = vector.shape_cast %squeeze3A_226 : vector<8xf32> to vector<1x8xf32>
    %concatenate3A_228 = tpu.concatenate %broadcast_in_dim3A_218, %broadcast_in_dim3A_221, %broadcast_in_dim3A_224, %broadcast_in_dim3A_227 in 0 : vector<1x8xf32>, vector<1x8xf32>, vector<1x8xf32>, vector<1x8xf32> -> vector<4x8xf32>
    %slice3A_229 = vector.extract_strided_slice %div3A_39 {offsets = [0, 13], sizes = [4, 1], strides = [1, 1]} : vector<4x128xf32> to vector<4x1xf32>
    %slice3A_230 = vector.extract_strided_slice %div3A_12 {offsets = [12, 0], sizes = [1, 8], strides = [1, 1]} : vector<256x8xf32> to vector<1x8xf32>
    %squeeze3A_231 = vector.shape_cast %slice3A_230 : vector<1x8xf32> to vector<8xf32>
    %broadcast_in_dim3A_232 = vector.shape_cast %squeeze3A_231 : vector<8xf32> to vector<1x8xf32>
    %slice3A_233 = vector.extract_strided_slice %div3A_12 {offsets = [76, 0], sizes = [1, 8], strides = [1, 1]} : vector<256x8xf32> to vector<1x8xf32>
    %squeeze3A_234 = vector.shape_cast %slice3A_233 : vector<1x8xf32> to vector<8xf32>
    %broadcast_in_dim3A_235 = vector.shape_cast %squeeze3A_234 : vector<8xf32> to vector<1x8xf32>
    %slice3A_236 = vector.extract_strided_slice %div3A_12 {offsets = [140, 0], sizes = [1, 8], strides = [1, 1]} : vector<256x8xf32> to vector<1x8xf32>
    %squeeze3A_237 = vector.shape_cast %slice3A_236 : vector<1x8xf32> to vector<8xf32>
    %broadcast_in_dim3A_238 = vector.shape_cast %squeeze3A_237 : vector<8xf32> to vector<1x8xf32>
    %slice3A_239 = vector.extract_strided_slice %div3A_12 {offsets = [204, 0], sizes = [1, 8], strides = [1, 1]} : vector<256x8xf32> to vector<1x8xf32>
    %squeeze3A_240 = vector.shape_cast %slice3A_239 : vector<1x8xf32> to vector<8xf32>
    %broadcast_in_dim3A_241 = vector.shape_cast %squeeze3A_240 : vector<8xf32> to vector<1x8xf32>
    %concatenate3A_242 = tpu.concatenate %broadcast_in_dim3A_232, %broadcast_in_dim3A_235, %broadcast_in_dim3A_238, %broadcast_in_dim3A_241 in 0 : vector<1x8xf32>, vector<1x8xf32>, vector<1x8xf32>, vector<1x8xf32> -> vector<4x8xf32>
    %slice3A_243 = vector.extract_strided_slice %div3A_39 {offsets = [0, 14], sizes = [4, 1], strides = [1, 1]} : vector<4x128xf32> to vector<4x1xf32>
    %slice3A_244 = vector.extract_strided_slice %div3A_12 {offsets = [13, 0], sizes = [1, 8], strides = [1, 1]} : vector<256x8xf32> to vector<1x8xf32>
    %squeeze3A_245 = vector.shape_cast %slice3A_244 : vector<1x8xf32> to vector<8xf32>
    %broadcast_in_dim3A_246 = vector.shape_cast %squeeze3A_245 : vector<8xf32> to vector<1x8xf32>
    %slice3A_247 = vector.extract_strided_slice %div3A_12 {offsets = [77, 0], sizes = [1, 8], strides = [1, 1]} : vector<256x8xf32> to vector<1x8xf32>
    %squeeze3A_248 = vector.shape_cast %slice3A_247 : vector<1x8xf32> to vector<8xf32>
    %broadcast_in_dim3A_249 = vector.shape_cast %squeeze3A_248 : vector<8xf32> to vector<1x8xf32>
    %slice3A_250 = vector.extract_strided_slice %div3A_12 {offsets = [141, 0], sizes = [1, 8], strides = [1, 1]} : vector<256x8xf32> to vector<1x8xf32>
    %squeeze3A_251 = vector.shape_cast %slice3A_250 : vector<1x8xf32> to vector<8xf32>
    %broadcast_in_dim3A_252 = vector.shape_cast %squeeze3A_251 : vector<8xf32> to vector<1x8xf32>
    %slice3A_253 = vector.extract_strided_slice %div3A_12 {offsets = [205, 0], sizes = [1, 8], strides = [1, 1]} : vector<256x8xf32> to vector<1x8xf32>
    %squeeze3A_254 = vector.shape_cast %slice3A_253 : vector<1x8xf32> to vector<8xf32>
    %broadcast_in_dim3A_255 = vector.shape_cast %squeeze3A_254 : vector<8xf32> to vector<1x8xf32>
    %concatenate3A_256 = tpu.concatenate %broadcast_in_dim3A_246, %broadcast_in_dim3A_249, %broadcast_in_dim3A_252, %broadcast_in_dim3A_255 in 0 : vector<1x8xf32>, vector<1x8xf32>, vector<1x8xf32>, vector<1x8xf32> -> vector<4x8xf32>
    %slice3A_257 = vector.extract_strided_slice %div3A_39 {offsets = [0, 15], sizes = [4, 1], strides = [1, 1]} : vector<4x128xf32> to vector<4x1xf32>
    %slice3A_258 = vector.extract_strided_slice %div3A_12 {offsets = [14, 0], sizes = [1, 8], strides = [1, 1]} : vector<256x8xf32> to vector<1x8xf32>
    %squeeze3A_259 = vector.shape_cast %slice3A_258 : vector<1x8xf32> to vector<8xf32>
    %broadcast_in_dim3A_260 = vector.shape_cast %squeeze3A_259 : vector<8xf32> to vector<1x8xf32>
    %slice3A_261 = vector.extract_strided_slice %div3A_12 {offsets = [78, 0], sizes = [1, 8], strides = [1, 1]} : vector<256x8xf32> to vector<1x8xf32>
    %squeeze3A_262 = vector.shape_cast %slice3A_261 : vector<1x8xf32> to vector<8xf32>
    %broadcast_in_dim3A_263 = vector.shape_cast %squeeze3A_262 : vector<8xf32> to vector<1x8xf32>
    %slice3A_264 = vector.extract_strided_slice %div3A_12 {offsets = [142, 0], sizes = [1, 8], strides = [1, 1]} : vector<256x8xf32> to vector<1x8xf32>
    %squeeze3A_265 = vector.shape_cast %slice3A_264 : vector<1x8xf32> to vector<8xf32>
    %broadcast_in_dim3A_266 = vector.shape_cast %squeeze3A_265 : vector<8xf32> to vector<1x8xf32>
    %slice3A_267 = vector.extract_strided_slice %div3A_12 {offsets = [206, 0], sizes = [1, 8], strides = [1, 1]} : vector<256x8xf32> to vector<1x8xf32>
    %squeeze3A_268 = vector.shape_cast %slice3A_267 : vector<1x8xf32> to vector<8xf32>
    %broadcast_in_dim3A_269 = vector.shape_cast %squeeze3A_268 : vector<8xf32> to vector<1x8xf32>
    %concatenate3A_270 = tpu.concatenate %broadcast_in_dim3A_260, %broadcast_in_dim3A_263, %broadcast_in_dim3A_266, %broadcast_in_dim3A_269 in 0 : vector<1x8xf32>, vector<1x8xf32>, vector<1x8xf32>, vector<1x8xf32> -> vector<4x8xf32>
    %slice3A_271 = vector.extract_strided_slice %div3A_39 {offsets = [0, 16], sizes = [4, 1], strides = [1, 1]} : vector<4x128xf32> to vector<4x1xf32>
    %slice3A_272 = vector.extract_strided_slice %div3A_12 {offsets = [15, 0], sizes = [1, 8], strides = [1, 1]} : vector<256x8xf32> to vector<1x8xf32>
    %squeeze3A_273 = vector.shape_cast %slice3A_272 : vector<1x8xf32> to vector<8xf32>
    %broadcast_in_dim3A_274 = vector.shape_cast %squeeze3A_273 : vector<8xf32> to vector<1x8xf32>
    %slice3A_275 = vector.extract_strided_slice %div3A_12 {offsets = [79, 0], sizes = [1, 8], strides = [1, 1]} : vector<256x8xf32> to vector<1x8xf32>
    %squeeze3A_276 = vector.shape_cast %slice3A_275 : vector<1x8xf32> to vector<8xf32>
    %broadcast_in_dim3A_277 = vector.shape_cast %squeeze3A_276 : vector<8xf32> to vector<1x8xf32>
    %slice3A_278 = vector.extract_strided_slice %div3A_12 {offsets = [143, 0], sizes = [1, 8], strides = [1, 1]} : vector<256x8xf32> to vector<1x8xf32>
    %squeeze3A_279 = vector.shape_cast %slice3A_278 : vector<1x8xf32> to vector<8xf32>
    %broadcast_in_dim3A_280 = vector.shape_cast %squeeze3A_279 : vector<8xf32> to vector<1x8xf32>
    %slice3A_281 = vector.extract_strided_slice %div3A_12 {offsets = [207, 0], sizes = [1, 8], strides = [1, 1]} : vector<256x8xf32> to vector<1x8xf32>
    %squeeze3A_282 = vector.shape_cast %slice3A_281 : vector<1x8xf32> to vector<8xf32>
    %broadcast_in_dim3A_283 = vector.shape_cast %squeeze3A_282 : vector<8xf32> to vector<1x8xf32>
    %concatenate3A_284 = tpu.concatenate %broadcast_in_dim3A_274, %broadcast_in_dim3A_277, %broadcast_in_dim3A_280, %broadcast_in_dim3A_283 in 0 : vector<1x8xf32>, vector<1x8xf32>, vector<1x8xf32>, vector<1x8xf32> -> vector<4x8xf32>
    %slice3A_285 = vector.extract_strided_slice %div3A_39 {offsets = [0, 17], sizes = [4, 1], strides = [1, 1]} : vector<4x128xf32> to vector<4x1xf32>
    %slice3A_286 = vector.extract_strided_slice %div3A_12 {offsets = [16, 0], sizes = [1, 8], strides = [1, 1]} : vector<256x8xf32> to vector<1x8xf32>
    %squeeze3A_287 = vector.shape_cast %slice3A_286 : vector<1x8xf32> to vector<8xf32>
    %broadcast_in_dim3A_288 = vector.shape_cast %squeeze3A_287 : vector<8xf32> to vector<1x8xf32>
    %slice3A_289 = vector.extract_strided_slice %div3A_12 {offsets = [80, 0], sizes = [1, 8], strides = [1, 1]} : vector<256x8xf32> to vector<1x8xf32>
    %squeeze3A_290 = vector.shape_cast %slice3A_289 : vector<1x8xf32> to vector<8xf32>
    %broadcast_in_dim3A_291 = vector.shape_cast %squeeze3A_290 : vector<8xf32> to vector<1x8xf32>
    %slice3A_292 = vector.extract_strided_slice %div3A_12 {offsets = [144, 0], sizes = [1, 8], strides = [1, 1]} : vector<256x8xf32> to vector<1x8xf32>
    %squeeze3A_293 = vector.shape_cast %slice3A_292 : vector<1x8xf32> to vector<8xf32>
    %broadcast_in_dim3A_294 = vector.shape_cast %squeeze3A_293 : vector<8xf32> to vector<1x8xf32>
    %slice3A_295 = vector.extract_strided_slice %div3A_12 {offsets = [208, 0], sizes = [1, 8], strides = [1, 1]} : vector<256x8xf32> to vector<1x8xf32>
    %squeeze3A_296 = vector.shape_cast %slice3A_295 : vector<1x8xf32> to vector<8xf32>
    %broadcast_in_dim3A_297 = vector.shape_cast %squeeze3A_296 : vector<8xf32> to vector<1x8xf32>
    %concatenate3A_298 = tpu.concatenate %broadcast_in_dim3A_288, %broadcast_in_dim3A_291, %broadcast_in_dim3A_294, %broadcast_in_dim3A_297 in 0 : vector<1x8xf32>, vector<1x8xf32>, vector<1x8xf32>, vector<1x8xf32> -> vector<4x8xf32>
    %slice3A_299 = vector.extract_strided_slice %div3A_39 {offsets = [0, 18], sizes = [4, 1], strides = [1, 1]} : vector<4x128xf32> to vector<4x1xf32>
    %slice3A_300 = vector.extract_strided_slice %div3A_12 {offsets = [17, 0], sizes = [1, 8], strides = [1, 1]} : vector<256x8xf32> to vector<1x8xf32>
    %squeeze3A_301 = vector.shape_cast %slice3A_300 : vector<1x8xf32> to vector<8xf32>
    %broadcast_in_dim3A_302 = vector.shape_cast %squeeze3A_301 : vector<8xf32> to vector<1x8xf32>
    %slice3A_303 = vector.extract_strided_slice %div3A_12 {offsets = [81, 0], sizes = [1, 8], strides = [1, 1]} : vector<256x8xf32> to vector<1x8xf32>
    %squeeze3A_304 = vector.shape_cast %slice3A_303 : vector<1x8xf32> to vector<8xf32>
    %broadcast_in_dim3A_305 = vector.shape_cast %squeeze3A_304 : vector<8xf32> to vector<1x8xf32>
    %slice3A_306 = vector.extract_strided_slice %div3A_12 {offsets = [145, 0], sizes = [1, 8], strides = [1, 1]} : vector<256x8xf32> to vector<1x8xf32>
    %squeeze3A_307 = vector.shape_cast %slice3A_306 : vector<1x8xf32> to vector<8xf32>
    %broadcast_in_dim3A_308 = vector.shape_cast %squeeze3A_307 : vector<8xf32> to vector<1x8xf32>
    %slice3A_309 = vector.extract_strided_slice %div3A_12 {offsets = [209, 0], sizes = [1, 8], strides = [1, 1]} : vector<256x8xf32> to vector<1x8xf32>
    %squeeze3A_310 = vector.shape_cast %slice3A_309 : vector<1x8xf32> to vector<8xf32>
    %broadcast_in_dim3A_311 = vector.shape_cast %squeeze3A_310 : vector<8xf32> to vector<1x8xf32>
    %concatenate3A_312 = tpu.concatenate %broadcast_in_dim3A_302, %broadcast_in_dim3A_305, %broadcast_in_dim3A_308, %broadcast_in_dim3A_311 in 0 : vector<1x8xf32>, vector<1x8xf32>, vector<1x8xf32>, vector<1x8xf32> -> vector<4x8xf32>
    %slice3A_313 = vector.extract_strided_slice %div3A_39 {offsets = [0, 19], sizes = [4, 1], strides = [1, 1]} : vector<4x128xf32> to vector<4x1xf32>
    %slice3A_314 = vector.extract_strided_slice %div3A_12 {offsets = [18, 0], sizes = [1, 8], strides = [1, 1]} : vector<256x8xf32> to vector<1x8xf32>
    %squeeze3A_315 = vector.shape_cast %slice3A_314 : vector<1x8xf32> to vector<8xf32>
    %broadcast_in_dim3A_316 = vector.shape_cast %squeeze3A_315 : vector<8xf32> to vector<1x8xf32>
    %slice3A_317 = vector.extract_strided_slice %div3A_12 {offsets = [82, 0], sizes = [1, 8], strides = [1, 1]} : vector<256x8xf32> to vector<1x8xf32>
    %squeeze3A_318 = vector.shape_cast %slice3A_317 : vector<1x8xf32> to vector<8xf32>
    %broadcast_in_dim3A_319 = vector.shape_cast %squeeze3A_318 : vector<8xf32> to vector<1x8xf32>
    %slice3A_320 = vector.extract_strided_slice %div3A_12 {offsets = [146, 0], sizes = [1, 8], strides = [1, 1]} : vector<256x8xf32> to vector<1x8xf32>
    %squeeze3A_321 = vector.shape_cast %slice3A_320 : vector<1x8xf32> to vector<8xf32>
    %broadcast_in_dim3A_322 = vector.shape_cast %squeeze3A_321 : vector<8xf32> to vector<1x8xf32>
    %slice3A_323 = vector.extract_strided_slice %div3A_12 {offsets = [210, 0], sizes = [1, 8], strides = [1, 1]} : vector<256x8xf32> to vector<1x8xf32>
    %squeeze3A_324 = vector.shape_cast %slice3A_323 : vector<1x8xf32> to vector<8xf32>
    %broadcast_in_dim3A_325 = vector.shape_cast %squeeze3A_324 : vector<8xf32> to vector<1x8xf32>
    %concatenate3A_326 = tpu.concatenate %broadcast_in_dim3A_316, %broadcast_in_dim3A_319, %broadcast_in_dim3A_322, %broadcast_in_dim3A_325 in 0 : vector<1x8xf32>, vector<1x8xf32>, vector<1x8xf32>, vector<1x8xf32> -> vector<4x8xf32>
    %slice3A_327 = vector.extract_strided_slice %div3A_39 {offsets = [0, 20], sizes = [4, 1], strides = [1, 1]} : vector<4x128xf32> to vector<4x1xf32>
    %slice3A_328 = vector.extract_strided_slice %div3A_12 {offsets = [19, 0], sizes = [1, 8], strides = [1, 1]} : vector<256x8xf32> to vector<1x8xf32>
    %squeeze3A_329 = vector.shape_cast %slice3A_328 : vector<1x8xf32> to vector<8xf32>
    %broadcast_in_dim3A_330 = vector.shape_cast %squeeze3A_329 : vector<8xf32> to vector<1x8xf32>
    %slice3A_331 = vector.extract_strided_slice %div3A_12 {offsets = [83, 0], sizes = [1, 8], strides = [1, 1]} : vector<256x8xf32> to vector<1x8xf32>
    %squeeze3A_332 = vector.shape_cast %slice3A_331 : vector<1x8xf32> to vector<8xf32>
    %broadcast_in_dim3A_333 = vector.shape_cast %squeeze3A_332 : vector<8xf32> to vector<1x8xf32>
    %slice3A_334 = vector.extract_strided_slice %div3A_12 {offsets = [147, 0], sizes = [1, 8], strides = [1, 1]} : vector<256x8xf32> to vector<1x8xf32>
    %squeeze3A_335 = vector.shape_cast %slice3A_334 : vector<1x8xf32> to vector<8xf32>
    %broadcast_in_dim3A_336 = vector.shape_cast %squeeze3A_335 : vector<8xf32> to vector<1x8xf32>
    %slice3A_337 = vector.extract_strided_slice %div3A_12 {offsets = [211, 0], sizes = [1, 8], strides = [1, 1]} : vector<256x8xf32> to vector<1x8xf32>
    %squeeze3A_338 = vector.shape_cast %slice3A_337 : vector<1x8xf32> to vector<8xf32>
    %broadcast_in_dim3A_339 = vector.shape_cast %squeeze3A_338 : vector<8xf32> to vector<1x8xf32>
    %concatenate3A_340 = tpu.concatenate %broadcast_in_dim3A_330, %broadcast_in_dim3A_333, %broadcast_in_dim3A_336, %broadcast_in_dim3A_339 in 0 : vector<1x8xf32>, vector<1x8xf32>, vector<1x8xf32>, vector<1x8xf32> -> vector<4x8xf32>
    %slice3A_341 = vector.extract_strided_slice %div3A_39 {offsets = [0, 21], sizes = [4, 1], strides = [1, 1]} : vector<4x128xf32> to vector<4x1xf32>
    %slice3A_342 = vector.extract_strided_slice %div3A_12 {offsets = [20, 0], sizes = [1, 8], strides = [1, 1]} : vector<256x8xf32> to vector<1x8xf32>
    %squeeze3A_343 = vector.shape_cast %slice3A_342 : vector<1x8xf32> to vector<8xf32>
    %broadcast_in_dim3A_344 = vector.shape_cast %squeeze3A_343 : vector<8xf32> to vector<1x8xf32>
    %slice3A_345 = vector.extract_strided_slice %div3A_12 {offsets = [84, 0], sizes = [1, 8], strides = [1, 1]} : vector<256x8xf32> to vector<1x8xf32>
    %squeeze3A_346 = vector.shape_cast %slice3A_345 : vector<1x8xf32> to vector<8xf32>
    %broadcast_in_dim3A_347 = vector.shape_cast %squeeze3A_346 : vector<8xf32> to vector<1x8xf32>
    %slice3A_348 = vector.extract_strided_slice %div3A_12 {offsets = [148, 0], sizes = [1, 8], strides = [1, 1]} : vector<256x8xf32> to vector<1x8xf32>
    %squeeze3A_349 = vector.shape_cast %slice3A_348 : vector<1x8xf32> to vector<8xf32>
    %broadcast_in_dim3A_350 = vector.shape_cast %squeeze3A_349 : vector<8xf32> to vector<1x8xf32>
    %slice3A_351 = vector.extract_strided_slice %div3A_12 {offsets = [212, 0], sizes = [1, 8], strides = [1, 1]} : vector<256x8xf32> to vector<1x8xf32>
    %squeeze3A_352 = vector.shape_cast %slice3A_351 : vector<1x8xf32> to vector<8xf32>
    %broadcast_in_dim3A_353 = vector.shape_cast %squeeze3A_352 : vector<8xf32> to vector<1x8xf32>
    %concatenate3A_354 = tpu.concatenate %broadcast_in_dim3A_344, %broadcast_in_dim3A_347, %broadcast_in_dim3A_350, %broadcast_in_dim3A_353 in 0 : vector<1x8xf32>, vector<1x8xf32>, vector<1x8xf32>, vector<1x8xf32> -> vector<4x8xf32>
    %slice3A_355 = vector.extract_strided_slice %div3A_39 {offsets = [0, 22], sizes = [4, 1], strides = [1, 1]} : vector<4x128xf32> to vector<4x1xf32>
    %slice3A_356 = vector.extract_strided_slice %div3A_12 {offsets = [21, 0], sizes = [1, 8], strides = [1, 1]} : vector<256x8xf32> to vector<1x8xf32>
    %squeeze3A_357 = vector.shape_cast %slice3A_356 : vector<1x8xf32> to vector<8xf32>
    %broadcast_in_dim3A_358 = vector.shape_cast %squeeze3A_357 : vector<8xf32> to vector<1x8xf32>
    %slice3A_359 = vector.extract_strided_slice %div3A_12 {offsets = [85, 0], sizes = [1, 8], strides = [1, 1]} : vector<256x8xf32> to vector<1x8xf32>
    %squeeze3A_360 = vector.shape_cast %slice3A_359 : vector<1x8xf32> to vector<8xf32>
    %broadcast_in_dim3A_361 = vector.shape_cast %squeeze3A_360 : vector<8xf32> to vector<1x8xf32>
    %slice3A_362 = vector.extract_strided_slice %div3A_12 {offsets = [149, 0], sizes = [1, 8], strides = [1, 1]} : vector<256x8xf32> to vector<1x8xf32>
    %squeeze3A_363 = vector.shape_cast %slice3A_362 : vector<1x8xf32> to vector<8xf32>
    %broadcast_in_dim3A_364 = vector.shape_cast %squeeze3A_363 : vector<8xf32> to vector<1x8xf32>
    %slice3A_365 = vector.extract_strided_slice %div3A_12 {offsets = [213, 0], sizes = [1, 8], strides = [1, 1]} : vector<256x8xf32> to vector<1x8xf32>
    %squeeze3A_366 = vector.shape_cast %slice3A_365 : vector<1x8xf32> to vector<8xf32>
    %broadcast_in_dim3A_367 = vector.shape_cast %squeeze3A_366 : vector<8xf32> to vector<1x8xf32>
    %concatenate3A_368 = tpu.concatenate %broadcast_in_dim3A_358, %broadcast_in_dim3A_361, %broadcast_in_dim3A_364, %broadcast_in_dim3A_367 in 0 : vector<1x8xf32>, vector<1x8xf32>, vector<1x8xf32>, vector<1x8xf32> -> vector<4x8xf32>
    %slice3A_369 = vector.extract_strided_slice %div3A_39 {offsets = [0, 23], sizes = [4, 1], strides = [1, 1]} : vector<4x128xf32> to vector<4x1xf32>
    %slice3A_370 = vector.extract_strided_slice %div3A_12 {offsets = [22, 0], sizes = [1, 8], strides = [1, 1]} : vector<256x8xf32> to vector<1x8xf32>
    %squeeze3A_371 = vector.shape_cast %slice3A_370 : vector<1x8xf32> to vector<8xf32>
    %broadcast_in_dim3A_372 = vector.shape_cast %squeeze3A_371 : vector<8xf32> to vector<1x8xf32>
    %slice3A_373 = vector.extract_strided_slice %div3A_12 {offsets = [86, 0], sizes = [1, 8], strides = [1, 1]} : vector<256x8xf32> to vector<1x8xf32>
    %squeeze3A_374 = vector.shape_cast %slice3A_373 : vector<1x8xf32> to vector<8xf32>
    %broadcast_in_dim3A_375 = vector.shape_cast %squeeze3A_374 : vector<8xf32> to vector<1x8xf32>
    %slice3A_376 = vector.extract_strided_slice %div3A_12 {offsets = [150, 0], sizes = [1, 8], strides = [1, 1]} : vector<256x8xf32> to vector<1x8xf32>
    %squeeze3A_377 = vector.shape_cast %slice3A_376 : vector<1x8xf32> to vector<8xf32>
    %broadcast_in_dim3A_378 = vector.shape_cast %squeeze3A_377 : vector<8xf32> to vector<1x8xf32>
    %slice3A_379 = vector.extract_strided_slice %div3A_12 {offsets = [214, 0], sizes = [1, 8], strides = [1, 1]} : vector<256x8xf32> to vector<1x8xf32>
    %squeeze3A_380 = vector.shape_cast %slice3A_379 : vector<1x8xf32> to vector<8xf32>
    %broadcast_in_dim3A_381 = vector.shape_cast %squeeze3A_380 : vector<8xf32> to vector<1x8xf32>
    %concatenate3A_382 = tpu.concatenate %broadcast_in_dim3A_372, %broadcast_in_dim3A_375, %broadcast_in_dim3A_378, %broadcast_in_dim3A_381 in 0 : vector<1x8xf32>, vector<1x8xf32>, vector<1x8xf32>, vector<1x8xf32> -> vector<4x8xf32>
    %slice3A_383 = vector.extract_strided_slice %div3A_39 {offsets = [0, 24], sizes = [4, 1], strides = [1, 1]} : vector<4x128xf32> to vector<4x1xf32>
    %slice3A_384 = vector.extract_strided_slice %div3A_12 {offsets = [23, 0], sizes = [1, 8], strides = [1, 1]} : vector<256x8xf32> to vector<1x8xf32>
    %squeeze3A_385 = vector.shape_cast %slice3A_384 : vector<1x8xf32> to vector<8xf32>
    %broadcast_in_dim3A_386 = vector.shape_cast %squeeze3A_385 : vector<8xf32> to vector<1x8xf32>
    %slice3A_387 = vector.extract_strided_slice %div3A_12 {offsets = [87, 0], sizes = [1, 8], strides = [1, 1]} : vector<256x8xf32> to vector<1x8xf32>
    %squeeze3A_388 = vector.shape_cast %slice3A_387 : vector<1x8xf32> to vector<8xf32>
    %broadcast_in_dim3A_389 = vector.shape_cast %squeeze3A_388 : vector<8xf32> to vector<1x8xf32>
    %slice3A_390 = vector.extract_strided_slice %div3A_12 {offsets = [151, 0], sizes = [1, 8], strides = [1, 1]} : vector<256x8xf32> to vector<1x8xf32>
    %squeeze3A_391 = vector.shape_cast %slice3A_390 : vector<1x8xf32> to vector<8xf32>
    %broadcast_in_dim3A_392 = vector.shape_cast %squeeze3A_391 : vector<8xf32> to vector<1x8xf32>
    %slice3A_393 = vector.extract_strided_slice %div3A_12 {offsets = [215, 0], sizes = [1, 8], strides = [1, 1]} : vector<256x8xf32> to vector<1x8xf32>
    %squeeze3A_394 = vector.shape_cast %slice3A_393 : vector<1x8xf32> to vector<8xf32>
    %broadcast_in_dim3A_395 = vector.shape_cast %squeeze3A_394 : vector<8xf32> to vector<1x8xf32>
    %concatenate3A_396 = tpu.concatenate %broadcast_in_dim3A_386, %broadcast_in_dim3A_389, %broadcast_in_dim3A_392, %broadcast_in_dim3A_395 in 0 : vector<1x8xf32>, vector<1x8xf32>, vector<1x8xf32>, vector<1x8xf32> -> vector<4x8xf32>
    %slice3A_397 = vector.extract_strided_slice %div3A_39 {offsets = [0, 25], sizes = [4, 1], strides = [1, 1]} : vector<4x128xf32> to vector<4x1xf32>
    %slice3A_398 = vector.extract_strided_slice %div3A_12 {offsets = [24, 0], sizes = [1, 8], strides = [1, 1]} : vector<256x8xf32> to vector<1x8xf32>
    %squeeze3A_399 = vector.shape_cast %slice3A_398 : vector<1x8xf32> to vector<8xf32>
    %broadcast_in_dim3A_400 = vector.shape_cast %squeeze3A_399 : vector<8xf32> to vector<1x8xf32>
    %slice3A_401 = vector.extract_strided_slice %div3A_12 {offsets = [88, 0], sizes = [1, 8], strides = [1, 1]} : vector<256x8xf32> to vector<1x8xf32>
    %squeeze3A_402 = vector.shape_cast %slice3A_401 : vector<1x8xf32> to vector<8xf32>
    %broadcast_in_dim3A_403 = vector.shape_cast %squeeze3A_402 : vector<8xf32> to vector<1x8xf32>
    %slice3A_404 = vector.extract_strided_slice %div3A_12 {offsets = [152, 0], sizes = [1, 8], strides = [1, 1]} : vector<256x8xf32> to vector<1x8xf32>
    %squeeze3A_405 = vector.shape_cast %slice3A_404 : vector<1x8xf32> to vector<8xf32>
    %broadcast_in_dim3A_406 = vector.shape_cast %squeeze3A_405 : vector<8xf32> to vector<1x8xf32>
    %slice3A_407 = vector.extract_strided_slice %div3A_12 {offsets = [216, 0], sizes = [1, 8], strides = [1, 1]} : vector<256x8xf32> to vector<1x8xf32>
    %squeeze3A_408 = vector.shape_cast %slice3A_407 : vector<1x8xf32> to vector<8xf32>
    %broadcast_in_dim3A_409 = vector.shape_cast %squeeze3A_408 : vector<8xf32> to vector<1x8xf32>
    %concatenate3A_410 = tpu.concatenate %broadcast_in_dim3A_400, %broadcast_in_dim3A_403, %broadcast_in_dim3A_406, %broadcast_in_dim3A_409 in 0 : vector<1x8xf32>, vector<1x8xf32>, vector<1x8xf32>, vector<1x8xf32> -> vector<4x8xf32>
    %slice3A_411 = vector.extract_strided_slice %div3A_39 {offsets = [0, 26], sizes = [4, 1], strides = [1, 1]} : vector<4x128xf32> to vector<4x1xf32>
    %slice3A_412 = vector.extract_strided_slice %div3A_12 {offsets = [25, 0], sizes = [1, 8], strides = [1, 1]} : vector<256x8xf32> to vector<1x8xf32>
    %squeeze3A_413 = vector.shape_cast %slice3A_412 : vector<1x8xf32> to vector<8xf32>
    %broadcast_in_dim3A_414 = vector.shape_cast %squeeze3A_413 : vector<8xf32> to vector<1x8xf32>
    %slice3A_415 = vector.extract_strided_slice %div3A_12 {offsets = [89, 0], sizes = [1, 8], strides = [1, 1]} : vector<256x8xf32> to vector<1x8xf32>
    %squeeze3A_416 = vector.shape_cast %slice3A_415 : vector<1x8xf32> to vector<8xf32>
    %broadcast_in_dim3A_417 = vector.shape_cast %squeeze3A_416 : vector<8xf32> to vector<1x8xf32>
    %slice3A_418 = vector.extract_strided_slice %div3A_12 {offsets = [153, 0], sizes = [1, 8], strides = [1, 1]} : vector<256x8xf32> to vector<1x8xf32>
    %squeeze3A_419 = vector.shape_cast %slice3A_418 : vector<1x8xf32> to vector<8xf32>
    %broadcast_in_dim3A_420 = vector.shape_cast %squeeze3A_419 : vector<8xf32> to vector<1x8xf32>
    %slice3A_421 = vector.extract_strided_slice %div3A_12 {offsets = [217, 0], sizes = [1, 8], strides = [1, 1]} : vector<256x8xf32> to vector<1x8xf32>
    %squeeze3A_422 = vector.shape_cast %slice3A_421 : vector<1x8xf32> to vector<8xf32>
    %broadcast_in_dim3A_423 = vector.shape_cast %squeeze3A_422 : vector<8xf32> to vector<1x8xf32>
    %concatenate3A_424 = tpu.concatenate %broadcast_in_dim3A_414, %broadcast_in_dim3A_417, %broadcast_in_dim3A_420, %broadcast_in_dim3A_423 in 0 : vector<1x8xf32>, vector<1x8xf32>, vector<1x8xf32>, vector<1x8xf32> -> vector<4x8xf32>
    %slice3A_425 = vector.extract_strided_slice %div3A_39 {offsets = [0, 27], sizes = [4, 1], strides = [1, 1]} : vector<4x128xf32> to vector<4x1xf32>
    %slice3A_426 = vector.extract_strided_slice %div3A_12 {offsets = [26, 0], sizes = [1, 8], strides = [1, 1]} : vector<256x8xf32> to vector<1x8xf32>
    %squeeze3A_427 = vector.shape_cast %slice3A_426 : vector<1x8xf32> to vector<8xf32>
    %broadcast_in_dim3A_428 = vector.shape_cast %squeeze3A_427 : vector<8xf32> to vector<1x8xf32>
    %slice3A_429 = vector.extract_strided_slice %div3A_12 {offsets = [90, 0], sizes = [1, 8], strides = [1, 1]} : vector<256x8xf32> to vector<1x8xf32>
    %squeeze3A_430 = vector.shape_cast %slice3A_429 : vector<1x8xf32> to vector<8xf32>
    %broadcast_in_dim3A_431 = vector.shape_cast %squeeze3A_430 : vector<8xf32> to vector<1x8xf32>
    %slice3A_432 = vector.extract_strided_slice %div3A_12 {offsets = [154, 0], sizes = [1, 8], strides = [1, 1]} : vector<256x8xf32> to vector<1x8xf32>
    %squeeze3A_433 = vector.shape_cast %slice3A_432 : vector<1x8xf32> to vector<8xf32>
    %broadcast_in_dim3A_434 = vector.shape_cast %squeeze3A_433 : vector<8xf32> to vector<1x8xf32>
    %slice3A_435 = vector.extract_strided_slice %div3A_12 {offsets = [218, 0], sizes = [1, 8], strides = [1, 1]} : vector<256x8xf32> to vector<1x8xf32>
    %squeeze3A_436 = vector.shape_cast %slice3A_435 : vector<1x8xf32> to vector<8xf32>
    %broadcast_in_dim3A_437 = vector.shape_cast %squeeze3A_436 : vector<8xf32> to vector<1x8xf32>
    %concatenate3A_438 = tpu.concatenate %broadcast_in_dim3A_428, %broadcast_in_dim3A_431, %broadcast_in_dim3A_434, %broadcast_in_dim3A_437 in 0 : vector<1x8xf32>, vector<1x8xf32>, vector<1x8xf32>, vector<1x8xf32> -> vector<4x8xf32>
    %slice3A_439 = vector.extract_strided_slice %div3A_39 {offsets = [0, 28], sizes = [4, 1], strides = [1, 1]} : vector<4x128xf32> to vector<4x1xf32>
    %slice3A_440 = vector.extract_strided_slice %div3A_12 {offsets = [27, 0], sizes = [1, 8], strides = [1, 1]} : vector<256x8xf32> to vector<1x8xf32>
    %squeeze3A_441 = vector.shape_cast %slice3A_440 : vector<1x8xf32> to vector<8xf32>
    %broadcast_in_dim3A_442 = vector.shape_cast %squeeze3A_441 : vector<8xf32> to vector<1x8xf32>
    %slice3A_443 = vector.extract_strided_slice %div3A_12 {offsets = [91, 0], sizes = [1, 8], strides = [1, 1]} : vector<256x8xf32> to vector<1x8xf32>
    %squeeze3A_444 = vector.shape_cast %slice3A_443 : vector<1x8xf32> to vector<8xf32>
    %broadcast_in_dim3A_445 = vector.shape_cast %squeeze3A_444 : vector<8xf32> to vector<1x8xf32>
    %slice3A_446 = vector.extract_strided_slice %div3A_12 {offsets = [155, 0], sizes = [1, 8], strides = [1, 1]} : vector<256x8xf32> to vector<1x8xf32>
    %squeeze3A_447 = vector.shape_cast %slice3A_446 : vector<1x8xf32> to vector<8xf32>
    %broadcast_in_dim3A_448 = vector.shape_cast %squeeze3A_447 : vector<8xf32> to vector<1x8xf32>
    %slice3A_449 = vector.extract_strided_slice %div3A_12 {offsets = [219, 0], sizes = [1, 8], strides = [1, 1]} : vector<256x8xf32> to vector<1x8xf32>
    %squeeze3A_450 = vector.shape_cast %slice3A_449 : vector<1x8xf32> to vector<8xf32>
    %broadcast_in_dim3A_451 = vector.shape_cast %squeeze3A_450 : vector<8xf32> to vector<1x8xf32>
    %concatenate3A_452 = tpu.concatenate %broadcast_in_dim3A_442, %broadcast_in_dim3A_445, %broadcast_in_dim3A_448, %broadcast_in_dim3A_451 in 0 : vector<1x8xf32>, vector<1x8xf32>, vector<1x8xf32>, vector<1x8xf32> -> vector<4x8xf32>
    %slice3A_453 = vector.extract_strided_slice %div3A_39 {offsets = [0, 29], sizes = [4, 1], strides = [1, 1]} : vector<4x128xf32> to vector<4x1xf32>
    %slice3A_454 = vector.extract_strided_slice %div3A_12 {offsets = [28, 0], sizes = [1, 8], strides = [1, 1]} : vector<256x8xf32> to vector<1x8xf32>
    %squeeze3A_455 = vector.shape_cast %slice3A_454 : vector<1x8xf32> to vector<8xf32>
    %broadcast_in_dim3A_456 = vector.shape_cast %squeeze3A_455 : vector<8xf32> to vector<1x8xf32>
    %slice3A_457 = vector.extract_strided_slice %div3A_12 {offsets = [92, 0], sizes = [1, 8], strides = [1, 1]} : vector<256x8xf32> to vector<1x8xf32>
    %squeeze3A_458 = vector.shape_cast %slice3A_457 : vector<1x8xf32> to vector<8xf32>
    %broadcast_in_dim3A_459 = vector.shape_cast %squeeze3A_458 : vector<8xf32> to vector<1x8xf32>
    %slice3A_460 = vector.extract_strided_slice %div3A_12 {offsets = [156, 0], sizes = [1, 8], strides = [1, 1]} : vector<256x8xf32> to vector<1x8xf32>
    %squeeze3A_461 = vector.shape_cast %slice3A_460 : vector<1x8xf32> to vector<8xf32>
    %broadcast_in_dim3A_462 = vector.shape_cast %squeeze3A_461 : vector<8xf32> to vector<1x8xf32>
    %slice3A_463 = vector.extract_strided_slice %div3A_12 {offsets = [220, 0], sizes = [1, 8], strides = [1, 1]} : vector<256x8xf32> to vector<1x8xf32>
    %squeeze3A_464 = vector.shape_cast %slice3A_463 : vector<1x8xf32> to vector<8xf32>
    %broadcast_in_dim3A_465 = vector.shape_cast %squeeze3A_464 : vector<8xf32> to vector<1x8xf32>
    %concatenate3A_466 = tpu.concatenate %broadcast_in_dim3A_456, %broadcast_in_dim3A_459, %broadcast_in_dim3A_462, %broadcast_in_dim3A_465 in 0 : vector<1x8xf32>, vector<1x8xf32>, vector<1x8xf32>, vector<1x8xf32> -> vector<4x8xf32>
    %slice3A_467 = vector.extract_strided_slice %div3A_39 {offsets = [0, 30], sizes = [4, 1], strides = [1, 1]} : vector<4x128xf32> to vector<4x1xf32>
    %slice3A_468 = vector.extract_strided_slice %div3A_12 {offsets = [29, 0], sizes = [1, 8], strides = [1, 1]} : vector<256x8xf32> to vector<1x8xf32>
    %squeeze3A_469 = vector.shape_cast %slice3A_468 : vector<1x8xf32> to vector<8xf32>
    %broadcast_in_dim3A_470 = vector.shape_cast %squeeze3A_469 : vector<8xf32> to vector<1x8xf32>
    %slice3A_471 = vector.extract_strided_slice %div3A_12 {offsets = [93, 0], sizes = [1, 8], strides = [1, 1]} : vector<256x8xf32> to vector<1x8xf32>
    %squeeze3A_472 = vector.shape_cast %slice3A_471 : vector<1x8xf32> to vector<8xf32>
    %broadcast_in_dim3A_473 = vector.shape_cast %squeeze3A_472 : vector<8xf32> to vector<1x8xf32>
    %slice3A_474 = vector.extract_strided_slice %div3A_12 {offsets = [157, 0], sizes = [1, 8], strides = [1, 1]} : vector<256x8xf32> to vector<1x8xf32>
    %squeeze3A_475 = vector.shape_cast %slice3A_474 : vector<1x8xf32> to vector<8xf32>
    %broadcast_in_dim3A_476 = vector.shape_cast %squeeze3A_475 : vector<8xf32> to vector<1x8xf32>
    %slice3A_477 = vector.extract_strided_slice %div3A_12 {offsets = [221, 0], sizes = [1, 8], strides = [1, 1]} : vector<256x8xf32> to vector<1x8xf32>
    %squeeze3A_478 = vector.shape_cast %slice3A_477 : vector<1x8xf32> to vector<8xf32>
    %broadcast_in_dim3A_479 = vector.shape_cast %squeeze3A_478 : vector<8xf32> to vector<1x8xf32>
    %concatenate3A_480 = tpu.concatenate %broadcast_in_dim3A_470, %broadcast_in_dim3A_473, %broadcast_in_dim3A_476, %broadcast_in_dim3A_479 in 0 : vector<1x8xf32>, vector<1x8xf32>, vector<1x8xf32>, vector<1x8xf32> -> vector<4x8xf32>
    %slice3A_481 = vector.extract_strided_slice %div3A_39 {offsets = [0, 31], sizes = [4, 1], strides = [1, 1]} : vector<4x128xf32> to vector<4x1xf32>
    %slice3A_482 = vector.extract_strided_slice %div3A_12 {offsets = [30, 0], sizes = [1, 8], strides = [1, 1]} : vector<256x8xf32> to vector<1x8xf32>
    %squeeze3A_483 = vector.shape_cast %slice3A_482 : vector<1x8xf32> to vector<8xf32>
    %broadcast_in_dim3A_484 = vector.shape_cast %squeeze3A_483 : vector<8xf32> to vector<1x8xf32>
    %slice3A_485 = vector.extract_strided_slice %div3A_12 {offsets = [94, 0], sizes = [1, 8], strides = [1, 1]} : vector<256x8xf32> to vector<1x8xf32>
    %squeeze3A_486 = vector.shape_cast %slice3A_485 : vector<1x8xf32> to vector<8xf32>
    %broadcast_in_dim3A_487 = vector.shape_cast %squeeze3A_486 : vector<8xf32> to vector<1x8xf32>
    %slice3A_488 = vector.extract_strided_slice %div3A_12 {offsets = [158, 0], sizes = [1, 8], strides = [1, 1]} : vector<256x8xf32> to vector<1x8xf32>
    %squeeze3A_489 = vector.shape_cast %slice3A_488 : vector<1x8xf32> to vector<8xf32>
    %broadcast_in_dim3A_490 = vector.shape_cast %squeeze3A_489 : vector<8xf32> to vector<1x8xf32>
    %slice3A_491 = vector.extract_strided_slice %div3A_12 {offsets = [222, 0], sizes = [1, 8], strides = [1, 1]} : vector<256x8xf32> to vector<1x8xf32>
    %squeeze3A_492 = vector.shape_cast %slice3A_491 : vector<1x8xf32> to vector<8xf32>
    %broadcast_in_dim3A_493 = vector.shape_cast %squeeze3A_492 : vector<8xf32> to vector<1x8xf32>
    %concatenate3A_494 = tpu.concatenate %broadcast_in_dim3A_484, %broadcast_in_dim3A_487, %broadcast_in_dim3A_490, %broadcast_in_dim3A_493 in 0 : vector<1x8xf32>, vector<1x8xf32>, vector<1x8xf32>, vector<1x8xf32> -> vector<4x8xf32>
    %slice3A_495 = vector.extract_strided_slice %div3A_39 {offsets = [0, 32], sizes = [4, 1], strides = [1, 1]} : vector<4x128xf32> to vector<4x1xf32>
    %slice3A_496 = vector.extract_strided_slice %div3A_12 {offsets = [31, 0], sizes = [1, 8], strides = [1, 1]} : vector<256x8xf32> to vector<1x8xf32>
    %squeeze3A_497 = vector.shape_cast %slice3A_496 : vector<1x8xf32> to vector<8xf32>
    %broadcast_in_dim3A_498 = vector.shape_cast %squeeze3A_497 : vector<8xf32> to vector<1x8xf32>
    %slice3A_499 = vector.extract_strided_slice %div3A_12 {offsets = [95, 0], sizes = [1, 8], strides = [1, 1]} : vector<256x8xf32> to vector<1x8xf32>
    %squeeze3A_500 = vector.shape_cast %slice3A_499 : vector<1x8xf32> to vector<8xf32>
    %broadcast_in_dim3A_501 = vector.shape_cast %squeeze3A_500 : vector<8xf32> to vector<1x8xf32>
    %slice3A_502 = vector.extract_strided_slice %div3A_12 {offsets = [159, 0], sizes = [1, 8], strides = [1, 1]} : vector<256x8xf32> to vector<1x8xf32>
    %squeeze3A_503 = vector.shape_cast %slice3A_502 : vector<1x8xf32> to vector<8xf32>
    %broadcast_in_dim3A_504 = vector.shape_cast %squeeze3A_503 : vector<8xf32> to vector<1x8xf32>
    %slice3A_505 = vector.extract_strided_slice %div3A_12 {offsets = [223, 0], sizes = [1, 8], strides = [1, 1]} : vector<256x8xf32> to vector<1x8xf32>
    %squeeze3A_506 = vector.shape_cast %slice3A_505 : vector<1x8xf32> to vector<8xf32>
    %broadcast_in_dim3A_507 = vector.shape_cast %squeeze3A_506 : vector<8xf32> to vector<1x8xf32>
    %concatenate3A_508 = tpu.concatenate %broadcast_in_dim3A_498, %broadcast_in_dim3A_501, %broadcast_in_dim3A_504, %broadcast_in_dim3A_507 in 0 : vector<1x8xf32>, vector<1x8xf32>, vector<1x8xf32>, vector<1x8xf32> -> vector<4x8xf32>
    %slice3A_509 = vector.extract_strided_slice %div3A_39 {offsets = [0, 33], sizes = [4, 1], strides = [1, 1]} : vector<4x128xf32> to vector<4x1xf32>
    %slice3A_510 = vector.extract_strided_slice %div3A_12 {offsets = [32, 0], sizes = [1, 8], strides = [1, 1]} : vector<256x8xf32> to vector<1x8xf32>
    %squeeze3A_511 = vector.shape_cast %slice3A_510 : vector<1x8xf32> to vector<8xf32>
    %broadcast_in_dim3A_512 = vector.shape_cast %squeeze3A_511 : vector<8xf32> to vector<1x8xf32>
    %slice3A_513 = vector.extract_strided_slice %div3A_12 {offsets = [96, 0], sizes = [1, 8], strides = [1, 1]} : vector<256x8xf32> to vector<1x8xf32>
    %squeeze3A_514 = vector.shape_cast %slice3A_513 : vector<1x8xf32> to vector<8xf32>
    %broadcast_in_dim3A_515 = vector.shape_cast %squeeze3A_514 : vector<8xf32> to vector<1x8xf32>
    %slice3A_516 = vector.extract_strided_slice %div3A_12 {offsets = [160, 0], sizes = [1, 8], strides = [1, 1]} : vector<256x8xf32> to vector<1x8xf32>
    %squeeze3A_517 = vector.shape_cast %slice3A_516 : vector<1x8xf32> to vector<8xf32>
    %broadcast_in_dim3A_518 = vector.shape_cast %squeeze3A_517 : vector<8xf32> to vector<1x8xf32>
    %slice3A_519 = vector.extract_strided_slice %div3A_12 {offsets = [224, 0], sizes = [1, 8], strides = [1, 1]} : vector<256x8xf32> to vector<1x8xf32>
    %squeeze3A_520 = vector.shape_cast %slice3A_519 : vector<1x8xf32> to vector<8xf32>
    %broadcast_in_dim3A_521 = vector.shape_cast %squeeze3A_520 : vector<8xf32> to vector<1x8xf32>
    %concatenate3A_522 = tpu.concatenate %broadcast_in_dim3A_512, %broadcast_in_dim3A_515, %broadcast_in_dim3A_518, %broadcast_in_dim3A_521 in 0 : vector<1x8xf32>, vector<1x8xf32>, vector<1x8xf32>, vector<1x8xf32> -> vector<4x8xf32>
    %slice3A_523 = vector.extract_strided_slice %div3A_39 {offsets = [0, 34], sizes = [4, 1], strides = [1, 1]} : vector<4x128xf32> to vector<4x1xf32>
    %slice3A_524 = vector.extract_strided_slice %div3A_12 {offsets = [33, 0], sizes = [1, 8], strides = [1, 1]} : vector<256x8xf32> to vector<1x8xf32>
    %squeeze3A_525 = vector.shape_cast %slice3A_524 : vector<1x8xf32> to vector<8xf32>
    %broadcast_in_dim3A_526 = vector.shape_cast %squeeze3A_525 : vector<8xf32> to vector<1x8xf32>
    %slice3A_527 = vector.extract_strided_slice %div3A_12 {offsets = [97, 0], sizes = [1, 8], strides = [1, 1]} : vector<256x8xf32> to vector<1x8xf32>
    %squeeze3A_528 = vector.shape_cast %slice3A_527 : vector<1x8xf32> to vector<8xf32>
    %broadcast_in_dim3A_529 = vector.shape_cast %squeeze3A_528 : vector<8xf32> to vector<1x8xf32>
    %slice3A_530 = vector.extract_strided_slice %div3A_12 {offsets = [161, 0], sizes = [1, 8], strides = [1, 1]} : vector<256x8xf32> to vector<1x8xf32>
    %squeeze3A_531 = vector.shape_cast %slice3A_530 : vector<1x8xf32> to vector<8xf32>
    %broadcast_in_dim3A_532 = vector.shape_cast %squeeze3A_531 : vector<8xf32> to vector<1x8xf32>
    %slice3A_533 = vector.extract_strided_slice %div3A_12 {offsets = [225, 0], sizes = [1, 8], strides = [1, 1]} : vector<256x8xf32> to vector<1x8xf32>
    %squeeze3A_534 = vector.shape_cast %slice3A_533 : vector<1x8xf32> to vector<8xf32>
    %broadcast_in_dim3A_535 = vector.shape_cast %squeeze3A_534 : vector<8xf32> to vector<1x8xf32>
    %concatenate3A_536 = tpu.concatenate %broadcast_in_dim3A_526, %broadcast_in_dim3A_529, %broadcast_in_dim3A_532, %broadcast_in_dim3A_535 in 0 : vector<1x8xf32>, vector<1x8xf32>, vector<1x8xf32>, vector<1x8xf32> -> vector<4x8xf32>
    %slice3A_537 = vector.extract_strided_slice %div3A_39 {offsets = [0, 35], sizes = [4, 1], strides = [1, 1]} : vector<4x128xf32> to vector<4x1xf32>
    %slice3A_538 = vector.extract_strided_slice %div3A_12 {offsets = [34, 0], sizes = [1, 8], strides = [1, 1]} : vector<256x8xf32> to vector<1x8xf32>
    %squeeze3A_539 = vector.shape_cast %slice3A_538 : vector<1x8xf32> to vector<8xf32>
    %broadcast_in_dim3A_540 = vector.shape_cast %squeeze3A_539 : vector<8xf32> to vector<1x8xf32>
    %slice3A_541 = vector.extract_strided_slice %div3A_12 {offsets = [98, 0], sizes = [1, 8], strides = [1, 1]} : vector<256x8xf32> to vector<1x8xf32>
    %squeeze3A_542 = vector.shape_cast %slice3A_541 : vector<1x8xf32> to vector<8xf32>
    %broadcast_in_dim3A_543 = vector.shape_cast %squeeze3A_542 : vector<8xf32> to vector<1x8xf32>
    %slice3A_544 = vector.extract_strided_slice %div3A_12 {offsets = [162, 0], sizes = [1, 8], strides = [1, 1]} : vector<256x8xf32> to vector<1x8xf32>
    %squeeze3A_545 = vector.shape_cast %slice3A_544 : vector<1x8xf32> to vector<8xf32>
    %broadcast_in_dim3A_546 = vector.shape_cast %squeeze3A_545 : vector<8xf32> to vector<1x8xf32>
    %slice3A_547 = vector.extract_strided_slice %div3A_12 {offsets = [226, 0], sizes = [1, 8], strides = [1, 1]} : vector<256x8xf32> to vector<1x8xf32>
    %squeeze3A_548 = vector.shape_cast %slice3A_547 : vector<1x8xf32> to vector<8xf32>
    %broadcast_in_dim3A_549 = vector.shape_cast %squeeze3A_548 : vector<8xf32> to vector<1x8xf32>
    %concatenate3A_550 = tpu.concatenate %broadcast_in_dim3A_540, %broadcast_in_dim3A_543, %broadcast_in_dim3A_546, %broadcast_in_dim3A_549 in 0 : vector<1x8xf32>, vector<1x8xf32>, vector<1x8xf32>, vector<1x8xf32> -> vector<4x8xf32>
    %slice3A_551 = vector.extract_strided_slice %div3A_39 {offsets = [0, 36], sizes = [4, 1], strides = [1, 1]} : vector<4x128xf32> to vector<4x1xf32>
    %slice3A_552 = vector.extract_strided_slice %div3A_12 {offsets = [35, 0], sizes = [1, 8], strides = [1, 1]} : vector<256x8xf32> to vector<1x8xf32>
    %squeeze3A_553 = vector.shape_cast %slice3A_552 : vector<1x8xf32> to vector<8xf32>
    %broadcast_in_dim3A_554 = vector.shape_cast %squeeze3A_553 : vector<8xf32> to vector<1x8xf32>
    %slice3A_555 = vector.extract_strided_slice %div3A_12 {offsets = [99, 0], sizes = [1, 8], strides = [1, 1]} : vector<256x8xf32> to vector<1x8xf32>
    %squeeze3A_556 = vector.shape_cast %slice3A_555 : vector<1x8xf32> to vector<8xf32>
    %broadcast_in_dim3A_557 = vector.shape_cast %squeeze3A_556 : vector<8xf32> to vector<1x8xf32>
    %slice3A_558 = vector.extract_strided_slice %div3A_12 {offsets = [163, 0], sizes = [1, 8], strides = [1, 1]} : vector<256x8xf32> to vector<1x8xf32>
    %squeeze3A_559 = vector.shape_cast %slice3A_558 : vector<1x8xf32> to vector<8xf32>
    %broadcast_in_dim3A_560 = vector.shape_cast %squeeze3A_559 : vector<8xf32> to vector<1x8xf32>
    %slice3A_561 = vector.extract_strided_slice %div3A_12 {offsets = [227, 0], sizes = [1, 8], strides = [1, 1]} : vector<256x8xf32> to vector<1x8xf32>
    %squeeze3A_562 = vector.shape_cast %slice3A_561 : vector<1x8xf32> to vector<8xf32>
    %broadcast_in_dim3A_563 = vector.shape_cast %squeeze3A_562 : vector<8xf32> to vector<1x8xf32>
    %concatenate3A_564 = tpu.concatenate %broadcast_in_dim3A_554, %broadcast_in_dim3A_557, %broadcast_in_dim3A_560, %broadcast_in_dim3A_563 in 0 : vector<1x8xf32>, vector<1x8xf32>, vector<1x8xf32>, vector<1x8xf32> -> vector<4x8xf32>
    %slice3A_565 = vector.extract_strided_slice %div3A_39 {offsets = [0, 37], sizes = [4, 1], strides = [1, 1]} : vector<4x128xf32> to vector<4x1xf32>
    %slice3A_566 = vector.extract_strided_slice %div3A_12 {offsets = [36, 0], sizes = [1, 8], strides = [1, 1]} : vector<256x8xf32> to vector<1x8xf32>
    %squeeze3A_567 = vector.shape_cast %slice3A_566 : vector<1x8xf32> to vector<8xf32>
    %broadcast_in_dim3A_568 = vector.shape_cast %squeeze3A_567 : vector<8xf32> to vector<1x8xf32>
    %slice3A_569 = vector.extract_strided_slice %div3A_12 {offsets = [100, 0], sizes = [1, 8], strides = [1, 1]} : vector<256x8xf32> to vector<1x8xf32>
    %squeeze3A_570 = vector.shape_cast %slice3A_569 : vector<1x8xf32> to vector<8xf32>
    %broadcast_in_dim3A_571 = vector.shape_cast %squeeze3A_570 : vector<8xf32> to vector<1x8xf32>
    %slice3A_572 = vector.extract_strided_slice %div3A_12 {offsets = [164, 0], sizes = [1, 8], strides = [1, 1]} : vector<256x8xf32> to vector<1x8xf32>
    %squeeze3A_573 = vector.shape_cast %slice3A_572 : vector<1x8xf32> to vector<8xf32>
    %broadcast_in_dim3A_574 = vector.shape_cast %squeeze3A_573 : vector<8xf32> to vector<1x8xf32>
    %slice3A_575 = vector.extract_strided_slice %div3A_12 {offsets = [228, 0], sizes = [1, 8], strides = [1, 1]} : vector<256x8xf32> to vector<1x8xf32>
    %squeeze3A_576 = vector.shape_cast %slice3A_575 : vector<1x8xf32> to vector<8xf32>
    %broadcast_in_dim3A_577 = vector.shape_cast %squeeze3A_576 : vector<8xf32> to vector<1x8xf32>
    %concatenate3A_578 = tpu.concatenate %broadcast_in_dim3A_568, %broadcast_in_dim3A_571, %broadcast_in_dim3A_574, %broadcast_in_dim3A_577 in 0 : vector<1x8xf32>, vector<1x8xf32>, vector<1x8xf32>, vector<1x8xf32> -> vector<4x8xf32>
    %slice3A_579 = vector.extract_strided_slice %div3A_39 {offsets = [0, 38], sizes = [4, 1], strides = [1, 1]} : vector<4x128xf32> to vector<4x1xf32>
    %slice3A_580 = vector.extract_strided_slice %div3A_12 {offsets = [37, 0], sizes = [1, 8], strides = [1, 1]} : vector<256x8xf32> to vector<1x8xf32>
    %squeeze3A_581 = vector.shape_cast %slice3A_580 : vector<1x8xf32> to vector<8xf32>
    %broadcast_in_dim3A_582 = vector.shape_cast %squeeze3A_581 : vector<8xf32> to vector<1x8xf32>
    %slice3A_583 = vector.extract_strided_slice %div3A_12 {offsets = [101, 0], sizes = [1, 8], strides = [1, 1]} : vector<256x8xf32> to vector<1x8xf32>
    %squeeze3A_584 = vector.shape_cast %slice3A_583 : vector<1x8xf32> to vector<8xf32>
    %broadcast_in_dim3A_585 = vector.shape_cast %squeeze3A_584 : vector<8xf32> to vector<1x8xf32>
    %slice3A_586 = vector.extract_strided_slice %div3A_12 {offsets = [165, 0], sizes = [1, 8], strides = [1, 1]} : vector<256x8xf32> to vector<1x8xf32>
    %squeeze3A_587 = vector.shape_cast %slice3A_586 : vector<1x8xf32> to vector<8xf32>
    %broadcast_in_dim3A_588 = vector.shape_cast %squeeze3A_587 : vector<8xf32> to vector<1x8xf32>
    %slice3A_589 = vector.extract_strided_slice %div3A_12 {offsets = [229, 0], sizes = [1, 8], strides = [1, 1]} : vector<256x8xf32> to vector<1x8xf32>
    %squeeze3A_590 = vector.shape_cast %slice3A_589 : vector<1x8xf32> to vector<8xf32>
    %broadcast_in_dim3A_591 = vector.shape_cast %squeeze3A_590 : vector<8xf32> to vector<1x8xf32>
    %concatenate3A_592 = tpu.concatenate %broadcast_in_dim3A_582, %broadcast_in_dim3A_585, %broadcast_in_dim3A_588, %broadcast_in_dim3A_591 in 0 : vector<1x8xf32>, vector<1x8xf32>, vector<1x8xf32>, vector<1x8xf32> -> vector<4x8xf32>
    %slice3A_593 = vector.extract_strided_slice %div3A_39 {offsets = [0, 39], sizes = [4, 1], strides = [1, 1]} : vector<4x128xf32> to vector<4x1xf32>
    %slice3A_594 = vector.extract_strided_slice %div3A_12 {offsets = [38, 0], sizes = [1, 8], strides = [1, 1]} : vector<256x8xf32> to vector<1x8xf32>
    %squeeze3A_595 = vector.shape_cast %slice3A_594 : vector<1x8xf32> to vector<8xf32>
    %broadcast_in_dim3A_596 = vector.shape_cast %squeeze3A_595 : vector<8xf32> to vector<1x8xf32>
    %slice3A_597 = vector.extract_strided_slice %div3A_12 {offsets = [102, 0], sizes = [1, 8], strides = [1, 1]} : vector<256x8xf32> to vector<1x8xf32>
    %squeeze3A_598 = vector.shape_cast %slice3A_597 : vector<1x8xf32> to vector<8xf32>
    %broadcast_in_dim3A_599 = vector.shape_cast %squeeze3A_598 : vector<8xf32> to vector<1x8xf32>
    %slice3A_600 = vector.extract_strided_slice %div3A_12 {offsets = [166, 0], sizes = [1, 8], strides = [1, 1]} : vector<256x8xf32> to vector<1x8xf32>
    %squeeze3A_601 = vector.shape_cast %slice3A_600 : vector<1x8xf32> to vector<8xf32>
    %broadcast_in_dim3A_602 = vector.shape_cast %squeeze3A_601 : vector<8xf32> to vector<1x8xf32>
    %slice3A_603 = vector.extract_strided_slice %div3A_12 {offsets = [230, 0], sizes = [1, 8], strides = [1, 1]} : vector<256x8xf32> to vector<1x8xf32>
    %squeeze3A_604 = vector.shape_cast %slice3A_603 : vector<1x8xf32> to vector<8xf32>
    %broadcast_in_dim3A_605 = vector.shape_cast %squeeze3A_604 : vector<8xf32> to vector<1x8xf32>
    %concatenate3A_606 = tpu.concatenate %broadcast_in_dim3A_596, %broadcast_in_dim3A_599, %broadcast_in_dim3A_602, %broadcast_in_dim3A_605 in 0 : vector<1x8xf32>, vector<1x8xf32>, vector<1x8xf32>, vector<1x8xf32> -> vector<4x8xf32>
    %slice3A_607 = vector.extract_strided_slice %div3A_39 {offsets = [0, 40], sizes = [4, 1], strides = [1, 1]} : vector<4x128xf32> to vector<4x1xf32>
    %slice3A_608 = vector.extract_strided_slice %div3A_12 {offsets = [39, 0], sizes = [1, 8], strides = [1, 1]} : vector<256x8xf32> to vector<1x8xf32>
    %squeeze3A_609 = vector.shape_cast %slice3A_608 : vector<1x8xf32> to vector<8xf32>
    %broadcast_in_dim3A_610 = vector.shape_cast %squeeze3A_609 : vector<8xf32> to vector<1x8xf32>
    %slice3A_611 = vector.extract_strided_slice %div3A_12 {offsets = [103, 0], sizes = [1, 8], strides = [1, 1]} : vector<256x8xf32> to vector<1x8xf32>
    %squeeze3A_612 = vector.shape_cast %slice3A_611 : vector<1x8xf32> to vector<8xf32>
    %broadcast_in_dim3A_613 = vector.shape_cast %squeeze3A_612 : vector<8xf32> to vector<1x8xf32>
    %slice3A_614 = vector.extract_strided_slice %div3A_12 {offsets = [167, 0], sizes = [1, 8], strides = [1, 1]} : vector<256x8xf32> to vector<1x8xf32>
    %squeeze3A_615 = vector.shape_cast %slice3A_614 : vector<1x8xf32> to vector<8xf32>
    %broadcast_in_dim3A_616 = vector.shape_cast %squeeze3A_615 : vector<8xf32> to vector<1x8xf32>
    %slice3A_617 = vector.extract_strided_slice %div3A_12 {offsets = [231, 0], sizes = [1, 8], strides = [1, 1]} : vector<256x8xf32> to vector<1x8xf32>
    %squeeze3A_618 = vector.shape_cast %slice3A_617 : vector<1x8xf32> to vector<8xf32>
    %broadcast_in_dim3A_619 = vector.shape_cast %squeeze3A_618 : vector<8xf32> to vector<1x8xf32>
    %concatenate3A_620 = tpu.concatenate %broadcast_in_dim3A_610, %broadcast_in_dim3A_613, %broadcast_in_dim3A_616, %broadcast_in_dim3A_619 in 0 : vector<1x8xf32>, vector<1x8xf32>, vector<1x8xf32>, vector<1x8xf32> -> vector<4x8xf32>
    %slice3A_621 = vector.extract_strided_slice %div3A_39 {offsets = [0, 41], sizes = [4, 1], strides = [1, 1]} : vector<4x128xf32> to vector<4x1xf32>
    %slice3A_622 = vector.extract_strided_slice %div3A_12 {offsets = [40, 0], sizes = [1, 8], strides = [1, 1]} : vector<256x8xf32> to vector<1x8xf32>
    %squeeze3A_623 = vector.shape_cast %slice3A_622 : vector<1x8xf32> to vector<8xf32>
    %broadcast_in_dim3A_624 = vector.shape_cast %squeeze3A_623 : vector<8xf32> to vector<1x8xf32>
    %slice3A_625 = vector.extract_strided_slice %div3A_12 {offsets = [104, 0], sizes = [1, 8], strides = [1, 1]} : vector<256x8xf32> to vector<1x8xf32>
    %squeeze3A_626 = vector.shape_cast %slice3A_625 : vector<1x8xf32> to vector<8xf32>
    %broadcast_in_dim3A_627 = vector.shape_cast %squeeze3A_626 : vector<8xf32> to vector<1x8xf32>
    %slice3A_628 = vector.extract_strided_slice %div3A_12 {offsets = [168, 0], sizes = [1, 8], strides = [1, 1]} : vector<256x8xf32> to vector<1x8xf32>
    %squeeze3A_629 = vector.shape_cast %slice3A_628 : vector<1x8xf32> to vector<8xf32>
    %broadcast_in_dim3A_630 = vector.shape_cast %squeeze3A_629 : vector<8xf32> to vector<1x8xf32>
    %slice3A_631 = vector.extract_strided_slice %div3A_12 {offsets = [232, 0], sizes = [1, 8], strides = [1, 1]} : vector<256x8xf32> to vector<1x8xf32>
    %squeeze3A_632 = vector.shape_cast %slice3A_631 : vector<1x8xf32> to vector<8xf32>
    %broadcast_in_dim3A_633 = vector.shape_cast %squeeze3A_632 : vector<8xf32> to vector<1x8xf32>
    %concatenate3A_634 = tpu.concatenate %broadcast_in_dim3A_624, %broadcast_in_dim3A_627, %broadcast_in_dim3A_630, %broadcast_in_dim3A_633 in 0 : vector<1x8xf32>, vector<1x8xf32>, vector<1x8xf32>, vector<1x8xf32> -> vector<4x8xf32>
    %slice3A_635 = vector.extract_strided_slice %div3A_39 {offsets = [0, 42], sizes = [4, 1], strides = [1, 1]} : vector<4x128xf32> to vector<4x1xf32>
    %slice3A_636 = vector.extract_strided_slice %div3A_12 {offsets = [41, 0], sizes = [1, 8], strides = [1, 1]} : vector<256x8xf32> to vector<1x8xf32>
    %squeeze3A_637 = vector.shape_cast %slice3A_636 : vector<1x8xf32> to vector<8xf32>
    %broadcast_in_dim3A_638 = vector.shape_cast %squeeze3A_637 : vector<8xf32> to vector<1x8xf32>
    %slice3A_639 = vector.extract_strided_slice %div3A_12 {offsets = [105, 0], sizes = [1, 8], strides = [1, 1]} : vector<256x8xf32> to vector<1x8xf32>
    %squeeze3A_640 = vector.shape_cast %slice3A_639 : vector<1x8xf32> to vector<8xf32>
    %broadcast_in_dim3A_641 = vector.shape_cast %squeeze3A_640 : vector<8xf32> to vector<1x8xf32>
    %slice3A_642 = vector.extract_strided_slice %div3A_12 {offsets = [169, 0], sizes = [1, 8], strides = [1, 1]} : vector<256x8xf32> to vector<1x8xf32>
    %squeeze3A_643 = vector.shape_cast %slice3A_642 : vector<1x8xf32> to vector<8xf32>
    %broadcast_in_dim3A_644 = vector.shape_cast %squeeze3A_643 : vector<8xf32> to vector<1x8xf32>
    %slice3A_645 = vector.extract_strided_slice %div3A_12 {offsets = [233, 0], sizes = [1, 8], strides = [1, 1]} : vector<256x8xf32> to vector<1x8xf32>
    %squeeze3A_646 = vector.shape_cast %slice3A_645 : vector<1x8xf32> to vector<8xf32>
    %broadcast_in_dim3A_647 = vector.shape_cast %squeeze3A_646 : vector<8xf32> to vector<1x8xf32>
    %concatenate3A_648 = tpu.concatenate %broadcast_in_dim3A_638, %broadcast_in_dim3A_641, %broadcast_in_dim3A_644, %broadcast_in_dim3A_647 in 0 : vector<1x8xf32>, vector<1x8xf32>, vector<1x8xf32>, vector<1x8xf32> -> vector<4x8xf32>
    %slice3A_649 = vector.extract_strided_slice %div3A_39 {offsets = [0, 43], sizes = [4, 1], strides = [1, 1]} : vector<4x128xf32> to vector<4x1xf32>
    %slice3A_650 = vector.extract_strided_slice %div3A_12 {offsets = [42, 0], sizes = [1, 8], strides = [1, 1]} : vector<256x8xf32> to vector<1x8xf32>
    %squeeze3A_651 = vector.shape_cast %slice3A_650 : vector<1x8xf32> to vector<8xf32>
    %broadcast_in_dim3A_652 = vector.shape_cast %squeeze3A_651 : vector<8xf32> to vector<1x8xf32>
    %slice3A_653 = vector.extract_strided_slice %div3A_12 {offsets = [106, 0], sizes = [1, 8], strides = [1, 1]} : vector<256x8xf32> to vector<1x8xf32>
    %squeeze3A_654 = vector.shape_cast %slice3A_653 : vector<1x8xf32> to vector<8xf32>
    %broadcast_in_dim3A_655 = vector.shape_cast %squeeze3A_654 : vector<8xf32> to vector<1x8xf32>
    %slice3A_656 = vector.extract_strided_slice %div3A_12 {offsets = [170, 0], sizes = [1, 8], strides = [1, 1]} : vector<256x8xf32> to vector<1x8xf32>
    %squeeze3A_657 = vector.shape_cast %slice3A_656 : vector<1x8xf32> to vector<8xf32>
    %broadcast_in_dim3A_658 = vector.shape_cast %squeeze3A_657 : vector<8xf32> to vector<1x8xf32>
    %slice3A_659 = vector.extract_strided_slice %div3A_12 {offsets = [234, 0], sizes = [1, 8], strides = [1, 1]} : vector<256x8xf32> to vector<1x8xf32>
    %squeeze3A_660 = vector.shape_cast %slice3A_659 : vector<1x8xf32> to vector<8xf32>
    %broadcast_in_dim3A_661 = vector.shape_cast %squeeze3A_660 : vector<8xf32> to vector<1x8xf32>
    %concatenate3A_662 = tpu.concatenate %broadcast_in_dim3A_652, %broadcast_in_dim3A_655, %broadcast_in_dim3A_658, %broadcast_in_dim3A_661 in 0 : vector<1x8xf32>, vector<1x8xf32>, vector<1x8xf32>, vector<1x8xf32> -> vector<4x8xf32>
    %slice3A_663 = vector.extract_strided_slice %div3A_39 {offsets = [0, 44], sizes = [4, 1], strides = [1, 1]} : vector<4x128xf32> to vector<4x1xf32>
    %slice3A_664 = vector.extract_strided_slice %div3A_12 {offsets = [43, 0], sizes = [1, 8], strides = [1, 1]} : vector<256x8xf32> to vector<1x8xf32>
    %squeeze3A_665 = vector.shape_cast %slice3A_664 : vector<1x8xf32> to vector<8xf32>
    %broadcast_in_dim3A_666 = vector.shape_cast %squeeze3A_665 : vector<8xf32> to vector<1x8xf32>
    %slice3A_667 = vector.extract_strided_slice %div3A_12 {offsets = [107, 0], sizes = [1, 8], strides = [1, 1]} : vector<256x8xf32> to vector<1x8xf32>
    %squeeze3A_668 = vector.shape_cast %slice3A_667 : vector<1x8xf32> to vector<8xf32>
    %broadcast_in_dim3A_669 = vector.shape_cast %squeeze3A_668 : vector<8xf32> to vector<1x8xf32>
    %slice3A_670 = vector.extract_strided_slice %div3A_12 {offsets = [171, 0], sizes = [1, 8], strides = [1, 1]} : vector<256x8xf32> to vector<1x8xf32>
    %squeeze3A_671 = vector.shape_cast %slice3A_670 : vector<1x8xf32> to vector<8xf32>
    %broadcast_in_dim3A_672 = vector.shape_cast %squeeze3A_671 : vector<8xf32> to vector<1x8xf32>
    %slice3A_673 = vector.extract_strided_slice %div3A_12 {offsets = [235, 0], sizes = [1, 8], strides = [1, 1]} : vector<256x8xf32> to vector<1x8xf32>
    %squeeze3A_674 = vector.shape_cast %slice3A_673 : vector<1x8xf32> to vector<8xf32>
    %broadcast_in_dim3A_675 = vector.shape_cast %squeeze3A_674 : vector<8xf32> to vector<1x8xf32>
    %concatenate3A_676 = tpu.concatenate %broadcast_in_dim3A_666, %broadcast_in_dim3A_669, %broadcast_in_dim3A_672, %broadcast_in_dim3A_675 in 0 : vector<1x8xf32>, vector<1x8xf32>, vector<1x8xf32>, vector<1x8xf32> -> vector<4x8xf32>
    %slice3A_677 = vector.extract_strided_slice %div3A_39 {offsets = [0, 45], sizes = [4, 1], strides = [1, 1]} : vector<4x128xf32> to vector<4x1xf32>
    %slice3A_678 = vector.extract_strided_slice %div3A_12 {offsets = [44, 0], sizes = [1, 8], strides = [1, 1]} : vector<256x8xf32> to vector<1x8xf32>
    %squeeze3A_679 = vector.shape_cast %slice3A_678 : vector<1x8xf32> to vector<8xf32>
    %broadcast_in_dim3A_680 = vector.shape_cast %squeeze3A_679 : vector<8xf32> to vector<1x8xf32>
    %slice3A_681 = vector.extract_strided_slice %div3A_12 {offsets = [108, 0], sizes = [1, 8], strides = [1, 1]} : vector<256x8xf32> to vector<1x8xf32>
    %squeeze3A_682 = vector.shape_cast %slice3A_681 : vector<1x8xf32> to vector<8xf32>
    %broadcast_in_dim3A_683 = vector.shape_cast %squeeze3A_682 : vector<8xf32> to vector<1x8xf32>
    %slice3A_684 = vector.extract_strided_slice %div3A_12 {offsets = [172, 0], sizes = [1, 8], strides = [1, 1]} : vector<256x8xf32> to vector<1x8xf32>
    %squeeze3A_685 = vector.shape_cast %slice3A_684 : vector<1x8xf32> to vector<8xf32>
    %broadcast_in_dim3A_686 = vector.shape_cast %squeeze3A_685 : vector<8xf32> to vector<1x8xf32>
    %slice3A_687 = vector.extract_strided_slice %div3A_12 {offsets = [236, 0], sizes = [1, 8], strides = [1, 1]} : vector<256x8xf32> to vector<1x8xf32>
    %squeeze3A_688 = vector.shape_cast %slice3A_687 : vector<1x8xf32> to vector<8xf32>
    %broadcast_in_dim3A_689 = vector.shape_cast %squeeze3A_688 : vector<8xf32> to vector<1x8xf32>
    %concatenate3A_690 = tpu.concatenate %broadcast_in_dim3A_680, %broadcast_in_dim3A_683, %broadcast_in_dim3A_686, %broadcast_in_dim3A_689 in 0 : vector<1x8xf32>, vector<1x8xf32>, vector<1x8xf32>, vector<1x8xf32> -> vector<4x8xf32>
    %slice3A_691 = vector.extract_strided_slice %div3A_39 {offsets = [0, 46], sizes = [4, 1], strides = [1, 1]} : vector<4x128xf32> to vector<4x1xf32>
    %slice3A_692 = vector.extract_strided_slice %div3A_12 {offsets = [45, 0], sizes = [1, 8], strides = [1, 1]} : vector<256x8xf32> to vector<1x8xf32>
    %squeeze3A_693 = vector.shape_cast %slice3A_692 : vector<1x8xf32> to vector<8xf32>
    %broadcast_in_dim3A_694 = vector.shape_cast %squeeze3A_693 : vector<8xf32> to vector<1x8xf32>
    %slice3A_695 = vector.extract_strided_slice %div3A_12 {offsets = [109, 0], sizes = [1, 8], strides = [1, 1]} : vector<256x8xf32> to vector<1x8xf32>
    %squeeze3A_696 = vector.shape_cast %slice3A_695 : vector<1x8xf32> to vector<8xf32>
    %broadcast_in_dim3A_697 = vector.shape_cast %squeeze3A_696 : vector<8xf32> to vector<1x8xf32>
    %slice3A_698 = vector.extract_strided_slice %div3A_12 {offsets = [173, 0], sizes = [1, 8], strides = [1, 1]} : vector<256x8xf32> to vector<1x8xf32>
    %squeeze3A_699 = vector.shape_cast %slice3A_698 : vector<1x8xf32> to vector<8xf32>
    %broadcast_in_dim3A_700 = vector.shape_cast %squeeze3A_699 : vector<8xf32> to vector<1x8xf32>
    %slice3A_701 = vector.extract_strided_slice %div3A_12 {offsets = [237, 0], sizes = [1, 8], strides = [1, 1]} : vector<256x8xf32> to vector<1x8xf32>
    %squeeze3A_702 = vector.shape_cast %slice3A_701 : vector<1x8xf32> to vector<8xf32>
    %broadcast_in_dim3A_703 = vector.shape_cast %squeeze3A_702 : vector<8xf32> to vector<1x8xf32>
    %concatenate3A_704 = tpu.concatenate %broadcast_in_dim3A_694, %broadcast_in_dim3A_697, %broadcast_in_dim3A_700, %broadcast_in_dim3A_703 in 0 : vector<1x8xf32>, vector<1x8xf32>, vector<1x8xf32>, vector<1x8xf32> -> vector<4x8xf32>
    %slice3A_705 = vector.extract_strided_slice %div3A_39 {offsets = [0, 47], sizes = [4, 1], strides = [1, 1]} : vector<4x128xf32> to vector<4x1xf32>
    %slice3A_706 = vector.extract_strided_slice %div3A_12 {offsets = [46, 0], sizes = [1, 8], strides = [1, 1]} : vector<256x8xf32> to vector<1x8xf32>
    %squeeze3A_707 = vector.shape_cast %slice3A_706 : vector<1x8xf32> to vector<8xf32>
    %broadcast_in_dim3A_708 = vector.shape_cast %squeeze3A_707 : vector<8xf32> to vector<1x8xf32>
    %slice3A_709 = vector.extract_strided_slice %div3A_12 {offsets = [110, 0], sizes = [1, 8], strides = [1, 1]} : vector<256x8xf32> to vector<1x8xf32>
    %squeeze3A_710 = vector.shape_cast %slice3A_709 : vector<1x8xf32> to vector<8xf32>
    %broadcast_in_dim3A_711 = vector.shape_cast %squeeze3A_710 : vector<8xf32> to vector<1x8xf32>
    %slice3A_712 = vector.extract_strided_slice %div3A_12 {offsets = [174, 0], sizes = [1, 8], strides = [1, 1]} : vector<256x8xf32> to vector<1x8xf32>
    %squeeze3A_713 = vector.shape_cast %slice3A_712 : vector<1x8xf32> to vector<8xf32>
    %broadcast_in_dim3A_714 = vector.shape_cast %squeeze3A_713 : vector<8xf32> to vector<1x8xf32>
    %slice3A_715 = vector.extract_strided_slice %div3A_12 {offsets = [238, 0], sizes = [1, 8], strides = [1, 1]} : vector<256x8xf32> to vector<1x8xf32>
    %squeeze3A_716 = vector.shape_cast %slice3A_715 : vector<1x8xf32> to vector<8xf32>
    %broadcast_in_dim3A_717 = vector.shape_cast %squeeze3A_716 : vector<8xf32> to vector<1x8xf32>
    %concatenate3A_718 = tpu.concatenate %broadcast_in_dim3A_708, %broadcast_in_dim3A_711, %broadcast_in_dim3A_714, %broadcast_in_dim3A_717 in 0 : vector<1x8xf32>, vector<1x8xf32>, vector<1x8xf32>, vector<1x8xf32> -> vector<4x8xf32>
    %slice3A_719 = vector.extract_strided_slice %div3A_39 {offsets = [0, 48], sizes = [4, 1], strides = [1, 1]} : vector<4x128xf32> to vector<4x1xf32>
    %slice3A_720 = vector.extract_strided_slice %div3A_12 {offsets = [47, 0], sizes = [1, 8], strides = [1, 1]} : vector<256x8xf32> to vector<1x8xf32>
    %squeeze3A_721 = vector.shape_cast %slice3A_720 : vector<1x8xf32> to vector<8xf32>
    %broadcast_in_dim3A_722 = vector.shape_cast %squeeze3A_721 : vector<8xf32> to vector<1x8xf32>
    %slice3A_723 = vector.extract_strided_slice %div3A_12 {offsets = [111, 0], sizes = [1, 8], strides = [1, 1]} : vector<256x8xf32> to vector<1x8xf32>
    %squeeze3A_724 = vector.shape_cast %slice3A_723 : vector<1x8xf32> to vector<8xf32>
    %broadcast_in_dim3A_725 = vector.shape_cast %squeeze3A_724 : vector<8xf32> to vector<1x8xf32>
    %slice3A_726 = vector.extract_strided_slice %div3A_12 {offsets = [175, 0], sizes = [1, 8], strides = [1, 1]} : vector<256x8xf32> to vector<1x8xf32>
    %squeeze3A_727 = vector.shape_cast %slice3A_726 : vector<1x8xf32> to vector<8xf32>
    %broadcast_in_dim3A_728 = vector.shape_cast %squeeze3A_727 : vector<8xf32> to vector<1x8xf32>
    %slice3A_729 = vector.extract_strided_slice %div3A_12 {offsets = [239, 0], sizes = [1, 8], strides = [1, 1]} : vector<256x8xf32> to vector<1x8xf32>
    %squeeze3A_730 = vector.shape_cast %slice3A_729 : vector<1x8xf32> to vector<8xf32>
    %broadcast_in_dim3A_731 = vector.shape_cast %squeeze3A_730 : vector<8xf32> to vector<1x8xf32>
    %concatenate3A_732 = tpu.concatenate %broadcast_in_dim3A_722, %broadcast_in_dim3A_725, %broadcast_in_dim3A_728, %broadcast_in_dim3A_731 in 0 : vector<1x8xf32>, vector<1x8xf32>, vector<1x8xf32>, vector<1x8xf32> -> vector<4x8xf32>
    %slice3A_733 = vector.extract_strided_slice %div3A_39 {offsets = [0, 49], sizes = [4, 1], strides = [1, 1]} : vector<4x128xf32> to vector<4x1xf32>
    %slice3A_734 = vector.extract_strided_slice %div3A_12 {offsets = [48, 0], sizes = [1, 8], strides = [1, 1]} : vector<256x8xf32> to vector<1x8xf32>
    %squeeze3A_735 = vector.shape_cast %slice3A_734 : vector<1x8xf32> to vector<8xf32>
    %broadcast_in_dim3A_736 = vector.shape_cast %squeeze3A_735 : vector<8xf32> to vector<1x8xf32>
    %slice3A_737 = vector.extract_strided_slice %div3A_12 {offsets = [112, 0], sizes = [1, 8], strides = [1, 1]} : vector<256x8xf32> to vector<1x8xf32>
    %squeeze3A_738 = vector.shape_cast %slice3A_737 : vector<1x8xf32> to vector<8xf32>
    %broadcast_in_dim3A_739 = vector.shape_cast %squeeze3A_738 : vector<8xf32> to vector<1x8xf32>
    %slice3A_740 = vector.extract_strided_slice %div3A_12 {offsets = [176, 0], sizes = [1, 8], strides = [1, 1]} : vector<256x8xf32> to vector<1x8xf32>
    %squeeze3A_741 = vector.shape_cast %slice3A_740 : vector<1x8xf32> to vector<8xf32>
    %broadcast_in_dim3A_742 = vector.shape_cast %squeeze3A_741 : vector<8xf32> to vector<1x8xf32>
    %slice3A_743 = vector.extract_strided_slice %div3A_12 {offsets = [240, 0], sizes = [1, 8], strides = [1, 1]} : vector<256x8xf32> to vector<1x8xf32>
    %squeeze3A_744 = vector.shape_cast %slice3A_743 : vector<1x8xf32> to vector<8xf32>
    %broadcast_in_dim3A_745 = vector.shape_cast %squeeze3A_744 : vector<8xf32> to vector<1x8xf32>
    %concatenate3A_746 = tpu.concatenate %broadcast_in_dim3A_736, %broadcast_in_dim3A_739, %broadcast_in_dim3A_742, %broadcast_in_dim3A_745 in 0 : vector<1x8xf32>, vector<1x8xf32>, vector<1x8xf32>, vector<1x8xf32> -> vector<4x8xf32>
    %slice3A_747 = vector.extract_strided_slice %div3A_39 {offsets = [0, 50], sizes = [4, 1], strides = [1, 1]} : vector<4x128xf32> to vector<4x1xf32>
    %slice3A_748 = vector.extract_strided_slice %div3A_12 {offsets = [49, 0], sizes = [1, 8], strides = [1, 1]} : vector<256x8xf32> to vector<1x8xf32>
    %squeeze3A_749 = vector.shape_cast %slice3A_748 : vector<1x8xf32> to vector<8xf32>
    %broadcast_in_dim3A_750 = vector.shape_cast %squeeze3A_749 : vector<8xf32> to vector<1x8xf32>
    %slice3A_751 = vector.extract_strided_slice %div3A_12 {offsets = [113, 0], sizes = [1, 8], strides = [1, 1]} : vector<256x8xf32> to vector<1x8xf32>
    %squeeze3A_752 = vector.shape_cast %slice3A_751 : vector<1x8xf32> to vector<8xf32>
    %broadcast_in_dim3A_753 = vector.shape_cast %squeeze3A_752 : vector<8xf32> to vector<1x8xf32>
    %slice3A_754 = vector.extract_strided_slice %div3A_12 {offsets = [177, 0], sizes = [1, 8], strides = [1, 1]} : vector<256x8xf32> to vector<1x8xf32>
    %squeeze3A_755 = vector.shape_cast %slice3A_754 : vector<1x8xf32> to vector<8xf32>
    %broadcast_in_dim3A_756 = vector.shape_cast %squeeze3A_755 : vector<8xf32> to vector<1x8xf32>
    %slice3A_757 = vector.extract_strided_slice %div3A_12 {offsets = [241, 0], sizes = [1, 8], strides = [1, 1]} : vector<256x8xf32> to vector<1x8xf32>
    %squeeze3A_758 = vector.shape_cast %slice3A_757 : vector<1x8xf32> to vector<8xf32>
    %broadcast_in_dim3A_759 = vector.shape_cast %squeeze3A_758 : vector<8xf32> to vector<1x8xf32>
    %concatenate3A_760 = tpu.concatenate %broadcast_in_dim3A_750, %broadcast_in_dim3A_753, %broadcast_in_dim3A_756, %broadcast_in_dim3A_759 in 0 : vector<1x8xf32>, vector<1x8xf32>, vector<1x8xf32>, vector<1x8xf32> -> vector<4x8xf32>
    %slice3A_761 = vector.extract_strided_slice %div3A_39 {offsets = [0, 51], sizes = [4, 1], strides = [1, 1]} : vector<4x128xf32> to vector<4x1xf32>
    %slice3A_762 = vector.extract_strided_slice %div3A_12 {offsets = [50, 0], sizes = [1, 8], strides = [1, 1]} : vector<256x8xf32> to vector<1x8xf32>
    %squeeze3A_763 = vector.shape_cast %slice3A_762 : vector<1x8xf32> to vector<8xf32>
    %broadcast_in_dim3A_764 = vector.shape_cast %squeeze3A_763 : vector<8xf32> to vector<1x8xf32>
    %slice3A_765 = vector.extract_strided_slice %div3A_12 {offsets = [114, 0], sizes = [1, 8], strides = [1, 1]} : vector<256x8xf32> to vector<1x8xf32>
    %squeeze3A_766 = vector.shape_cast %slice3A_765 : vector<1x8xf32> to vector<8xf32>
    %broadcast_in_dim3A_767 = vector.shape_cast %squeeze3A_766 : vector<8xf32> to vector<1x8xf32>
    %slice3A_768 = vector.extract_strided_slice %div3A_12 {offsets = [178, 0], sizes = [1, 8], strides = [1, 1]} : vector<256x8xf32> to vector<1x8xf32>
    %squeeze3A_769 = vector.shape_cast %slice3A_768 : vector<1x8xf32> to vector<8xf32>
    %broadcast_in_dim3A_770 = vector.shape_cast %squeeze3A_769 : vector<8xf32> to vector<1x8xf32>
    %slice3A_771 = vector.extract_strided_slice %div3A_12 {offsets = [242, 0], sizes = [1, 8], strides = [1, 1]} : vector<256x8xf32> to vector<1x8xf32>
    %squeeze3A_772 = vector.shape_cast %slice3A_771 : vector<1x8xf32> to vector<8xf32>
    %broadcast_in_dim3A_773 = vector.shape_cast %squeeze3A_772 : vector<8xf32> to vector<1x8xf32>
    %concatenate3A_774 = tpu.concatenate %broadcast_in_dim3A_764, %broadcast_in_dim3A_767, %broadcast_in_dim3A_770, %broadcast_in_dim3A_773 in 0 : vector<1x8xf32>, vector<1x8xf32>, vector<1x8xf32>, vector<1x8xf32> -> vector<4x8xf32>
    %slice3A_775 = vector.extract_strided_slice %div3A_39 {offsets = [0, 52], sizes = [4, 1], strides = [1, 1]} : vector<4x128xf32> to vector<4x1xf32>
    %slice3A_776 = vector.extract_strided_slice %div3A_12 {offsets = [51, 0], sizes = [1, 8], strides = [1, 1]} : vector<256x8xf32> to vector<1x8xf32>
    %squeeze3A_777 = vector.shape_cast %slice3A_776 : vector<1x8xf32> to vector<8xf32>
    %broadcast_in_dim3A_778 = vector.shape_cast %squeeze3A_777 : vector<8xf32> to vector<1x8xf32>
    %slice3A_779 = vector.extract_strided_slice %div3A_12 {offsets = [115, 0], sizes = [1, 8], strides = [1, 1]} : vector<256x8xf32> to vector<1x8xf32>
    %squeeze3A_780 = vector.shape_cast %slice3A_779 : vector<1x8xf32> to vector<8xf32>
    %broadcast_in_dim3A_781 = vector.shape_cast %squeeze3A_780 : vector<8xf32> to vector<1x8xf32>
    %slice3A_782 = vector.extract_strided_slice %div3A_12 {offsets = [179, 0], sizes = [1, 8], strides = [1, 1]} : vector<256x8xf32> to vector<1x8xf32>
    %squeeze3A_783 = vector.shape_cast %slice3A_782 : vector<1x8xf32> to vector<8xf32>
    %broadcast_in_dim3A_784 = vector.shape_cast %squeeze3A_783 : vector<8xf32> to vector<1x8xf32>
    %slice3A_785 = vector.extract_strided_slice %div3A_12 {offsets = [243, 0], sizes = [1, 8], strides = [1, 1]} : vector<256x8xf32> to vector<1x8xf32>
    %squeeze3A_786 = vector.shape_cast %slice3A_785 : vector<1x8xf32> to vector<8xf32>
    %broadcast_in_dim3A_787 = vector.shape_cast %squeeze3A_786 : vector<8xf32> to vector<1x8xf32>
    %concatenate3A_788 = tpu.concatenate %broadcast_in_dim3A_778, %broadcast_in_dim3A_781, %broadcast_in_dim3A_784, %broadcast_in_dim3A_787 in 0 : vector<1x8xf32>, vector<1x8xf32>, vector<1x8xf32>, vector<1x8xf32> -> vector<4x8xf32>
    %slice3A_789 = vector.extract_strided_slice %div3A_39 {offsets = [0, 53], sizes = [4, 1], strides = [1, 1]} : vector<4x128xf32> to vector<4x1xf32>
    %slice3A_790 = vector.extract_strided_slice %div3A_12 {offsets = [52, 0], sizes = [1, 8], strides = [1, 1]} : vector<256x8xf32> to vector<1x8xf32>
    %squeeze3A_791 = vector.shape_cast %slice3A_790 : vector<1x8xf32> to vector<8xf32>
    %broadcast_in_dim3A_792 = vector.shape_cast %squeeze3A_791 : vector<8xf32> to vector<1x8xf32>
    %slice3A_793 = vector.extract_strided_slice %div3A_12 {offsets = [116, 0], sizes = [1, 8], strides = [1, 1]} : vector<256x8xf32> to vector<1x8xf32>
    %squeeze3A_794 = vector.shape_cast %slice3A_793 : vector<1x8xf32> to vector<8xf32>
    %broadcast_in_dim3A_795 = vector.shape_cast %squeeze3A_794 : vector<8xf32> to vector<1x8xf32>
    %slice3A_796 = vector.extract_strided_slice %div3A_12 {offsets = [180, 0], sizes = [1, 8], strides = [1, 1]} : vector<256x8xf32> to vector<1x8xf32>
    %squeeze3A_797 = vector.shape_cast %slice3A_796 : vector<1x8xf32> to vector<8xf32>
    %broadcast_in_dim3A_798 = vector.shape_cast %squeeze3A_797 : vector<8xf32> to vector<1x8xf32>
    %slice3A_799 = vector.extract_strided_slice %div3A_12 {offsets = [244, 0], sizes = [1, 8], strides = [1, 1]} : vector<256x8xf32> to vector<1x8xf32>
    %squeeze3A_800 = vector.shape_cast %slice3A_799 : vector<1x8xf32> to vector<8xf32>
    %broadcast_in_dim3A_801 = vector.shape_cast %squeeze3A_800 : vector<8xf32> to vector<1x8xf32>
    %concatenate3A_802 = tpu.concatenate %broadcast_in_dim3A_792, %broadcast_in_dim3A_795, %broadcast_in_dim3A_798, %broadcast_in_dim3A_801 in 0 : vector<1x8xf32>, vector<1x8xf32>, vector<1x8xf32>, vector<1x8xf32> -> vector<4x8xf32>
    %slice3A_803 = vector.extract_strided_slice %div3A_39 {offsets = [0, 54], sizes = [4, 1], strides = [1, 1]} : vector<4x128xf32> to vector<4x1xf32>
    %slice3A_804 = vector.extract_strided_slice %div3A_12 {offsets = [53, 0], sizes = [1, 8], strides = [1, 1]} : vector<256x8xf32> to vector<1x8xf32>
    %squeeze3A_805 = vector.shape_cast %slice3A_804 : vector<1x8xf32> to vector<8xf32>
    %broadcast_in_dim3A_806 = vector.shape_cast %squeeze3A_805 : vector<8xf32> to vector<1x8xf32>
    %slice3A_807 = vector.extract_strided_slice %div3A_12 {offsets = [117, 0], sizes = [1, 8], strides = [1, 1]} : vector<256x8xf32> to vector<1x8xf32>
    %squeeze3A_808 = vector.shape_cast %slice3A_807 : vector<1x8xf32> to vector<8xf32>
    %broadcast_in_dim3A_809 = vector.shape_cast %squeeze3A_808 : vector<8xf32> to vector<1x8xf32>
    %slice3A_810 = vector.extract_strided_slice %div3A_12 {offsets = [181, 0], sizes = [1, 8], strides = [1, 1]} : vector<256x8xf32> to vector<1x8xf32>
    %squeeze3A_811 = vector.shape_cast %slice3A_810 : vector<1x8xf32> to vector<8xf32>
    %broadcast_in_dim3A_812 = vector.shape_cast %squeeze3A_811 : vector<8xf32> to vector<1x8xf32>
    %slice3A_813 = vector.extract_strided_slice %div3A_12 {offsets = [245, 0], sizes = [1, 8], strides = [1, 1]} : vector<256x8xf32> to vector<1x8xf32>
    %squeeze3A_814 = vector.shape_cast %slice3A_813 : vector<1x8xf32> to vector<8xf32>
    %broadcast_in_dim3A_815 = vector.shape_cast %squeeze3A_814 : vector<8xf32> to vector<1x8xf32>
    %concatenate3A_816 = tpu.concatenate %broadcast_in_dim3A_806, %broadcast_in_dim3A_809, %broadcast_in_dim3A_812, %broadcast_in_dim3A_815 in 0 : vector<1x8xf32>, vector<1x8xf32>, vector<1x8xf32>, vector<1x8xf32> -> vector<4x8xf32>
    %slice3A_817 = vector.extract_strided_slice %div3A_39 {offsets = [0, 55], sizes = [4, 1], strides = [1, 1]} : vector<4x128xf32> to vector<4x1xf32>
    %slice3A_818 = vector.extract_strided_slice %div3A_12 {offsets = [54, 0], sizes = [1, 8], strides = [1, 1]} : vector<256x8xf32> to vector<1x8xf32>
    %squeeze3A_819 = vector.shape_cast %slice3A_818 : vector<1x8xf32> to vector<8xf32>
    %broadcast_in_dim3A_820 = vector.shape_cast %squeeze3A_819 : vector<8xf32> to vector<1x8xf32>
    %slice3A_821 = vector.extract_strided_slice %div3A_12 {offsets = [118, 0], sizes = [1, 8], strides = [1, 1]} : vector<256x8xf32> to vector<1x8xf32>
    %squeeze3A_822 = vector.shape_cast %slice3A_821 : vector<1x8xf32> to vector<8xf32>
    %broadcast_in_dim3A_823 = vector.shape_cast %squeeze3A_822 : vector<8xf32> to vector<1x8xf32>
    %slice3A_824 = vector.extract_strided_slice %div3A_12 {offsets = [182, 0], sizes = [1, 8], strides = [1, 1]} : vector<256x8xf32> to vector<1x8xf32>
    %squeeze3A_825 = vector.shape_cast %slice3A_824 : vector<1x8xf32> to vector<8xf32>
    %broadcast_in_dim3A_826 = vector.shape_cast %squeeze3A_825 : vector<8xf32> to vector<1x8xf32>
    %slice3A_827 = vector.extract_strided_slice %div3A_12 {offsets = [246, 0], sizes = [1, 8], strides = [1, 1]} : vector<256x8xf32> to vector<1x8xf32>
    %squeeze3A_828 = vector.shape_cast %slice3A_827 : vector<1x8xf32> to vector<8xf32>
    %broadcast_in_dim3A_829 = vector.shape_cast %squeeze3A_828 : vector<8xf32> to vector<1x8xf32>
    %concatenate3A_830 = tpu.concatenate %broadcast_in_dim3A_820, %broadcast_in_dim3A_823, %broadcast_in_dim3A_826, %broadcast_in_dim3A_829 in 0 : vector<1x8xf32>, vector<1x8xf32>, vector<1x8xf32>, vector<1x8xf32> -> vector<4x8xf32>
    %slice3A_831 = vector.extract_strided_slice %div3A_39 {offsets = [0, 56], sizes = [4, 1], strides = [1, 1]} : vector<4x128xf32> to vector<4x1xf32>
    %slice3A_832 = vector.extract_strided_slice %div3A_12 {offsets = [55, 0], sizes = [1, 8], strides = [1, 1]} : vector<256x8xf32> to vector<1x8xf32>
    %squeeze3A_833 = vector.shape_cast %slice3A_832 : vector<1x8xf32> to vector<8xf32>
    %broadcast_in_dim3A_834 = vector.shape_cast %squeeze3A_833 : vector<8xf32> to vector<1x8xf32>
    %slice3A_835 = vector.extract_strided_slice %div3A_12 {offsets = [119, 0], sizes = [1, 8], strides = [1, 1]} : vector<256x8xf32> to vector<1x8xf32>
    %squeeze3A_836 = vector.shape_cast %slice3A_835 : vector<1x8xf32> to vector<8xf32>
    %broadcast_in_dim3A_837 = vector.shape_cast %squeeze3A_836 : vector<8xf32> to vector<1x8xf32>
    %slice3A_838 = vector.extract_strided_slice %div3A_12 {offsets = [183, 0], sizes = [1, 8], strides = [1, 1]} : vector<256x8xf32> to vector<1x8xf32>
    %squeeze3A_839 = vector.shape_cast %slice3A_838 : vector<1x8xf32> to vector<8xf32>
    %broadcast_in_dim3A_840 = vector.shape_cast %squeeze3A_839 : vector<8xf32> to vector<1x8xf32>
    %slice3A_841 = vector.extract_strided_slice %div3A_12 {offsets = [247, 0], sizes = [1, 8], strides = [1, 1]} : vector<256x8xf32> to vector<1x8xf32>
    %squeeze3A_842 = vector.shape_cast %slice3A_841 : vector<1x8xf32> to vector<8xf32>
    %broadcast_in_dim3A_843 = vector.shape_cast %squeeze3A_842 : vector<8xf32> to vector<1x8xf32>
    %concatenate3A_844 = tpu.concatenate %broadcast_in_dim3A_834, %broadcast_in_dim3A_837, %broadcast_in_dim3A_840, %broadcast_in_dim3A_843 in 0 : vector<1x8xf32>, vector<1x8xf32>, vector<1x8xf32>, vector<1x8xf32> -> vector<4x8xf32>
    %slice3A_845 = vector.extract_strided_slice %div3A_39 {offsets = [0, 57], sizes = [4, 1], strides = [1, 1]} : vector<4x128xf32> to vector<4x1xf32>
    %slice3A_846 = vector.extract_strided_slice %div3A_12 {offsets = [56, 0], sizes = [1, 8], strides = [1, 1]} : vector<256x8xf32> to vector<1x8xf32>
    %squeeze3A_847 = vector.shape_cast %slice3A_846 : vector<1x8xf32> to vector<8xf32>
    %broadcast_in_dim3A_848 = vector.shape_cast %squeeze3A_847 : vector<8xf32> to vector<1x8xf32>
    %slice3A_849 = vector.extract_strided_slice %div3A_12 {offsets = [120, 0], sizes = [1, 8], strides = [1, 1]} : vector<256x8xf32> to vector<1x8xf32>
    %squeeze3A_850 = vector.shape_cast %slice3A_849 : vector<1x8xf32> to vector<8xf32>
    %broadcast_in_dim3A_851 = vector.shape_cast %squeeze3A_850 : vector<8xf32> to vector<1x8xf32>
    %slice3A_852 = vector.extract_strided_slice %div3A_12 {offsets = [184, 0], sizes = [1, 8], strides = [1, 1]} : vector<256x8xf32> to vector<1x8xf32>
    %squeeze3A_853 = vector.shape_cast %slice3A_852 : vector<1x8xf32> to vector<8xf32>
    %broadcast_in_dim3A_854 = vector.shape_cast %squeeze3A_853 : vector<8xf32> to vector<1x8xf32>
    %slice3A_855 = vector.extract_strided_slice %div3A_12 {offsets = [248, 0], sizes = [1, 8], strides = [1, 1]} : vector<256x8xf32> to vector<1x8xf32>
    %squeeze3A_856 = vector.shape_cast %slice3A_855 : vector<1x8xf32> to vector<8xf32>
    %broadcast_in_dim3A_857 = vector.shape_cast %squeeze3A_856 : vector<8xf32> to vector<1x8xf32>
    %concatenate3A_858 = tpu.concatenate %broadcast_in_dim3A_848, %broadcast_in_dim3A_851, %broadcast_in_dim3A_854, %broadcast_in_dim3A_857 in 0 : vector<1x8xf32>, vector<1x8xf32>, vector<1x8xf32>, vector<1x8xf32> -> vector<4x8xf32>
    %slice3A_859 = vector.extract_strided_slice %div3A_39 {offsets = [0, 58], sizes = [4, 1], strides = [1, 1]} : vector<4x128xf32> to vector<4x1xf32>
    %slice3A_860 = vector.extract_strided_slice %div3A_12 {offsets = [57, 0], sizes = [1, 8], strides = [1, 1]} : vector<256x8xf32> to vector<1x8xf32>
    %squeeze3A_861 = vector.shape_cast %slice3A_860 : vector<1x8xf32> to vector<8xf32>
    %broadcast_in_dim3A_862 = vector.shape_cast %squeeze3A_861 : vector<8xf32> to vector<1x8xf32>
    %slice3A_863 = vector.extract_strided_slice %div3A_12 {offsets = [121, 0], sizes = [1, 8], strides = [1, 1]} : vector<256x8xf32> to vector<1x8xf32>
    %squeeze3A_864 = vector.shape_cast %slice3A_863 : vector<1x8xf32> to vector<8xf32>
    %broadcast_in_dim3A_865 = vector.shape_cast %squeeze3A_864 : vector<8xf32> to vector<1x8xf32>
    %slice3A_866 = vector.extract_strided_slice %div3A_12 {offsets = [185, 0], sizes = [1, 8], strides = [1, 1]} : vector<256x8xf32> to vector<1x8xf32>
    %squeeze3A_867 = vector.shape_cast %slice3A_866 : vector<1x8xf32> to vector<8xf32>
    %broadcast_in_dim3A_868 = vector.shape_cast %squeeze3A_867 : vector<8xf32> to vector<1x8xf32>
    %slice3A_869 = vector.extract_strided_slice %div3A_12 {offsets = [249, 0], sizes = [1, 8], strides = [1, 1]} : vector<256x8xf32> to vector<1x8xf32>
    %squeeze3A_870 = vector.shape_cast %slice3A_869 : vector<1x8xf32> to vector<8xf32>
    %broadcast_in_dim3A_871 = vector.shape_cast %squeeze3A_870 : vector<8xf32> to vector<1x8xf32>
    %concatenate3A_872 = tpu.concatenate %broadcast_in_dim3A_862, %broadcast_in_dim3A_865, %broadcast_in_dim3A_868, %broadcast_in_dim3A_871 in 0 : vector<1x8xf32>, vector<1x8xf32>, vector<1x8xf32>, vector<1x8xf32> -> vector<4x8xf32>
    %slice3A_873 = vector.extract_strided_slice %div3A_39 {offsets = [0, 59], sizes = [4, 1], strides = [1, 1]} : vector<4x128xf32> to vector<4x1xf32>
    %slice3A_874 = vector.extract_strided_slice %div3A_12 {offsets = [58, 0], sizes = [1, 8], strides = [1, 1]} : vector<256x8xf32> to vector<1x8xf32>
    %squeeze3A_875 = vector.shape_cast %slice3A_874 : vector<1x8xf32> to vector<8xf32>
    %broadcast_in_dim3A_876 = vector.shape_cast %squeeze3A_875 : vector<8xf32> to vector<1x8xf32>
    %slice3A_877 = vector.extract_strided_slice %div3A_12 {offsets = [122, 0], sizes = [1, 8], strides = [1, 1]} : vector<256x8xf32> to vector<1x8xf32>
    %squeeze3A_878 = vector.shape_cast %slice3A_877 : vector<1x8xf32> to vector<8xf32>
    %broadcast_in_dim3A_879 = vector.shape_cast %squeeze3A_878 : vector<8xf32> to vector<1x8xf32>
    %slice3A_880 = vector.extract_strided_slice %div3A_12 {offsets = [186, 0], sizes = [1, 8], strides = [1, 1]} : vector<256x8xf32> to vector<1x8xf32>
    %squeeze3A_881 = vector.shape_cast %slice3A_880 : vector<1x8xf32> to vector<8xf32>
    %broadcast_in_dim3A_882 = vector.shape_cast %squeeze3A_881 : vector<8xf32> to vector<1x8xf32>
    %slice3A_883 = vector.extract_strided_slice %div3A_12 {offsets = [250, 0], sizes = [1, 8], strides = [1, 1]} : vector<256x8xf32> to vector<1x8xf32>
    %squeeze3A_884 = vector.shape_cast %slice3A_883 : vector<1x8xf32> to vector<8xf32>
    %broadcast_in_dim3A_885 = vector.shape_cast %squeeze3A_884 : vector<8xf32> to vector<1x8xf32>
    %concatenate3A_886 = tpu.concatenate %broadcast_in_dim3A_876, %broadcast_in_dim3A_879, %broadcast_in_dim3A_882, %broadcast_in_dim3A_885 in 0 : vector<1x8xf32>, vector<1x8xf32>, vector<1x8xf32>, vector<1x8xf32> -> vector<4x8xf32>
    %slice3A_887 = vector.extract_strided_slice %div3A_39 {offsets = [0, 60], sizes = [4, 1], strides = [1, 1]} : vector<4x128xf32> to vector<4x1xf32>
    %slice3A_888 = vector.extract_strided_slice %div3A_12 {offsets = [59, 0], sizes = [1, 8], strides = [1, 1]} : vector<256x8xf32> to vector<1x8xf32>
    %squeeze3A_889 = vector.shape_cast %slice3A_888 : vector<1x8xf32> to vector<8xf32>
    %broadcast_in_dim3A_890 = vector.shape_cast %squeeze3A_889 : vector<8xf32> to vector<1x8xf32>
    %slice3A_891 = vector.extract_strided_slice %div3A_12 {offsets = [123, 0], sizes = [1, 8], strides = [1, 1]} : vector<256x8xf32> to vector<1x8xf32>
    %squeeze3A_892 = vector.shape_cast %slice3A_891 : vector<1x8xf32> to vector<8xf32>
    %broadcast_in_dim3A_893 = vector.shape_cast %squeeze3A_892 : vector<8xf32> to vector<1x8xf32>
    %slice3A_894 = vector.extract_strided_slice %div3A_12 {offsets = [187, 0], sizes = [1, 8], strides = [1, 1]} : vector<256x8xf32> to vector<1x8xf32>
    %squeeze3A_895 = vector.shape_cast %slice3A_894 : vector<1x8xf32> to vector<8xf32>
    %broadcast_in_dim3A_896 = vector.shape_cast %squeeze3A_895 : vector<8xf32> to vector<1x8xf32>
    %slice3A_897 = vector.extract_strided_slice %div3A_12 {offsets = [251, 0], sizes = [1, 8], strides = [1, 1]} : vector<256x8xf32> to vector<1x8xf32>
    %squeeze3A_898 = vector.shape_cast %slice3A_897 : vector<1x8xf32> to vector<8xf32>
    %broadcast_in_dim3A_899 = vector.shape_cast %squeeze3A_898 : vector<8xf32> to vector<1x8xf32>
    %concatenate3A_900 = tpu.concatenate %broadcast_in_dim3A_890, %broadcast_in_dim3A_893, %broadcast_in_dim3A_896, %broadcast_in_dim3A_899 in 0 : vector<1x8xf32>, vector<1x8xf32>, vector<1x8xf32>, vector<1x8xf32> -> vector<4x8xf32>
    %slice3A_901 = vector.extract_strided_slice %div3A_39 {offsets = [0, 61], sizes = [4, 1], strides = [1, 1]} : vector<4x128xf32> to vector<4x1xf32>
    %slice3A_902 = vector.extract_strided_slice %div3A_12 {offsets = [60, 0], sizes = [1, 8], strides = [1, 1]} : vector<256x8xf32> to vector<1x8xf32>
    %squeeze3A_903 = vector.shape_cast %slice3A_902 : vector<1x8xf32> to vector<8xf32>
    %broadcast_in_dim3A_904 = vector.shape_cast %squeeze3A_903 : vector<8xf32> to vector<1x8xf32>
    %slice3A_905 = vector.extract_strided_slice %div3A_12 {offsets = [124, 0], sizes = [1, 8], strides = [1, 1]} : vector<256x8xf32> to vector<1x8xf32>
    %squeeze3A_906 = vector.shape_cast %slice3A_905 : vector<1x8xf32> to vector<8xf32>
    %broadcast_in_dim3A_907 = vector.shape_cast %squeeze3A_906 : vector<8xf32> to vector<1x8xf32>
    %slice3A_908 = vector.extract_strided_slice %div3A_12 {offsets = [188, 0], sizes = [1, 8], strides = [1, 1]} : vector<256x8xf32> to vector<1x8xf32>
    %squeeze3A_909 = vector.shape_cast %slice3A_908 : vector<1x8xf32> to vector<8xf32>
    %broadcast_in_dim3A_910 = vector.shape_cast %squeeze3A_909 : vector<8xf32> to vector<1x8xf32>
    %slice3A_911 = vector.extract_strided_slice %div3A_12 {offsets = [252, 0], sizes = [1, 8], strides = [1, 1]} : vector<256x8xf32> to vector<1x8xf32>
    %squeeze3A_912 = vector.shape_cast %slice3A_911 : vector<1x8xf32> to vector<8xf32>
    %broadcast_in_dim3A_913 = vector.shape_cast %squeeze3A_912 : vector<8xf32> to vector<1x8xf32>
    %concatenate3A_914 = tpu.concatenate %broadcast_in_dim3A_904, %broadcast_in_dim3A_907, %broadcast_in_dim3A_910, %broadcast_in_dim3A_913 in 0 : vector<1x8xf32>, vector<1x8xf32>, vector<1x8xf32>, vector<1x8xf32> -> vector<4x8xf32>
    %slice3A_915 = vector.extract_strided_slice %div3A_39 {offsets = [0, 62], sizes = [4, 1], strides = [1, 1]} : vector<4x128xf32> to vector<4x1xf32>
    %slice3A_916 = vector.extract_strided_slice %div3A_12 {offsets = [61, 0], sizes = [1, 8], strides = [1, 1]} : vector<256x8xf32> to vector<1x8xf32>
    %squeeze3A_917 = vector.shape_cast %slice3A_916 : vector<1x8xf32> to vector<8xf32>
    %broadcast_in_dim3A_918 = vector.shape_cast %squeeze3A_917 : vector<8xf32> to vector<1x8xf32>
    %slice3A_919 = vector.extract_strided_slice %div3A_12 {offsets = [125, 0], sizes = [1, 8], strides = [1, 1]} : vector<256x8xf32> to vector<1x8xf32>
    %squeeze3A_920 = vector.shape_cast %slice3A_919 : vector<1x8xf32> to vector<8xf32>
    %broadcast_in_dim3A_921 = vector.shape_cast %squeeze3A_920 : vector<8xf32> to vector<1x8xf32>
    %slice3A_922 = vector.extract_strided_slice %div3A_12 {offsets = [189, 0], sizes = [1, 8], strides = [1, 1]} : vector<256x8xf32> to vector<1x8xf32>
    %squeeze3A_923 = vector.shape_cast %slice3A_922 : vector<1x8xf32> to vector<8xf32>
    %broadcast_in_dim3A_924 = vector.shape_cast %squeeze3A_923 : vector<8xf32> to vector<1x8xf32>
    %slice3A_925 = vector.extract_strided_slice %div3A_12 {offsets = [253, 0], sizes = [1, 8], strides = [1, 1]} : vector<256x8xf32> to vector<1x8xf32>
    %squeeze3A_926 = vector.shape_cast %slice3A_925 : vector<1x8xf32> to vector<8xf32>
    %broadcast_in_dim3A_927 = vector.shape_cast %squeeze3A_926 : vector<8xf32> to vector<1x8xf32>
    %concatenate3A_928 = tpu.concatenate %broadcast_in_dim3A_918, %broadcast_in_dim3A_921, %broadcast_in_dim3A_924, %broadcast_in_dim3A_927 in 0 : vector<1x8xf32>, vector<1x8xf32>, vector<1x8xf32>, vector<1x8xf32> -> vector<4x8xf32>
    %slice3A_929 = vector.extract_strided_slice %div3A_39 {offsets = [0, 63], sizes = [4, 1], strides = [1, 1]} : vector<4x128xf32> to vector<4x1xf32>
    %slice3A_930 = vector.extract_strided_slice %div3A_12 {offsets = [62, 0], sizes = [1, 8], strides = [1, 1]} : vector<256x8xf32> to vector<1x8xf32>
    %squeeze3A_931 = vector.shape_cast %slice3A_930 : vector<1x8xf32> to vector<8xf32>
    %broadcast_in_dim3A_932 = vector.shape_cast %squeeze3A_931 : vector<8xf32> to vector<1x8xf32>
    %slice3A_933 = vector.extract_strided_slice %div3A_12 {offsets = [126, 0], sizes = [1, 8], strides = [1, 1]} : vector<256x8xf32> to vector<1x8xf32>
    %squeeze3A_934 = vector.shape_cast %slice3A_933 : vector<1x8xf32> to vector<8xf32>
    %broadcast_in_dim3A_935 = vector.shape_cast %squeeze3A_934 : vector<8xf32> to vector<1x8xf32>
    %slice3A_936 = vector.extract_strided_slice %div3A_12 {offsets = [190, 0], sizes = [1, 8], strides = [1, 1]} : vector<256x8xf32> to vector<1x8xf32>
    %squeeze3A_937 = vector.shape_cast %slice3A_936 : vector<1x8xf32> to vector<8xf32>
    %broadcast_in_dim3A_938 = vector.shape_cast %squeeze3A_937 : vector<8xf32> to vector<1x8xf32>
    %slice3A_939 = vector.extract_strided_slice %div3A_12 {offsets = [254, 0], sizes = [1, 8], strides = [1, 1]} : vector<256x8xf32> to vector<1x8xf32>
    %squeeze3A_940 = vector.shape_cast %slice3A_939 : vector<1x8xf32> to vector<8xf32>
    %broadcast_in_dim3A_941 = vector.shape_cast %squeeze3A_940 : vector<8xf32> to vector<1x8xf32>
    %concatenate3A_942 = tpu.concatenate %broadcast_in_dim3A_932, %broadcast_in_dim3A_935, %broadcast_in_dim3A_938, %broadcast_in_dim3A_941 in 0 : vector<1x8xf32>, vector<1x8xf32>, vector<1x8xf32>, vector<1x8xf32> -> vector<4x8xf32>
    %slice3A_943 = vector.extract_strided_slice %div3A_39 {offsets = [0, 64], sizes = [4, 1], strides = [1, 1]} : vector<4x128xf32> to vector<4x1xf32>
    %slice3A_944 = vector.extract_strided_slice %div3A_12 {offsets = [63, 0], sizes = [1, 8], strides = [1, 1]} : vector<256x8xf32> to vector<1x8xf32>
    %squeeze3A_945 = vector.shape_cast %slice3A_944 : vector<1x8xf32> to vector<8xf32>
    %broadcast_in_dim3A_946 = vector.shape_cast %squeeze3A_945 : vector<8xf32> to vector<1x8xf32>
    %slice3A_947 = vector.extract_strided_slice %div3A_12 {offsets = [127, 0], sizes = [1, 8], strides = [1, 1]} : vector<256x8xf32> to vector<1x8xf32>
    %squeeze3A_948 = vector.shape_cast %slice3A_947 : vector<1x8xf32> to vector<8xf32>
    %broadcast_in_dim3A_949 = vector.shape_cast %squeeze3A_948 : vector<8xf32> to vector<1x8xf32>
    %slice3A_950 = vector.extract_strided_slice %div3A_12 {offsets = [191, 0], sizes = [1, 8], strides = [1, 1]} : vector<256x8xf32> to vector<1x8xf32>
    %squeeze3A_951 = vector.shape_cast %slice3A_950 : vector<1x8xf32> to vector<8xf32>
    %broadcast_in_dim3A_952 = vector.shape_cast %squeeze3A_951 : vector<8xf32> to vector<1x8xf32>
    %slice3A_953 = vector.extract_strided_slice %div3A_12 {offsets = [255, 0], sizes = [1, 8], strides = [1, 1]} : vector<256x8xf32> to vector<1x8xf32>
    %squeeze3A_954 = vector.shape_cast %slice3A_953 : vector<1x8xf32> to vector<8xf32>
    %broadcast_in_dim3A_955 = vector.shape_cast %squeeze3A_954 : vector<8xf32> to vector<1x8xf32>
    %concatenate3A_956 = tpu.concatenate %broadcast_in_dim3A_946, %broadcast_in_dim3A_949, %broadcast_in_dim3A_952, %broadcast_in_dim3A_955 in 0 : vector<1x8xf32>, vector<1x8xf32>, vector<1x8xf32>, vector<1x8xf32> -> vector<4x8xf32>
    %slice3A_957 = vector.extract_strided_slice %div3A_39 {offsets = [0, 65], sizes = [4, 1], strides = [1, 1]} : vector<4x128xf32> to vector<4x1xf32>
    %broadcast_in_dim3A_958 = arith.constant 1.000000e+00 : f32
    %broadcast_in_dim3A_959 = vector.broadcast %broadcast_in_dim3A_958 : f32 to vector<4x8xf32>
    %broadcast_in_dim3A_960 = arith.constant 0.000000e+00 : f32
    %broadcast_in_dim3A_961 = vector.broadcast %broadcast_in_dim3A_960 : f32 to vector<4x1xf32>
    %mul3A = arith.mulf %concatenate3A_54, %broadcast_in_dim3A_959 : vector<4x8xf32>
    %reduce_sum3A_962 = arith.constant dense<0.000000e+00> : vector<4xf32>
    %reduce_sum3A_963 = vector.multi_reduction <add>, %mul3A, %reduce_sum3A_962 [1] : vector<4x8xf32> to vector<4xf32>
    %broadcast_in_dim3A_964 = vector.shape_cast %reduce_sum3A_963 : vector<4xf32> to vector<4x1xf32>
    %mul3A_965 = arith.mulf %slice3A_55, %broadcast_in_dim3A_964 : vector<4x1xf32>
    %add3A_966 = arith.addf %broadcast_in_dim3A_961, %mul3A_965 : vector<4x1xf32>
    %slice3A_967 = vector.extract_strided_slice %broadcast_in_dim3A_959 {offsets = [0, 1], sizes = [4, 7], strides = [1, 1]} : vector<4x8xf32> to vector<4x7xf32>
    %add3A_968 = arith.constant 1.000000e+00 : f32
    %add3A_969 = vector.broadcast %add3A_968 : f32 to vector<4x1xf32>
    %add3A_970 = arith.addf %broadcast_in_dim3A_964, %add3A_969 : vector<4x1xf32>
    %concatenate3A_971 = tpu.concatenate %slice3A_967, %add3A_970 in 1 : vector<4x7xf32>, vector<4x1xf32> -> vector<4x8xf32>
    %mul3A_972 = arith.mulf %concatenate3A_72, %concatenate3A_971 : vector<4x8xf32>
    %reduce_sum3A_973 = arith.constant dense<0.000000e+00> : vector<4xf32>
    %reduce_sum3A_974 = vector.multi_reduction <add>, %mul3A_972, %reduce_sum3A_973 [1] : vector<4x8xf32> to vector<4xf32>
    %broadcast_in_dim3A_975 = vector.shape_cast %reduce_sum3A_974 : vector<4xf32> to vector<4x1xf32>
    %mul3A_976 = arith.mulf %slice3A_73, %broadcast_in_dim3A_975 : vector<4x1xf32>
    %add3A_977 = arith.addf %add3A_966, %mul3A_976 : vector<4x1xf32>
    %slice3A_978 = vector.extract_strided_slice %concatenate3A_971 {offsets = [0, 1], sizes = [4, 7], strides = [1, 1]} : vector<4x8xf32> to vector<4x7xf32>
    %add3A_979 = arith.constant 1.000000e+00 : f32
    %add3A_980 = vector.broadcast %add3A_979 : f32 to vector<4x1xf32>
    %add3A_981 = arith.addf %broadcast_in_dim3A_975, %add3A_980 : vector<4x1xf32>
    %concatenate3A_982 = tpu.concatenate %slice3A_978, %add3A_981 in 1 : vector<4x7xf32>, vector<4x1xf32> -> vector<4x8xf32>
    %mul3A_983 = arith.mulf %concatenate3A_90, %concatenate3A_982 : vector<4x8xf32>
    %reduce_sum3A_984 = arith.constant dense<0.000000e+00> : vector<4xf32>
    %reduce_sum3A_985 = vector.multi_reduction <add>, %mul3A_983, %reduce_sum3A_984 [1] : vector<4x8xf32> to vector<4xf32>
    %broadcast_in_dim3A_986 = vector.shape_cast %reduce_sum3A_985 : vector<4xf32> to vector<4x1xf32>
    %mul3A_987 = arith.mulf %slice3A_91, %broadcast_in_dim3A_986 : vector<4x1xf32>
    %add3A_988 = arith.addf %add3A_977, %mul3A_987 : vector<4x1xf32>
    %slice3A_989 = vector.extract_strided_slice %concatenate3A_982 {offsets = [0, 1], sizes = [4, 7], strides = [1, 1]} : vector<4x8xf32> to vector<4x7xf32>
    %add3A_990 = arith.constant 1.000000e+00 : f32
    %add3A_991 = vector.broadcast %add3A_990 : f32 to vector<4x1xf32>
    %add3A_992 = arith.addf %broadcast_in_dim3A_986, %add3A_991 : vector<4x1xf32>
    %concatenate3A_993 = tpu.concatenate %slice3A_989, %add3A_992 in 1 : vector<4x7xf32>, vector<4x1xf32> -> vector<4x8xf32>
    %mul3A_994 = arith.mulf %concatenate3A_108, %concatenate3A_993 : vector<4x8xf32>
    %reduce_sum3A_995 = arith.constant dense<0.000000e+00> : vector<4xf32>
    %reduce_sum3A_996 = vector.multi_reduction <add>, %mul3A_994, %reduce_sum3A_995 [1] : vector<4x8xf32> to vector<4xf32>
    %broadcast_in_dim3A_997 = vector.shape_cast %reduce_sum3A_996 : vector<4xf32> to vector<4x1xf32>
    %mul3A_998 = arith.mulf %slice3A_109, %broadcast_in_dim3A_997 : vector<4x1xf32>
    %add3A_999 = arith.addf %add3A_988, %mul3A_998 : vector<4x1xf32>
    %slice3A_1000 = vector.extract_strided_slice %concatenate3A_993 {offsets = [0, 1], sizes = [4, 7], strides = [1, 1]} : vector<4x8xf32> to vector<4x7xf32>
    %add3A_1001 = arith.constant 1.000000e+00 : f32
    %add3A_1002 = vector.broadcast %add3A_1001 : f32 to vector<4x1xf32>
    %add3A_1003 = arith.addf %broadcast_in_dim3A_997, %add3A_1002 : vector<4x1xf32>
    %concatenate3A_1004 = tpu.concatenate %slice3A_1000, %add3A_1003 in 1 : vector<4x7xf32>, vector<4x1xf32> -> vector<4x8xf32>
    %mul3A_1005 = arith.mulf %concatenate3A_126, %concatenate3A_1004 : vector<4x8xf32>
    %reduce_sum3A_1006 = arith.constant dense<0.000000e+00> : vector<4xf32>
    %reduce_sum3A_1007 = vector.multi_reduction <add>, %mul3A_1005, %reduce_sum3A_1006 [1] : vector<4x8xf32> to vector<4xf32>
    %broadcast_in_dim3A_1008 = vector.shape_cast %reduce_sum3A_1007 : vector<4xf32> to vector<4x1xf32>
    %mul3A_1009 = arith.mulf %slice3A_127, %broadcast_in_dim3A_1008 : vector<4x1xf32>
    %add3A_1010 = arith.addf %add3A_999, %mul3A_1009 : vector<4x1xf32>
    %slice3A_1011 = vector.extract_strided_slice %concatenate3A_1004 {offsets = [0, 1], sizes = [4, 7], strides = [1, 1]} : vector<4x8xf32> to vector<4x7xf32>
    %add3A_1012 = arith.constant 1.000000e+00 : f32
    %add3A_1013 = vector.broadcast %add3A_1012 : f32 to vector<4x1xf32>
    %add3A_1014 = arith.addf %broadcast_in_dim3A_1008, %add3A_1013 : vector<4x1xf32>
    %concatenate3A_1015 = tpu.concatenate %slice3A_1011, %add3A_1014 in 1 : vector<4x7xf32>, vector<4x1xf32> -> vector<4x8xf32>
    %mul3A_1016 = arith.mulf %concatenate3A_144, %concatenate3A_1015 : vector<4x8xf32>
    %reduce_sum3A_1017 = arith.constant dense<0.000000e+00> : vector<4xf32>
    %reduce_sum3A_1018 = vector.multi_reduction <add>, %mul3A_1016, %reduce_sum3A_1017 [1] : vector<4x8xf32> to vector<4xf32>
    %broadcast_in_dim3A_1019 = vector.shape_cast %reduce_sum3A_1018 : vector<4xf32> to vector<4x1xf32>
    %mul3A_1020 = arith.mulf %slice3A_145, %broadcast_in_dim3A_1019 : vector<4x1xf32>
    %add3A_1021 = arith.addf %add3A_1010, %mul3A_1020 : vector<4x1xf32>
    %slice3A_1022 = vector.extract_strided_slice %concatenate3A_1015 {offsets = [0, 1], sizes = [4, 7], strides = [1, 1]} : vector<4x8xf32> to vector<4x7xf32>
    %add3A_1023 = arith.constant 1.000000e+00 : f32
    %add3A_1024 = vector.broadcast %add3A_1023 : f32 to vector<4x1xf32>
    %add3A_1025 = arith.addf %broadcast_in_dim3A_1019, %add3A_1024 : vector<4x1xf32>
    %concatenate3A_1026 = tpu.concatenate %slice3A_1022, %add3A_1025 in 1 : vector<4x7xf32>, vector<4x1xf32> -> vector<4x8xf32>
    %mul3A_1027 = arith.mulf %concatenate3A_158, %concatenate3A_1026 : vector<4x8xf32>
    %reduce_sum3A_1028 = arith.constant dense<0.000000e+00> : vector<4xf32>
    %reduce_sum3A_1029 = vector.multi_reduction <add>, %mul3A_1027, %reduce_sum3A_1028 [1] : vector<4x8xf32> to vector<4xf32>
    %broadcast_in_dim3A_1030 = vector.shape_cast %reduce_sum3A_1029 : vector<4xf32> to vector<4x1xf32>
    %mul3A_1031 = arith.mulf %slice3A_159, %broadcast_in_dim3A_1030 : vector<4x1xf32>
    %add3A_1032 = arith.addf %add3A_1021, %mul3A_1031 : vector<4x1xf32>
    %slice3A_1033 = vector.extract_strided_slice %concatenate3A_1026 {offsets = [0, 1], sizes = [4, 7], strides = [1, 1]} : vector<4x8xf32> to vector<4x7xf32>
    %add3A_1034 = arith.constant 1.000000e+00 : f32
    %add3A_1035 = vector.broadcast %add3A_1034 : f32 to vector<4x1xf32>
    %add3A_1036 = arith.addf %broadcast_in_dim3A_1030, %add3A_1035 : vector<4x1xf32>
    %concatenate3A_1037 = tpu.concatenate %slice3A_1033, %add3A_1036 in 1 : vector<4x7xf32>, vector<4x1xf32> -> vector<4x8xf32>
    %mul3A_1038 = arith.mulf %concatenate3A_172, %concatenate3A_1037 : vector<4x8xf32>
    %reduce_sum3A_1039 = arith.constant dense<0.000000e+00> : vector<4xf32>
    %reduce_sum3A_1040 = vector.multi_reduction <add>, %mul3A_1038, %reduce_sum3A_1039 [1] : vector<4x8xf32> to vector<4xf32>
    %broadcast_in_dim3A_1041 = vector.shape_cast %reduce_sum3A_1040 : vector<4xf32> to vector<4x1xf32>
    %mul3A_1042 = arith.mulf %slice3A_173, %broadcast_in_dim3A_1041 : vector<4x1xf32>
    %add3A_1043 = arith.addf %add3A_1032, %mul3A_1042 : vector<4x1xf32>
    %slice3A_1044 = vector.extract_strided_slice %concatenate3A_1037 {offsets = [0, 1], sizes = [4, 7], strides = [1, 1]} : vector<4x8xf32> to vector<4x7xf32>
    %add3A_1045 = arith.constant 1.000000e+00 : f32
    %add3A_1046 = vector.broadcast %add3A_1045 : f32 to vector<4x1xf32>
    %add3A_1047 = arith.addf %broadcast_in_dim3A_1041, %add3A_1046 : vector<4x1xf32>
    %concatenate3A_1048 = tpu.concatenate %slice3A_1044, %add3A_1047 in 1 : vector<4x7xf32>, vector<4x1xf32> -> vector<4x8xf32>
    %mul3A_1049 = arith.mulf %concatenate3A_186, %concatenate3A_1048 : vector<4x8xf32>
    %reduce_sum3A_1050 = arith.constant dense<0.000000e+00> : vector<4xf32>
    %reduce_sum3A_1051 = vector.multi_reduction <add>, %mul3A_1049, %reduce_sum3A_1050 [1] : vector<4x8xf32> to vector<4xf32>
    %broadcast_in_dim3A_1052 = vector.shape_cast %reduce_sum3A_1051 : vector<4xf32> to vector<4x1xf32>
    %mul3A_1053 = arith.mulf %slice3A_187, %broadcast_in_dim3A_1052 : vector<4x1xf32>
    %add3A_1054 = arith.addf %add3A_1043, %mul3A_1053 : vector<4x1xf32>
    %slice3A_1055 = vector.extract_strided_slice %concatenate3A_1048 {offsets = [0, 1], sizes = [4, 7], strides = [1, 1]} : vector<4x8xf32> to vector<4x7xf32>
    %add3A_1056 = arith.constant 1.000000e+00 : f32
    %add3A_1057 = vector.broadcast %add3A_1056 : f32 to vector<4x1xf32>
    %add3A_1058 = arith.addf %broadcast_in_dim3A_1052, %add3A_1057 : vector<4x1xf32>
    %concatenate3A_1059 = tpu.concatenate %slice3A_1055, %add3A_1058 in 1 : vector<4x7xf32>, vector<4x1xf32> -> vector<4x8xf32>
    %mul3A_1060 = arith.mulf %concatenate3A_200, %concatenate3A_1059 : vector<4x8xf32>
    %reduce_sum3A_1061 = arith.constant dense<0.000000e+00> : vector<4xf32>
    %reduce_sum3A_1062 = vector.multi_reduction <add>, %mul3A_1060, %reduce_sum3A_1061 [1] : vector<4x8xf32> to vector<4xf32>
    %broadcast_in_dim3A_1063 = vector.shape_cast %reduce_sum3A_1062 : vector<4xf32> to vector<4x1xf32>
    %mul3A_1064 = arith.mulf %slice3A_201, %broadcast_in_dim3A_1063 : vector<4x1xf32>
    %add3A_1065 = arith.addf %add3A_1054, %mul3A_1064 : vector<4x1xf32>
    %slice3A_1066 = vector.extract_strided_slice %concatenate3A_1059 {offsets = [0, 1], sizes = [4, 7], strides = [1, 1]} : vector<4x8xf32> to vector<4x7xf32>
    %add3A_1067 = arith.constant 1.000000e+00 : f32
    %add3A_1068 = vector.broadcast %add3A_1067 : f32 to vector<4x1xf32>
    %add3A_1069 = arith.addf %broadcast_in_dim3A_1063, %add3A_1068 : vector<4x1xf32>
    %concatenate3A_1070 = tpu.concatenate %slice3A_1066, %add3A_1069 in 1 : vector<4x7xf32>, vector<4x1xf32> -> vector<4x8xf32>
    %mul3A_1071 = arith.mulf %concatenate3A_214, %concatenate3A_1070 : vector<4x8xf32>
    %reduce_sum3A_1072 = arith.constant dense<0.000000e+00> : vector<4xf32>
    %reduce_sum3A_1073 = vector.multi_reduction <add>, %mul3A_1071, %reduce_sum3A_1072 [1] : vector<4x8xf32> to vector<4xf32>
    %broadcast_in_dim3A_1074 = vector.shape_cast %reduce_sum3A_1073 : vector<4xf32> to vector<4x1xf32>
    %mul3A_1075 = arith.mulf %slice3A_215, %broadcast_in_dim3A_1074 : vector<4x1xf32>
    %add3A_1076 = arith.addf %add3A_1065, %mul3A_1075 : vector<4x1xf32>
    %slice3A_1077 = vector.extract_strided_slice %concatenate3A_1070 {offsets = [0, 1], sizes = [4, 7], strides = [1, 1]} : vector<4x8xf32> to vector<4x7xf32>
    %add3A_1078 = arith.constant 1.000000e+00 : f32
    %add3A_1079 = vector.broadcast %add3A_1078 : f32 to vector<4x1xf32>
    %add3A_1080 = arith.addf %broadcast_in_dim3A_1074, %add3A_1079 : vector<4x1xf32>
    %concatenate3A_1081 = tpu.concatenate %slice3A_1077, %add3A_1080 in 1 : vector<4x7xf32>, vector<4x1xf32> -> vector<4x8xf32>
    %mul3A_1082 = arith.mulf %concatenate3A_228, %concatenate3A_1081 : vector<4x8xf32>
    %reduce_sum3A_1083 = arith.constant dense<0.000000e+00> : vector<4xf32>
    %reduce_sum3A_1084 = vector.multi_reduction <add>, %mul3A_1082, %reduce_sum3A_1083 [1] : vector<4x8xf32> to vector<4xf32>
    %broadcast_in_dim3A_1085 = vector.shape_cast %reduce_sum3A_1084 : vector<4xf32> to vector<4x1xf32>
    %mul3A_1086 = arith.mulf %slice3A_229, %broadcast_in_dim3A_1085 : vector<4x1xf32>
    %add3A_1087 = arith.addf %add3A_1076, %mul3A_1086 : vector<4x1xf32>
    %slice3A_1088 = vector.extract_strided_slice %concatenate3A_1081 {offsets = [0, 1], sizes = [4, 7], strides = [1, 1]} : vector<4x8xf32> to vector<4x7xf32>
    %add3A_1089 = arith.constant 1.000000e+00 : f32
    %add3A_1090 = vector.broadcast %add3A_1089 : f32 to vector<4x1xf32>
    %add3A_1091 = arith.addf %broadcast_in_dim3A_1085, %add3A_1090 : vector<4x1xf32>
    %concatenate3A_1092 = tpu.concatenate %slice3A_1088, %add3A_1091 in 1 : vector<4x7xf32>, vector<4x1xf32> -> vector<4x8xf32>
    %mul3A_1093 = arith.mulf %concatenate3A_242, %concatenate3A_1092 : vector<4x8xf32>
    %reduce_sum3A_1094 = arith.constant dense<0.000000e+00> : vector<4xf32>
    %reduce_sum3A_1095 = vector.multi_reduction <add>, %mul3A_1093, %reduce_sum3A_1094 [1] : vector<4x8xf32> to vector<4xf32>
    %broadcast_in_dim3A_1096 = vector.shape_cast %reduce_sum3A_1095 : vector<4xf32> to vector<4x1xf32>
    %mul3A_1097 = arith.mulf %slice3A_243, %broadcast_in_dim3A_1096 : vector<4x1xf32>
    %add3A_1098 = arith.addf %add3A_1087, %mul3A_1097 : vector<4x1xf32>
    %slice3A_1099 = vector.extract_strided_slice %concatenate3A_1092 {offsets = [0, 1], sizes = [4, 7], strides = [1, 1]} : vector<4x8xf32> to vector<4x7xf32>
    %add3A_1100 = arith.constant 1.000000e+00 : f32
    %add3A_1101 = vector.broadcast %add3A_1100 : f32 to vector<4x1xf32>
    %add3A_1102 = arith.addf %broadcast_in_dim3A_1096, %add3A_1101 : vector<4x1xf32>
    %concatenate3A_1103 = tpu.concatenate %slice3A_1099, %add3A_1102 in 1 : vector<4x7xf32>, vector<4x1xf32> -> vector<4x8xf32>
    %mul3A_1104 = arith.mulf %concatenate3A_256, %concatenate3A_1103 : vector<4x8xf32>
    %reduce_sum3A_1105 = arith.constant dense<0.000000e+00> : vector<4xf32>
    %reduce_sum3A_1106 = vector.multi_reduction <add>, %mul3A_1104, %reduce_sum3A_1105 [1] : vector<4x8xf32> to vector<4xf32>
    %broadcast_in_dim3A_1107 = vector.shape_cast %reduce_sum3A_1106 : vector<4xf32> to vector<4x1xf32>
    %mul3A_1108 = arith.mulf %slice3A_257, %broadcast_in_dim3A_1107 : vector<4x1xf32>
    %add3A_1109 = arith.addf %add3A_1098, %mul3A_1108 : vector<4x1xf32>
    %slice3A_1110 = vector.extract_strided_slice %concatenate3A_1103 {offsets = [0, 1], sizes = [4, 7], strides = [1, 1]} : vector<4x8xf32> to vector<4x7xf32>
    %add3A_1111 = arith.constant 1.000000e+00 : f32
    %add3A_1112 = vector.broadcast %add3A_1111 : f32 to vector<4x1xf32>
    %add3A_1113 = arith.addf %broadcast_in_dim3A_1107, %add3A_1112 : vector<4x1xf32>
    %concatenate3A_1114 = tpu.concatenate %slice3A_1110, %add3A_1113 in 1 : vector<4x7xf32>, vector<4x1xf32> -> vector<4x8xf32>
    %mul3A_1115 = arith.mulf %concatenate3A_270, %concatenate3A_1114 : vector<4x8xf32>
    %reduce_sum3A_1116 = arith.constant dense<0.000000e+00> : vector<4xf32>
    %reduce_sum3A_1117 = vector.multi_reduction <add>, %mul3A_1115, %reduce_sum3A_1116 [1] : vector<4x8xf32> to vector<4xf32>
    %broadcast_in_dim3A_1118 = vector.shape_cast %reduce_sum3A_1117 : vector<4xf32> to vector<4x1xf32>
    %mul3A_1119 = arith.mulf %slice3A_271, %broadcast_in_dim3A_1118 : vector<4x1xf32>
    %add3A_1120 = arith.addf %add3A_1109, %mul3A_1119 : vector<4x1xf32>
    %slice3A_1121 = vector.extract_strided_slice %concatenate3A_1114 {offsets = [0, 1], sizes = [4, 7], strides = [1, 1]} : vector<4x8xf32> to vector<4x7xf32>
    %add3A_1122 = arith.constant 1.000000e+00 : f32
    %add3A_1123 = vector.broadcast %add3A_1122 : f32 to vector<4x1xf32>
    %add3A_1124 = arith.addf %broadcast_in_dim3A_1118, %add3A_1123 : vector<4x1xf32>
    %concatenate3A_1125 = tpu.concatenate %slice3A_1121, %add3A_1124 in 1 : vector<4x7xf32>, vector<4x1xf32> -> vector<4x8xf32>
    %mul3A_1126 = arith.mulf %concatenate3A_284, %concatenate3A_1125 : vector<4x8xf32>
    %reduce_sum3A_1127 = arith.constant dense<0.000000e+00> : vector<4xf32>
    %reduce_sum3A_1128 = vector.multi_reduction <add>, %mul3A_1126, %reduce_sum3A_1127 [1] : vector<4x8xf32> to vector<4xf32>
    %broadcast_in_dim3A_1129 = vector.shape_cast %reduce_sum3A_1128 : vector<4xf32> to vector<4x1xf32>
    %mul3A_1130 = arith.mulf %slice3A_285, %broadcast_in_dim3A_1129 : vector<4x1xf32>
    %add3A_1131 = arith.addf %add3A_1120, %mul3A_1130 : vector<4x1xf32>
    %slice3A_1132 = vector.extract_strided_slice %concatenate3A_1125 {offsets = [0, 1], sizes = [4, 7], strides = [1, 1]} : vector<4x8xf32> to vector<4x7xf32>
    %add3A_1133 = arith.constant 1.000000e+00 : f32
    %add3A_1134 = vector.broadcast %add3A_1133 : f32 to vector<4x1xf32>
    %add3A_1135 = arith.addf %broadcast_in_dim3A_1129, %add3A_1134 : vector<4x1xf32>
    %concatenate3A_1136 = tpu.concatenate %slice3A_1132, %add3A_1135 in 1 : vector<4x7xf32>, vector<4x1xf32> -> vector<4x8xf32>
    %mul3A_1137 = arith.mulf %concatenate3A_298, %concatenate3A_1136 : vector<4x8xf32>
    %reduce_sum3A_1138 = arith.constant dense<0.000000e+00> : vector<4xf32>
    %reduce_sum3A_1139 = vector.multi_reduction <add>, %mul3A_1137, %reduce_sum3A_1138 [1] : vector<4x8xf32> to vector<4xf32>
    %broadcast_in_dim3A_1140 = vector.shape_cast %reduce_sum3A_1139 : vector<4xf32> to vector<4x1xf32>
    %mul3A_1141 = arith.mulf %slice3A_299, %broadcast_in_dim3A_1140 : vector<4x1xf32>
    %add3A_1142 = arith.addf %add3A_1131, %mul3A_1141 : vector<4x1xf32>
    %slice3A_1143 = vector.extract_strided_slice %concatenate3A_1136 {offsets = [0, 1], sizes = [4, 7], strides = [1, 1]} : vector<4x8xf32> to vector<4x7xf32>
    %add3A_1144 = arith.constant 1.000000e+00 : f32
    %add3A_1145 = vector.broadcast %add3A_1144 : f32 to vector<4x1xf32>
    %add3A_1146 = arith.addf %broadcast_in_dim3A_1140, %add3A_1145 : vector<4x1xf32>
    %concatenate3A_1147 = tpu.concatenate %slice3A_1143, %add3A_1146 in 1 : vector<4x7xf32>, vector<4x1xf32> -> vector<4x8xf32>
    %mul3A_1148 = arith.mulf %concatenate3A_312, %concatenate3A_1147 : vector<4x8xf32>
    %reduce_sum3A_1149 = arith.constant dense<0.000000e+00> : vector<4xf32>
    %reduce_sum3A_1150 = vector.multi_reduction <add>, %mul3A_1148, %reduce_sum3A_1149 [1] : vector<4x8xf32> to vector<4xf32>
    %broadcast_in_dim3A_1151 = vector.shape_cast %reduce_sum3A_1150 : vector<4xf32> to vector<4x1xf32>
    %mul3A_1152 = arith.mulf %slice3A_313, %broadcast_in_dim3A_1151 : vector<4x1xf32>
    %add3A_1153 = arith.addf %add3A_1142, %mul3A_1152 : vector<4x1xf32>
    %slice3A_1154 = vector.extract_strided_slice %concatenate3A_1147 {offsets = [0, 1], sizes = [4, 7], strides = [1, 1]} : vector<4x8xf32> to vector<4x7xf32>
    %add3A_1155 = arith.constant 1.000000e+00 : f32
    %add3A_1156 = vector.broadcast %add3A_1155 : f32 to vector<4x1xf32>
    %add3A_1157 = arith.addf %broadcast_in_dim3A_1151, %add3A_1156 : vector<4x1xf32>
    %concatenate3A_1158 = tpu.concatenate %slice3A_1154, %add3A_1157 in 1 : vector<4x7xf32>, vector<4x1xf32> -> vector<4x8xf32>
    %mul3A_1159 = arith.mulf %concatenate3A_326, %concatenate3A_1158 : vector<4x8xf32>
    %reduce_sum3A_1160 = arith.constant dense<0.000000e+00> : vector<4xf32>
    %reduce_sum3A_1161 = vector.multi_reduction <add>, %mul3A_1159, %reduce_sum3A_1160 [1] : vector<4x8xf32> to vector<4xf32>
    %broadcast_in_dim3A_1162 = vector.shape_cast %reduce_sum3A_1161 : vector<4xf32> to vector<4x1xf32>
    %mul3A_1163 = arith.mulf %slice3A_327, %broadcast_in_dim3A_1162 : vector<4x1xf32>
    %add3A_1164 = arith.addf %add3A_1153, %mul3A_1163 : vector<4x1xf32>
    %slice3A_1165 = vector.extract_strided_slice %concatenate3A_1158 {offsets = [0, 1], sizes = [4, 7], strides = [1, 1]} : vector<4x8xf32> to vector<4x7xf32>
    %add3A_1166 = arith.constant 1.000000e+00 : f32
    %add3A_1167 = vector.broadcast %add3A_1166 : f32 to vector<4x1xf32>
    %add3A_1168 = arith.addf %broadcast_in_dim3A_1162, %add3A_1167 : vector<4x1xf32>
    %concatenate3A_1169 = tpu.concatenate %slice3A_1165, %add3A_1168 in 1 : vector<4x7xf32>, vector<4x1xf32> -> vector<4x8xf32>
    %mul3A_1170 = arith.mulf %concatenate3A_340, %concatenate3A_1169 : vector<4x8xf32>
    %reduce_sum3A_1171 = arith.constant dense<0.000000e+00> : vector<4xf32>
    %reduce_sum3A_1172 = vector.multi_reduction <add>, %mul3A_1170, %reduce_sum3A_1171 [1] : vector<4x8xf32> to vector<4xf32>
    %broadcast_in_dim3A_1173 = vector.shape_cast %reduce_sum3A_1172 : vector<4xf32> to vector<4x1xf32>
    %mul3A_1174 = arith.mulf %slice3A_341, %broadcast_in_dim3A_1173 : vector<4x1xf32>
    %add3A_1175 = arith.addf %add3A_1164, %mul3A_1174 : vector<4x1xf32>
    %slice3A_1176 = vector.extract_strided_slice %concatenate3A_1169 {offsets = [0, 1], sizes = [4, 7], strides = [1, 1]} : vector<4x8xf32> to vector<4x7xf32>
    %add3A_1177 = arith.constant 1.000000e+00 : f32
    %add3A_1178 = vector.broadcast %add3A_1177 : f32 to vector<4x1xf32>
    %add3A_1179 = arith.addf %broadcast_in_dim3A_1173, %add3A_1178 : vector<4x1xf32>
    %concatenate3A_1180 = tpu.concatenate %slice3A_1176, %add3A_1179 in 1 : vector<4x7xf32>, vector<4x1xf32> -> vector<4x8xf32>
    %mul3A_1181 = arith.mulf %concatenate3A_354, %concatenate3A_1180 : vector<4x8xf32>
    %reduce_sum3A_1182 = arith.constant dense<0.000000e+00> : vector<4xf32>
    %reduce_sum3A_1183 = vector.multi_reduction <add>, %mul3A_1181, %reduce_sum3A_1182 [1] : vector<4x8xf32> to vector<4xf32>
    %broadcast_in_dim3A_1184 = vector.shape_cast %reduce_sum3A_1183 : vector<4xf32> to vector<4x1xf32>
    %mul3A_1185 = arith.mulf %slice3A_355, %broadcast_in_dim3A_1184 : vector<4x1xf32>
    %add3A_1186 = arith.addf %add3A_1175, %mul3A_1185 : vector<4x1xf32>
    %slice3A_1187 = vector.extract_strided_slice %concatenate3A_1180 {offsets = [0, 1], sizes = [4, 7], strides = [1, 1]} : vector<4x8xf32> to vector<4x7xf32>
    %add3A_1188 = arith.constant 1.000000e+00 : f32
    %add3A_1189 = vector.broadcast %add3A_1188 : f32 to vector<4x1xf32>
    %add3A_1190 = arith.addf %broadcast_in_dim3A_1184, %add3A_1189 : vector<4x1xf32>
    %concatenate3A_1191 = tpu.concatenate %slice3A_1187, %add3A_1190 in 1 : vector<4x7xf32>, vector<4x1xf32> -> vector<4x8xf32>
    %mul3A_1192 = arith.mulf %concatenate3A_368, %concatenate3A_1191 : vector<4x8xf32>
    %reduce_sum3A_1193 = arith.constant dense<0.000000e+00> : vector<4xf32>
    %reduce_sum3A_1194 = vector.multi_reduction <add>, %mul3A_1192, %reduce_sum3A_1193 [1] : vector<4x8xf32> to vector<4xf32>
    %broadcast_in_dim3A_1195 = vector.shape_cast %reduce_sum3A_1194 : vector<4xf32> to vector<4x1xf32>
    %mul3A_1196 = arith.mulf %slice3A_369, %broadcast_in_dim3A_1195 : vector<4x1xf32>
    %add3A_1197 = arith.addf %add3A_1186, %mul3A_1196 : vector<4x1xf32>
    %slice3A_1198 = vector.extract_strided_slice %concatenate3A_1191 {offsets = [0, 1], sizes = [4, 7], strides = [1, 1]} : vector<4x8xf32> to vector<4x7xf32>
    %add3A_1199 = arith.constant 1.000000e+00 : f32
    %add3A_1200 = vector.broadcast %add3A_1199 : f32 to vector<4x1xf32>
    %add3A_1201 = arith.addf %broadcast_in_dim3A_1195, %add3A_1200 : vector<4x1xf32>
    %concatenate3A_1202 = tpu.concatenate %slice3A_1198, %add3A_1201 in 1 : vector<4x7xf32>, vector<4x1xf32> -> vector<4x8xf32>
    %mul3A_1203 = arith.mulf %concatenate3A_382, %concatenate3A_1202 : vector<4x8xf32>
    %reduce_sum3A_1204 = arith.constant dense<0.000000e+00> : vector<4xf32>
    %reduce_sum3A_1205 = vector.multi_reduction <add>, %mul3A_1203, %reduce_sum3A_1204 [1] : vector<4x8xf32> to vector<4xf32>
    %broadcast_in_dim3A_1206 = vector.shape_cast %reduce_sum3A_1205 : vector<4xf32> to vector<4x1xf32>
    %mul3A_1207 = arith.mulf %slice3A_383, %broadcast_in_dim3A_1206 : vector<4x1xf32>
    %add3A_1208 = arith.addf %add3A_1197, %mul3A_1207 : vector<4x1xf32>
    %slice3A_1209 = vector.extract_strided_slice %concatenate3A_1202 {offsets = [0, 1], sizes = [4, 7], strides = [1, 1]} : vector<4x8xf32> to vector<4x7xf32>
    %add3A_1210 = arith.constant 1.000000e+00 : f32
    %add3A_1211 = vector.broadcast %add3A_1210 : f32 to vector<4x1xf32>
    %add3A_1212 = arith.addf %broadcast_in_dim3A_1206, %add3A_1211 : vector<4x1xf32>
    %concatenate3A_1213 = tpu.concatenate %slice3A_1209, %add3A_1212 in 1 : vector<4x7xf32>, vector<4x1xf32> -> vector<4x8xf32>
    %mul3A_1214 = arith.mulf %concatenate3A_396, %concatenate3A_1213 : vector<4x8xf32>
    %reduce_sum3A_1215 = arith.constant dense<0.000000e+00> : vector<4xf32>
    %reduce_sum3A_1216 = vector.multi_reduction <add>, %mul3A_1214, %reduce_sum3A_1215 [1] : vector<4x8xf32> to vector<4xf32>
    %broadcast_in_dim3A_1217 = vector.shape_cast %reduce_sum3A_1216 : vector<4xf32> to vector<4x1xf32>
    %mul3A_1218 = arith.mulf %slice3A_397, %broadcast_in_dim3A_1217 : vector<4x1xf32>
    %add3A_1219 = arith.addf %add3A_1208, %mul3A_1218 : vector<4x1xf32>
    %slice3A_1220 = vector.extract_strided_slice %concatenate3A_1213 {offsets = [0, 1], sizes = [4, 7], strides = [1, 1]} : vector<4x8xf32> to vector<4x7xf32>
    %add3A_1221 = arith.constant 1.000000e+00 : f32
    %add3A_1222 = vector.broadcast %add3A_1221 : f32 to vector<4x1xf32>
    %add3A_1223 = arith.addf %broadcast_in_dim3A_1217, %add3A_1222 : vector<4x1xf32>
    %concatenate3A_1224 = tpu.concatenate %slice3A_1220, %add3A_1223 in 1 : vector<4x7xf32>, vector<4x1xf32> -> vector<4x8xf32>
    %mul3A_1225 = arith.mulf %concatenate3A_410, %concatenate3A_1224 : vector<4x8xf32>
    %reduce_sum3A_1226 = arith.constant dense<0.000000e+00> : vector<4xf32>
    %reduce_sum3A_1227 = vector.multi_reduction <add>, %mul3A_1225, %reduce_sum3A_1226 [1] : vector<4x8xf32> to vector<4xf32>
    %broadcast_in_dim3A_1228 = vector.shape_cast %reduce_sum3A_1227 : vector<4xf32> to vector<4x1xf32>
    %mul3A_1229 = arith.mulf %slice3A_411, %broadcast_in_dim3A_1228 : vector<4x1xf32>
    %add3A_1230 = arith.addf %add3A_1219, %mul3A_1229 : vector<4x1xf32>
    %slice3A_1231 = vector.extract_strided_slice %concatenate3A_1224 {offsets = [0, 1], sizes = [4, 7], strides = [1, 1]} : vector<4x8xf32> to vector<4x7xf32>
    %add3A_1232 = arith.constant 1.000000e+00 : f32
    %add3A_1233 = vector.broadcast %add3A_1232 : f32 to vector<4x1xf32>
    %add3A_1234 = arith.addf %broadcast_in_dim3A_1228, %add3A_1233 : vector<4x1xf32>
    %concatenate3A_1235 = tpu.concatenate %slice3A_1231, %add3A_1234 in 1 : vector<4x7xf32>, vector<4x1xf32> -> vector<4x8xf32>
    %mul3A_1236 = arith.mulf %concatenate3A_424, %concatenate3A_1235 : vector<4x8xf32>
    %reduce_sum3A_1237 = arith.constant dense<0.000000e+00> : vector<4xf32>
    %reduce_sum3A_1238 = vector.multi_reduction <add>, %mul3A_1236, %reduce_sum3A_1237 [1] : vector<4x8xf32> to vector<4xf32>
    %broadcast_in_dim3A_1239 = vector.shape_cast %reduce_sum3A_1238 : vector<4xf32> to vector<4x1xf32>
    %mul3A_1240 = arith.mulf %slice3A_425, %broadcast_in_dim3A_1239 : vector<4x1xf32>
    %add3A_1241 = arith.addf %add3A_1230, %mul3A_1240 : vector<4x1xf32>
    %slice3A_1242 = vector.extract_strided_slice %concatenate3A_1235 {offsets = [0, 1], sizes = [4, 7], strides = [1, 1]} : vector<4x8xf32> to vector<4x7xf32>
    %add3A_1243 = arith.constant 1.000000e+00 : f32
    %add3A_1244 = vector.broadcast %add3A_1243 : f32 to vector<4x1xf32>
    %add3A_1245 = arith.addf %broadcast_in_dim3A_1239, %add3A_1244 : vector<4x1xf32>
    %concatenate3A_1246 = tpu.concatenate %slice3A_1242, %add3A_1245 in 1 : vector<4x7xf32>, vector<4x1xf32> -> vector<4x8xf32>
    %mul3A_1247 = arith.mulf %concatenate3A_438, %concatenate3A_1246 : vector<4x8xf32>
    %reduce_sum3A_1248 = arith.constant dense<0.000000e+00> : vector<4xf32>
    %reduce_sum3A_1249 = vector.multi_reduction <add>, %mul3A_1247, %reduce_sum3A_1248 [1] : vector<4x8xf32> to vector<4xf32>
    %broadcast_in_dim3A_1250 = vector.shape_cast %reduce_sum3A_1249 : vector<4xf32> to vector<4x1xf32>
    %mul3A_1251 = arith.mulf %slice3A_439, %broadcast_in_dim3A_1250 : vector<4x1xf32>
    %add3A_1252 = arith.addf %add3A_1241, %mul3A_1251 : vector<4x1xf32>
    %slice3A_1253 = vector.extract_strided_slice %concatenate3A_1246 {offsets = [0, 1], sizes = [4, 7], strides = [1, 1]} : vector<4x8xf32> to vector<4x7xf32>
    %add3A_1254 = arith.constant 1.000000e+00 : f32
    %add3A_1255 = vector.broadcast %add3A_1254 : f32 to vector<4x1xf32>
    %add3A_1256 = arith.addf %broadcast_in_dim3A_1250, %add3A_1255 : vector<4x1xf32>
    %concatenate3A_1257 = tpu.concatenate %slice3A_1253, %add3A_1256 in 1 : vector<4x7xf32>, vector<4x1xf32> -> vector<4x8xf32>
    %mul3A_1258 = arith.mulf %concatenate3A_452, %concatenate3A_1257 : vector<4x8xf32>
    %reduce_sum3A_1259 = arith.constant dense<0.000000e+00> : vector<4xf32>
    %reduce_sum3A_1260 = vector.multi_reduction <add>, %mul3A_1258, %reduce_sum3A_1259 [1] : vector<4x8xf32> to vector<4xf32>
    %broadcast_in_dim3A_1261 = vector.shape_cast %reduce_sum3A_1260 : vector<4xf32> to vector<4x1xf32>
    %mul3A_1262 = arith.mulf %slice3A_453, %broadcast_in_dim3A_1261 : vector<4x1xf32>
    %add3A_1263 = arith.addf %add3A_1252, %mul3A_1262 : vector<4x1xf32>
    %slice3A_1264 = vector.extract_strided_slice %concatenate3A_1257 {offsets = [0, 1], sizes = [4, 7], strides = [1, 1]} : vector<4x8xf32> to vector<4x7xf32>
    %add3A_1265 = arith.constant 1.000000e+00 : f32
    %add3A_1266 = vector.broadcast %add3A_1265 : f32 to vector<4x1xf32>
    %add3A_1267 = arith.addf %broadcast_in_dim3A_1261, %add3A_1266 : vector<4x1xf32>
    %concatenate3A_1268 = tpu.concatenate %slice3A_1264, %add3A_1267 in 1 : vector<4x7xf32>, vector<4x1xf32> -> vector<4x8xf32>
    %mul3A_1269 = arith.mulf %concatenate3A_466, %concatenate3A_1268 : vector<4x8xf32>
    %reduce_sum3A_1270 = arith.constant dense<0.000000e+00> : vector<4xf32>
    %reduce_sum3A_1271 = vector.multi_reduction <add>, %mul3A_1269, %reduce_sum3A_1270 [1] : vector<4x8xf32> to vector<4xf32>
    %broadcast_in_dim3A_1272 = vector.shape_cast %reduce_sum3A_1271 : vector<4xf32> to vector<4x1xf32>
    %mul3A_1273 = arith.mulf %slice3A_467, %broadcast_in_dim3A_1272 : vector<4x1xf32>
    %add3A_1274 = arith.addf %add3A_1263, %mul3A_1273 : vector<4x1xf32>
    %slice3A_1275 = vector.extract_strided_slice %concatenate3A_1268 {offsets = [0, 1], sizes = [4, 7], strides = [1, 1]} : vector<4x8xf32> to vector<4x7xf32>
    %add3A_1276 = arith.constant 1.000000e+00 : f32
    %add3A_1277 = vector.broadcast %add3A_1276 : f32 to vector<4x1xf32>
    %add3A_1278 = arith.addf %broadcast_in_dim3A_1272, %add3A_1277 : vector<4x1xf32>
    %concatenate3A_1279 = tpu.concatenate %slice3A_1275, %add3A_1278 in 1 : vector<4x7xf32>, vector<4x1xf32> -> vector<4x8xf32>
    %mul3A_1280 = arith.mulf %concatenate3A_480, %concatenate3A_1279 : vector<4x8xf32>
    %reduce_sum3A_1281 = arith.constant dense<0.000000e+00> : vector<4xf32>
    %reduce_sum3A_1282 = vector.multi_reduction <add>, %mul3A_1280, %reduce_sum3A_1281 [1] : vector<4x8xf32> to vector<4xf32>
    %broadcast_in_dim3A_1283 = vector.shape_cast %reduce_sum3A_1282 : vector<4xf32> to vector<4x1xf32>
    %mul3A_1284 = arith.mulf %slice3A_481, %broadcast_in_dim3A_1283 : vector<4x1xf32>
    %add3A_1285 = arith.addf %add3A_1274, %mul3A_1284 : vector<4x1xf32>
    %slice3A_1286 = vector.extract_strided_slice %concatenate3A_1279 {offsets = [0, 1], sizes = [4, 7], strides = [1, 1]} : vector<4x8xf32> to vector<4x7xf32>
    %add3A_1287 = arith.constant 1.000000e+00 : f32
    %add3A_1288 = vector.broadcast %add3A_1287 : f32 to vector<4x1xf32>
    %add3A_1289 = arith.addf %broadcast_in_dim3A_1283, %add3A_1288 : vector<4x1xf32>
    %concatenate3A_1290 = tpu.concatenate %slice3A_1286, %add3A_1289 in 1 : vector<4x7xf32>, vector<4x1xf32> -> vector<4x8xf32>
    %mul3A_1291 = arith.mulf %concatenate3A_494, %concatenate3A_1290 : vector<4x8xf32>
    %reduce_sum3A_1292 = arith.constant dense<0.000000e+00> : vector<4xf32>
    %reduce_sum3A_1293 = vector.multi_reduction <add>, %mul3A_1291, %reduce_sum3A_1292 [1] : vector<4x8xf32> to vector<4xf32>
    %broadcast_in_dim3A_1294 = vector.shape_cast %reduce_sum3A_1293 : vector<4xf32> to vector<4x1xf32>
    %mul3A_1295 = arith.mulf %slice3A_495, %broadcast_in_dim3A_1294 : vector<4x1xf32>
    %add3A_1296 = arith.addf %add3A_1285, %mul3A_1295 : vector<4x1xf32>
    %slice3A_1297 = vector.extract_strided_slice %concatenate3A_1290 {offsets = [0, 1], sizes = [4, 7], strides = [1, 1]} : vector<4x8xf32> to vector<4x7xf32>
    %add3A_1298 = arith.constant 1.000000e+00 : f32
    %add3A_1299 = vector.broadcast %add3A_1298 : f32 to vector<4x1xf32>
    %add3A_1300 = arith.addf %broadcast_in_dim3A_1294, %add3A_1299 : vector<4x1xf32>
    %concatenate3A_1301 = tpu.concatenate %slice3A_1297, %add3A_1300 in 1 : vector<4x7xf32>, vector<4x1xf32> -> vector<4x8xf32>
    %mul3A_1302 = arith.mulf %concatenate3A_508, %concatenate3A_1301 : vector<4x8xf32>
    %reduce_sum3A_1303 = arith.constant dense<0.000000e+00> : vector<4xf32>
    %reduce_sum3A_1304 = vector.multi_reduction <add>, %mul3A_1302, %reduce_sum3A_1303 [1] : vector<4x8xf32> to vector<4xf32>
    %broadcast_in_dim3A_1305 = vector.shape_cast %reduce_sum3A_1304 : vector<4xf32> to vector<4x1xf32>
    %mul3A_1306 = arith.mulf %slice3A_509, %broadcast_in_dim3A_1305 : vector<4x1xf32>
    %add3A_1307 = arith.addf %add3A_1296, %mul3A_1306 : vector<4x1xf32>
    %slice3A_1308 = vector.extract_strided_slice %concatenate3A_1301 {offsets = [0, 1], sizes = [4, 7], strides = [1, 1]} : vector<4x8xf32> to vector<4x7xf32>
    %add3A_1309 = arith.constant 1.000000e+00 : f32
    %add3A_1310 = vector.broadcast %add3A_1309 : f32 to vector<4x1xf32>
    %add3A_1311 = arith.addf %broadcast_in_dim3A_1305, %add3A_1310 : vector<4x1xf32>
    %concatenate3A_1312 = tpu.concatenate %slice3A_1308, %add3A_1311 in 1 : vector<4x7xf32>, vector<4x1xf32> -> vector<4x8xf32>
    %mul3A_1313 = arith.mulf %concatenate3A_522, %concatenate3A_1312 : vector<4x8xf32>
    %reduce_sum3A_1314 = arith.constant dense<0.000000e+00> : vector<4xf32>
    %reduce_sum3A_1315 = vector.multi_reduction <add>, %mul3A_1313, %reduce_sum3A_1314 [1] : vector<4x8xf32> to vector<4xf32>
    %broadcast_in_dim3A_1316 = vector.shape_cast %reduce_sum3A_1315 : vector<4xf32> to vector<4x1xf32>
    %mul3A_1317 = arith.mulf %slice3A_523, %broadcast_in_dim3A_1316 : vector<4x1xf32>
    %add3A_1318 = arith.addf %add3A_1307, %mul3A_1317 : vector<4x1xf32>
    %slice3A_1319 = vector.extract_strided_slice %concatenate3A_1312 {offsets = [0, 1], sizes = [4, 7], strides = [1, 1]} : vector<4x8xf32> to vector<4x7xf32>
    %add3A_1320 = arith.constant 1.000000e+00 : f32
    %add3A_1321 = vector.broadcast %add3A_1320 : f32 to vector<4x1xf32>
    %add3A_1322 = arith.addf %broadcast_in_dim3A_1316, %add3A_1321 : vector<4x1xf32>
    %concatenate3A_1323 = tpu.concatenate %slice3A_1319, %add3A_1322 in 1 : vector<4x7xf32>, vector<4x1xf32> -> vector<4x8xf32>
    %mul3A_1324 = arith.mulf %concatenate3A_536, %concatenate3A_1323 : vector<4x8xf32>
    %reduce_sum3A_1325 = arith.constant dense<0.000000e+00> : vector<4xf32>
    %reduce_sum3A_1326 = vector.multi_reduction <add>, %mul3A_1324, %reduce_sum3A_1325 [1] : vector<4x8xf32> to vector<4xf32>
    %broadcast_in_dim3A_1327 = vector.shape_cast %reduce_sum3A_1326 : vector<4xf32> to vector<4x1xf32>
    %mul3A_1328 = arith.mulf %slice3A_537, %broadcast_in_dim3A_1327 : vector<4x1xf32>
    %add3A_1329 = arith.addf %add3A_1318, %mul3A_1328 : vector<4x1xf32>
    %slice3A_1330 = vector.extract_strided_slice %concatenate3A_1323 {offsets = [0, 1], sizes = [4, 7], strides = [1, 1]} : vector<4x8xf32> to vector<4x7xf32>
    %add3A_1331 = arith.constant 1.000000e+00 : f32
    %add3A_1332 = vector.broadcast %add3A_1331 : f32 to vector<4x1xf32>
    %add3A_1333 = arith.addf %broadcast_in_dim3A_1327, %add3A_1332 : vector<4x1xf32>
    %concatenate3A_1334 = tpu.concatenate %slice3A_1330, %add3A_1333 in 1 : vector<4x7xf32>, vector<4x1xf32> -> vector<4x8xf32>
    %mul3A_1335 = arith.mulf %concatenate3A_550, %concatenate3A_1334 : vector<4x8xf32>
    %reduce_sum3A_1336 = arith.constant dense<0.000000e+00> : vector<4xf32>
    %reduce_sum3A_1337 = vector.multi_reduction <add>, %mul3A_1335, %reduce_sum3A_1336 [1] : vector<4x8xf32> to vector<4xf32>
    %broadcast_in_dim3A_1338 = vector.shape_cast %reduce_sum3A_1337 : vector<4xf32> to vector<4x1xf32>
    %mul3A_1339 = arith.mulf %slice3A_551, %broadcast_in_dim3A_1338 : vector<4x1xf32>
    %add3A_1340 = arith.addf %add3A_1329, %mul3A_1339 : vector<4x1xf32>
    %slice3A_1341 = vector.extract_strided_slice %concatenate3A_1334 {offsets = [0, 1], sizes = [4, 7], strides = [1, 1]} : vector<4x8xf32> to vector<4x7xf32>
    %add3A_1342 = arith.constant 1.000000e+00 : f32
    %add3A_1343 = vector.broadcast %add3A_1342 : f32 to vector<4x1xf32>
    %add3A_1344 = arith.addf %broadcast_in_dim3A_1338, %add3A_1343 : vector<4x1xf32>
    %concatenate3A_1345 = tpu.concatenate %slice3A_1341, %add3A_1344 in 1 : vector<4x7xf32>, vector<4x1xf32> -> vector<4x8xf32>
    %mul3A_1346 = arith.mulf %concatenate3A_564, %concatenate3A_1345 : vector<4x8xf32>
    %reduce_sum3A_1347 = arith.constant dense<0.000000e+00> : vector<4xf32>
    %reduce_sum3A_1348 = vector.multi_reduction <add>, %mul3A_1346, %reduce_sum3A_1347 [1] : vector<4x8xf32> to vector<4xf32>
    %broadcast_in_dim3A_1349 = vector.shape_cast %reduce_sum3A_1348 : vector<4xf32> to vector<4x1xf32>
    %mul3A_1350 = arith.mulf %slice3A_565, %broadcast_in_dim3A_1349 : vector<4x1xf32>
    %add3A_1351 = arith.addf %add3A_1340, %mul3A_1350 : vector<4x1xf32>
    %slice3A_1352 = vector.extract_strided_slice %concatenate3A_1345 {offsets = [0, 1], sizes = [4, 7], strides = [1, 1]} : vector<4x8xf32> to vector<4x7xf32>
    %add3A_1353 = arith.constant 1.000000e+00 : f32
    %add3A_1354 = vector.broadcast %add3A_1353 : f32 to vector<4x1xf32>
    %add3A_1355 = arith.addf %broadcast_in_dim3A_1349, %add3A_1354 : vector<4x1xf32>
    %concatenate3A_1356 = tpu.concatenate %slice3A_1352, %add3A_1355 in 1 : vector<4x7xf32>, vector<4x1xf32> -> vector<4x8xf32>
    %mul3A_1357 = arith.mulf %concatenate3A_578, %concatenate3A_1356 : vector<4x8xf32>
    %reduce_sum3A_1358 = arith.constant dense<0.000000e+00> : vector<4xf32>
    %reduce_sum3A_1359 = vector.multi_reduction <add>, %mul3A_1357, %reduce_sum3A_1358 [1] : vector<4x8xf32> to vector<4xf32>
    %broadcast_in_dim3A_1360 = vector.shape_cast %reduce_sum3A_1359 : vector<4xf32> to vector<4x1xf32>
    %mul3A_1361 = arith.mulf %slice3A_579, %broadcast_in_dim3A_1360 : vector<4x1xf32>
    %add3A_1362 = arith.addf %add3A_1351, %mul3A_1361 : vector<4x1xf32>
    %slice3A_1363 = vector.extract_strided_slice %concatenate3A_1356 {offsets = [0, 1], sizes = [4, 7], strides = [1, 1]} : vector<4x8xf32> to vector<4x7xf32>
    %add3A_1364 = arith.constant 1.000000e+00 : f32
    %add3A_1365 = vector.broadcast %add3A_1364 : f32 to vector<4x1xf32>
    %add3A_1366 = arith.addf %broadcast_in_dim3A_1360, %add3A_1365 : vector<4x1xf32>
    %concatenate3A_1367 = tpu.concatenate %slice3A_1363, %add3A_1366 in 1 : vector<4x7xf32>, vector<4x1xf32> -> vector<4x8xf32>
    %mul3A_1368 = arith.mulf %concatenate3A_592, %concatenate3A_1367 : vector<4x8xf32>
    %reduce_sum3A_1369 = arith.constant dense<0.000000e+00> : vector<4xf32>
    %reduce_sum3A_1370 = vector.multi_reduction <add>, %mul3A_1368, %reduce_sum3A_1369 [1] : vector<4x8xf32> to vector<4xf32>
    %broadcast_in_dim3A_1371 = vector.shape_cast %reduce_sum3A_1370 : vector<4xf32> to vector<4x1xf32>
    %mul3A_1372 = arith.mulf %slice3A_593, %broadcast_in_dim3A_1371 : vector<4x1xf32>
    %add3A_1373 = arith.addf %add3A_1362, %mul3A_1372 : vector<4x1xf32>
    %slice3A_1374 = vector.extract_strided_slice %concatenate3A_1367 {offsets = [0, 1], sizes = [4, 7], strides = [1, 1]} : vector<4x8xf32> to vector<4x7xf32>
    %add3A_1375 = arith.constant 1.000000e+00 : f32
    %add3A_1376 = vector.broadcast %add3A_1375 : f32 to vector<4x1xf32>
    %add3A_1377 = arith.addf %broadcast_in_dim3A_1371, %add3A_1376 : vector<4x1xf32>
    %concatenate3A_1378 = tpu.concatenate %slice3A_1374, %add3A_1377 in 1 : vector<4x7xf32>, vector<4x1xf32> -> vector<4x8xf32>
    %mul3A_1379 = arith.mulf %concatenate3A_606, %concatenate3A_1378 : vector<4x8xf32>
    %reduce_sum3A_1380 = arith.constant dense<0.000000e+00> : vector<4xf32>
    %reduce_sum3A_1381 = vector.multi_reduction <add>, %mul3A_1379, %reduce_sum3A_1380 [1] : vector<4x8xf32> to vector<4xf32>
    %broadcast_in_dim3A_1382 = vector.shape_cast %reduce_sum3A_1381 : vector<4xf32> to vector<4x1xf32>
    %mul3A_1383 = arith.mulf %slice3A_607, %broadcast_in_dim3A_1382 : vector<4x1xf32>
    %add3A_1384 = arith.addf %add3A_1373, %mul3A_1383 : vector<4x1xf32>
    %slice3A_1385 = vector.extract_strided_slice %concatenate3A_1378 {offsets = [0, 1], sizes = [4, 7], strides = [1, 1]} : vector<4x8xf32> to vector<4x7xf32>
    %add3A_1386 = arith.constant 1.000000e+00 : f32
    %add3A_1387 = vector.broadcast %add3A_1386 : f32 to vector<4x1xf32>
    %add3A_1388 = arith.addf %broadcast_in_dim3A_1382, %add3A_1387 : vector<4x1xf32>
    %concatenate3A_1389 = tpu.concatenate %slice3A_1385, %add3A_1388 in 1 : vector<4x7xf32>, vector<4x1xf32> -> vector<4x8xf32>
    %mul3A_1390 = arith.mulf %concatenate3A_620, %concatenate3A_1389 : vector<4x8xf32>
    %reduce_sum3A_1391 = arith.constant dense<0.000000e+00> : vector<4xf32>
    %reduce_sum3A_1392 = vector.multi_reduction <add>, %mul3A_1390, %reduce_sum3A_1391 [1] : vector<4x8xf32> to vector<4xf32>
    %broadcast_in_dim3A_1393 = vector.shape_cast %reduce_sum3A_1392 : vector<4xf32> to vector<4x1xf32>
    %mul3A_1394 = arith.mulf %slice3A_621, %broadcast_in_dim3A_1393 : vector<4x1xf32>
    %add3A_1395 = arith.addf %add3A_1384, %mul3A_1394 : vector<4x1xf32>
    %slice3A_1396 = vector.extract_strided_slice %concatenate3A_1389 {offsets = [0, 1], sizes = [4, 7], strides = [1, 1]} : vector<4x8xf32> to vector<4x7xf32>
    %add3A_1397 = arith.constant 1.000000e+00 : f32
    %add3A_1398 = vector.broadcast %add3A_1397 : f32 to vector<4x1xf32>
    %add3A_1399 = arith.addf %broadcast_in_dim3A_1393, %add3A_1398 : vector<4x1xf32>
    %concatenate3A_1400 = tpu.concatenate %slice3A_1396, %add3A_1399 in 1 : vector<4x7xf32>, vector<4x1xf32> -> vector<4x8xf32>
    %mul3A_1401 = arith.mulf %concatenate3A_634, %concatenate3A_1400 : vector<4x8xf32>
    %reduce_sum3A_1402 = arith.constant dense<0.000000e+00> : vector<4xf32>
    %reduce_sum3A_1403 = vector.multi_reduction <add>, %mul3A_1401, %reduce_sum3A_1402 [1] : vector<4x8xf32> to vector<4xf32>
    %broadcast_in_dim3A_1404 = vector.shape_cast %reduce_sum3A_1403 : vector<4xf32> to vector<4x1xf32>
    %mul3A_1405 = arith.mulf %slice3A_635, %broadcast_in_dim3A_1404 : vector<4x1xf32>
    %add3A_1406 = arith.addf %add3A_1395, %mul3A_1405 : vector<4x1xf32>
    %slice3A_1407 = vector.extract_strided_slice %concatenate3A_1400 {offsets = [0, 1], sizes = [4, 7], strides = [1, 1]} : vector<4x8xf32> to vector<4x7xf32>
    %add3A_1408 = arith.constant 1.000000e+00 : f32
    %add3A_1409 = vector.broadcast %add3A_1408 : f32 to vector<4x1xf32>
    %add3A_1410 = arith.addf %broadcast_in_dim3A_1404, %add3A_1409 : vector<4x1xf32>
    %concatenate3A_1411 = tpu.concatenate %slice3A_1407, %add3A_1410 in 1 : vector<4x7xf32>, vector<4x1xf32> -> vector<4x8xf32>
    %mul3A_1412 = arith.mulf %concatenate3A_648, %concatenate3A_1411 : vector<4x8xf32>
    %reduce_sum3A_1413 = arith.constant dense<0.000000e+00> : vector<4xf32>
    %reduce_sum3A_1414 = vector.multi_reduction <add>, %mul3A_1412, %reduce_sum3A_1413 [1] : vector<4x8xf32> to vector<4xf32>
    %broadcast_in_dim3A_1415 = vector.shape_cast %reduce_sum3A_1414 : vector<4xf32> to vector<4x1xf32>
    %mul3A_1416 = arith.mulf %slice3A_649, %broadcast_in_dim3A_1415 : vector<4x1xf32>
    %add3A_1417 = arith.addf %add3A_1406, %mul3A_1416 : vector<4x1xf32>
    %slice3A_1418 = vector.extract_strided_slice %concatenate3A_1411 {offsets = [0, 1], sizes = [4, 7], strides = [1, 1]} : vector<4x8xf32> to vector<4x7xf32>
    %add3A_1419 = arith.constant 1.000000e+00 : f32
    %add3A_1420 = vector.broadcast %add3A_1419 : f32 to vector<4x1xf32>
    %add3A_1421 = arith.addf %broadcast_in_dim3A_1415, %add3A_1420 : vector<4x1xf32>
    %concatenate3A_1422 = tpu.concatenate %slice3A_1418, %add3A_1421 in 1 : vector<4x7xf32>, vector<4x1xf32> -> vector<4x8xf32>
    %mul3A_1423 = arith.mulf %concatenate3A_662, %concatenate3A_1422 : vector<4x8xf32>
    %reduce_sum3A_1424 = arith.constant dense<0.000000e+00> : vector<4xf32>
    %reduce_sum3A_1425 = vector.multi_reduction <add>, %mul3A_1423, %reduce_sum3A_1424 [1] : vector<4x8xf32> to vector<4xf32>
    %broadcast_in_dim3A_1426 = vector.shape_cast %reduce_sum3A_1425 : vector<4xf32> to vector<4x1xf32>
    %mul3A_1427 = arith.mulf %slice3A_663, %broadcast_in_dim3A_1426 : vector<4x1xf32>
    %add3A_1428 = arith.addf %add3A_1417, %mul3A_1427 : vector<4x1xf32>
    %slice3A_1429 = vector.extract_strided_slice %concatenate3A_1422 {offsets = [0, 1], sizes = [4, 7], strides = [1, 1]} : vector<4x8xf32> to vector<4x7xf32>
    %add3A_1430 = arith.constant 1.000000e+00 : f32
    %add3A_1431 = vector.broadcast %add3A_1430 : f32 to vector<4x1xf32>
    %add3A_1432 = arith.addf %broadcast_in_dim3A_1426, %add3A_1431 : vector<4x1xf32>
    %concatenate3A_1433 = tpu.concatenate %slice3A_1429, %add3A_1432 in 1 : vector<4x7xf32>, vector<4x1xf32> -> vector<4x8xf32>
    %mul3A_1434 = arith.mulf %concatenate3A_676, %concatenate3A_1433 : vector<4x8xf32>
    %reduce_sum3A_1435 = arith.constant dense<0.000000e+00> : vector<4xf32>
    %reduce_sum3A_1436 = vector.multi_reduction <add>, %mul3A_1434, %reduce_sum3A_1435 [1] : vector<4x8xf32> to vector<4xf32>
    %broadcast_in_dim3A_1437 = vector.shape_cast %reduce_sum3A_1436 : vector<4xf32> to vector<4x1xf32>
    %mul3A_1438 = arith.mulf %slice3A_677, %broadcast_in_dim3A_1437 : vector<4x1xf32>
    %add3A_1439 = arith.addf %add3A_1428, %mul3A_1438 : vector<4x1xf32>
    %slice3A_1440 = vector.extract_strided_slice %concatenate3A_1433 {offsets = [0, 1], sizes = [4, 7], strides = [1, 1]} : vector<4x8xf32> to vector<4x7xf32>
    %add3A_1441 = arith.constant 1.000000e+00 : f32
    %add3A_1442 = vector.broadcast %add3A_1441 : f32 to vector<4x1xf32>
    %add3A_1443 = arith.addf %broadcast_in_dim3A_1437, %add3A_1442 : vector<4x1xf32>
    %concatenate3A_1444 = tpu.concatenate %slice3A_1440, %add3A_1443 in 1 : vector<4x7xf32>, vector<4x1xf32> -> vector<4x8xf32>
    %mul3A_1445 = arith.mulf %concatenate3A_690, %concatenate3A_1444 : vector<4x8xf32>
    %reduce_sum3A_1446 = arith.constant dense<0.000000e+00> : vector<4xf32>
    %reduce_sum3A_1447 = vector.multi_reduction <add>, %mul3A_1445, %reduce_sum3A_1446 [1] : vector<4x8xf32> to vector<4xf32>
    %broadcast_in_dim3A_1448 = vector.shape_cast %reduce_sum3A_1447 : vector<4xf32> to vector<4x1xf32>
    %mul3A_1449 = arith.mulf %slice3A_691, %broadcast_in_dim3A_1448 : vector<4x1xf32>
    %add3A_1450 = arith.addf %add3A_1439, %mul3A_1449 : vector<4x1xf32>
    %slice3A_1451 = vector.extract_strided_slice %concatenate3A_1444 {offsets = [0, 1], sizes = [4, 7], strides = [1, 1]} : vector<4x8xf32> to vector<4x7xf32>
    %add3A_1452 = arith.constant 1.000000e+00 : f32
    %add3A_1453 = vector.broadcast %add3A_1452 : f32 to vector<4x1xf32>
    %add3A_1454 = arith.addf %broadcast_in_dim3A_1448, %add3A_1453 : vector<4x1xf32>
    %concatenate3A_1455 = tpu.concatenate %slice3A_1451, %add3A_1454 in 1 : vector<4x7xf32>, vector<4x1xf32> -> vector<4x8xf32>
    %mul3A_1456 = arith.mulf %concatenate3A_704, %concatenate3A_1455 : vector<4x8xf32>
    %reduce_sum3A_1457 = arith.constant dense<0.000000e+00> : vector<4xf32>
    %reduce_sum3A_1458 = vector.multi_reduction <add>, %mul3A_1456, %reduce_sum3A_1457 [1] : vector<4x8xf32> to vector<4xf32>
    %broadcast_in_dim3A_1459 = vector.shape_cast %reduce_sum3A_1458 : vector<4xf32> to vector<4x1xf32>
    %mul3A_1460 = arith.mulf %slice3A_705, %broadcast_in_dim3A_1459 : vector<4x1xf32>
    %add3A_1461 = arith.addf %add3A_1450, %mul3A_1460 : vector<4x1xf32>
    %slice3A_1462 = vector.extract_strided_slice %concatenate3A_1455 {offsets = [0, 1], sizes = [4, 7], strides = [1, 1]} : vector<4x8xf32> to vector<4x7xf32>
    %add3A_1463 = arith.constant 1.000000e+00 : f32
    %add3A_1464 = vector.broadcast %add3A_1463 : f32 to vector<4x1xf32>
    %add3A_1465 = arith.addf %broadcast_in_dim3A_1459, %add3A_1464 : vector<4x1xf32>
    %concatenate3A_1466 = tpu.concatenate %slice3A_1462, %add3A_1465 in 1 : vector<4x7xf32>, vector<4x1xf32> -> vector<4x8xf32>
    %mul3A_1467 = arith.mulf %concatenate3A_718, %concatenate3A_1466 : vector<4x8xf32>
    %reduce_sum3A_1468 = arith.constant dense<0.000000e+00> : vector<4xf32>
    %reduce_sum3A_1469 = vector.multi_reduction <add>, %mul3A_1467, %reduce_sum3A_1468 [1] : vector<4x8xf32> to vector<4xf32>
    %broadcast_in_dim3A_1470 = vector.shape_cast %reduce_sum3A_1469 : vector<4xf32> to vector<4x1xf32>
    %mul3A_1471 = arith.mulf %slice3A_719, %broadcast_in_dim3A_1470 : vector<4x1xf32>
    %add3A_1472 = arith.addf %add3A_1461, %mul3A_1471 : vector<4x1xf32>
    %slice3A_1473 = vector.extract_strided_slice %concatenate3A_1466 {offsets = [0, 1], sizes = [4, 7], strides = [1, 1]} : vector<4x8xf32> to vector<4x7xf32>
    %add3A_1474 = arith.constant 1.000000e+00 : f32
    %add3A_1475 = vector.broadcast %add3A_1474 : f32 to vector<4x1xf32>
    %add3A_1476 = arith.addf %broadcast_in_dim3A_1470, %add3A_1475 : vector<4x1xf32>
    %concatenate3A_1477 = tpu.concatenate %slice3A_1473, %add3A_1476 in 1 : vector<4x7xf32>, vector<4x1xf32> -> vector<4x8xf32>
    %mul3A_1478 = arith.mulf %concatenate3A_732, %concatenate3A_1477 : vector<4x8xf32>
    %reduce_sum3A_1479 = arith.constant dense<0.000000e+00> : vector<4xf32>
    %reduce_sum3A_1480 = vector.multi_reduction <add>, %mul3A_1478, %reduce_sum3A_1479 [1] : vector<4x8xf32> to vector<4xf32>
    %broadcast_in_dim3A_1481 = vector.shape_cast %reduce_sum3A_1480 : vector<4xf32> to vector<4x1xf32>
    %mul3A_1482 = arith.mulf %slice3A_733, %broadcast_in_dim3A_1481 : vector<4x1xf32>
    %add3A_1483 = arith.addf %add3A_1472, %mul3A_1482 : vector<4x1xf32>
    %slice3A_1484 = vector.extract_strided_slice %concatenate3A_1477 {offsets = [0, 1], sizes = [4, 7], strides = [1, 1]} : vector<4x8xf32> to vector<4x7xf32>
    %add3A_1485 = arith.constant 1.000000e+00 : f32
    %add3A_1486 = vector.broadcast %add3A_1485 : f32 to vector<4x1xf32>
    %add3A_1487 = arith.addf %broadcast_in_dim3A_1481, %add3A_1486 : vector<4x1xf32>
    %concatenate3A_1488 = tpu.concatenate %slice3A_1484, %add3A_1487 in 1 : vector<4x7xf32>, vector<4x1xf32> -> vector<4x8xf32>
    %mul3A_1489 = arith.mulf %concatenate3A_746, %concatenate3A_1488 : vector<4x8xf32>
    %reduce_sum3A_1490 = arith.constant dense<0.000000e+00> : vector<4xf32>
    %reduce_sum3A_1491 = vector.multi_reduction <add>, %mul3A_1489, %reduce_sum3A_1490 [1] : vector<4x8xf32> to vector<4xf32>
    %broadcast_in_dim3A_1492 = vector.shape_cast %reduce_sum3A_1491 : vector<4xf32> to vector<4x1xf32>
    %mul3A_1493 = arith.mulf %slice3A_747, %broadcast_in_dim3A_1492 : vector<4x1xf32>
    %add3A_1494 = arith.addf %add3A_1483, %mul3A_1493 : vector<4x1xf32>
    %slice3A_1495 = vector.extract_strided_slice %concatenate3A_1488 {offsets = [0, 1], sizes = [4, 7], strides = [1, 1]} : vector<4x8xf32> to vector<4x7xf32>
    %add3A_1496 = arith.constant 1.000000e+00 : f32
    %add3A_1497 = vector.broadcast %add3A_1496 : f32 to vector<4x1xf32>
    %add3A_1498 = arith.addf %broadcast_in_dim3A_1492, %add3A_1497 : vector<4x1xf32>
    %concatenate3A_1499 = tpu.concatenate %slice3A_1495, %add3A_1498 in 1 : vector<4x7xf32>, vector<4x1xf32> -> vector<4x8xf32>
    %mul3A_1500 = arith.mulf %concatenate3A_760, %concatenate3A_1499 : vector<4x8xf32>
    %reduce_sum3A_1501 = arith.constant dense<0.000000e+00> : vector<4xf32>
    %reduce_sum3A_1502 = vector.multi_reduction <add>, %mul3A_1500, %reduce_sum3A_1501 [1] : vector<4x8xf32> to vector<4xf32>
    %broadcast_in_dim3A_1503 = vector.shape_cast %reduce_sum3A_1502 : vector<4xf32> to vector<4x1xf32>
    %mul3A_1504 = arith.mulf %slice3A_761, %broadcast_in_dim3A_1503 : vector<4x1xf32>
    %add3A_1505 = arith.addf %add3A_1494, %mul3A_1504 : vector<4x1xf32>
    %slice3A_1506 = vector.extract_strided_slice %concatenate3A_1499 {offsets = [0, 1], sizes = [4, 7], strides = [1, 1]} : vector<4x8xf32> to vector<4x7xf32>
    %add3A_1507 = arith.constant 1.000000e+00 : f32
    %add3A_1508 = vector.broadcast %add3A_1507 : f32 to vector<4x1xf32>
    %add3A_1509 = arith.addf %broadcast_in_dim3A_1503, %add3A_1508 : vector<4x1xf32>
    %concatenate3A_1510 = tpu.concatenate %slice3A_1506, %add3A_1509 in 1 : vector<4x7xf32>, vector<4x1xf32> -> vector<4x8xf32>
    %mul3A_1511 = arith.mulf %concatenate3A_774, %concatenate3A_1510 : vector<4x8xf32>
    %reduce_sum3A_1512 = arith.constant dense<0.000000e+00> : vector<4xf32>
    %reduce_sum3A_1513 = vector.multi_reduction <add>, %mul3A_1511, %reduce_sum3A_1512 [1] : vector<4x8xf32> to vector<4xf32>
    %broadcast_in_dim3A_1514 = vector.shape_cast %reduce_sum3A_1513 : vector<4xf32> to vector<4x1xf32>
    %mul3A_1515 = arith.mulf %slice3A_775, %broadcast_in_dim3A_1514 : vector<4x1xf32>
    %add3A_1516 = arith.addf %add3A_1505, %mul3A_1515 : vector<4x1xf32>
    %slice3A_1517 = vector.extract_strided_slice %concatenate3A_1510 {offsets = [0, 1], sizes = [4, 7], strides = [1, 1]} : vector<4x8xf32> to vector<4x7xf32>
    %add3A_1518 = arith.constant 1.000000e+00 : f32
    %add3A_1519 = vector.broadcast %add3A_1518 : f32 to vector<4x1xf32>
    %add3A_1520 = arith.addf %broadcast_in_dim3A_1514, %add3A_1519 : vector<4x1xf32>
    %concatenate3A_1521 = tpu.concatenate %slice3A_1517, %add3A_1520 in 1 : vector<4x7xf32>, vector<4x1xf32> -> vector<4x8xf32>
    %mul3A_1522 = arith.mulf %concatenate3A_788, %concatenate3A_1521 : vector<4x8xf32>
    %reduce_sum3A_1523 = arith.constant dense<0.000000e+00> : vector<4xf32>
    %reduce_sum3A_1524 = vector.multi_reduction <add>, %mul3A_1522, %reduce_sum3A_1523 [1] : vector<4x8xf32> to vector<4xf32>
    %broadcast_in_dim3A_1525 = vector.shape_cast %reduce_sum3A_1524 : vector<4xf32> to vector<4x1xf32>
    %mul3A_1526 = arith.mulf %slice3A_789, %broadcast_in_dim3A_1525 : vector<4x1xf32>
    %add3A_1527 = arith.addf %add3A_1516, %mul3A_1526 : vector<4x1xf32>
    %slice3A_1528 = vector.extract_strided_slice %concatenate3A_1521 {offsets = [0, 1], sizes = [4, 7], strides = [1, 1]} : vector<4x8xf32> to vector<4x7xf32>
    %add3A_1529 = arith.constant 1.000000e+00 : f32
    %add3A_1530 = vector.broadcast %add3A_1529 : f32 to vector<4x1xf32>
    %add3A_1531 = arith.addf %broadcast_in_dim3A_1525, %add3A_1530 : vector<4x1xf32>
    %concatenate3A_1532 = tpu.concatenate %slice3A_1528, %add3A_1531 in 1 : vector<4x7xf32>, vector<4x1xf32> -> vector<4x8xf32>
    %mul3A_1533 = arith.mulf %concatenate3A_802, %concatenate3A_1532 : vector<4x8xf32>
    %reduce_sum3A_1534 = arith.constant dense<0.000000e+00> : vector<4xf32>
    %reduce_sum3A_1535 = vector.multi_reduction <add>, %mul3A_1533, %reduce_sum3A_1534 [1] : vector<4x8xf32> to vector<4xf32>
    %broadcast_in_dim3A_1536 = vector.shape_cast %reduce_sum3A_1535 : vector<4xf32> to vector<4x1xf32>
    %mul3A_1537 = arith.mulf %slice3A_803, %broadcast_in_dim3A_1536 : vector<4x1xf32>
    %add3A_1538 = arith.addf %add3A_1527, %mul3A_1537 : vector<4x1xf32>
    %slice3A_1539 = vector.extract_strided_slice %concatenate3A_1532 {offsets = [0, 1], sizes = [4, 7], strides = [1, 1]} : vector<4x8xf32> to vector<4x7xf32>
    %add3A_1540 = arith.constant 1.000000e+00 : f32
    %add3A_1541 = vector.broadcast %add3A_1540 : f32 to vector<4x1xf32>
    %add3A_1542 = arith.addf %broadcast_in_dim3A_1536, %add3A_1541 : vector<4x1xf32>
    %concatenate3A_1543 = tpu.concatenate %slice3A_1539, %add3A_1542 in 1 : vector<4x7xf32>, vector<4x1xf32> -> vector<4x8xf32>
    %mul3A_1544 = arith.mulf %concatenate3A_816, %concatenate3A_1543 : vector<4x8xf32>
    %reduce_sum3A_1545 = arith.constant dense<0.000000e+00> : vector<4xf32>
    %reduce_sum3A_1546 = vector.multi_reduction <add>, %mul3A_1544, %reduce_sum3A_1545 [1] : vector<4x8xf32> to vector<4xf32>
    %broadcast_in_dim3A_1547 = vector.shape_cast %reduce_sum3A_1546 : vector<4xf32> to vector<4x1xf32>
    %mul3A_1548 = arith.mulf %slice3A_817, %broadcast_in_dim3A_1547 : vector<4x1xf32>
    %add3A_1549 = arith.addf %add3A_1538, %mul3A_1548 : vector<4x1xf32>
    %slice3A_1550 = vector.extract_strided_slice %concatenate3A_1543 {offsets = [0, 1], sizes = [4, 7], strides = [1, 1]} : vector<4x8xf32> to vector<4x7xf32>
    %add3A_1551 = arith.constant 1.000000e+00 : f32
    %add3A_1552 = vector.broadcast %add3A_1551 : f32 to vector<4x1xf32>
    %add3A_1553 = arith.addf %broadcast_in_dim3A_1547, %add3A_1552 : vector<4x1xf32>
    %concatenate3A_1554 = tpu.concatenate %slice3A_1550, %add3A_1553 in 1 : vector<4x7xf32>, vector<4x1xf32> -> vector<4x8xf32>
    %mul3A_1555 = arith.mulf %concatenate3A_830, %concatenate3A_1554 : vector<4x8xf32>
    %reduce_sum3A_1556 = arith.constant dense<0.000000e+00> : vector<4xf32>
    %reduce_sum3A_1557 = vector.multi_reduction <add>, %mul3A_1555, %reduce_sum3A_1556 [1] : vector<4x8xf32> to vector<4xf32>
    %broadcast_in_dim3A_1558 = vector.shape_cast %reduce_sum3A_1557 : vector<4xf32> to vector<4x1xf32>
    %mul3A_1559 = arith.mulf %slice3A_831, %broadcast_in_dim3A_1558 : vector<4x1xf32>
    %add3A_1560 = arith.addf %add3A_1549, %mul3A_1559 : vector<4x1xf32>
    %slice3A_1561 = vector.extract_strided_slice %concatenate3A_1554 {offsets = [0, 1], sizes = [4, 7], strides = [1, 1]} : vector<4x8xf32> to vector<4x7xf32>
    %add3A_1562 = arith.constant 1.000000e+00 : f32
    %add3A_1563 = vector.broadcast %add3A_1562 : f32 to vector<4x1xf32>
    %add3A_1564 = arith.addf %broadcast_in_dim3A_1558, %add3A_1563 : vector<4x1xf32>
    %concatenate3A_1565 = tpu.concatenate %slice3A_1561, %add3A_1564 in 1 : vector<4x7xf32>, vector<4x1xf32> -> vector<4x8xf32>
    %mul3A_1566 = arith.mulf %concatenate3A_844, %concatenate3A_1565 : vector<4x8xf32>
    %reduce_sum3A_1567 = arith.constant dense<0.000000e+00> : vector<4xf32>
    %reduce_sum3A_1568 = vector.multi_reduction <add>, %mul3A_1566, %reduce_sum3A_1567 [1] : vector<4x8xf32> to vector<4xf32>
    %broadcast_in_dim3A_1569 = vector.shape_cast %reduce_sum3A_1568 : vector<4xf32> to vector<4x1xf32>
    %mul3A_1570 = arith.mulf %slice3A_845, %broadcast_in_dim3A_1569 : vector<4x1xf32>
    %add3A_1571 = arith.addf %add3A_1560, %mul3A_1570 : vector<4x1xf32>
    %slice3A_1572 = vector.extract_strided_slice %concatenate3A_1565 {offsets = [0, 1], sizes = [4, 7], strides = [1, 1]} : vector<4x8xf32> to vector<4x7xf32>
    %add3A_1573 = arith.constant 1.000000e+00 : f32
    %add3A_1574 = vector.broadcast %add3A_1573 : f32 to vector<4x1xf32>
    %add3A_1575 = arith.addf %broadcast_in_dim3A_1569, %add3A_1574 : vector<4x1xf32>
    %concatenate3A_1576 = tpu.concatenate %slice3A_1572, %add3A_1575 in 1 : vector<4x7xf32>, vector<4x1xf32> -> vector<4x8xf32>
    %mul3A_1577 = arith.mulf %concatenate3A_858, %concatenate3A_1576 : vector<4x8xf32>
    %reduce_sum3A_1578 = arith.constant dense<0.000000e+00> : vector<4xf32>
    %reduce_sum3A_1579 = vector.multi_reduction <add>, %mul3A_1577, %reduce_sum3A_1578 [1] : vector<4x8xf32> to vector<4xf32>
    %broadcast_in_dim3A_1580 = vector.shape_cast %reduce_sum3A_1579 : vector<4xf32> to vector<4x1xf32>
    %mul3A_1581 = arith.mulf %slice3A_859, %broadcast_in_dim3A_1580 : vector<4x1xf32>
    %add3A_1582 = arith.addf %add3A_1571, %mul3A_1581 : vector<4x1xf32>
    %slice3A_1583 = vector.extract_strided_slice %concatenate3A_1576 {offsets = [0, 1], sizes = [4, 7], strides = [1, 1]} : vector<4x8xf32> to vector<4x7xf32>
    %add3A_1584 = arith.constant 1.000000e+00 : f32
    %add3A_1585 = vector.broadcast %add3A_1584 : f32 to vector<4x1xf32>
    %add3A_1586 = arith.addf %broadcast_in_dim3A_1580, %add3A_1585 : vector<4x1xf32>
    %concatenate3A_1587 = tpu.concatenate %slice3A_1583, %add3A_1586 in 1 : vector<4x7xf32>, vector<4x1xf32> -> vector<4x8xf32>
    %mul3A_1588 = arith.mulf %concatenate3A_872, %concatenate3A_1587 : vector<4x8xf32>
    %reduce_sum3A_1589 = arith.constant dense<0.000000e+00> : vector<4xf32>
    %reduce_sum3A_1590 = vector.multi_reduction <add>, %mul3A_1588, %reduce_sum3A_1589 [1] : vector<4x8xf32> to vector<4xf32>
    %broadcast_in_dim3A_1591 = vector.shape_cast %reduce_sum3A_1590 : vector<4xf32> to vector<4x1xf32>
    %mul3A_1592 = arith.mulf %slice3A_873, %broadcast_in_dim3A_1591 : vector<4x1xf32>
    %add3A_1593 = arith.addf %add3A_1582, %mul3A_1592 : vector<4x1xf32>
    %slice3A_1594 = vector.extract_strided_slice %concatenate3A_1587 {offsets = [0, 1], sizes = [4, 7], strides = [1, 1]} : vector<4x8xf32> to vector<4x7xf32>
    %add3A_1595 = arith.constant 1.000000e+00 : f32
    %add3A_1596 = vector.broadcast %add3A_1595 : f32 to vector<4x1xf32>
    %add3A_1597 = arith.addf %broadcast_in_dim3A_1591, %add3A_1596 : vector<4x1xf32>
    %concatenate3A_1598 = tpu.concatenate %slice3A_1594, %add3A_1597 in 1 : vector<4x7xf32>, vector<4x1xf32> -> vector<4x8xf32>
    %mul3A_1599 = arith.mulf %concatenate3A_886, %concatenate3A_1598 : vector<4x8xf32>
    %reduce_sum3A_1600 = arith.constant dense<0.000000e+00> : vector<4xf32>
    %reduce_sum3A_1601 = vector.multi_reduction <add>, %mul3A_1599, %reduce_sum3A_1600 [1] : vector<4x8xf32> to vector<4xf32>
    %broadcast_in_dim3A_1602 = vector.shape_cast %reduce_sum3A_1601 : vector<4xf32> to vector<4x1xf32>
    %mul3A_1603 = arith.mulf %slice3A_887, %broadcast_in_dim3A_1602 : vector<4x1xf32>
    %add3A_1604 = arith.addf %add3A_1593, %mul3A_1603 : vector<4x1xf32>
    %slice3A_1605 = vector.extract_strided_slice %concatenate3A_1598 {offsets = [0, 1], sizes = [4, 7], strides = [1, 1]} : vector<4x8xf32> to vector<4x7xf32>
    %add3A_1606 = arith.constant 1.000000e+00 : f32
    %add3A_1607 = vector.broadcast %add3A_1606 : f32 to vector<4x1xf32>
    %add3A_1608 = arith.addf %broadcast_in_dim3A_1602, %add3A_1607 : vector<4x1xf32>
    %concatenate3A_1609 = tpu.concatenate %slice3A_1605, %add3A_1608 in 1 : vector<4x7xf32>, vector<4x1xf32> -> vector<4x8xf32>
    %mul3A_1610 = arith.mulf %concatenate3A_900, %concatenate3A_1609 : vector<4x8xf32>
    %reduce_sum3A_1611 = arith.constant dense<0.000000e+00> : vector<4xf32>
    %reduce_sum3A_1612 = vector.multi_reduction <add>, %mul3A_1610, %reduce_sum3A_1611 [1] : vector<4x8xf32> to vector<4xf32>
    %broadcast_in_dim3A_1613 = vector.shape_cast %reduce_sum3A_1612 : vector<4xf32> to vector<4x1xf32>
    %mul3A_1614 = arith.mulf %slice3A_901, %broadcast_in_dim3A_1613 : vector<4x1xf32>
    %add3A_1615 = arith.addf %add3A_1604, %mul3A_1614 : vector<4x1xf32>
    %slice3A_1616 = vector.extract_strided_slice %concatenate3A_1609 {offsets = [0, 1], sizes = [4, 7], strides = [1, 1]} : vector<4x8xf32> to vector<4x7xf32>
    %add3A_1617 = arith.constant 1.000000e+00 : f32
    %add3A_1618 = vector.broadcast %add3A_1617 : f32 to vector<4x1xf32>
    %add3A_1619 = arith.addf %broadcast_in_dim3A_1613, %add3A_1618 : vector<4x1xf32>
    %concatenate3A_1620 = tpu.concatenate %slice3A_1616, %add3A_1619 in 1 : vector<4x7xf32>, vector<4x1xf32> -> vector<4x8xf32>
    %mul3A_1621 = arith.mulf %concatenate3A_914, %concatenate3A_1620 : vector<4x8xf32>
    %reduce_sum3A_1622 = arith.constant dense<0.000000e+00> : vector<4xf32>
    %reduce_sum3A_1623 = vector.multi_reduction <add>, %mul3A_1621, %reduce_sum3A_1622 [1] : vector<4x8xf32> to vector<4xf32>
    %broadcast_in_dim3A_1624 = vector.shape_cast %reduce_sum3A_1623 : vector<4xf32> to vector<4x1xf32>
    %mul3A_1625 = arith.mulf %slice3A_915, %broadcast_in_dim3A_1624 : vector<4x1xf32>
    %add3A_1626 = arith.addf %add3A_1615, %mul3A_1625 : vector<4x1xf32>
    %slice3A_1627 = vector.extract_strided_slice %concatenate3A_1620 {offsets = [0, 1], sizes = [4, 7], strides = [1, 1]} : vector<4x8xf32> to vector<4x7xf32>
    %add3A_1628 = arith.constant 1.000000e+00 : f32
    %add3A_1629 = vector.broadcast %add3A_1628 : f32 to vector<4x1xf32>
    %add3A_1630 = arith.addf %broadcast_in_dim3A_1624, %add3A_1629 : vector<4x1xf32>
    %concatenate3A_1631 = tpu.concatenate %slice3A_1627, %add3A_1630 in 1 : vector<4x7xf32>, vector<4x1xf32> -> vector<4x8xf32>
    %mul3A_1632 = arith.mulf %concatenate3A_928, %concatenate3A_1631 : vector<4x8xf32>
    %reduce_sum3A_1633 = arith.constant dense<0.000000e+00> : vector<4xf32>
    %reduce_sum3A_1634 = vector.multi_reduction <add>, %mul3A_1632, %reduce_sum3A_1633 [1] : vector<4x8xf32> to vector<4xf32>
    %broadcast_in_dim3A_1635 = vector.shape_cast %reduce_sum3A_1634 : vector<4xf32> to vector<4x1xf32>
    %mul3A_1636 = arith.mulf %slice3A_929, %broadcast_in_dim3A_1635 : vector<4x1xf32>
    %add3A_1637 = arith.addf %add3A_1626, %mul3A_1636 : vector<4x1xf32>
    %slice3A_1638 = vector.extract_strided_slice %concatenate3A_1631 {offsets = [0, 1], sizes = [4, 7], strides = [1, 1]} : vector<4x8xf32> to vector<4x7xf32>
    %add3A_1639 = arith.constant 1.000000e+00 : f32
    %add3A_1640 = vector.broadcast %add3A_1639 : f32 to vector<4x1xf32>
    %add3A_1641 = arith.addf %broadcast_in_dim3A_1635, %add3A_1640 : vector<4x1xf32>
    %concatenate3A_1642 = tpu.concatenate %slice3A_1638, %add3A_1641 in 1 : vector<4x7xf32>, vector<4x1xf32> -> vector<4x8xf32>
    %mul3A_1643 = arith.mulf %concatenate3A_942, %concatenate3A_1642 : vector<4x8xf32>
    %reduce_sum3A_1644 = arith.constant dense<0.000000e+00> : vector<4xf32>
    %reduce_sum3A_1645 = vector.multi_reduction <add>, %mul3A_1643, %reduce_sum3A_1644 [1] : vector<4x8xf32> to vector<4xf32>
    %broadcast_in_dim3A_1646 = vector.shape_cast %reduce_sum3A_1645 : vector<4xf32> to vector<4x1xf32>
    %mul3A_1647 = arith.mulf %slice3A_943, %broadcast_in_dim3A_1646 : vector<4x1xf32>
    %add3A_1648 = arith.addf %add3A_1637, %mul3A_1647 : vector<4x1xf32>
    %slice3A_1649 = vector.extract_strided_slice %concatenate3A_1642 {offsets = [0, 1], sizes = [4, 7], strides = [1, 1]} : vector<4x8xf32> to vector<4x7xf32>
    %add3A_1650 = arith.constant 1.000000e+00 : f32
    %add3A_1651 = vector.broadcast %add3A_1650 : f32 to vector<4x1xf32>
    %add3A_1652 = arith.addf %broadcast_in_dim3A_1646, %add3A_1651 : vector<4x1xf32>
    %concatenate3A_1653 = tpu.concatenate %slice3A_1649, %add3A_1652 in 1 : vector<4x7xf32>, vector<4x1xf32> -> vector<4x8xf32>
    %mul3A_1654 = arith.mulf %concatenate3A_956, %concatenate3A_1653 : vector<4x8xf32>
    %reduce_sum3A_1655 = arith.constant dense<0.000000e+00> : vector<4xf32>
    %reduce_sum3A_1656 = vector.multi_reduction <add>, %mul3A_1654, %reduce_sum3A_1655 [1] : vector<4x8xf32> to vector<4xf32>
    %broadcast_in_dim3A_1657 = vector.shape_cast %reduce_sum3A_1656 : vector<4xf32> to vector<4x1xf32>
    %mul3A_1658 = arith.mulf %slice3A_957, %broadcast_in_dim3A_1657 : vector<4x1xf32>
    %add3A_1659 = arith.addf %add3A_1648, %mul3A_1658 : vector<4x1xf32>
    %get3A_1660 = arith.constant 0 : index
    %get3A_1661 = arith.constant 0 : index
    %get3A_1662 = vector.load %arg5[%get3A_1660, %get3A_1661] : memref<4x1xf32, #tpu.memory_space<vmem>>, vector<4x1xf32>
    %mul3A_1663 = arith.mulf %get3A_1662, %add3A_1659 : vector<4x1xf32>
    %reduce_sum3A_1664 = arith.constant dense<0.000000e+00> : vector<1xf32>
    %reduce_sum3A_1665 = vector.multi_reduction <add>, %mul3A_1663, %reduce_sum3A_1664 [0] : vector<4x1xf32> to vector<1xf32>
    %broadcast_in_dim3A_1666 = vector.shape_cast %reduce_sum3A_1665 : vector<1xf32> to vector<1x1xf32>
    %swap3A = arith.constant 0 : index
    %swap3A_1667 = arith.constant 0 : index
    %swap3A_1668 = vector.load %arg6[%swap3A, %swap3A_1667] : memref<1x1xf32, #tpu.memory_space<vmem>>, vector<1x1xf32>
    tpu.vector_store %arg6[%swap3A, %swap3A_1667], %broadcast_in_dim3A_1666 {strides = array<i32>} : memref<1x1xf32, #tpu.memory_space<vmem>>, vector<1x1xf32>,
    return
  }
}

</mosaic_0001>

<sc_bundles>
// kernel: kernel.5.cloned.1.call-start
scs
__scs_entry_jumppad:
0x0: {  	(pc) =	sbr.rel $0x88, $3  }
0x1: {  	(tag) =	ssettag $0x0;
	lr =	simm.s32 $0x1  }
0x2: {  	[smem:$0x3F9E] =	sst lr;
	_ =	strace $0xD0000000  }
0x3: {  	_ = 	snop  }
0x4: {  	_ = 	snop  }
0x5: {  	_ = 	snop  }
0x6: {  	_ = 	snop  }
0x7: {  	_ = 	snop  }
__scs_overlays_trampoline_lowered:
0x8: {  	[smem:$0x3FAD] =	sst s0  }
0x9: {  	[smem:$0x3FAE] =	sst s1  }
0xa: {  	[smem:$0x3FAF] =	sst s2  }
0xb: {  	[smem:$0x3FB0] =	sst s3  }
0xc: {  	[smem:$0x3FB1] =	sst s4  }
0xd: {  	[smem:$0x3FB2] =	sst s5  }
0xe: {  	[smem:$0x3FB3] =	sst s6  }
0xf: {  	[smem:$0x3FB4] =	sst s7  }
0x10: {  	[smem:$0x3FB5] =	sst s8  }
0x11: {  	[smem:$0x3FB6] =	sst s9;
	s0 =	simm.s32 @!p0 $0x0  }
0x12: {  	s1 =	sld [smem:$0x3F9C];
	s0 =	simm.s32 @p0 $0x1  }
0x13: {  	[smem:$0x3FB7] =	sst s0;
	s0 =	simm.s32 @!p1 $0x0  }
0x14: {  	s2 =	sld [smem:$0x3F9B];
	s0 =	simm.s32 @p1 $0x1  }
0x15: {  	[smem:$0x3FB8] =	sst s0;
	s0 =	simm.s32 @!p2 $0x0  }
0x16: {  	s3 =	sld [smem:$0x3FDB];
	s0 =	simm.s32 @p2 $0x1  }
0x17: {  	s4 =	simm.s32 $0x1BF5;
	[smem:$0x3FBA] =	sst s0  }
0x18: {  	s0 =	sld [smem:$0x3F9D];
	_ =	swait.ge [sflag:s4], $0x0  }
0x19: {  	s7 =	sld [smem:$0x3F9E]  }
0x1a: {  	s8 =	sadd.s32 $0xFFFFE003, lr  }
0x1b: {  	s9 =	sadd.s32 $0xFFFFFEF7, lr;
	s5 =	simm.s32 $0xFFFFFFFF;
	p2 =	slt.u32 s8, $0xFFFFF086  }
0x1c: {  	p1 =	slt.u32 s9, $0xF7A;
	s5 =	simm.s32 @!p2 $0x0  }
0x1d: {  	s5 =	simm.s32 @p1 $0x1;
	p0 =	seq.s32 s7, s2  }
0x1e: {  	s7 =	smul.u32 @!p0 $0xF7A, s2;
	p2 =	seq.s32 @!p0 s5, $0x0  }
0x1f: {  	s9 =	smul.u32 $0xF7A, s1;
	s8 =	simm.s32 @!p0 $0x1BF5;
	p2 =	por !p2, p0  }
0x20: {  	[sflag:s8] =	ssyncset.s32 @!p0 $0xFFFFF086;
	s6 =	sadd.s32 @!p0 s3, s7;
	s7 =	simm.s32 @!p0 $0x108  }
0x21: {  	s3 =	sadd.s32 s3, s9;
	s6 =	sadd.s32 @!p0 $0x88, s6;
	s7 =	simm.s32 @p2 $0x1082  }
0x22: {  	[simem:s7], [sflag:s8] =	dma.local @!p0 [hbm:s6], $0xF7A  }
0x23: {  	s9 =	sor.u32 $0xD0000000, s2;
	s6 =	simm.s32 $0x108;
	_ =	swait.ge @!p0 [sflag:s8], $0x0  }
0x24: {  	s3 =	sadd.s32 $0x88, s3;
	s6 =	simm.s32 @!p1 $0x1082;
	[sflag:s4] =	ssyncset.s32 $0xFFFFF086  }
0x25: {  	[simem:s6], [sflag:s4] =	dma.local [hbm:s3], $0xF7A  }
0x26: {  	[smem:$0x3F9E] =	sst s1;
	(tag) =	ssettag s2;
	_ =	strace s9  }
0x27: {  	s1 =	sld [smem:$0x3FAE]  }
0x28: {  	s2 =	sld [smem:$0x3FAF]  }
0x29: {  	s4 =	sld [smem:$0x3FB1]  }
0x2a: {  	p0 =	seq.s32 s5, $0x0;
	s5 =	sld [smem:$0x3FB2]  }
0x2b: {  	s6 =	sld [smem:$0x3FB3]  }
0x2c: {  	s7 =	sld [smem:$0x3FB4]  }
0x2d: {  	s3 =	simm.s32 $0x108;
	s8 =	sld [smem:$0x3FB5]  }
0x2e: {  	s3 =	simm.s32 @!p0 $0x1082;
	s9 =	sld [smem:$0x3FB6]  }
0x2f: {  	lr =	sadd.s32 s0, s3;
	s0 =	sld [smem:$0x3FAD]  }
0x30: {  	s3 =	sld [smem:$0x3FB0]  }
0x31: {  	[smem:$0x3FB9] =	sst s10  }
0x32: {  	s10 =	sld [smem:$0x3FB7];
	_ =	sdelay $0x3  }
0x33: {  	p0 =	seq.s32 s10, $0x1;
	s10 =	sld [smem:$0x3FB9];
	_ =	sdelay $0x3  }
0x34: {  	[smem:$0x3FB9] =	sst s10  }
0x35: {  	s10 =	sld [smem:$0x3FB8];
	_ =	sdelay $0x3  }
0x36: {  	p1 =	seq.s32 s10, $0x1;
	s10 =	sld [smem:$0x3FB9];
	_ =	sdelay $0x3  }
0x37: {  	[smem:$0x3FB9] =	sst s10  }
0x38: {  	s10 =	sld [smem:$0x3FBA]  }
0x39: {  	_ = 	snop;
	(pc) =	sbr.ind lr, $3  }
0x3a: {  	_ = 	snop  }
0x3b: {  	_ = 	snop  }
0x3c: {  	p2 =	seq.s32 s10, $0x1;
	s10 =	sld [smem:$0x3FB9]  }
0x3d: {  	_ =	shalt  }
0x3e: {  	_ =	shalt  }
0x3f: {  	_ =	shalt  }
0x40: {  	_ =	shalt  }
0x41: {  	_ =	shalt  }
0x42: {  	_ =	shalt  }
0x43: {  	_ =	shalt  }
0x44: {  	_ =	shalt  }
0x45: {  	_ =	shalt  }
0x46: {  	_ =	shalt  }
0x47: {  	_ =	shalt  }
0x48: {  	_ =	shalt  }
0x49: {  	_ =	shalt  }
0x4a: {  	_ =	shalt  }
0x4b: {  	_ =	shalt  }
0x4c: {  	_ =	shalt  }
0x4d: {  	_ =	shalt  }
0x4e: {  	_ =	shalt  }
0x4f: {  	_ =	shalt  }
0x50: {  	_ =	shalt  }
0x51: {  	_ =	shalt  }
0x52: {  	_ =	shalt  }
0x53: {  	_ =	shalt  }
0x54: {  	_ =	shalt  }
0x55: {  	_ =	shalt  }
0x56: {  	_ =	shalt  }
0x57: {  	_ =	shalt  }
0x58: {  	_ =	shalt  }
0x59: {  	_ =	shalt  }
0x5a: {  	_ =	shalt  }
0x5b: {  	_ =	shalt  }
0x5c: {  	_ =	shalt  }
0x5d: {  	_ =	shalt  }
0x5e: {  	_ =	shalt  }
0x5f: {  	_ =	shalt  }
0x60: {  	_ =	shalt  }
0x61: {  	_ =	shalt  }
0x62: {  	_ =	shalt  }
0x63: {  	_ =	shalt  }
0x64: {  	_ =	shalt  }
0x65: {  	_ =	shalt  }
0x66: {  	_ =	shalt  }
0x67: {  	_ =	shalt  }
0x68: {  	_ =	shalt  }
0x69: {  	_ =	shalt  }
0x6a: {  	_ =	shalt  }
0x6b: {  	_ =	shalt  }
0x6c: {  	_ =	shalt  }
0x6d: {  	_ =	shalt  }
0x6e: {  	_ =	shalt  }
0x6f: {  	_ =	shalt  }
0x70: {  	_ =	shalt  }
0x71: {  	_ =	shalt  }
0x72: {  	_ =	shalt  }
0x73: {  	_ =	shalt  }
0x74: {  	_ =	shalt  }
0x75: {  	_ =	shalt  }
0x76: {  	_ =	shalt  }
0x77: {  	_ =	shalt  }
0x78: {  	_ =	shalt  }
0x79: {  	_ =	shalt  }
0x7a: {  	_ =	shalt  }
0x7b: {  	_ =	shalt  }
0x7c: {  	_ =	shalt  }
0x7d: {  	_ =	shalt  }
0x7e: {  	_ =	shalt  }
0x7f: {  	_ =	shalt  }
0x80: {  	_ =	shalt  }
0x81: {  	_ =	shalt  }
0x82: {  	_ =	shalt  }
0x83: {  	_ =	shalt  }
0x84: {  	_ =	shalt  }
0x85: {  	_ =	shalt  }
0x86: {  	_ =	shalt  }
0x87: {  	_ =	shalt  }
.Lfunc_end0:
.L_simem_size_0:
called_computation_lowered:
.L_overlay_start_0:
0x88: {  	s0 =	sld [smem:$0x3FD9]  }
0x89: {  	s1 =	sld [smem:$0x3FFE];
	_ =	sdelay $0x3  }
0x8a: {  	s0 =	sadd.s32 s1, s0  }
0x8b: {  	[smem:$0x3FC5] =	sst s0  }
0x8c: {  	_ = 	snop  }
0x8d: {  	s0 =	sld [smem:$0x3FC9];
	(tm) =	ssettm $0x1  }
0x8e: {  	s16 =	sld [smem:$0x3FFB];
	_ =	sdelay $0x3  }
0x8f: {  	_ =	strace s16  }
0x90: {  	s1 =	sld [smem:$0x3FFC];
	_ =	sdelay $0x3  }
0x91: {  	_ =	strace s1  }
0x92: {  	s1 =	sld [smem:$0x3FFD];
	_ =	sdelay $0x3  }
0x93: {  	_ =	strace s1  }
0x94: {  	_ =	strace $0x8FFFFFFF  }
0x95: {  	s17 =	sld [smem:$0x3FDB];
	_ =	sdelay $0x1  }
0x96: {  	s2 =	simm.s32 $_scs_section_size  }
0x97: {  	s3 =	simm.s32 $_size__tile_overlayer_lowered;
	s4 =	simm.s32 $_tile_overlayer_lowered  }
0x98: {  	s20 =	simm.s32 $0x1BFF;
	s19 =	sshll.u32 s4, $0x1;
	s1 =	sadd.s32 s2, s17  }
0x99: {  	s5 =	simm.s32 $0x0;
	s18 =	sshll.u32 s3, $0x1;
	s3 =	sadd.s32 s19, s1  }
0x9a: {  	[timem:s5], [sflag:s20] =	dma.local [hbm:s3], s18  }
0x9b: {  	_ =	swait.ge [sflag:s20], s18  }
0x9c: {  	s2 =	ssub.s32 $0x0, s18;
	[sflag:s20] =	ssyncset.done $0x0  }
0x9d: {  	[sflag:s20] =	ssyncadd.s32 s2;
	_ =	sdelay $0x1  }
0x9e: {  	s21 =	simm.s32 $0x1B8B  }
0x9f: {  	_ =	swait.ge [sflag:s21], $0x1  }
0xa0: {  	[sflag:s21] =	ssyncset.done $0x0  }
0xa1: {  	s23 =	simm.s32 $0x1B8E;
	s22 =	sld [smem:$0x3FFE];
	[sflag:s21] =	ssyncadd.s32 $0xFFFFFFFF  }
0xa2: {  	s24 =	simm.s32 $execute0_lowered;
	[smem:$0x3FD2] =	sst s23  }
0xa3: {  	s3 =	sshll.u32 s24, $0x1;
	_ =	strace $0x80000046;
	[dreg:$0x1] =	wrdreg $0xFFFFFFFF  }
0xa4: {  	s25 =	simm.s32 $_size_execute0_lowered;
	s1 =	sadd.s32 s1, s3;
	[dreg:$0x0] =	wrdreg $0x0  }
0xa5: {  	s3 =	sshll.u32 s25, $0x1;
	[dreg:$0x2] =	wrdreg s1  }
0xa6: {  	[dreg:$0x3] =	wrdreg s3  }
0xa7: {  	[dreg:$0x4] =	wrdreg $0xC0  }
0xa8: {  	_ =	task [dreg:s5], $0x5FFFF  }
0xa9: {  	[dreg:$0x1] =	wrdreg $0xFFFFFFFF  }
0xaa: {  	[dreg:$0x0] =	wrdreg $0x60  }
0xab: {  	[dreg:$0x2] =	wrdreg s0  }
0xac: {  	[dreg:$0x3] =	wrdreg s22  }
0xad: {  	[dreg:$0x4] =	wrdreg $0x9  }
0xae: {  	_ =	task.clear_ibuf [dreg:s5], $0x5FFFF;
	_ =	strace $0x90000046  }
0xaf: {  	s26 =	simm.s32 $0x9;
	_ =	strace $0x80000048  }
0xb0: {  	_ =	swait.ge [sflag:s26], $0x1  }
0xb1: {  	[sflag:s26] =	ssyncadd.s32 $0xFFFFFFFF  }
0xb2: {  	_ =	strace $0x90000048  }
0xb3: {  	_ =	sfence  }
0xb4: {  	s28 =	sld [smem:$0x0];
	_ =	sdelay $0x1  }
0xb5: {  	s29 =	srdreg.scid  }
0xb6: {  	s30 =	sshll.u32 s29, $0xD;
	s31 =	sshrl.u32 s29, $0x2  }
0xb7: {  	s2 =	sand.u32 $0x4000, s30;
	s1 =	sand.u32 $0x1, s29;
	s0 =	sadd.s32 s31, s28  }
0xb8: {  	s1 =	sor.u32 s2, s1;
	s0 =	sshll.u32 s0, $0x11  }
0xb9: {  	s0 =	sor.u32 s0, s1  }
0xba: {  	s0 =	sadd.s32 $0x8F2B, s0  }
0xbb: {  	[sflag:s0] =	ssyncadd.remote.s32 $0x1  }
0xbc: {  	_ =	sfence.sel $0xFFFF  }
0xbd: {  	[dreg:$0x0] =	wrdreg $0xFFFFFFFF;
	(pc) =	sbr.abs _section_cstart, $3  }
0xbe: {  	[dreg:$0x1] =	wrdreg $0xFFFFFFFF  }
0xbf: {  	_ =	task.clear_ibuf [dreg:s5], $0x2FFFF;
	_ =	strace $0x9FFFFFFF  }
0xc0: {  	(tm) =	ssettm $0x7FFFFFFF  }
0xc1: {  	_ =	shalt  }
tec
execute0_lowered:
.L_overlay_start_1:
0x0: {  	(tag) =	ssettag $0x1  }
0x1: {  	s3 =	rddreg [dreg:$0x0]  }
0x2: {  	s2 =	rddreg [dreg:$0x1]  }
0x3: {  	s0 =	rddreg [dreg:$0x2];
	s5 =	simm.s32 $0x0;
	s1 =	stileid.u32  }
0x4: {  	s7 =	simm.s32 $0x200;
	[smem:$0x7FF] =	sst s5;
	s4 =	sshll.u32 s1, $0xE  }
0x5: {  	s8 =	simm.s32 $0x400;
	_ =	strace $0x80000047;
	s6 =	sadd.s32 s3, s4  }
0x6: {  	[tilespmem:s5], [sflag:$0x1] =	stream.strided.gather [hbm4b:s6+s7], $0x8000, s8, s7, $0x38;
	[tilespmem:$0x10800] =	vst v63  }
0x7: {  	s29 =	simm.s32 $0x8000;
	s30 =	simm.s32 $0x1;
	s28 =	sadd.s32 $0x40, s6  }
0x8: {  	[tilespmem:s29], [sflag:$0x2] =	stream.strided.gather [hbm4b:s28+s7], $0x8000, s8, s7, $0x38;
	[tilespmem:$0x10800] =	vst v63  }
0x9: {  	_ =	swait.ge [sflag:s30], $0x8000  }
0xa: {  	[sflag:s30] =	ssyncset.done $0x0  }
0xb: {  	[sflag:s30] =	ssyncadd.s32 $0xFFFF8000  }
0xc: {  	v0 =	vld [tilespmem:$0x7E70];
	_ =	sdelay $0x2  }
0xd: {  	v1 =	vlaneseq.u32  }
0xe: {  	vm0 =	veq.s32 v1, $0xF  }
0xf: {  	v0 =	vsel vm0, $0xFF800000, v0  }
0x10: {  	s31 =	simm.s32 $0x0;
	[tilespmem:$0x7E70] =	vst v0  }
0x11: {  	v0 =	vld [tilespmem:s31+$0x0]  }
0x12: {  	v1 =	vld [tilespmem:s31+$0x10]  }
0x13: {  	v5 =	vld [tilespmem:s31+$0x20]  }
0x14: {  	v7 =	vld [tilespmem:s31+$0x30]  }
0x15: {  	v8 =	vld [tilespmem:s31+$0x40]  }
0x16: {  	v9 =	vld [tilespmem:s31+$0x50]  }
0x17: {  	v10 =	vld [tilespmem:s31+$0x60]  }
0x18: {  	s5 =	simm.s32 $0x200;
	v11 =	vld [tilespmem:s31+$0x70]  }
0x19: {  	v4 =	vld [tilespmem:s5+$0x0]  }
0x1a: {  	v6 =	vld [tilespmem:s5+$0x10]  }
0x1b: {  	v2 =	vld [tilespmem:s5+$0x20]  }
0x1c: {  	v3 =	vld [tilespmem:s5+$0x30];
	v1 =	vmax.f32 v0, v1  }
0x1d: {  	v0 =	vld [tilespmem:s5+$0x40];
	v7 =	vmax.f32 v5, v7;
	v8 =	vmax.f32 v8, v9;
	v9 =	vmax.f32 v10, v11  }
0x1e: {  	v5 =	vld [tilespmem:s5+$0x50];
	v10 =	vmax.f32 v1, v7;
	v8 =	vmax.f32 v8, v9  }
0x1f: {  	s2 =	sadd.s32 $0xE00, s2;
	s6 =	simm.s32 $0x1000;
	v1 =	vimm.f32 $-Inf;
	v7 =	vld [tilespmem:s5+$0x60];
	v8 =	vmax.f32 v10, v8  }
.LBB2_1:
0x20: {  	p0 =	sne.s32 s6, $0x1F800;
	v9 =	vld [tilespmem:s5+$0x70];
	s5 =	sshra.s32 s6, $0x2;
	v1 =	vmax.f32 v1, v8;
	v8 =	vmov v2  }
0x21: {  	v10 =	vld [tilespmem:s5+$0x0];
	v11 =	vmov v3  }
0x22: {  	v12 =	vld [tilespmem:s5+$0x10]  }
.Ltmp0:
0x23: {  	v2 =	vld [tilespmem:s5+$0x20];
	(pc) =	sbr.rel @p0 .LBB2_1-.Ltmp0, $4  }
0x24: {  	v13 =	vmax.f32 v4, v6;
	v3 =	vld [tilespmem:s5+$0x30]  }
0x25: {  	v11 =	vmax.f32 v8, v11;
	v8 =	vmax.f32 v0, v5;
	v0 =	vld [tilespmem:s5+$0x40];
	v7 =	vmax.f32 v7, v9  }
0x26: {  	v9 =	vmax.f32 v13, v11;
	v5 =	vld [tilespmem:s5+$0x50];
	v8 =	vmax.f32 v8, v7;
	v4 =	vmov v10  }
0x27: {  	s6 =	sadd.s32 $0x800, s6;
	v7 =	vld [tilespmem:s5+$0x60];
	v8 =	vmax.f32 v9, v8;
	v6 =	vmov v12  }
0x28: {  	v9 =	vld [tilespmem:s5+$0x70];
	_ =	sdelay $0x3  }
0x29: {  	v4 =	vmax.f32 v4, v6;
	v6 =	vld [tilespmem:$0x7EF0]  }
0x2a: {  	v2 =	vmax.f32 v2, v3;
	v0 =	vmax.f32 v0, v5;
	v3 =	vmax.f32 v7, v9  }
0x2b: {  	v2 =	vmax.f32 v4, v2;
	v0 =	vmax.f32 v0, v3  }
0x2c: {  	v1 =	vmax.f32 v1, v8;
	v0 =	vmax.f32 v2, v0;
	v2 =	vlaneseq.u32  }
0x2d: {  	v0 =	vmax.f32 v1, v0;
	vm0 =	veq.s32 v2, $0xF  }
0x2e: {  	s6 =	simm.s32 $0x0;
	[tilespmem:$0x10000] =	vst v0;
	v0 =	vsel vm0, $0xFF800000, v6  }
0x2f: {  	[tilespmem:$0x7EF0] =	vst v0;
	v0 =	vld [tilespmem:s6+$0x80]  }
0x30: {  	v1 =	vld [tilespmem:s6+$0x90]  }
0x31: {  	v5 =	vld [tilespmem:s6+$0xA0]  }
0x32: {  	v7 =	vld [tilespmem:s6+$0xB0]  }
0x33: {  	v8 =	vld [tilespmem:s6+$0xC0]  }
0x34: {  	v9 =	vld [tilespmem:s6+$0xD0]  }
0x35: {  	v10 =	vld [tilespmem:s6+$0xE0]  }
0x36: {  	s5 =	simm.s32 $0x200;
	v11 =	vld [tilespmem:s6+$0xF0]  }
0x37: {  	v4 =	vld [tilespmem:s5+$0x80]  }
0x38: {  	v6 =	vld [tilespmem:s5+$0x90]  }
0x39: {  	v2 =	vld [tilespmem:s5+$0xA0]  }
0x3a: {  	v3 =	vld [tilespmem:s5+$0xB0];
	v1 =	vmax.f32 v0, v1  }
0x3b: {  	v0 =	vld [tilespmem:s5+$0xC0];
	v7 =	vmax.f32 v5, v7;
	v8 =	vmax.f32 v8, v9;
	v9 =	vmax.f32 v10, v11  }
0x3c: {  	v5 =	vld [tilespmem:s5+$0xD0];
	v10 =	vmax.f32 v1, v7;
	v8 =	vmax.f32 v8, v9  }
0x3d: {  	s6 =	simm.s32 $0x1000;
	v1 =	vimm.f32 $-Inf;
	v7 =	vld [tilespmem:s5+$0xE0];
	v8 =	vmax.f32 v10, v8  }
.LBB2_3:
0x3e: {  	p0 =	sne.s32 s6, $0x1F800;
	v9 =	vld [tilespmem:s5+$0xF0];
	s5 =	sshra.s32 s6, $0x2;
	v1 =	vmax.f32 v1, v8;
	v8 =	vmov v2  }
0x3f: {  	v10 =	vld [tilespmem:s5+$0x80];
	v11 =	vmov v3  }
0x40: {  	v12 =	vld [tilespmem:s5+$0x90]  }
.Ltmp1:
0x41: {  	v2 =	vld [tilespmem:s5+$0xA0];
	(pc) =	sbr.rel @p0 .LBB2_3-.Ltmp1, $4  }
0x42: {  	v13 =	vmax.f32 v4, v6;
	v3 =	vld [tilespmem:s5+$0xB0]  }
0x43: {  	v11 =	vmax.f32 v8, v11;
	v8 =	vmax.f32 v0, v5;
	v0 =	vld [tilespmem:s5+$0xC0];
	v7 =	vmax.f32 v7, v9  }
0x44: {  	v9 =	vmax.f32 v13, v11;
	v5 =	vld [tilespmem:s5+$0xD0];
	v8 =	vmax.f32 v8, v7;
	v4 =	vmov v10  }
0x45: {  	s6 =	sadd.s32 $0x800, s6;
	v7 =	vld [tilespmem:s5+$0xE0];
	v8 =	vmax.f32 v9, v8;
	v6 =	vmov v12  }
0x46: {  	v9 =	vld [tilespmem:s5+$0xF0];
	_ =	sdelay $0x3  }
0x47: {  	v4 =	vmax.f32 v4, v6;
	v6 =	vld [tilespmem:$0x7F70]  }
0x48: {  	v2 =	vmax.f32 v2, v3;
	v0 =	vmax.f32 v0, v5;
	v3 =	vmax.f32 v7, v9  }
0x49: {  	v2 =	vmax.f32 v4, v2;
	v0 =	vmax.f32 v0, v3  }
0x4a: {  	v1 =	vmax.f32 v1, v8;
	v0 =	vmax.f32 v2, v0;
	v2 =	vlaneseq.u32  }
0x4b: {  	v0 =	vmax.f32 v1, v0;
	vm0 =	veq.s32 v2, $0xF  }
0x4c: {  	s6 =	simm.s32 $0x0;
	[tilespmem:$0x10080] =	vst v0;
	v0 =	vsel vm0, $0xFF800000, v6  }
0x4d: {  	[tilespmem:$0x7F70] =	vst v0;
	v0 =	vld [tilespmem:s6+$0x100]  }
0x4e: {  	v1 =	vld [tilespmem:s6+$0x110]  }
0x4f: {  	v5 =	vld [tilespmem:s6+$0x120]  }
0x50: {  	v7 =	vld [tilespmem:s6+$0x130]  }
0x51: {  	v8 =	vld [tilespmem:s6+$0x140]  }
0x52: {  	v9 =	vld [tilespmem:s6+$0x150]  }
0x53: {  	v10 =	vld [tilespmem:s6+$0x160]  }
0x54: {  	s5 =	simm.s32 $0x200;
	v11 =	vld [tilespmem:s6+$0x170]  }
0x55: {  	v4 =	vld [tilespmem:s5+$0x100]  }
0x56: {  	v6 =	vld [tilespmem:s5+$0x110]  }
0x57: {  	v2 =	vld [tilespmem:s5+$0x120]  }
0x58: {  	v3 =	vld [tilespmem:s5+$0x130];
	v1 =	vmax.f32 v0, v1  }
0x59: {  	v0 =	vld [tilespmem:s5+$0x140];
	v7 =	vmax.f32 v5, v7;
	v8 =	vmax.f32 v8, v9;
	v9 =	vmax.f32 v10, v11  }
0x5a: {  	v5 =	vld [tilespmem:s5+$0x150];
	v10 =	vmax.f32 v1, v7;
	v8 =	vmax.f32 v8, v9  }
0x5b: {  	s6 =	simm.s32 $0x1000;
	v1 =	vimm.f32 $-Inf;
	v7 =	vld [tilespmem:s5+$0x160];
	v8 =	vmax.f32 v10, v8  }
.LBB2_5:
0x5c: {  	p0 =	sne.s32 s6, $0x1F800;
	v9 =	vld [tilespmem:s5+$0x170];
	s5 =	sshra.s32 s6, $0x2;
	v1 =	vmax.f32 v1, v8;
	v8 =	vmov v2  }
0x5d: {  	v10 =	vld [tilespmem:s5+$0x100];
	v11 =	vmov v3  }
0x5e: {  	v12 =	vld [tilespmem:s5+$0x110]  }
.Ltmp2:
0x5f: {  	v2 =	vld [tilespmem:s5+$0x120];
	(pc) =	sbr.rel @p0 .LBB2_5-.Ltmp2, $4  }
0x60: {  	v13 =	vmax.f32 v4, v6;
	v3 =	vld [tilespmem:s5+$0x130]  }
0x61: {  	v11 =	vmax.f32 v8, v11;
	v8 =	vmax.f32 v0, v5;
	v0 =	vld [tilespmem:s5+$0x140];
	v7 =	vmax.f32 v7, v9  }
0x62: {  	v9 =	vmax.f32 v13, v11;
	v5 =	vld [tilespmem:s5+$0x150];
	v8 =	vmax.f32 v8, v7;
	v4 =	vmov v10  }
0x63: {  	s6 =	sadd.s32 $0x800, s6;
	v7 =	vld [tilespmem:s5+$0x160];
	v8 =	vmax.f32 v9, v8;
	v6 =	vmov v12  }
0x64: {  	v9 =	vld [tilespmem:s5+$0x170];
	_ =	sdelay $0x3  }
0x65: {  	v4 =	vmax.f32 v4, v6;
	v6 =	vld [tilespmem:$0x7FF0]  }
0x66: {  	v2 =	vmax.f32 v2, v3;
	v0 =	vmax.f32 v0, v5;
	v3 =	vmax.f32 v7, v9  }
0x67: {  	v2 =	vmax.f32 v4, v2;
	v0 =	vmax.f32 v0, v3  }
0x68: {  	v1 =	vmax.f32 v1, v8;
	v0 =	vmax.f32 v2, v0;
	v2 =	vlaneseq.u32  }
0x69: {  	v0 =	vmax.f32 v1, v0;
	vm0 =	veq.s32 v2, $0xF  }
0x6a: {  	s6 =	simm.s32 $0x0;
	[tilespmem:$0x10100] =	vst v0;
	v0 =	vsel vm0, $0xFF800000, v6  }
0x6b: {  	[tilespmem:$0x7FF0] =	vst v0;
	v0 =	vld [tilespmem:s6+$0x180]  }
0x6c: {  	v1 =	vld [tilespmem:s6+$0x190]  }
0x6d: {  	v5 =	vld [tilespmem:s6+$0x1A0]  }
0x6e: {  	v7 =	vld [tilespmem:s6+$0x1B0]  }
0x6f: {  	v8 =	vld [tilespmem:s6+$0x1C0]  }
0x70: {  	v9 =	vld [tilespmem:s6+$0x1D0]  }
0x71: {  	v10 =	vld [tilespmem:s6+$0x1E0]  }
0x72: {  	s5 =	simm.s32 $0x200;
	v11 =	vld [tilespmem:s6+$0x1F0]  }
0x73: {  	v4 =	vld [tilespmem:s5+$0x180]  }
0x74: {  	v6 =	vld [tilespmem:s5+$0x190]  }
0x75: {  	v2 =	vld [tilespmem:s5+$0x1A0]  }
0x76: {  	v3 =	vld [tilespmem:s5+$0x1B0];
	v1 =	vmax.f32 v0, v1  }
0x77: {  	v0 =	vld [tilespmem:s5+$0x1C0];
	v7 =	vmax.f32 v5, v7;
	v8 =	vmax.f32 v8, v9;
	v9 =	vmax.f32 v10, v11  }
0x78: {  	v5 =	vld [tilespmem:s5+$0x1D0];
	v10 =	vmax.f32 v1, v7;
	v8 =	vmax.f32 v8, v9  }
0x79: {  	s6 =	simm.s32 $0x1000;
	v1 =	vimm.f32 $-Inf;
	v7 =	vld [tilespmem:s5+$0x1E0];
	v8 =	vmax.f32 v10, v8  }
.LBB2_7:
0x7a: {  	p0 =	sne.s32 s6, $0x1F800;
	v9 =	vld [tilespmem:s5+$0x1F0];
	s5 =	sshra.s32 s6, $0x2;
	v1 =	vmax.f32 v1, v8;
	v8 =	vmov v2  }
0x7b: {  	v10 =	vld [tilespmem:s5+$0x180];
	v11 =	vmov v3  }
0x7c: {  	v12 =	vld [tilespmem:s5+$0x190]  }
.Ltmp3:
0x7d: {  	v2 =	vld [tilespmem:s5+$0x1A0];
	(pc) =	sbr.rel @p0 .LBB2_7-.Ltmp3, $4  }
0x7e: {  	v13 =	vmax.f32 v4, v6;
	v3 =	vld [tilespmem:s5+$0x1B0]  }
0x7f: {  	v11 =	vmax.f32 v8, v11;
	v8 =	vmax.f32 v0, v5;
	v0 =	vld [tilespmem:s5+$0x1C0];
	v7 =	vmax.f32 v7, v9  }
0x80: {  	v9 =	vmax.f32 v13, v11;
	v5 =	vld [tilespmem:s5+$0x1D0];
	v8 =	vmax.f32 v8, v7;
	v4 =	vmov v10  }
0x81: {  	s6 =	sadd.s32 $0x800, s6;
	v7 =	vld [tilespmem:s5+$0x1E0];
	v8 =	vmax.f32 v9, v8;
	v6 =	vmov v12  }
0x82: {  	v9 =	vld [tilespmem:s5+$0x1F0];
	_ =	sdelay $0x3  }
0x83: {  	v4 =	vmax.f32 v4, v6  }
0x84: {  	v2 =	vmax.f32 v2, v3;
	v0 =	vmax.f32 v0, v5;
	v3 =	vmax.f32 v7, v9  }
0x85: {  	v2 =	vmax.f32 v4, v2;
	v0 =	vmax.f32 v0, v3  }
0x86: {  	v1 =	vmax.f32 v1, v8;
	v0 =	vmax.f32 v2, v0  }
0x87: {  	s3 =	sadd.s32 s4, s3;
	s29 =	simm.s32 $0x200;
	s6 =	simm.s32 $0x400;
	v0 =	vmax.f32 v1, v0  }
0x88: {  	s7 =	simm.s32 $0x0;
	s30 =	simm.s32 $0x2;
	s4 =	sadd.s32 $0x2000, s3;
	[tilespmem:$0x10180] =	vst v0  }
0x89: {  	[tilespmem:s7], [sflag:$0x1] =	stream.strided.gather [hbm4b:s4+s29], $0x8000, s6, s29, $0x38;
	[tilespmem:$0x10800] =	vst v63  }
0x8a: {  	_ =	swait.ge [sflag:s30], $0x8000  }
0x8b: {  	[sflag:s30] =	ssyncset.done $0x0  }
0x8c: {  	[sflag:s30] =	ssyncadd.s32 $0xFFFF8000  }
0x8d: {  	v0 =	vld [tilespmem:$0xFE70];
	_ =	sdelay $0x2  }
0x8e: {  	v1 =	vlaneseq.u32  }
0x8f: {  	vm0 =	veq.s32 v1, $0xF  }
0x90: {  	v0 =	vsel vm0, $0xFF800000, v0  }
0x91: {  	s31 =	simm.s32 $0x0;
	[tilespmem:$0xFE70] =	vst v0  }
0x92: {  	v0 =	vld [tilespmem:s31+$0x8000]  }
0x93: {  	v1 =	vld [tilespmem:s31+$0x8010]  }
0x94: {  	v5 =	vld [tilespmem:s31+$0x8020]  }
0x95: {  	v7 =	vld [tilespmem:s31+$0x8030]  }
0x96: {  	v8 =	vld [tilespmem:s31+$0x8040]  }
0x97: {  	v9 =	vld [tilespmem:s31+$0x8050]  }
0x98: {  	v10 =	vld [tilespmem:s31+$0x8060]  }
0x99: {  	s4 =	simm.s32 $0x200;
	v11 =	vld [tilespmem:s31+$0x8070]  }
0x9a: {  	v4 =	vld [tilespmem:s4+$0x8000]  }
0x9b: {  	v6 =	vld [tilespmem:s4+$0x8010]  }
0x9c: {  	v2 =	vld [tilespmem:s4+$0x8020]  }
0x9d: {  	v3 =	vld [tilespmem:s4+$0x8030];
	v1 =	vmax.f32 v0, v1  }
0x9e: {  	v0 =	vld [tilespmem:s4+$0x8040];
	v7 =	vmax.f32 v5, v7;
	v8 =	vmax.f32 v8, v9;
	v9 =	vmax.f32 v10, v11  }
0x9f: {  	v5 =	vld [tilespmem:s4+$0x8050];
	v10 =	vmax.f32 v1, v7;
	v8 =	vmax.f32 v8, v9  }
0xa0: {  	s5 =	simm.s32 $0x1000;
	v1 =	vimm.f32 $-Inf;
	v7 =	vld [tilespmem:s4+$0x8060];
	v8 =	vmax.f32 v10, v8  }
.LBB2_9:
0xa1: {  	p0 =	sne.s32 s5, $0x1F800;
	v9 =	vld [tilespmem:s4+$0x8070];
	s4 =	sshra.s32 s5, $0x2;
	v1 =	vmax.f32 v1, v8;
	v8 =	vmov v2  }
0xa2: {  	v10 =	vld [tilespmem:s4+$0x8000];
	v11 =	vmov v3  }
0xa3: {  	v12 =	vld [tilespmem:s4+$0x8010]  }
.Ltmp4:
0xa4: {  	v2 =	vld [tilespmem:s4+$0x8020];
	(pc) =	sbr.rel @p0 .LBB2_9-.Ltmp4, $4  }
0xa5: {  	v13 =	vmax.f32 v4, v6;
	v3 =	vld [tilespmem:s4+$0x8030]  }
0xa6: {  	v11 =	vmax.f32 v8, v11;
	v8 =	vmax.f32 v0, v5;
	v0 =	vld [tilespmem:s4+$0x8040];
	v7 =	vmax.f32 v7, v9  }
0xa7: {  	v9 =	vmax.f32 v13, v11;
	v5 =	vld [tilespmem:s4+$0x8050];
	v8 =	vmax.f32 v8, v7;
	v4 =	vmov v10  }
0xa8: {  	s5 =	sadd.s32 $0x800, s5;
	v7 =	vld [tilespmem:s4+$0x8060];
	v8 =	vmax.f32 v9, v8;
	v6 =	vmov v12  }
0xa9: {  	v9 =	vld [tilespmem:s4+$0x8070];
	_ =	sdelay $0x3  }
0xaa: {  	v4 =	vmax.f32 v4, v6;
	v6 =	vld [tilespmem:$0xFEF0]  }
0xab: {  	v2 =	vmax.f32 v2, v3;
	v0 =	vmax.f32 v0, v5;
	v3 =	vmax.f32 v7, v9  }
0xac: {  	v2 =	vmax.f32 v4, v2;
	v0 =	vmax.f32 v0, v3  }
0xad: {  	v1 =	vmax.f32 v1, v8;
	v0 =	vmax.f32 v2, v0;
	v2 =	vlaneseq.u32  }
0xae: {  	v0 =	vmax.f32 v1, v0;
	vm0 =	veq.s32 v2, $0xF  }
0xaf: {  	s5 =	simm.s32 $0x0;
	[tilespmem:$0x10200] =	vst v0;
	v0 =	vsel vm0, $0xFF800000, v6  }
0xb0: {  	[tilespmem:$0xFEF0] =	vst v0;
	v0 =	vld [tilespmem:s5+$0x8080]  }
0xb1: {  	v1 =	vld [tilespmem:s5+$0x8090]  }
0xb2: {  	v5 =	vld [tilespmem:s5+$0x80A0]  }
0xb3: {  	v7 =	vld [tilespmem:s5+$0x80B0]  }
0xb4: {  	v8 =	vld [tilespmem:s5+$0x80C0]  }
0xb5: {  	v9 =	vld [tilespmem:s5+$0x80D0]  }
0xb6: {  	v10 =	vld [tilespmem:s5+$0x80E0]  }
0xb7: {  	s4 =	simm.s32 $0x200;
	v11 =	vld [tilespmem:s5+$0x80F0]  }
0xb8: {  	v4 =	vld [tilespmem:s4+$0x8080]  }
0xb9: {  	v6 =	vld [tilespmem:s4+$0x8090]  }
0xba: {  	v2 =	vld [tilespmem:s4+$0x80A0]  }
0xbb: {  	v3 =	vld [tilespmem:s4+$0x80B0];
	v1 =	vmax.f32 v0, v1  }
0xbc: {  	v0 =	vld [tilespmem:s4+$0x80C0];
	v7 =	vmax.f32 v5, v7;
	v8 =	vmax.f32 v8, v9;
	v9 =	vmax.f32 v10, v11  }
0xbd: {  	v5 =	vld [tilespmem:s4+$0x80D0];
	v10 =	vmax.f32 v1, v7;
	v8 =	vmax.f32 v8, v9  }
0xbe: {  	s5 =	simm.s32 $0x1000;
	v1 =	vimm.f32 $-Inf;
	v7 =	vld [tilespmem:s4+$0x80E0];
	v8 =	vmax.f32 v10, v8  }
.LBB2_11:
0xbf: {  	p0 =	sne.s32 s5, $0x1F800;
	v9 =	vld [tilespmem:s4+$0x80F0];
	s4 =	sshra.s32 s5, $0x2;
	v1 =	vmax.f32 v1, v8;
	v8 =	vmov v2  }
0xc0: {  	v10 =	vld [tilespmem:s4+$0x8080];
	v11 =	vmov v3  }
0xc1: {  	v12 =	vld [tilespmem:s4+$0x8090]  }
.Ltmp5:
0xc2: {  	v2 =	vld [tilespmem:s4+$0x80A0];
	(pc) =	sbr.rel @p0 .LBB2_11-.Ltmp5, $4  }
0xc3: {  	v13 =	vmax.f32 v4, v6;
	v3 =	vld [tilespmem:s4+$0x80B0]  }
0xc4: {  	v11 =	vmax.f32 v8, v11;
	v8 =	vmax.f32 v0, v5;
	v0 =	vld [tilespmem:s4+$0x80C0];
	v7 =	vmax.f32 v7, v9  }
0xc5: {  	v9 =	vmax.f32 v13, v11;
	v5 =	vld [tilespmem:s4+$0x80D0];
	v8 =	vmax.f32 v8, v7;
	v4 =	vmov v10  }
0xc6: {  	s5 =	sadd.s32 $0x800, s5;
	v7 =	vld [tilespmem:s4+$0x80E0];
	v8 =	vmax.f32 v9, v8;
	v6 =	vmov v12  }
0xc7: {  	v9 =	vld [tilespmem:s4+$0x80F0];
	_ =	sdelay $0x3  }
0xc8: {  	v4 =	vmax.f32 v4, v6;
	v6 =	vld [tilespmem:$0xFF70]  }
0xc9: {  	v2 =	vmax.f32 v2, v3;
	v0 =	vmax.f32 v0, v5;
	v3 =	vmax.f32 v7, v9  }
0xca: {  	v2 =	vmax.f32 v4, v2;
	v0 =	vmax.f32 v0, v3  }
0xcb: {  	v1 =	vmax.f32 v1, v8;
	v0 =	vmax.f32 v2, v0;
	v2 =	vlaneseq.u32  }
0xcc: {  	v0 =	vmax.f32 v1, v0;
	vm0 =	veq.s32 v2, $0xF  }
0xcd: {  	s5 =	simm.s32 $0x0;
	[tilespmem:$0x10280] =	vst v0;
	v0 =	vsel vm0, $0xFF800000, v6  }
0xce: {  	[tilespmem:$0xFF70] =	vst v0;
	v0 =	vld [tilespmem:s5+$0x8100]  }
0xcf: {  	v1 =	vld [tilespmem:s5+$0x8110]  }
0xd0: {  	v5 =	vld [tilespmem:s5+$0x8120]  }
0xd1: {  	v7 =	vld [tilespmem:s5+$0x8130]  }
0xd2: {  	v8 =	vld [tilespmem:s5+$0x8140]  }
0xd3: {  	v9 =	vld [tilespmem:s5+$0x8150]  }
0xd4: {  	v10 =	vld [tilespmem:s5+$0x8160]  }
0xd5: {  	s4 =	simm.s32 $0x200;
	v11 =	vld [tilespmem:s5+$0x8170]  }
0xd6: {  	v4 =	vld [tilespmem:s4+$0x8100]  }
0xd7: {  	v6 =	vld [tilespmem:s4+$0x8110]  }
0xd8: {  	v2 =	vld [tilespmem:s4+$0x8120]  }
0xd9: {  	v3 =	vld [tilespmem:s4+$0x8130];
	v1 =	vmax.f32 v0, v1  }
0xda: {  	v0 =	vld [tilespmem:s4+$0x8140];
	v7 =	vmax.f32 v5, v7;
	v8 =	vmax.f32 v8, v9;
	v9 =	vmax.f32 v10, v11  }
0xdb: {  	v5 =	vld [tilespmem:s4+$0x8150];
	v10 =	vmax.f32 v1, v7;
	v8 =	vmax.f32 v8, v9  }
0xdc: {  	s5 =	simm.s32 $0x1000;
	v1 =	vimm.f32 $-Inf;
	v7 =	vld [tilespmem:s4+$0x8160];
	v8 =	vmax.f32 v10, v8  }
.LBB2_13:
0xdd: {  	p0 =	sne.s32 s5, $0x1F800;
	v9 =	vld [tilespmem:s4+$0x8170];
	s4 =	sshra.s32 s5, $0x2;
	v1 =	vmax.f32 v1, v8;
	v8 =	vmov v2  }
0xde: {  	v10 =	vld [tilespmem:s4+$0x8100];
	v11 =	vmov v3  }
0xdf: {  	v12 =	vld [tilespmem:s4+$0x8110]  }
.Ltmp6:
0xe0: {  	v2 =	vld [tilespmem:s4+$0x8120];
	(pc) =	sbr.rel @p0 .LBB2_13-.Ltmp6, $4  }
0xe1: {  	v13 =	vmax.f32 v4, v6;
	v3 =	vld [tilespmem:s4+$0x8130]  }
0xe2: {  	v11 =	vmax.f32 v8, v11;
	v8 =	vmax.f32 v0, v5;
	v0 =	vld [tilespmem:s4+$0x8140];
	v7 =	vmax.f32 v7, v9  }
0xe3: {  	v9 =	vmax.f32 v13, v11;
	v5 =	vld [tilespmem:s4+$0x8150];
	v8 =	vmax.f32 v8, v7;
	v4 =	vmov v10  }
0xe4: {  	s5 =	sadd.s32 $0x800, s5;
	v7 =	vld [tilespmem:s4+$0x8160];
	v8 =	vmax.f32 v9, v8;
	v6 =	vmov v12  }
0xe5: {  	v9 =	vld [tilespmem:s4+$0x8170];
	_ =	sdelay $0x3  }
0xe6: {  	v4 =	vmax.f32 v4, v6;
	v6 =	vld [tilespmem:$0xFFF0]  }
0xe7: {  	v2 =	vmax.f32 v2, v3;
	v0 =	vmax.f32 v0, v5;
	v3 =	vmax.f32 v7, v9  }
0xe8: {  	v2 =	vmax.f32 v4, v2;
	v0 =	vmax.f32 v0, v3  }
0xe9: {  	v1 =	vmax.f32 v1, v8;
	v0 =	vmax.f32 v2, v0;
	v2 =	vlaneseq.u32  }
0xea: {  	v0 =	vmax.f32 v1, v0;
	vm0 =	veq.s32 v2, $0xF  }
0xeb: {  	s5 =	simm.s32 $0x0;
	[tilespmem:$0x10300] =	vst v0;
	v0 =	vsel vm0, $0xFF800000, v6  }
0xec: {  	[tilespmem:$0xFFF0] =	vst v0;
	v0 =	vld [tilespmem:s5+$0x8180]  }
0xed: {  	v1 =	vld [tilespmem:s5+$0x8190]  }
0xee: {  	v5 =	vld [tilespmem:s5+$0x81A0]  }
0xef: {  	v7 =	vld [tilespmem:s5+$0x81B0]  }
0xf0: {  	v8 =	vld [tilespmem:s5+$0x81C0]  }
0xf1: {  	v9 =	vld [tilespmem:s5+$0x81D0]  }
0xf2: {  	v10 =	vld [tilespmem:s5+$0x81E0]  }
0xf3: {  	s4 =	simm.s32 $0x200;
	v11 =	vld [tilespmem:s5+$0x81F0]  }
0xf4: {  	v4 =	vld [tilespmem:s4+$0x8180]  }
0xf5: {  	v6 =	vld [tilespmem:s4+$0x8190]  }
0xf6: {  	v2 =	vld [tilespmem:s4+$0x81A0]  }
0xf7: {  	v3 =	vld [tilespmem:s4+$0x81B0];
	v1 =	vmax.f32 v0, v1  }
0xf8: {  	v0 =	vld [tilespmem:s4+$0x81C0];
	v7 =	vmax.f32 v5, v7;
	v8 =	vmax.f32 v8, v9;
	v9 =	vmax.f32 v10, v11  }
0xf9: {  	v5 =	vld [tilespmem:s4+$0x81D0];
	v10 =	vmax.f32 v1, v7;
	v8 =	vmax.f32 v8, v9  }
0xfa: {  	s5 =	simm.s32 $0x1000;
	v1 =	vimm.f32 $-Inf;
	v7 =	vld [tilespmem:s4+$0x81E0];
	v8 =	vmax.f32 v10, v8  }
.LBB2_15:
0xfb: {  	p0 =	sne.s32 s5, $0x1F800;
	v9 =	vld [tilespmem:s4+$0x81F0];
	s4 =	sshra.s32 s5, $0x2;
	v1 =	vmax.f32 v1, v8;
	v8 =	vmov v2  }
0xfc: {  	v10 =	vld [tilespmem:s4+$0x8180];
	v11 =	vmov v3  }
0xfd: {  	v12 =	vld [tilespmem:s4+$0x8190]  }
.Ltmp7:
0xfe: {  	v2 =	vld [tilespmem:s4+$0x81A0];
	(pc) =	sbr.rel @p0 .LBB2_15-.Ltmp7, $4  }
0xff: {  	v13 =	vmax.f32 v4, v6;
	v3 =	vld [tilespmem:s4+$0x81B0]  }
0x100: {  	v11 =	vmax.f32 v8, v11;
	v8 =	vmax.f32 v0, v5;
	v0 =	vld [tilespmem:s4+$0x81C0];
	v7 =	vmax.f32 v7, v9  }
0x101: {  	v9 =	vmax.f32 v13, v11;
	v5 =	vld [tilespmem:s4+$0x81D0];
	v8 =	vmax.f32 v8, v7;
	v4 =	vmov v10  }
0x102: {  	s5 =	sadd.s32 $0x800, s5;
	v7 =	vld [tilespmem:s4+$0x81E0];
	v8 =	vmax.f32 v9, v8;
	v6 =	vmov v12  }
0x103: {  	v9 =	vld [tilespmem:s4+$0x81F0];
	_ =	sdelay $0x3  }
0x104: {  	v4 =	vmax.f32 v4, v6  }
0x105: {  	v2 =	vmax.f32 v2, v3;
	v0 =	vmax.f32 v0, v5;
	v3 =	vmax.f32 v7, v9  }
0x106: {  	v2 =	vmax.f32 v4, v2;
	v0 =	vmax.f32 v0, v3  }
0x107: {  	v1 =	vmax.f32 v1, v8;
	v0 =	vmax.f32 v2, v0  }
0x108: {  	s3 =	sadd.s32 $0x2040, s3;
	s29 =	simm.s32 $0x200;
	v0 =	vmax.f32 v1, v0  }
0x109: {  	s5 =	simm.s32 $0x400;
	s6 =	simm.s32 $0x8000;
	s30 =	simm.s32 $0x1;
	[tilespmem:$0x10380] =	vst v0  }
0x10a: {  	[tilespmem:s6], [sflag:$0x2] =	stream.strided.gather [hbm4b:s3+s29], $0x8000, s5, s29, $0x38;
	[tilespmem:$0x10800] =	vst v63  }
0x10b: {  	_ =	swait.ge [sflag:s30], $0x8000  }
0x10c: {  	[sflag:s30] =	ssyncset.done $0x0  }
0x10d: {  	[sflag:s30] =	ssyncadd.s32 $0xFFFF8000  }
0x10e: {  	v0 =	vld [tilespmem:$0x7E70];
	_ =	sdelay $0x2  }
0x10f: {  	v1 =	vlaneseq.u32  }
0x110: {  	vm0 =	veq.s32 v1, $0xF  }
0x111: {  	v0 =	vsel vm0, $0xFF800000, v0  }
0x112: {  	s31 =	simm.s32 $0x0;
	[tilespmem:$0x7E70] =	vst v0  }
0x113: {  	v0 =	vld [tilespmem:s31+$0x0]  }
0x114: {  	v1 =	vld [tilespmem:s31+$0x10]  }
0x115: {  	v5 =	vld [tilespmem:s31+$0x20]  }
0x116: {  	v7 =	vld [tilespmem:s31+$0x30]  }
0x117: {  	v8 =	vld [tilespmem:s31+$0x40]  }
0x118: {  	v9 =	vld [tilespmem:s31+$0x50]  }
0x119: {  	v10 =	vld [tilespmem:s31+$0x60]  }
0x11a: {  	s3 =	simm.s32 $0x200;
	v11 =	vld [tilespmem:s31+$0x70]  }
0x11b: {  	v4 =	vld [tilespmem:s3+$0x0]  }
0x11c: {  	v6 =	vld [tilespmem:s3+$0x10]  }
0x11d: {  	v2 =	vld [tilespmem:s3+$0x20]  }
0x11e: {  	v3 =	vld [tilespmem:s3+$0x30];
	v1 =	vmax.f32 v0, v1  }
0x11f: {  	v0 =	vld [tilespmem:s3+$0x40];
	v7 =	vmax.f32 v5, v7;
	v8 =	vmax.f32 v8, v9;
	v9 =	vmax.f32 v10, v11  }
0x120: {  	v5 =	vld [tilespmem:s3+$0x50];
	v10 =	vmax.f32 v1, v7;
	v8 =	vmax.f32 v8, v9  }
0x121: {  	s4 =	simm.s32 $0x1000;
	v1 =	vimm.f32 $-Inf;
	v7 =	vld [tilespmem:s3+$0x60];
	v8 =	vmax.f32 v10, v8  }
.LBB2_17:
0x122: {  	p0 =	sne.s32 s4, $0x1F800;
	v9 =	vld [tilespmem:s3+$0x70];
	s3 =	sshra.s32 s4, $0x2;
	v1 =	vmax.f32 v1, v8;
	v8 =	vmov v2  }
0x123: {  	v10 =	vld [tilespmem:s3+$0x0];
	v11 =	vmov v3  }
0x124: {  	v12 =	vld [tilespmem:s3+$0x10]  }
.Ltmp8:
0x125: {  	v2 =	vld [tilespmem:s3+$0x20];
	(pc) =	sbr.rel @p0 .LBB2_17-.Ltmp8, $4  }
0x126: {  	v13 =	vmax.f32 v4, v6;
	v3 =	vld [tilespmem:s3+$0x30]  }
0x127: {  	v11 =	vmax.f32 v8, v11;
	v8 =	vmax.f32 v0, v5;
	v0 =	vld [tilespmem:s3+$0x40];
	v7 =	vmax.f32 v7, v9  }
0x128: {  	v9 =	vmax.f32 v13, v11;
	v5 =	vld [tilespmem:s3+$0x50];
	v8 =	vmax.f32 v8, v7;
	v4 =	vmov v10  }
0x129: {  	s4 =	sadd.s32 $0x800, s4;
	v7 =	vld [tilespmem:s3+$0x60];
	v8 =	vmax.f32 v9, v8;
	v6 =	vmov v12  }
0x12a: {  	v9 =	vld [tilespmem:s3+$0x70];
	_ =	sdelay $0x3  }
0x12b: {  	v4 =	vmax.f32 v4, v6;
	v6 =	vld [tilespmem:$0x7EF0]  }
0x12c: {  	v2 =	vmax.f32 v2, v3;
	v0 =	vmax.f32 v0, v5;
	v3 =	vmax.f32 v7, v9  }
0x12d: {  	v2 =	vmax.f32 v4, v2;
	v0 =	vmax.f32 v0, v3  }
0x12e: {  	v1 =	vmax.f32 v1, v8;
	v0 =	vmax.f32 v2, v0;
	v2 =	vlaneseq.u32  }
0x12f: {  	v0 =	vmax.f32 v1, v0;
	vm0 =	veq.s32 v2, $0xF  }
0x130: {  	s4 =	simm.s32 $0x0;
	[tilespmem:$0x10400] =	vst v0;
	v0 =	vsel vm0, $0xFF800000, v6  }
0x131: {  	[tilespmem:$0x7EF0] =	vst v0;
	v0 =	vld [tilespmem:s4+$0x80]  }
0x132: {  	v1 =	vld [tilespmem:s4+$0x90]  }
0x133: {  	v5 =	vld [tilespmem:s4+$0xA0]  }
0x134: {  	v7 =	vld [tilespmem:s4+$0xB0]  }
0x135: {  	v8 =	vld [tilespmem:s4+$0xC0]  }
0x136: {  	v9 =	vld [tilespmem:s4+$0xD0]  }
0x137: {  	v10 =	vld [tilespmem:s4+$0xE0]  }
0x138: {  	s3 =	simm.s32 $0x200;
	v11 =	vld [tilespmem:s4+$0xF0]  }
0x139: {  	v4 =	vld [tilespmem:s3+$0x80]  }
0x13a: {  	v6 =	vld [tilespmem:s3+$0x90]  }
0x13b: {  	v2 =	vld [tilespmem:s3+$0xA0]  }
0x13c: {  	v3 =	vld [tilespmem:s3+$0xB0];
	v1 =	vmax.f32 v0, v1  }
0x13d: {  	v0 =	vld [tilespmem:s3+$0xC0];
	v7 =	vmax.f32 v5, v7;
	v8 =	vmax.f32 v8, v9;
	v9 =	vmax.f32 v10, v11  }
0x13e: {  	v5 =	vld [tilespmem:s3+$0xD0];
	v10 =	vmax.f32 v1, v7;
	v8 =	vmax.f32 v8, v9  }
0x13f: {  	s4 =	simm.s32 $0x1000;
	v1 =	vimm.f32 $-Inf;
	v7 =	vld [tilespmem:s3+$0xE0];
	v8 =	vmax.f32 v10, v8  }
.LBB2_19:
0x140: {  	p0 =	sne.s32 s4, $0x1F800;
	v9 =	vld [tilespmem:s3+$0xF0];
	s3 =	sshra.s32 s4, $0x2;
	v1 =	vmax.f32 v1, v8;
	v8 =	vmov v2  }
0x141: {  	v10 =	vld [tilespmem:s3+$0x80];
	v11 =	vmov v3  }
0x142: {  	v12 =	vld [tilespmem:s3+$0x90]  }
.Ltmp9:
0x143: {  	v2 =	vld [tilespmem:s3+$0xA0];
	(pc) =	sbr.rel @p0 .LBB2_19-.Ltmp9, $4  }
0x144: {  	v13 =	vmax.f32 v4, v6;
	v3 =	vld [tilespmem:s3+$0xB0]  }
0x145: {  	v11 =	vmax.f32 v8, v11;
	v8 =	vmax.f32 v0, v5;
	v0 =	vld [tilespmem:s3+$0xC0];
	v7 =	vmax.f32 v7, v9  }
0x146: {  	v9 =	vmax.f32 v13, v11;
	v5 =	vld [tilespmem:s3+$0xD0];
	v8 =	vmax.f32 v8, v7;
	v4 =	vmov v10  }
0x147: {  	s4 =	sadd.s32 $0x800, s4;
	v7 =	vld [tilespmem:s3+$0xE0];
	v8 =	vmax.f32 v9, v8;
	v6 =	vmov v12  }
0x148: {  	v9 =	vld [tilespmem:s3+$0xF0];
	_ =	sdelay $0x3  }
0x149: {  	v4 =	vmax.f32 v4, v6;
	v6 =	vld [tilespmem:$0x7F70]  }
0x14a: {  	v2 =	vmax.f32 v2, v3;
	v0 =	vmax.f32 v0, v5;
	v3 =	vmax.f32 v7, v9  }
0x14b: {  	v2 =	vmax.f32 v4, v2;
	v0 =	vmax.f32 v0, v3  }
0x14c: {  	v1 =	vmax.f32 v1, v8;
	v0 =	vmax.f32 v2, v0;
	v2 =	vlaneseq.u32  }
0x14d: {  	v0 =	vmax.f32 v1, v0;
	vm0 =	veq.s32 v2, $0xF  }
0x14e: {  	s4 =	simm.s32 $0x0;
	[tilespmem:$0x10480] =	vst v0;
	v0 =	vsel vm0, $0xFF800000, v6  }
0x14f: {  	[tilespmem:$0x7F70] =	vst v0;
	v0 =	vld [tilespmem:s4+$0x100]  }
0x150: {  	v1 =	vld [tilespmem:s4+$0x110]  }
0x151: {  	v5 =	vld [tilespmem:s4+$0x120]  }
0x152: {  	v7 =	vld [tilespmem:s4+$0x130]  }
0x153: {  	v8 =	vld [tilespmem:s4+$0x140]  }
0x154: {  	v9 =	vld [tilespmem:s4+$0x150]  }
0x155: {  	v10 =	vld [tilespmem:s4+$0x160]  }
0x156: {  	s3 =	simm.s32 $0x200;
	v11 =	vld [tilespmem:s4+$0x170]  }
0x157: {  	v4 =	vld [tilespmem:s3+$0x100]  }
0x158: {  	v6 =	vld [tilespmem:s3+$0x110]  }
0x159: {  	v2 =	vld [tilespmem:s3+$0x120]  }
0x15a: {  	v3 =	vld [tilespmem:s3+$0x130];
	v1 =	vmax.f32 v0, v1  }
0x15b: {  	v0 =	vld [tilespmem:s3+$0x140];
	v7 =	vmax.f32 v5, v7;
	v8 =	vmax.f32 v8, v9;
	v9 =	vmax.f32 v10, v11  }
0x15c: {  	v5 =	vld [tilespmem:s3+$0x150];
	v10 =	vmax.f32 v1, v7;
	v8 =	vmax.f32 v8, v9  }
0x15d: {  	s4 =	simm.s32 $0x1000;
	v1 =	vimm.f32 $-Inf;
	v7 =	vld [tilespmem:s3+$0x160];
	v8 =	vmax.f32 v10, v8  }
.LBB2_21:
0x15e: {  	p0 =	sne.s32 s4, $0x1F800;
	v9 =	vld [tilespmem:s3+$0x170];
	s3 =	sshra.s32 s4, $0x2;
	v1 =	vmax.f32 v1, v8;
	v8 =	vmov v2  }
0x15f: {  	v10 =	vld [tilespmem:s3+$0x100];
	v11 =	vmov v3  }
0x160: {  	v12 =	vld [tilespmem:s3+$0x110]  }
.Ltmp10:
0x161: {  	v2 =	vld [tilespmem:s3+$0x120];
	(pc) =	sbr.rel @p0 .LBB2_21-.Ltmp10, $4  }
0x162: {  	v13 =	vmax.f32 v4, v6;
	v3 =	vld [tilespmem:s3+$0x130]  }
0x163: {  	v11 =	vmax.f32 v8, v11;
	v8 =	vmax.f32 v0, v5;
	v0 =	vld [tilespmem:s3+$0x140];
	v7 =	vmax.f32 v7, v9  }
0x164: {  	v9 =	vmax.f32 v13, v11;
	v5 =	vld [tilespmem:s3+$0x150];
	v8 =	vmax.f32 v8, v7;
	v4 =	vmov v10  }
0x165: {  	s4 =	sadd.s32 $0x800, s4;
	v7 =	vld [tilespmem:s3+$0x160];
	v8 =	vmax.f32 v9, v8;
	v6 =	vmov v12  }
0x166: {  	v9 =	vld [tilespmem:s3+$0x170];
	_ =	sdelay $0x3  }
0x167: {  	v4 =	vmax.f32 v4, v6;
	v6 =	vld [tilespmem:$0x7FF0]  }
0x168: {  	v2 =	vmax.f32 v2, v3;
	v0 =	vmax.f32 v0, v5;
	v3 =	vmax.f32 v7, v9  }
0x169: {  	v2 =	vmax.f32 v4, v2;
	v0 =	vmax.f32 v0, v3  }
0x16a: {  	v1 =	vmax.f32 v1, v8;
	v0 =	vmax.f32 v2, v0;
	v2 =	vlaneseq.u32  }
0x16b: {  	v0 =	vmax.f32 v1, v0;
	vm0 =	veq.s32 v2, $0xF  }
0x16c: {  	s4 =	simm.s32 $0x0;
	[tilespmem:$0x10500] =	vst v0;
	v0 =	vsel vm0, $0xFF800000, v6  }
0x16d: {  	[tilespmem:$0x7FF0] =	vst v0;
	v0 =	vld [tilespmem:s4+$0x180]  }
0x16e: {  	v1 =	vld [tilespmem:s4+$0x190]  }
0x16f: {  	v5 =	vld [tilespmem:s4+$0x1A0]  }
0x170: {  	v7 =	vld [tilespmem:s4+$0x1B0]  }
0x171: {  	v8 =	vld [tilespmem:s4+$0x1C0]  }
0x172: {  	v9 =	vld [tilespmem:s4+$0x1D0]  }
0x173: {  	v10 =	vld [tilespmem:s4+$0x1E0]  }
0x174: {  	s3 =	simm.s32 $0x200;
	v11 =	vld [tilespmem:s4+$0x1F0]  }
0x175: {  	v4 =	vld [tilespmem:s3+$0x180]  }
0x176: {  	v6 =	vld [tilespmem:s3+$0x190]  }
0x177: {  	v2 =	vld [tilespmem:s3+$0x1A0]  }
0x178: {  	v3 =	vld [tilespmem:s3+$0x1B0];
	v1 =	vmax.f32 v0, v1  }
0x179: {  	v0 =	vld [tilespmem:s3+$0x1C0];
	v7 =	vmax.f32 v5, v7;
	v8 =	vmax.f32 v8, v9;
	v9 =	vmax.f32 v10, v11  }
0x17a: {  	v5 =	vld [tilespmem:s3+$0x1D0];
	v10 =	vmax.f32 v1, v7;
	v8 =	vmax.f32 v8, v9  }
0x17b: {  	s4 =	simm.s32 $0x1000;
	v1 =	vimm.f32 $-Inf;
	v7 =	vld [tilespmem:s3+$0x1E0];
	v8 =	vmax.f32 v10, v8  }
.LBB2_23:
0x17c: {  	p0 =	sne.s32 s4, $0x1F800;
	v9 =	vld [tilespmem:s3+$0x1F0];
	s3 =	sshra.s32 s4, $0x2;
	v1 =	vmax.f32 v1, v8;
	v8 =	vmov v2  }
0x17d: {  	v10 =	vld [tilespmem:s3+$0x180];
	v11 =	vmov v3  }
0x17e: {  	v12 =	vld [tilespmem:s3+$0x190]  }
.Ltmp11:
0x17f: {  	v2 =	vld [tilespmem:s3+$0x1A0];
	(pc) =	sbr.rel @p0 .LBB2_23-.Ltmp11, $4  }
0x180: {  	v13 =	vmax.f32 v4, v6;
	v3 =	vld [tilespmem:s3+$0x1B0]  }
0x181: {  	v11 =	vmax.f32 v8, v11;
	v8 =	vmax.f32 v0, v5;
	v0 =	vld [tilespmem:s3+$0x1C0];
	v7 =	vmax.f32 v7, v9  }
0x182: {  	v9 =	vmax.f32 v13, v11;
	v5 =	vld [tilespmem:s3+$0x1D0];
	v8 =	vmax.f32 v8, v7;
	v4 =	vmov v10  }
0x183: {  	s4 =	sadd.s32 $0x800, s4;
	v7 =	vld [tilespmem:s3+$0x1E0];
	v8 =	vmax.f32 v9, v8;
	v6 =	vmov v12  }
0x184: {  	v9 =	vld [tilespmem:s3+$0x1F0];
	_ =	sdelay $0x3  }
0x185: {  	v4 =	vmax.f32 v4, v6  }
0x186: {  	v2 =	vmax.f32 v2, v3;
	v0 =	vmax.f32 v0, v5;
	v3 =	vmax.f32 v7, v9  }
0x187: {  	v2 =	vmax.f32 v4, v2;
	v0 =	vmax.f32 v0, v3  }
0x188: {  	v1 =	vmax.f32 v1, v8;
	v0 =	vmax.f32 v2, v0  }
0x189: {  	v0 =	vmax.f32 v1, v0  }
0x18a: {  	s31 =	simm.s32 $0x2;
	[tilespmem:$0x10580] =	vst v0  }
0x18b: {  	_ =	swait.ge [sflag:s31], $0x8000  }
0x18c: {  	[sflag:s31] =	ssyncset.done $0x0  }
0x18d: {  	[sflag:s31] =	ssyncadd.s32 $0xFFFF8000  }
0x18e: {  	v0 =	vld [tilespmem:$0xFE70];
	_ =	sdelay $0x2  }
0x18f: {  	v1 =	vlaneseq.u32  }
0x190: {  	vm0 =	veq.s32 v1, $0xF  }
0x191: {  	v0 =	vsel vm0, $0xFF800000, v0  }
0x192: {  	s4 =	simm.s32 $0x0;
	[tilespmem:$0xFE70] =	vst v0  }
0x193: {  	v0 =	vld [tilespmem:s4+$0x8000]  }
0x194: {  	v1 =	vld [tilespmem:s4+$0x8010]  }
0x195: {  	v5 =	vld [tilespmem:s4+$0x8020]  }
0x196: {  	v7 =	vld [tilespmem:s4+$0x8030]  }
0x197: {  	v8 =	vld [tilespmem:s4+$0x8040]  }
0x198: {  	v9 =	vld [tilespmem:s4+$0x8050]  }
0x199: {  	v10 =	vld [tilespmem:s4+$0x8060]  }
0x19a: {  	s3 =	simm.s32 $0x200;
	v11 =	vld [tilespmem:s4+$0x8070]  }
0x19b: {  	v4 =	vld [tilespmem:s3+$0x8000]  }
0x19c: {  	v6 =	vld [tilespmem:s3+$0x8010]  }
0x19d: {  	v2 =	vld [tilespmem:s3+$0x8020]  }
0x19e: {  	v3 =	vld [tilespmem:s3+$0x8030];
	v1 =	vmax.f32 v0, v1  }
0x19f: {  	v0 =	vld [tilespmem:s3+$0x8040];
	v7 =	vmax.f32 v5, v7;
	v8 =	vmax.f32 v8, v9;
	v9 =	vmax.f32 v10, v11  }
0x1a0: {  	v5 =	vld [tilespmem:s3+$0x8050];
	v10 =	vmax.f32 v1, v7;
	v8 =	vmax.f32 v8, v9  }
0x1a1: {  	s4 =	simm.s32 $0x1000;
	v1 =	vimm.f32 $-Inf;
	v7 =	vld [tilespmem:s3+$0x8060];
	v8 =	vmax.f32 v10, v8  }
.LBB2_25:
0x1a2: {  	p0 =	sne.s32 s4, $0x1F800;
	v9 =	vld [tilespmem:s3+$0x8070];
	s3 =	sshra.s32 s4, $0x2;
	v1 =	vmax.f32 v1, v8;
	v8 =	vmov v2  }
0x1a3: {  	v10 =	vld [tilespmem:s3+$0x8000];
	v11 =	vmov v3  }
0x1a4: {  	v12 =	vld [tilespmem:s3+$0x8010]  }
.Ltmp12:
0x1a5: {  	v2 =	vld [tilespmem:s3+$0x8020];
	(pc) =	sbr.rel @p0 .LBB2_25-.Ltmp12, $4  }
0x1a6: {  	v13 =	vmax.f32 v4, v6;
	v3 =	vld [tilespmem:s3+$0x8030]  }
0x1a7: {  	v11 =	vmax.f32 v8, v11;
	v8 =	vmax.f32 v0, v5;
	v0 =	vld [tilespmem:s3+$0x8040];
	v7 =	vmax.f32 v7, v9  }
0x1a8: {  	v9 =	vmax.f32 v13, v11;
	v5 =	vld [tilespmem:s3+$0x8050];
	v8 =	vmax.f32 v8, v7;
	v4 =	vmov v10  }
0x1a9: {  	s4 =	sadd.s32 $0x800, s4;
	v7 =	vld [tilespmem:s3+$0x8060];
	v8 =	vmax.f32 v9, v8;
	v6 =	vmov v12  }
0x1aa: {  	v9 =	vld [tilespmem:s3+$0x8070];
	_ =	sdelay $0x3  }
0x1ab: {  	v4 =	vmax.f32 v4, v6;
	v6 =	vld [tilespmem:$0xFEF0]  }
0x1ac: {  	v2 =	vmax.f32 v2, v3;
	v0 =	vmax.f32 v0, v5;
	v3 =	vmax.f32 v7, v9  }
0x1ad: {  	v2 =	vmax.f32 v4, v2;
	v0 =	vmax.f32 v0, v3  }
0x1ae: {  	v1 =	vmax.f32 v1, v8;
	v0 =	vmax.f32 v2, v0;
	v2 =	vlaneseq.u32  }
0x1af: {  	v0 =	vmax.f32 v1, v0;
	vm0 =	veq.s32 v2, $0xF  }
0x1b0: {  	s4 =	simm.s32 $0x0;
	[tilespmem:$0x10600] =	vst v0;
	v0 =	vsel vm0, $0xFF800000, v6  }
0x1b1: {  	[tilespmem:$0xFEF0] =	vst v0;
	v0 =	vld [tilespmem:s4+$0x8080]  }
0x1b2: {  	v1 =	vld [tilespmem:s4+$0x8090]  }
0x1b3: {  	v5 =	vld [tilespmem:s4+$0x80A0]  }
0x1b4: {  	v7 =	vld [tilespmem:s4+$0x80B0]  }
0x1b5: {  	v8 =	vld [tilespmem:s4+$0x80C0]  }
0x1b6: {  	v9 =	vld [tilespmem:s4+$0x80D0]  }
0x1b7: {  	v10 =	vld [tilespmem:s4+$0x80E0]  }
0x1b8: {  	s3 =	simm.s32 $0x200;
	v11 =	vld [tilespmem:s4+$0x80F0]  }
0x1b9: {  	v4 =	vld [tilespmem:s3+$0x8080]  }
0x1ba: {  	v6 =	vld [tilespmem:s3+$0x8090]  }
0x1bb: {  	v2 =	vld [tilespmem:s3+$0x80A0]  }
0x1bc: {  	v3 =	vld [tilespmem:s3+$0x80B0];
	v1 =	vmax.f32 v0, v1  }
0x1bd: {  	v0 =	vld [tilespmem:s3+$0x80C0];
	v7 =	vmax.f32 v5, v7;
	v8 =	vmax.f32 v8, v9;
	v9 =	vmax.f32 v10, v11  }
0x1be: {  	v5 =	vld [tilespmem:s3+$0x80D0];
	v10 =	vmax.f32 v1, v7;
	v8 =	vmax.f32 v8, v9  }
0x1bf: {  	s4 =	simm.s32 $0x1000;
	v1 =	vimm.f32 $-Inf;
	v7 =	vld [tilespmem:s3+$0x80E0];
	v8 =	vmax.f32 v10, v8  }
.LBB2_27:
0x1c0: {  	p0 =	sne.s32 s4, $0x1F800;
	v9 =	vld [tilespmem:s3+$0x80F0];
	s3 =	sshra.s32 s4, $0x2;
	v1 =	vmax.f32 v1, v8;
	v8 =	vmov v2  }
0x1c1: {  	v10 =	vld [tilespmem:s3+$0x8080];
	v11 =	vmov v3  }
0x1c2: {  	v12 =	vld [tilespmem:s3+$0x8090]  }
.Ltmp13:
0x1c3: {  	v2 =	vld [tilespmem:s3+$0x80A0];
	(pc) =	sbr.rel @p0 .LBB2_27-.Ltmp13, $4  }
0x1c4: {  	v13 =	vmax.f32 v4, v6;
	v3 =	vld [tilespmem:s3+$0x80B0]  }
0x1c5: {  	v11 =	vmax.f32 v8, v11;
	v8 =	vmax.f32 v0, v5;
	v0 =	vld [tilespmem:s3+$0x80C0];
	v7 =	vmax.f32 v7, v9  }
0x1c6: {  	v9 =	vmax.f32 v13, v11;
	v5 =	vld [tilespmem:s3+$0x80D0];
	v8 =	vmax.f32 v8, v7;
	v4 =	vmov v10  }
0x1c7: {  	s4 =	sadd.s32 $0x800, s4;
	v7 =	vld [tilespmem:s3+$0x80E0];
	v8 =	vmax.f32 v9, v8;
	v6 =	vmov v12  }
0x1c8: {  	v9 =	vld [tilespmem:s3+$0x80F0];
	_ =	sdelay $0x3  }
0x1c9: {  	v4 =	vmax.f32 v4, v6;
	v6 =	vld [tilespmem:$0xFF70]  }
0x1ca: {  	v2 =	vmax.f32 v2, v3;
	v0 =	vmax.f32 v0, v5;
	v3 =	vmax.f32 v7, v9  }
0x1cb: {  	v2 =	vmax.f32 v4, v2;
	v0 =	vmax.f32 v0, v3  }
0x1cc: {  	v1 =	vmax.f32 v1, v8;
	v0 =	vmax.f32 v2, v0;
	v2 =	vlaneseq.u32  }
0x1cd: {  	v0 =	vmax.f32 v1, v0;
	vm0 =	veq.s32 v2, $0xF  }
0x1ce: {  	s4 =	simm.s32 $0x0;
	[tilespmem:$0x10680] =	vst v0;
	v0 =	vsel vm0, $0xFF800000, v6  }
0x1cf: {  	[tilespmem:$0xFF70] =	vst v0;
	v0 =	vld [tilespmem:s4+$0x8100]  }
0x1d0: {  	v1 =	vld [tilespmem:s4+$0x8110]  }
0x1d1: {  	v5 =	vld [tilespmem:s4+$0x8120]  }
0x1d2: {  	v7 =	vld [tilespmem:s4+$0x8130]  }
0x1d3: {  	v8 =	vld [tilespmem:s4+$0x8140]  }
0x1d4: {  	v9 =	vld [tilespmem:s4+$0x8150]  }
0x1d5: {  	v10 =	vld [tilespmem:s4+$0x8160]  }
0x1d6: {  	s3 =	simm.s32 $0x200;
	v11 =	vld [tilespmem:s4+$0x8170]  }
0x1d7: {  	v4 =	vld [tilespmem:s3+$0x8100]  }
0x1d8: {  	v6 =	vld [tilespmem:s3+$0x8110]  }
0x1d9: {  	v2 =	vld [tilespmem:s3+$0x8120]  }
0x1da: {  	v3 =	vld [tilespmem:s3+$0x8130];
	v1 =	vmax.f32 v0, v1  }
0x1db: {  	v0 =	vld [tilespmem:s3+$0x8140];
	v7 =	vmax.f32 v5, v7;
	v8 =	vmax.f32 v8, v9;
	v9 =	vmax.f32 v10, v11  }
0x1dc: {  	v5 =	vld [tilespmem:s3+$0x8150];
	v10 =	vmax.f32 v1, v7;
	v8 =	vmax.f32 v8, v9  }
0x1dd: {  	s4 =	simm.s32 $0x1000;
	v1 =	vimm.f32 $-Inf;
	v7 =	vld [tilespmem:s3+$0x8160];
	v8 =	vmax.f32 v10, v8  }
.LBB2_29:
0x1de: {  	p0 =	sne.s32 s4, $0x1F800;
	v9 =	vld [tilespmem:s3+$0x8170];
	s3 =	sshra.s32 s4, $0x2;
	v1 =	vmax.f32 v1, v8;
	v8 =	vmov v2  }
0x1df: {  	v10 =	vld [tilespmem:s3+$0x8100];
	v11 =	vmov v3  }
0x1e0: {  	v12 =	vld [tilespmem:s3+$0x8110]  }
.Ltmp14:
0x1e1: {  	v2 =	vld [tilespmem:s3+$0x8120];
	(pc) =	sbr.rel @p0 .LBB2_29-.Ltmp14, $4  }
0x1e2: {  	v13 =	vmax.f32 v4, v6;
	v3 =	vld [tilespmem:s3+$0x8130]  }
0x1e3: {  	v11 =	vmax.f32 v8, v11;
	v8 =	vmax.f32 v0, v5;
	v0 =	vld [tilespmem:s3+$0x8140];
	v7 =	vmax.f32 v7, v9  }
0x1e4: {  	v9 =	vmax.f32 v13, v11;
	v5 =	vld [tilespmem:s3+$0x8150];
	v8 =	vmax.f32 v8, v7;
	v4 =	vmov v10  }
0x1e5: {  	s4 =	sadd.s32 $0x800, s4;
	v7 =	vld [tilespmem:s3+$0x8160];
	v8 =	vmax.f32 v9, v8;
	v6 =	vmov v12  }
0x1e6: {  	v9 =	vld [tilespmem:s3+$0x8170];
	_ =	sdelay $0x3  }
0x1e7: {  	v4 =	vmax.f32 v4, v6;
	v6 =	vld [tilespmem:$0xFFF0]  }
0x1e8: {  	v2 =	vmax.f32 v2, v3;
	v0 =	vmax.f32 v0, v5;
	v3 =	vmax.f32 v7, v9  }
0x1e9: {  	v2 =	vmax.f32 v4, v2;
	v0 =	vmax.f32 v0, v3  }
0x1ea: {  	v1 =	vmax.f32 v1, v8;
	v0 =	vmax.f32 v2, v0;
	v2 =	vlaneseq.u32  }
0x1eb: {  	v0 =	vmax.f32 v1, v0;
	vm0 =	veq.s32 v2, $0xF  }
0x1ec: {  	s4 =	simm.s32 $0x0;
	[tilespmem:$0x10700] =	vst v0;
	v0 =	vsel vm0, $0xFF800000, v6  }
0x1ed: {  	[tilespmem:$0xFFF0] =	vst v0;
	v0 =	vld [tilespmem:s4+$0x8180]  }
0x1ee: {  	v1 =	vld [tilespmem:s4+$0x8190]  }
0x1ef: {  	v5 =	vld [tilespmem:s4+$0x81A0]  }
0x1f0: {  	v7 =	vld [tilespmem:s4+$0x81B0]  }
0x1f1: {  	v8 =	vld [tilespmem:s4+$0x81C0]  }
0x1f2: {  	v9 =	vld [tilespmem:s4+$0x81D0]  }
0x1f3: {  	v10 =	vld [tilespmem:s4+$0x81E0]  }
0x1f4: {  	s3 =	simm.s32 $0x200;
	v11 =	vld [tilespmem:s4+$0x81F0]  }
0x1f5: {  	v4 =	vld [tilespmem:s3+$0x8180]  }
0x1f6: {  	v6 =	vld [tilespmem:s3+$0x8190]  }
0x1f7: {  	v2 =	vld [tilespmem:s3+$0x81A0]  }
0x1f8: {  	v3 =	vld [tilespmem:s3+$0x81B0];
	v1 =	vmax.f32 v0, v1  }
0x1f9: {  	v0 =	vld [tilespmem:s3+$0x81C0];
	v7 =	vmax.f32 v5, v7;
	v8 =	vmax.f32 v8, v9;
	v9 =	vmax.f32 v10, v11  }
0x1fa: {  	v5 =	vld [tilespmem:s3+$0x81D0];
	v10 =	vmax.f32 v1, v7;
	v8 =	vmax.f32 v8, v9  }
0x1fb: {  	s4 =	simm.s32 $0x1000;
	v1 =	vimm.f32 $-Inf;
	v7 =	vld [tilespmem:s3+$0x81E0];
	v8 =	vmax.f32 v10, v8  }
.LBB2_31:
0x1fc: {  	p0 =	sne.s32 s4, $0x1F800;
	v9 =	vld [tilespmem:s3+$0x81F0];
	s3 =	sshra.s32 s4, $0x2;
	v1 =	vmax.f32 v1, v8;
	v8 =	vmov v2  }
0x1fd: {  	v10 =	vld [tilespmem:s3+$0x8180];
	v11 =	vmov v3  }
0x1fe: {  	v12 =	vld [tilespmem:s3+$0x8190]  }
.Ltmp15:
0x1ff: {  	v2 =	vld [tilespmem:s3+$0x81A0];
	(pc) =	sbr.rel @p0 .LBB2_31-.Ltmp15, $4  }
0x200: {  	v13 =	vmax.f32 v4, v6;
	v3 =	vld [tilespmem:s3+$0x81B0]  }
0x201: {  	v11 =	vmax.f32 v8, v11;
	v8 =	vmax.f32 v0, v5;
	v0 =	vld [tilespmem:s3+$0x81C0];
	v7 =	vmax.f32 v7, v9  }
0x202: {  	v9 =	vmax.f32 v13, v11;
	v5 =	vld [tilespmem:s3+$0x81D0];
	v8 =	vmax.f32 v8, v7;
	v4 =	vmov v10  }
0x203: {  	s4 =	sadd.s32 $0x800, s4;
	v7 =	vld [tilespmem:s3+$0x81E0];
	v8 =	vmax.f32 v9, v8;
	v6 =	vmov v12  }
0x204: {  	v9 =	vld [tilespmem:s3+$0x81F0];
	_ =	sdelay $0x3  }
0x205: {  	v4 =	vmax.f32 v4, v6  }
0x206: {  	v2 =	vmax.f32 v2, v3;
	v0 =	vmax.f32 v0, v5;
	v63 =	vmax.f32 v7, v9  }
0x207: {  	v2 =	vmax.f32 v4, v2;
	v0 =	vmax.f32 v0, v63  }
0x208: {  	v1 =	vmax.f32 v1, v8;
	v0 =	vmax.f32 v2, v0  }
0x209: {  	s29 =	sshll.u32 s1, $0x8;
	s30 =	simm.s32 $0x0;
	v0 =	vmax.f32 v1, v0  }
0x20a: {  	s4 =	simm.s32 $0x10000;
	s31 =	simm.s32 $0x3;
	s2 =	sadd.s32 s2, s29;
	[tilespmem:$0x10780] =	vst v0  }
0x20b: {  	[hbm4b:s2+s30] =	stream.linear.scatter [tilespmem:s4], [sflag:$0x3], $0x800, $0x38;
	[tilespmem:$0x10800] =	vst v63  }
0x20c: {  	_ =	swait.ge [sflag:s31], $0x800  }
0x20d: {  	[sflag:s31] =	ssyncset.done $0x0  }
0x20e: {  	[sflag:s31] =	ssyncadd.s32 $0xFFFFF800  }
0x20f: {  	_ =	sfence.sel $0x180000  }
0x210: {  	[bflag:$0x0] =	sbarrier.arrive $0xFFFF  }
0x211: {  	p0 =	sne.s32 s1, $0x0;
	_ =	strace $0x90000047  }
0x212: {  	s0 =	sadd.s32 @!p0 $0x100000, s0;
	[bflag:$0x2] =	sbarrier.arrive $0xFFFF  }
0x213: {  	[sflag:s0] =	ssyncadd.tile.s32 @!p0 $0x1;
	_ =	shalt  }
.Lfunc_end2:
_tile_overlayer_lowered:
.L_overlay_start_2:
0x214: {  	(tag) =	ssettag $0x2  }
0x215: {  	s0 =	rddreg [dreg:$0x0];
	s2 =	stileid.u32  }
0x216: {  	s1 =	rddreg [dreg:$0x1];
	p0 =	sne.s32 s2, $0x0  }
0x217: {  	s3 =	rddreg [dreg:$0x2];
	[bflag:$0x3] =	sbarrier.arrive $0xFFFF;
	s2 =	simm.s32 @!p0 $0x1C03  }
0x218: {  	[timem:s3], [sflag:s2] =	dma.local @!p0 [hbm:s0], s1  }
0x219: {  	s0 =	simm.s32 @!p0 $0x3  }
0x21a: {  	_ =	swait.ge @!p0 [sflag:s0], s1  }
0x21b: {  	s1 =	ssub.s32 @!p0 $0x0, s1;
	[sflag:s0] =	ssyncset.done @!p0 $0x0  }
0x21c: {  	[sflag:s0] =	ssyncadd.s32 @!p0 s1  }
0x21d: {  	[bflag:$0x3] =	sbarrier.arrive $0xFFFF  }
0x21e: {  	_ =	shalt  }

</sc_bundles>
